<compile_context>
chip_gen: v7x
topology: tpu7x:2x2x1
jax: 0.10.2.dev20260603
libtpu: 0.0.44.dev20260713+nightly
codegen_flags: <defaults>
</compile_context>

<pallas_src>
import jax
import jax.numpy as jnp
from jax import lax
from jax.experimental import pallas as pl
from jax.experimental.pallas import tpu as pltpu
from jax.experimental.pallas import tpu_sc as plsc

B = 16
H = 16
N = 512
NP1 = N + 1
V = 245
VP = 256
HPT = 8
RB = 8
NBLK = N // RB


def _sc_body(sp_hbm, tbl_hbm, out_hbm, tbl_v, sp_v, out_v, zero_v):
    b = lax.axis_index("s")
    c = lax.axis_index("c")
    h0 = c * HPT

    pltpu.sync_copy(tbl_hbm.at[pl.ds(h0 * VP, HPT * VP)], tbl_v)

    zeros = jnp.zeros((16,), jnp.float32)
    for h in range(HPT):
        for r in range(RB):
            out_v[h, r, pl.ds(0, 16)] = zeros
    for j in range(N // 16):
        zero_v[pl.ds(j * 16, 16)] = zeros
    zero_v[pl.ds(NP1 - 16, 16)] = zeros
    for h in range(HPT):
        pltpu.sync_copy(zero_v, out_hbm.at[b, h0 + h, 0, :])

    hoff = [jnp.full((16,), h * VP, jnp.int32) for h in range(HPT)]

    def blk_body(blk):
        pltpu.sync_copy(sp_hbm.at[b, pl.ds(blk * RB, RB), :], sp_v)

        def row_body(r):
            for j in range(N // 16):
                idx = sp_v[r, pl.ds(j * 16, 16)]
                for h in range(HPT):
                    vals = plsc.load_gather(tbl_v, [hoff[h] + idx])
                    out_v[h, r, pl.ds(1 + j * 16, 16)] = vals

        pl.loop(0, RB)(row_body)

        for h in range(HPT):
            pltpu.sync_copy(out_v.at[h],
                            out_hbm.at[b, h0 + h, pl.ds(blk * RB + 1, RB), :])

    pl.loop(0, NBLK)(blk_body)


@jax.jit
def kernel(spatial_pos, table):
    sp = spatial_pos.astype(jnp.int32)
    tblT = jnp.zeros((H, VP), jnp.float32).at[:, :V].set(table.T).reshape(H * VP)

    mesh = plsc.VectorSubcoreMesh(core_axis_name="c", subcore_axis_name="s")
    run = pl.kernel(
        _sc_body,
        out_type=jax.ShapeDtypeStruct((B, H, NP1, NP1), jnp.float32),
        mesh=mesh,
        compiler_params=pltpu.CompilerParams(
            use_tc_tiling_on_sc=False, needs_layout_passes=False),
        scratch_types=[
            pltpu.VMEM((HPT * VP,), jnp.float32),
            pltpu.VMEM((RB, N), jnp.int32),
            pltpu.VMEM((HPT, RB, NP1), jnp.float32),
            pltpu.VMEM((NP1,), jnp.float32),
        ],
    )
    return run(sp, tblT)

# --- scband reference (transcript-rebuilt; emitter-appended) ---
"""Pipeline reference for scband-spdspatial-bias-13142599926316 (READ-ONLY COPY).

The authoritative reference and input builder live on the scoring server;
editing this copy changes nothing except your own understanding.
"""

import jax, jax.numpy as jnp
import numpy as np


def setup_inputs(seed: int = 0) -> dict:
    key = jax.random.key(seed)
    k1, k2 = jax.random.split(key)
    spatial_pos = jax.random.randint(k1, (16, 512, 512), 0, 245, dtype=jnp.int64 if jax.config.jax_enable_x64 else jnp.int32)
    # nn.Embedding(245, num_heads) weight, default init N(0,1)
    table = jax.random.normal(k2, (245, 16), dtype=jnp.float32)
    return {"spatial_pos": spatial_pos, "table": table}


def reference(spatial_pos, table):
    # spatial_bias = embedding(spatial_pos): [B, N, N, H]
    spatial_bias = jnp.take(table, spatial_pos, axis=0)
    # permute(0, 3, 1, 2) -> [B, H, N, N]
    spatial_bias = jnp.transpose(spatial_bias, (0, 3, 1, 2))
    # zeros [B, H, N+1, N+1]; fill [:, :, 1:, 1:]
    with_cls = jnp.pad(spatial_bias, ((0, 0), (0, 0), (1, 0), (1, 0)), mode="constant", constant_values=0.0)
    return with_cls

if __name__ == "__main__":
    import jax
    _d = setup_inputs()
    print(jax.jit(kernel)(*tuple(_d.values())))

</pallas_src>

<mosaic_0001>
#map = affine_map<(d0, d1) -> (0, 0, 0)>
#map1 = affine_map<(d0, d1) -> (0)>
#map2 = affine_map<(d0, d1) -> (0, 0, 0, 0)>
module attributes {stable_mosaic.version = 14 : i64} {
  func.func @_sc_body(%arg0: i32, %arg1: i32, %arg2: memref<16x512x512xi32, #tpu.memory_space<hbm>>, %arg3: memref<4096xf32, #tpu.memory_space<hbm>>, %arg4: memref<16x16x513x513xf32, #tpu.memory_space<hbm>>, %arg5: memref<2048xf32, #tpu.memory_space<vmem>>, %arg6: memref<8x512xi32, #tpu.memory_space<vmem>>, %arg7: memref<8x8x513xf32, #tpu.memory_space<vmem>>, %arg8: memref<513xf32, #tpu.memory_space<vmem>>) attributes {dimension_semantics = [#tpu.dimension_semantics<core_parallel>, #tpu.dimension_semantics<subcore_parallel>], iteration_bounds = array<i64: 2, 16>, scalar_prefetch = 0 : i64, scratch_operands = 4 : i64, tpu.core_type = #tpu.core_type<sc_vector_subcore>, window_params = [{transform_indices = #map}, {transform_indices = #map1}, {transform_indices = #map2}]} {
    %mul3A = arith.constant 8 : i32
    %mul3A_0 = arith.muli %arg0, %mul3A : i32
    %mul3A_1 = arith.constant 256 : i32
    %mul3A_2 = arith.muli %mul3A_0, %mul3A_1 : i32
    "tpu.region"() ({
      %run_scoped3A_495 = tpu.sem_alloc : memref<!tpu.dma_semaphore, #tpu.memory_space<semaphore_mem>>
      %dma_start3A = tpu.memref_slice %arg3[%mul3A_2] : memref<4096xf32, #tpu.memory_space<hbm>> -> memref<2048xf32, #tpu.memory_space<hbm>>
      %dma_start3A_496 = tpu.memref_slice %arg3[%mul3A_2] : memref<4096xf32, #tpu.memory_space<hbm>> -> memref<2048xf32, #tpu.memory_space<hbm>>
      tpu.enqueue_dma source(%dma_start3A_496 : memref<2048xf32, #tpu.memory_space<hbm>>) target(%arg5 : memref<2048xf32, #tpu.memory_space<vmem>>) target_semaphore(%run_scoped3A_495 : memref<!tpu.dma_semaphore, #tpu.memory_space<semaphore_mem>>)
      %dma_wait3A = tpu.memref_slice %arg3[%mul3A_2] : memref<4096xf32, #tpu.memory_space<hbm>> -> memref<2048xf32, #tpu.memory_space<hbm>>
      %dma_wait3A_497 = tpu.memref_slice %arg3[%mul3A_2] : memref<4096xf32, #tpu.memory_space<hbm>> -> memref<2048xf32, #tpu.memory_space<hbm>>
      tpu.wait_dma2 semaphore(%run_scoped3A_495 : memref<!tpu.dma_semaphore, #tpu.memory_space<semaphore_mem>>) src(%dma_wait3A_497 : memref<2048xf32, #tpu.memory_space<hbm>>) dst(%arg5 : memref<2048xf32, #tpu.memory_space<vmem>>)
      tpu.yield
    }) : () -> ()
    %broadcast_in_dim3A = arith.constant 0.000000e+00 : f32
    %broadcast_in_dim3A_3 = vector.broadcast %broadcast_in_dim3A : f32 to vector<16xf32>
    %swap3A = arith.constant 0 : i32
    %swap3A_4 = arith.constant 0 : i32
    %swap3A_5 = arith.index_cast %swap3A : i32 to index
    %swap3A_6 = arith.index_cast %swap3A_4 : i32 to index
    %swap3A_7 = arith.constant 0 : index
    %swap3A_8 = tpu.vector_load %arg7[%swap3A_5, %swap3A_6, %swap3A_7] {strides = array<i32>} : memref<8x8x513xf32, #tpu.memory_space<vmem>>, vector<16xf32>,
    tpu.vector_store %arg7[%swap3A_5, %swap3A_6, %swap3A_7], %broadcast_in_dim3A_3 {strides = array<i32>} : memref<8x8x513xf32, #tpu.memory_space<vmem>>, vector<16xf32>,
    %swap3A_9 = arith.constant 0 : i32
    %swap3A_10 = arith.constant 1 : i32
    %swap3A_11 = arith.index_cast %swap3A_9 : i32 to index
    %swap3A_12 = arith.index_cast %swap3A_10 : i32 to index
    %swap3A_13 = arith.constant 0 : index
    %swap3A_14 = tpu.vector_load %arg7[%swap3A_11, %swap3A_12, %swap3A_13] {strides = array<i32>} : memref<8x8x513xf32, #tpu.memory_space<vmem>>, vector<16xf32>,
    tpu.vector_store %arg7[%swap3A_11, %swap3A_12, %swap3A_13], %broadcast_in_dim3A_3 {strides = array<i32>} : memref<8x8x513xf32, #tpu.memory_space<vmem>>, vector<16xf32>,
    %swap3A_15 = arith.constant 0 : i32
    %swap3A_16 = arith.constant 2 : i32
    %swap3A_17 = arith.index_cast %swap3A_15 : i32 to index
    %swap3A_18 = arith.index_cast %swap3A_16 : i32 to index
    %swap3A_19 = arith.constant 0 : index
    %swap3A_20 = tpu.vector_load %arg7[%swap3A_17, %swap3A_18, %swap3A_19] {strides = array<i32>} : memref<8x8x513xf32, #tpu.memory_space<vmem>>, vector<16xf32>,
    tpu.vector_store %arg7[%swap3A_17, %swap3A_18, %swap3A_19], %broadcast_in_dim3A_3 {strides = array<i32>} : memref<8x8x513xf32, #tpu.memory_space<vmem>>, vector<16xf32>,
    %swap3A_21 = arith.constant 0 : i32
    %swap3A_22 = arith.constant 3 : i32
    %swap3A_23 = arith.index_cast %swap3A_21 : i32 to index
    %swap3A_24 = arith.index_cast %swap3A_22 : i32 to index
    %swap3A_25 = arith.constant 0 : index
    %swap3A_26 = tpu.vector_load %arg7[%swap3A_23, %swap3A_24, %swap3A_25] {strides = array<i32>} : memref<8x8x513xf32, #tpu.memory_space<vmem>>, vector<16xf32>,
    tpu.vector_store %arg7[%swap3A_23, %swap3A_24, %swap3A_25], %broadcast_in_dim3A_3 {strides = array<i32>} : memref<8x8x513xf32, #tpu.memory_space<vmem>>, vector<16xf32>,
    %swap3A_27 = arith.constant 0 : i32
    %swap3A_28 = arith.constant 4 : i32
    %swap3A_29 = arith.index_cast %swap3A_27 : i32 to index
    %swap3A_30 = arith.index_cast %swap3A_28 : i32 to index
    %swap3A_31 = arith.constant 0 : index
    %swap3A_32 = tpu.vector_load %arg7[%swap3A_29, %swap3A_30, %swap3A_31] {strides = array<i32>} : memref<8x8x513xf32, #tpu.memory_space<vmem>>, vector<16xf32>,
    tpu.vector_store %arg7[%swap3A_29, %swap3A_30, %swap3A_31], %broadcast_in_dim3A_3 {strides = array<i32>} : memref<8x8x513xf32, #tpu.memory_space<vmem>>, vector<16xf32>,
    %swap3A_33 = arith.constant 0 : i32
    %swap3A_34 = arith.constant 5 : i32
    %swap3A_35 = arith.index_cast %swap3A_33 : i32 to index
    %swap3A_36 = arith.index_cast %swap3A_34 : i32 to index
    %swap3A_37 = arith.constant 0 : index
    %swap3A_38 = tpu.vector_load %arg7[%swap3A_35, %swap3A_36, %swap3A_37] {strides = array<i32>} : memref<8x8x513xf32, #tpu.memory_space<vmem>>, vector<16xf32>,
    tpu.vector_store %arg7[%swap3A_35, %swap3A_36, %swap3A_37], %broadcast_in_dim3A_3 {strides = array<i32>} : memref<8x8x513xf32, #tpu.memory_space<vmem>>, vector<16xf32>,
    %swap3A_39 = arith.constant 0 : i32
    %swap3A_40 = arith.constant 6 : i32
    %swap3A_41 = arith.index_cast %swap3A_39 : i32 to index
    %swap3A_42 = arith.index_cast %swap3A_40 : i32 to index
    %swap3A_43 = arith.constant 0 : index
    %swap3A_44 = tpu.vector_load %arg7[%swap3A_41, %swap3A_42, %swap3A_43] {strides = array<i32>} : memref<8x8x513xf32, #tpu.memory_space<vmem>>, vector<16xf32>,
    tpu.vector_store %arg7[%swap3A_41, %swap3A_42, %swap3A_43], %broadcast_in_dim3A_3 {strides = array<i32>} : memref<8x8x513xf32, #tpu.memory_space<vmem>>, vector<16xf32>,
    %swap3A_45 = arith.constant 0 : i32
    %swap3A_46 = arith.constant 7 : i32
    %swap3A_47 = arith.index_cast %swap3A_45 : i32 to index
    %swap3A_48 = arith.index_cast %swap3A_46 : i32 to index
    %swap3A_49 = arith.constant 0 : index
    %swap3A_50 = tpu.vector_load %arg7[%swap3A_47, %swap3A_48, %swap3A_49] {strides = array<i32>} : memref<8x8x513xf32, #tpu.memory_space<vmem>>, vector<16xf32>,
    tpu.vector_store %arg7[%swap3A_47, %swap3A_48, %swap3A_49], %broadcast_in_dim3A_3 {strides = array<i32>} : memref<8x8x513xf32, #tpu.memory_space<vmem>>, vector<16xf32>,
    %swap3A_51 = arith.constant 1 : i32
    %swap3A_52 = arith.constant 0 : i32
    %swap3A_53 = arith.index_cast %swap3A_51 : i32 to index
    %swap3A_54 = arith.index_cast %swap3A_52 : i32 to index
    %swap3A_55 = arith.constant 0 : index
    %swap3A_56 = tpu.vector_load %arg7[%swap3A_53, %swap3A_54, %swap3A_55] {strides = array<i32>} : memref<8x8x513xf32, #tpu.memory_space<vmem>>, vector<16xf32>,
    tpu.vector_store %arg7[%swap3A_53, %swap3A_54, %swap3A_55], %broadcast_in_dim3A_3 {strides = array<i32>} : memref<8x8x513xf32, #tpu.memory_space<vmem>>, vector<16xf32>,
    %swap3A_57 = arith.constant 1 : i32
    %swap3A_58 = arith.constant 1 : i32
    %swap3A_59 = arith.index_cast %swap3A_57 : i32 to index
    %swap3A_60 = arith.index_cast %swap3A_58 : i32 to index
    %swap3A_61 = arith.constant 0 : index
    %swap3A_62 = tpu.vector_load %arg7[%swap3A_59, %swap3A_60, %swap3A_61] {strides = array<i32>} : memref<8x8x513xf32, #tpu.memory_space<vmem>>, vector<16xf32>,
    tpu.vector_store %arg7[%swap3A_59, %swap3A_60, %swap3A_61], %broadcast_in_dim3A_3 {strides = array<i32>} : memref<8x8x513xf32, #tpu.memory_space<vmem>>, vector<16xf32>,
    %swap3A_63 = arith.constant 1 : i32
    %swap3A_64 = arith.constant 2 : i32
    %swap3A_65 = arith.index_cast %swap3A_63 : i32 to index
    %swap3A_66 = arith.index_cast %swap3A_64 : i32 to index
    %swap3A_67 = arith.constant 0 : index
    %swap3A_68 = tpu.vector_load %arg7[%swap3A_65, %swap3A_66, %swap3A_67] {strides = array<i32>} : memref<8x8x513xf32, #tpu.memory_space<vmem>>, vector<16xf32>,
    tpu.vector_store %arg7[%swap3A_65, %swap3A_66, %swap3A_67], %broadcast_in_dim3A_3 {strides = array<i32>} : memref<8x8x513xf32, #tpu.memory_space<vmem>>, vector<16xf32>,
    %swap3A_69 = arith.constant 1 : i32
    %swap3A_70 = arith.constant 3 : i32
    %swap3A_71 = arith.index_cast %swap3A_69 : i32 to index
    %swap3A_72 = arith.index_cast %swap3A_70 : i32 to index
    %swap3A_73 = arith.constant 0 : index
    %swap3A_74 = tpu.vector_load %arg7[%swap3A_71, %swap3A_72, %swap3A_73] {strides = array<i32>} : memref<8x8x513xf32, #tpu.memory_space<vmem>>, vector<16xf32>,
    tpu.vector_store %arg7[%swap3A_71, %swap3A_72, %swap3A_73], %broadcast_in_dim3A_3 {strides = array<i32>} : memref<8x8x513xf32, #tpu.memory_space<vmem>>, vector<16xf32>,
    %swap3A_75 = arith.constant 1 : i32
    %swap3A_76 = arith.constant 4 : i32
    %swap3A_77 = arith.index_cast %swap3A_75 : i32 to index
    %swap3A_78 = arith.index_cast %swap3A_76 : i32 to index
    %swap3A_79 = arith.constant 0 : index
    %swap3A_80 = tpu.vector_load %arg7[%swap3A_77, %swap3A_78, %swap3A_79] {strides = array<i32>} : memref<8x8x513xf32, #tpu.memory_space<vmem>>, vector<16xf32>,
    tpu.vector_store %arg7[%swap3A_77, %swap3A_78, %swap3A_79], %broadcast_in_dim3A_3 {strides = array<i32>} : memref<8x8x513xf32, #tpu.memory_space<vmem>>, vector<16xf32>,
    %swap3A_81 = arith.constant 1 : i32
    %swap3A_82 = arith.constant 5 : i32
    %swap3A_83 = arith.index_cast %swap3A_81 : i32 to index
    %swap3A_84 = arith.index_cast %swap3A_82 : i32 to index
    %swap3A_85 = arith.constant 0 : index
    %swap3A_86 = tpu.vector_load %arg7[%swap3A_83, %swap3A_84, %swap3A_85] {strides = array<i32>} : memref<8x8x513xf32, #tpu.memory_space<vmem>>, vector<16xf32>,
    tpu.vector_store %arg7[%swap3A_83, %swap3A_84, %swap3A_85], %broadcast_in_dim3A_3 {strides = array<i32>} : memref<8x8x513xf32, #tpu.memory_space<vmem>>, vector<16xf32>,
    %swap3A_87 = arith.constant 1 : i32
    %swap3A_88 = arith.constant 6 : i32
    %swap3A_89 = arith.index_cast %swap3A_87 : i32 to index
    %swap3A_90 = arith.index_cast %swap3A_88 : i32 to index
    %swap3A_91 = arith.constant 0 : index
    %swap3A_92 = tpu.vector_load %arg7[%swap3A_89, %swap3A_90, %swap3A_91] {strides = array<i32>} : memref<8x8x513xf32, #tpu.memory_space<vmem>>, vector<16xf32>,
    tpu.vector_store %arg7[%swap3A_89, %swap3A_90, %swap3A_91], %broadcast_in_dim3A_3 {strides = array<i32>} : memref<8x8x513xf32, #tpu.memory_space<vmem>>, vector<16xf32>,
    %swap3A_93 = arith.constant 1 : i32
    %swap3A_94 = arith.constant 7 : i32
    %swap3A_95 = arith.index_cast %swap3A_93 : i32 to index
    %swap3A_96 = arith.index_cast %swap3A_94 : i32 to index
    %swap3A_97 = arith.constant 0 : index
    %swap3A_98 = tpu.vector_load %arg7[%swap3A_95, %swap3A_96, %swap3A_97] {strides = array<i32>} : memref<8x8x513xf32, #tpu.memory_space<vmem>>, vector<16xf32>,
    tpu.vector_store %arg7[%swap3A_95, %swap3A_96, %swap3A_97], %broadcast_in_dim3A_3 {strides = array<i32>} : memref<8x8x513xf32, #tpu.memory_space<vmem>>, vector<16xf32>,
    %swap3A_99 = arith.constant 2 : i32
    %swap3A_100 = arith.constant 0 : i32
    %swap3A_101 = arith.index_cast %swap3A_99 : i32 to index
    %swap3A_102 = arith.index_cast %swap3A_100 : i32 to index
    %swap3A_103 = arith.constant 0 : index
    %swap3A_104 = tpu.vector_load %arg7[%swap3A_101, %swap3A_102, %swap3A_103] {strides = array<i32>} : memref<8x8x513xf32, #tpu.memory_space<vmem>>, vector<16xf32>,
    tpu.vector_store %arg7[%swap3A_101, %swap3A_102, %swap3A_103], %broadcast_in_dim3A_3 {strides = array<i32>} : memref<8x8x513xf32, #tpu.memory_space<vmem>>, vector<16xf32>,
    %swap3A_105 = arith.constant 2 : i32
    %swap3A_106 = arith.constant 1 : i32
    %swap3A_107 = arith.index_cast %swap3A_105 : i32 to index
    %swap3A_108 = arith.index_cast %swap3A_106 : i32 to index
    %swap3A_109 = arith.constant 0 : index
    %swap3A_110 = tpu.vector_load %arg7[%swap3A_107, %swap3A_108, %swap3A_109] {strides = array<i32>} : memref<8x8x513xf32, #tpu.memory_space<vmem>>, vector<16xf32>,
    tpu.vector_store %arg7[%swap3A_107, %swap3A_108, %swap3A_109], %broadcast_in_dim3A_3 {strides = array<i32>} : memref<8x8x513xf32, #tpu.memory_space<vmem>>, vector<16xf32>,
    %swap3A_111 = arith.constant 2 : i32
    %swap3A_112 = arith.constant 2 : i32
    %swap3A_113 = arith.index_cast %swap3A_111 : i32 to index
    %swap3A_114 = arith.index_cast %swap3A_112 : i32 to index
    %swap3A_115 = arith.constant 0 : index
    %swap3A_116 = tpu.vector_load %arg7[%swap3A_113, %swap3A_114, %swap3A_115] {strides = array<i32>} : memref<8x8x513xf32, #tpu.memory_space<vmem>>, vector<16xf32>,
    tpu.vector_store %arg7[%swap3A_113, %swap3A_114, %swap3A_115], %broadcast_in_dim3A_3 {strides = array<i32>} : memref<8x8x513xf32, #tpu.memory_space<vmem>>, vector<16xf32>,
    %swap3A_117 = arith.constant 2 : i32
    %swap3A_118 = arith.constant 3 : i32
    %swap3A_119 = arith.index_cast %swap3A_117 : i32 to index
    %swap3A_120 = arith.index_cast %swap3A_118 : i32 to index
    %swap3A_121 = arith.constant 0 : index
    %swap3A_122 = tpu.vector_load %arg7[%swap3A_119, %swap3A_120, %swap3A_121] {strides = array<i32>} : memref<8x8x513xf32, #tpu.memory_space<vmem>>, vector<16xf32>,
    tpu.vector_store %arg7[%swap3A_119, %swap3A_120, %swap3A_121], %broadcast_in_dim3A_3 {strides = array<i32>} : memref<8x8x513xf32, #tpu.memory_space<vmem>>, vector<16xf32>,
    %swap3A_123 = arith.constant 2 : i32
    %swap3A_124 = arith.constant 4 : i32
    %swap3A_125 = arith.index_cast %swap3A_123 : i32 to index
    %swap3A_126 = arith.index_cast %swap3A_124 : i32 to index
    %swap3A_127 = arith.constant 0 : index
    %swap3A_128 = tpu.vector_load %arg7[%swap3A_125, %swap3A_126, %swap3A_127] {strides = array<i32>} : memref<8x8x513xf32, #tpu.memory_space<vmem>>, vector<16xf32>,
    tpu.vector_store %arg7[%swap3A_125, %swap3A_126, %swap3A_127], %broadcast_in_dim3A_3 {strides = array<i32>} : memref<8x8x513xf32, #tpu.memory_space<vmem>>, vector<16xf32>,
    %swap3A_129 = arith.constant 2 : i32
    %swap3A_130 = arith.constant 5 : i32
    %swap3A_131 = arith.index_cast %swap3A_129 : i32 to index
    %swap3A_132 = arith.index_cast %swap3A_130 : i32 to index
    %swap3A_133 = arith.constant 0 : index
    %swap3A_134 = tpu.vector_load %arg7[%swap3A_131, %swap3A_132, %swap3A_133] {strides = array<i32>} : memref<8x8x513xf32, #tpu.memory_space<vmem>>, vector<16xf32>,
    tpu.vector_store %arg7[%swap3A_131, %swap3A_132, %swap3A_133], %broadcast_in_dim3A_3 {strides = array<i32>} : memref<8x8x513xf32, #tpu.memory_space<vmem>>, vector<16xf32>,
    %swap3A_135 = arith.constant 2 : i32
    %swap3A_136 = arith.constant 6 : i32
    %swap3A_137 = arith.index_cast %swap3A_135 : i32 to index
    %swap3A_138 = arith.index_cast %swap3A_136 : i32 to index
    %swap3A_139 = arith.constant 0 : index
    %swap3A_140 = tpu.vector_load %arg7[%swap3A_137, %swap3A_138, %swap3A_139] {strides = array<i32>} : memref<8x8x513xf32, #tpu.memory_space<vmem>>, vector<16xf32>,
    tpu.vector_store %arg7[%swap3A_137, %swap3A_138, %swap3A_139], %broadcast_in_dim3A_3 {strides = array<i32>} : memref<8x8x513xf32, #tpu.memory_space<vmem>>, vector<16xf32>,
    %swap3A_141 = arith.constant 2 : i32
    %swap3A_142 = arith.constant 7 : i32
    %swap3A_143 = arith.index_cast %swap3A_141 : i32 to index
    %swap3A_144 = arith.index_cast %swap3A_142 : i32 to index
    %swap3A_145 = arith.constant 0 : index
    %swap3A_146 = tpu.vector_load %arg7[%swap3A_143, %swap3A_144, %swap3A_145] {strides = array<i32>} : memref<8x8x513xf32, #tpu.memory_space<vmem>>, vector<16xf32>,
    tpu.vector_store %arg7[%swap3A_143, %swap3A_144, %swap3A_145], %broadcast_in_dim3A_3 {strides = array<i32>} : memref<8x8x513xf32, #tpu.memory_space<vmem>>, vector<16xf32>,
    %swap3A_147 = arith.constant 3 : i32
    %swap3A_148 = arith.constant 0 : i32
    %swap3A_149 = arith.index_cast %swap3A_147 : i32 to index
    %swap3A_150 = arith.index_cast %swap3A_148 : i32 to index
    %swap3A_151 = arith.constant 0 : index
    %swap3A_152 = tpu.vector_load %arg7[%swap3A_149, %swap3A_150, %swap3A_151] {strides = array<i32>} : memref<8x8x513xf32, #tpu.memory_space<vmem>>, vector<16xf32>,
    tpu.vector_store %arg7[%swap3A_149, %swap3A_150, %swap3A_151], %broadcast_in_dim3A_3 {strides = array<i32>} : memref<8x8x513xf32, #tpu.memory_space<vmem>>, vector<16xf32>,
    %swap3A_153 = arith.constant 3 : i32
    %swap3A_154 = arith.constant 1 : i32
    %swap3A_155 = arith.index_cast %swap3A_153 : i32 to index
    %swap3A_156 = arith.index_cast %swap3A_154 : i32 to index
    %swap3A_157 = arith.constant 0 : index
    %swap3A_158 = tpu.vector_load %arg7[%swap3A_155, %swap3A_156, %swap3A_157] {strides = array<i32>} : memref<8x8x513xf32, #tpu.memory_space<vmem>>, vector<16xf32>,
    tpu.vector_store %arg7[%swap3A_155, %swap3A_156, %swap3A_157], %broadcast_in_dim3A_3 {strides = array<i32>} : memref<8x8x513xf32, #tpu.memory_space<vmem>>, vector<16xf32>,
    %swap3A_159 = arith.constant 3 : i32
    %swap3A_160 = arith.constant 2 : i32
    %swap3A_161 = arith.index_cast %swap3A_159 : i32 to index
    %swap3A_162 = arith.index_cast %swap3A_160 : i32 to index
    %swap3A_163 = arith.constant 0 : index
    %swap3A_164 = tpu.vector_load %arg7[%swap3A_161, %swap3A_162, %swap3A_163] {strides = array<i32>} : memref<8x8x513xf32, #tpu.memory_space<vmem>>, vector<16xf32>,
    tpu.vector_store %arg7[%swap3A_161, %swap3A_162, %swap3A_163], %broadcast_in_dim3A_3 {strides = array<i32>} : memref<8x8x513xf32, #tpu.memory_space<vmem>>, vector<16xf32>,
    %swap3A_165 = arith.constant 3 : i32
    %swap3A_166 = arith.constant 3 : i32
    %swap3A_167 = arith.index_cast %swap3A_165 : i32 to index
    %swap3A_168 = arith.index_cast %swap3A_166 : i32 to index
    %swap3A_169 = arith.constant 0 : index
    %swap3A_170 = tpu.vector_load %arg7[%swap3A_167, %swap3A_168, %swap3A_169] {strides = array<i32>} : memref<8x8x513xf32, #tpu.memory_space<vmem>>, vector<16xf32>,
    tpu.vector_store %arg7[%swap3A_167, %swap3A_168, %swap3A_169], %broadcast_in_dim3A_3 {strides = array<i32>} : memref<8x8x513xf32, #tpu.memory_space<vmem>>, vector<16xf32>,
    %swap3A_171 = arith.constant 3 : i32
    %swap3A_172 = arith.constant 4 : i32
    %swap3A_173 = arith.index_cast %swap3A_171 : i32 to index
    %swap3A_174 = arith.index_cast %swap3A_172 : i32 to index
    %swap3A_175 = arith.constant 0 : index
    %swap3A_176 = tpu.vector_load %arg7[%swap3A_173, %swap3A_174, %swap3A_175] {strides = array<i32>} : memref<8x8x513xf32, #tpu.memory_space<vmem>>, vector<16xf32>,
    tpu.vector_store %arg7[%swap3A_173, %swap3A_174, %swap3A_175], %broadcast_in_dim3A_3 {strides = array<i32>} : memref<8x8x513xf32, #tpu.memory_space<vmem>>, vector<16xf32>,
    %swap3A_177 = arith.constant 3 : i32
    %swap3A_178 = arith.constant 5 : i32
    %swap3A_179 = arith.index_cast %swap3A_177 : i32 to index
    %swap3A_180 = arith.index_cast %swap3A_178 : i32 to index
    %swap3A_181 = arith.constant 0 : index
    %swap3A_182 = tpu.vector_load %arg7[%swap3A_179, %swap3A_180, %swap3A_181] {strides = array<i32>} : memref<8x8x513xf32, #tpu.memory_space<vmem>>, vector<16xf32>,
    tpu.vector_store %arg7[%swap3A_179, %swap3A_180, %swap3A_181], %broadcast_in_dim3A_3 {strides = array<i32>} : memref<8x8x513xf32, #tpu.memory_space<vmem>>, vector<16xf32>,
    %swap3A_183 = arith.constant 3 : i32
    %swap3A_184 = arith.constant 6 : i32
    %swap3A_185 = arith.index_cast %swap3A_183 : i32 to index
    %swap3A_186 = arith.index_cast %swap3A_184 : i32 to index
    %swap3A_187 = arith.constant 0 : index
    %swap3A_188 = tpu.vector_load %arg7[%swap3A_185, %swap3A_186, %swap3A_187] {strides = array<i32>} : memref<8x8x513xf32, #tpu.memory_space<vmem>>, vector<16xf32>,
    tpu.vector_store %arg7[%swap3A_185, %swap3A_186, %swap3A_187], %broadcast_in_dim3A_3 {strides = array<i32>} : memref<8x8x513xf32, #tpu.memory_space<vmem>>, vector<16xf32>,
    %swap3A_189 = arith.constant 3 : i32
    %swap3A_190 = arith.constant 7 : i32
    %swap3A_191 = arith.index_cast %swap3A_189 : i32 to index
    %swap3A_192 = arith.index_cast %swap3A_190 : i32 to index
    %swap3A_193 = arith.constant 0 : index
    %swap3A_194 = tpu.vector_load %arg7[%swap3A_191, %swap3A_192, %swap3A_193] {strides = array<i32>} : memref<8x8x513xf32, #tpu.memory_space<vmem>>, vector<16xf32>,
    tpu.vector_store %arg7[%swap3A_191, %swap3A_192, %swap3A_193], %broadcast_in_dim3A_3 {strides = array<i32>} : memref<8x8x513xf32, #tpu.memory_space<vmem>>, vector<16xf32>,
    %swap3A_195 = arith.constant 4 : i32
    %swap3A_196 = arith.constant 0 : i32
    %swap3A_197 = arith.index_cast %swap3A_195 : i32 to index
    %swap3A_198 = arith.index_cast %swap3A_196 : i32 to index
    %swap3A_199 = arith.constant 0 : index
    %swap3A_200 = tpu.vector_load %arg7[%swap3A_197, %swap3A_198, %swap3A_199] {strides = array<i32>} : memref<8x8x513xf32, #tpu.memory_space<vmem>>, vector<16xf32>,
    tpu.vector_store %arg7[%swap3A_197, %swap3A_198, %swap3A_199], %broadcast_in_dim3A_3 {strides = array<i32>} : memref<8x8x513xf32, #tpu.memory_space<vmem>>, vector<16xf32>,
    %swap3A_201 = arith.constant 4 : i32
    %swap3A_202 = arith.constant 1 : i32
    %swap3A_203 = arith.index_cast %swap3A_201 : i32 to index
    %swap3A_204 = arith.index_cast %swap3A_202 : i32 to index
    %swap3A_205 = arith.constant 0 : index
    %swap3A_206 = tpu.vector_load %arg7[%swap3A_203, %swap3A_204, %swap3A_205] {strides = array<i32>} : memref<8x8x513xf32, #tpu.memory_space<vmem>>, vector<16xf32>,
    tpu.vector_store %arg7[%swap3A_203, %swap3A_204, %swap3A_205], %broadcast_in_dim3A_3 {strides = array<i32>} : memref<8x8x513xf32, #tpu.memory_space<vmem>>, vector<16xf32>,
    %swap3A_207 = arith.constant 4 : i32
    %swap3A_208 = arith.constant 2 : i32
    %swap3A_209 = arith.index_cast %swap3A_207 : i32 to index
    %swap3A_210 = arith.index_cast %swap3A_208 : i32 to index
    %swap3A_211 = arith.constant 0 : index
    %swap3A_212 = tpu.vector_load %arg7[%swap3A_209, %swap3A_210, %swap3A_211] {strides = array<i32>} : memref<8x8x513xf32, #tpu.memory_space<vmem>>, vector<16xf32>,
    tpu.vector_store %arg7[%swap3A_209, %swap3A_210, %swap3A_211], %broadcast_in_dim3A_3 {strides = array<i32>} : memref<8x8x513xf32, #tpu.memory_space<vmem>>, vector<16xf32>,
    %swap3A_213 = arith.constant 4 : i32
    %swap3A_214 = arith.constant 3 : i32
    %swap3A_215 = arith.index_cast %swap3A_213 : i32 to index
    %swap3A_216 = arith.index_cast %swap3A_214 : i32 to index
    %swap3A_217 = arith.constant 0 : index
    %swap3A_218 = tpu.vector_load %arg7[%swap3A_215, %swap3A_216, %swap3A_217] {strides = array<i32>} : memref<8x8x513xf32, #tpu.memory_space<vmem>>, vector<16xf32>,
    tpu.vector_store %arg7[%swap3A_215, %swap3A_216, %swap3A_217], %broadcast_in_dim3A_3 {strides = array<i32>} : memref<8x8x513xf32, #tpu.memory_space<vmem>>, vector<16xf32>,
    %swap3A_219 = arith.constant 4 : i32
    %swap3A_220 = arith.constant 4 : i32
    %swap3A_221 = arith.index_cast %swap3A_219 : i32 to index
    %swap3A_222 = arith.index_cast %swap3A_220 : i32 to index
    %swap3A_223 = arith.constant 0 : index
    %swap3A_224 = tpu.vector_load %arg7[%swap3A_221, %swap3A_222, %swap3A_223] {strides = array<i32>} : memref<8x8x513xf32, #tpu.memory_space<vmem>>, vector<16xf32>,
    tpu.vector_store %arg7[%swap3A_221, %swap3A_222, %swap3A_223], %broadcast_in_dim3A_3 {strides = array<i32>} : memref<8x8x513xf32, #tpu.memory_space<vmem>>, vector<16xf32>,
    %swap3A_225 = arith.constant 4 : i32
    %swap3A_226 = arith.constant 5 : i32
    %swap3A_227 = arith.index_cast %swap3A_225 : i32 to index
    %swap3A_228 = arith.index_cast %swap3A_226 : i32 to index
    %swap3A_229 = arith.constant 0 : index
    %swap3A_230 = tpu.vector_load %arg7[%swap3A_227, %swap3A_228, %swap3A_229] {strides = array<i32>} : memref<8x8x513xf32, #tpu.memory_space<vmem>>, vector<16xf32>,
    tpu.vector_store %arg7[%swap3A_227, %swap3A_228, %swap3A_229], %broadcast_in_dim3A_3 {strides = array<i32>} : memref<8x8x513xf32, #tpu.memory_space<vmem>>, vector<16xf32>,
    %swap3A_231 = arith.constant 4 : i32
    %swap3A_232 = arith.constant 6 : i32
    %swap3A_233 = arith.index_cast %swap3A_231 : i32 to index
    %swap3A_234 = arith.index_cast %swap3A_232 : i32 to index
    %swap3A_235 = arith.constant 0 : index
    %swap3A_236 = tpu.vector_load %arg7[%swap3A_233, %swap3A_234, %swap3A_235] {strides = array<i32>} : memref<8x8x513xf32, #tpu.memory_space<vmem>>, vector<16xf32>,
    tpu.vector_store %arg7[%swap3A_233, %swap3A_234, %swap3A_235], %broadcast_in_dim3A_3 {strides = array<i32>} : memref<8x8x513xf32, #tpu.memory_space<vmem>>, vector<16xf32>,
    %swap3A_237 = arith.constant 4 : i32
    %swap3A_238 = arith.constant 7 : i32
    %swap3A_239 = arith.index_cast %swap3A_237 : i32 to index
    %swap3A_240 = arith.index_cast %swap3A_238 : i32 to index
    %swap3A_241 = arith.constant 0 : index
    %swap3A_242 = tpu.vector_load %arg7[%swap3A_239, %swap3A_240, %swap3A_241] {strides = array<i32>} : memref<8x8x513xf32, #tpu.memory_space<vmem>>, vector<16xf32>,
    tpu.vector_store %arg7[%swap3A_239, %swap3A_240, %swap3A_241], %broadcast_in_dim3A_3 {strides = array<i32>} : memref<8x8x513xf32, #tpu.memory_space<vmem>>, vector<16xf32>,
    %swap3A_243 = arith.constant 5 : i32
    %swap3A_244 = arith.constant 0 : i32
    %swap3A_245 = arith.index_cast %swap3A_243 : i32 to index
    %swap3A_246 = arith.index_cast %swap3A_244 : i32 to index
    %swap3A_247 = arith.constant 0 : index
    %swap3A_248 = tpu.vector_load %arg7[%swap3A_245, %swap3A_246, %swap3A_247] {strides = array<i32>} : memref<8x8x513xf32, #tpu.memory_space<vmem>>, vector<16xf32>,
    tpu.vector_store %arg7[%swap3A_245, %swap3A_246, %swap3A_247], %broadcast_in_dim3A_3 {strides = array<i32>} : memref<8x8x513xf32, #tpu.memory_space<vmem>>, vector<16xf32>,
    %swap3A_249 = arith.constant 5 : i32
    %swap3A_250 = arith.constant 1 : i32
    %swap3A_251 = arith.index_cast %swap3A_249 : i32 to index
    %swap3A_252 = arith.index_cast %swap3A_250 : i32 to index
    %swap3A_253 = arith.constant 0 : index
    %swap3A_254 = tpu.vector_load %arg7[%swap3A_251, %swap3A_252, %swap3A_253] {strides = array<i32>} : memref<8x8x513xf32, #tpu.memory_space<vmem>>, vector<16xf32>,
    tpu.vector_store %arg7[%swap3A_251, %swap3A_252, %swap3A_253], %broadcast_in_dim3A_3 {strides = array<i32>} : memref<8x8x513xf32, #tpu.memory_space<vmem>>, vector<16xf32>,
    %swap3A_255 = arith.constant 5 : i32
    %swap3A_256 = arith.constant 2 : i32
    %swap3A_257 = arith.index_cast %swap3A_255 : i32 to index
    %swap3A_258 = arith.index_cast %swap3A_256 : i32 to index
    %swap3A_259 = arith.constant 0 : index
    %swap3A_260 = tpu.vector_load %arg7[%swap3A_257, %swap3A_258, %swap3A_259] {strides = array<i32>} : memref<8x8x513xf32, #tpu.memory_space<vmem>>, vector<16xf32>,
    tpu.vector_store %arg7[%swap3A_257, %swap3A_258, %swap3A_259], %broadcast_in_dim3A_3 {strides = array<i32>} : memref<8x8x513xf32, #tpu.memory_space<vmem>>, vector<16xf32>,
    %swap3A_261 = arith.constant 5 : i32
    %swap3A_262 = arith.constant 3 : i32
    %swap3A_263 = arith.index_cast %swap3A_261 : i32 to index
    %swap3A_264 = arith.index_cast %swap3A_262 : i32 to index
    %swap3A_265 = arith.constant 0 : index
    %swap3A_266 = tpu.vector_load %arg7[%swap3A_263, %swap3A_264, %swap3A_265] {strides = array<i32>} : memref<8x8x513xf32, #tpu.memory_space<vmem>>, vector<16xf32>,
    tpu.vector_store %arg7[%swap3A_263, %swap3A_264, %swap3A_265], %broadcast_in_dim3A_3 {strides = array<i32>} : memref<8x8x513xf32, #tpu.memory_space<vmem>>, vector<16xf32>,
    %swap3A_267 = arith.constant 5 : i32
    %swap3A_268 = arith.constant 4 : i32
    %swap3A_269 = arith.index_cast %swap3A_267 : i32 to index
    %swap3A_270 = arith.index_cast %swap3A_268 : i32 to index
    %swap3A_271 = arith.constant 0 : index
    %swap3A_272 = tpu.vector_load %arg7[%swap3A_269, %swap3A_270, %swap3A_271] {strides = array<i32>} : memref<8x8x513xf32, #tpu.memory_space<vmem>>, vector<16xf32>,
    tpu.vector_store %arg7[%swap3A_269, %swap3A_270, %swap3A_271], %broadcast_in_dim3A_3 {strides = array<i32>} : memref<8x8x513xf32, #tpu.memory_space<vmem>>, vector<16xf32>,
    %swap3A_273 = arith.constant 5 : i32
    %swap3A_274 = arith.constant 5 : i32
    %swap3A_275 = arith.index_cast %swap3A_273 : i32 to index
    %swap3A_276 = arith.index_cast %swap3A_274 : i32 to index
    %swap3A_277 = arith.constant 0 : index
    %swap3A_278 = tpu.vector_load %arg7[%swap3A_275, %swap3A_276, %swap3A_277] {strides = array<i32>} : memref<8x8x513xf32, #tpu.memory_space<vmem>>, vector<16xf32>,
    tpu.vector_store %arg7[%swap3A_275, %swap3A_276, %swap3A_277], %broadcast_in_dim3A_3 {strides = array<i32>} : memref<8x8x513xf32, #tpu.memory_space<vmem>>, vector<16xf32>,
    %swap3A_279 = arith.constant 5 : i32
    %swap3A_280 = arith.constant 6 : i32
    %swap3A_281 = arith.index_cast %swap3A_279 : i32 to index
    %swap3A_282 = arith.index_cast %swap3A_280 : i32 to index
    %swap3A_283 = arith.constant 0 : index
    %swap3A_284 = tpu.vector_load %arg7[%swap3A_281, %swap3A_282, %swap3A_283] {strides = array<i32>} : memref<8x8x513xf32, #tpu.memory_space<vmem>>, vector<16xf32>,
    tpu.vector_store %arg7[%swap3A_281, %swap3A_282, %swap3A_283], %broadcast_in_dim3A_3 {strides = array<i32>} : memref<8x8x513xf32, #tpu.memory_space<vmem>>, vector<16xf32>,
    %swap3A_285 = arith.constant 5 : i32
    %swap3A_286 = arith.constant 7 : i32
    %swap3A_287 = arith.index_cast %swap3A_285 : i32 to index
    %swap3A_288 = arith.index_cast %swap3A_286 : i32 to index
    %swap3A_289 = arith.constant 0 : index
    %swap3A_290 = tpu.vector_load %arg7[%swap3A_287, %swap3A_288, %swap3A_289] {strides = array<i32>} : memref<8x8x513xf32, #tpu.memory_space<vmem>>, vector<16xf32>,
    tpu.vector_store %arg7[%swap3A_287, %swap3A_288, %swap3A_289], %broadcast_in_dim3A_3 {strides = array<i32>} : memref<8x8x513xf32, #tpu.memory_space<vmem>>, vector<16xf32>,
    %swap3A_291 = arith.constant 6 : i32
    %swap3A_292 = arith.constant 0 : i32
    %swap3A_293 = arith.index_cast %swap3A_291 : i32 to index
    %swap3A_294 = arith.index_cast %swap3A_292 : i32 to index
    %swap3A_295 = arith.constant 0 : index
    %swap3A_296 = tpu.vector_load %arg7[%swap3A_293, %swap3A_294, %swap3A_295] {strides = array<i32>} : memref<8x8x513xf32, #tpu.memory_space<vmem>>, vector<16xf32>,
    tpu.vector_store %arg7[%swap3A_293, %swap3A_294, %swap3A_295], %broadcast_in_dim3A_3 {strides = array<i32>} : memref<8x8x513xf32, #tpu.memory_space<vmem>>, vector<16xf32>,
    %swap3A_297 = arith.constant 6 : i32
    %swap3A_298 = arith.constant 1 : i32
    %swap3A_299 = arith.index_cast %swap3A_297 : i32 to index
    %swap3A_300 = arith.index_cast %swap3A_298 : i32 to index
    %swap3A_301 = arith.constant 0 : index
    %swap3A_302 = tpu.vector_load %arg7[%swap3A_299, %swap3A_300, %swap3A_301] {strides = array<i32>} : memref<8x8x513xf32, #tpu.memory_space<vmem>>, vector<16xf32>,
    tpu.vector_store %arg7[%swap3A_299, %swap3A_300, %swap3A_301], %broadcast_in_dim3A_3 {strides = array<i32>} : memref<8x8x513xf32, #tpu.memory_space<vmem>>, vector<16xf32>,
    %swap3A_303 = arith.constant 6 : i32
    %swap3A_304 = arith.constant 2 : i32
    %swap3A_305 = arith.index_cast %swap3A_303 : i32 to index
    %swap3A_306 = arith.index_cast %swap3A_304 : i32 to index
    %swap3A_307 = arith.constant 0 : index
    %swap3A_308 = tpu.vector_load %arg7[%swap3A_305, %swap3A_306, %swap3A_307] {strides = array<i32>} : memref<8x8x513xf32, #tpu.memory_space<vmem>>, vector<16xf32>,
    tpu.vector_store %arg7[%swap3A_305, %swap3A_306, %swap3A_307], %broadcast_in_dim3A_3 {strides = array<i32>} : memref<8x8x513xf32, #tpu.memory_space<vmem>>, vector<16xf32>,
    %swap3A_309 = arith.constant 6 : i32
    %swap3A_310 = arith.constant 3 : i32
    %swap3A_311 = arith.index_cast %swap3A_309 : i32 to index
    %swap3A_312 = arith.index_cast %swap3A_310 : i32 to index
    %swap3A_313 = arith.constant 0 : index
    %swap3A_314 = tpu.vector_load %arg7[%swap3A_311, %swap3A_312, %swap3A_313] {strides = array<i32>} : memref<8x8x513xf32, #tpu.memory_space<vmem>>, vector<16xf32>,
    tpu.vector_store %arg7[%swap3A_311, %swap3A_312, %swap3A_313], %broadcast_in_dim3A_3 {strides = array<i32>} : memref<8x8x513xf32, #tpu.memory_space<vmem>>, vector<16xf32>,
    %swap3A_315 = arith.constant 6 : i32
    %swap3A_316 = arith.constant 4 : i32
    %swap3A_317 = arith.index_cast %swap3A_315 : i32 to index
    %swap3A_318 = arith.index_cast %swap3A_316 : i32 to index
    %swap3A_319 = arith.constant 0 : index
    %swap3A_320 = tpu.vector_load %arg7[%swap3A_317, %swap3A_318, %swap3A_319] {strides = array<i32>} : memref<8x8x513xf32, #tpu.memory_space<vmem>>, vector<16xf32>,
    tpu.vector_store %arg7[%swap3A_317, %swap3A_318, %swap3A_319], %broadcast_in_dim3A_3 {strides = array<i32>} : memref<8x8x513xf32, #tpu.memory_space<vmem>>, vector<16xf32>,
    %swap3A_321 = arith.constant 6 : i32
    %swap3A_322 = arith.constant 5 : i32
    %swap3A_323 = arith.index_cast %swap3A_321 : i32 to index
    %swap3A_324 = arith.index_cast %swap3A_322 : i32 to index
    %swap3A_325 = arith.constant 0 : index
    %swap3A_326 = tpu.vector_load %arg7[%swap3A_323, %swap3A_324, %swap3A_325] {strides = array<i32>} : memref<8x8x513xf32, #tpu.memory_space<vmem>>, vector<16xf32>,
    tpu.vector_store %arg7[%swap3A_323, %swap3A_324, %swap3A_325], %broadcast_in_dim3A_3 {strides = array<i32>} : memref<8x8x513xf32, #tpu.memory_space<vmem>>, vector<16xf32>,
    %swap3A_327 = arith.constant 6 : i32
    %swap3A_328 = arith.constant 6 : i32
    %swap3A_329 = arith.index_cast %swap3A_327 : i32 to index
    %swap3A_330 = arith.index_cast %swap3A_328 : i32 to index
    %swap3A_331 = arith.constant 0 : index
    %swap3A_332 = tpu.vector_load %arg7[%swap3A_329, %swap3A_330, %swap3A_331] {strides = array<i32>} : memref<8x8x513xf32, #tpu.memory_space<vmem>>, vector<16xf32>,
    tpu.vector_store %arg7[%swap3A_329, %swap3A_330, %swap3A_331], %broadcast_in_dim3A_3 {strides = array<i32>} : memref<8x8x513xf32, #tpu.memory_space<vmem>>, vector<16xf32>,
    %swap3A_333 = arith.constant 6 : i32
    %swap3A_334 = arith.constant 7 : i32
    %swap3A_335 = arith.index_cast %swap3A_333 : i32 to index
    %swap3A_336 = arith.index_cast %swap3A_334 : i32 to index
    %swap3A_337 = arith.constant 0 : index
    %swap3A_338 = tpu.vector_load %arg7[%swap3A_335, %swap3A_336, %swap3A_337] {strides = array<i32>} : memref<8x8x513xf32, #tpu.memory_space<vmem>>, vector<16xf32>,
    tpu.vector_store %arg7[%swap3A_335, %swap3A_336, %swap3A_337], %broadcast_in_dim3A_3 {strides = array<i32>} : memref<8x8x513xf32, #tpu.memory_space<vmem>>, vector<16xf32>,
    %swap3A_339 = arith.constant 7 : i32
    %swap3A_340 = arith.constant 0 : i32
    %swap3A_341 = arith.index_cast %swap3A_339 : i32 to index
    %swap3A_342 = arith.index_cast %swap3A_340 : i32 to index
    %swap3A_343 = arith.constant 0 : index
    %swap3A_344 = tpu.vector_load %arg7[%swap3A_341, %swap3A_342, %swap3A_343] {strides = array<i32>} : memref<8x8x513xf32, #tpu.memory_space<vmem>>, vector<16xf32>,
    tpu.vector_store %arg7[%swap3A_341, %swap3A_342, %swap3A_343], %broadcast_in_dim3A_3 {strides = array<i32>} : memref<8x8x513xf32, #tpu.memory_space<vmem>>, vector<16xf32>,
    %swap3A_345 = arith.constant 7 : i32
    %swap3A_346 = arith.constant 1 : i32
    %swap3A_347 = arith.index_cast %swap3A_345 : i32 to index
    %swap3A_348 = arith.index_cast %swap3A_346 : i32 to index
    %swap3A_349 = arith.constant 0 : index
    %swap3A_350 = tpu.vector_load %arg7[%swap3A_347, %swap3A_348, %swap3A_349] {strides = array<i32>} : memref<8x8x513xf32, #tpu.memory_space<vmem>>, vector<16xf32>,
    tpu.vector_store %arg7[%swap3A_347, %swap3A_348, %swap3A_349], %broadcast_in_dim3A_3 {strides = array<i32>} : memref<8x8x513xf32, #tpu.memory_space<vmem>>, vector<16xf32>,
    %swap3A_351 = arith.constant 7 : i32
    %swap3A_352 = arith.constant 2 : i32
    %swap3A_353 = arith.index_cast %swap3A_351 : i32 to index
    %swap3A_354 = arith.index_cast %swap3A_352 : i32 to index
    %swap3A_355 = arith.constant 0 : index
    %swap3A_356 = tpu.vector_load %arg7[%swap3A_353, %swap3A_354, %swap3A_355] {strides = array<i32>} : memref<8x8x513xf32, #tpu.memory_space<vmem>>, vector<16xf32>,
    tpu.vector_store %arg7[%swap3A_353, %swap3A_354, %swap3A_355], %broadcast_in_dim3A_3 {strides = array<i32>} : memref<8x8x513xf32, #tpu.memory_space<vmem>>, vector<16xf32>,
    %swap3A_357 = arith.constant 7 : i32
    %swap3A_358 = arith.constant 3 : i32
    %swap3A_359 = arith.index_cast %swap3A_357 : i32 to index
    %swap3A_360 = arith.index_cast %swap3A_358 : i32 to index
    %swap3A_361 = arith.constant 0 : index
    %swap3A_362 = tpu.vector_load %arg7[%swap3A_359, %swap3A_360, %swap3A_361] {strides = array<i32>} : memref<8x8x513xf32, #tpu.memory_space<vmem>>, vector<16xf32>,
    tpu.vector_store %arg7[%swap3A_359, %swap3A_360, %swap3A_361], %broadcast_in_dim3A_3 {strides = array<i32>} : memref<8x8x513xf32, #tpu.memory_space<vmem>>, vector<16xf32>,
    %swap3A_363 = arith.constant 7 : i32
    %swap3A_364 = arith.constant 4 : i32
    %swap3A_365 = arith.index_cast %swap3A_363 : i32 to index
    %swap3A_366 = arith.index_cast %swap3A_364 : i32 to index
    %swap3A_367 = arith.constant 0 : index
    %swap3A_368 = tpu.vector_load %arg7[%swap3A_365, %swap3A_366, %swap3A_367] {strides = array<i32>} : memref<8x8x513xf32, #tpu.memory_space<vmem>>, vector<16xf32>,
    tpu.vector_store %arg7[%swap3A_365, %swap3A_366, %swap3A_367], %broadcast_in_dim3A_3 {strides = array<i32>} : memref<8x8x513xf32, #tpu.memory_space<vmem>>, vector<16xf32>,
    %swap3A_369 = arith.constant 7 : i32
    %swap3A_370 = arith.constant 5 : i32
    %swap3A_371 = arith.index_cast %swap3A_369 : i32 to index
    %swap3A_372 = arith.index_cast %swap3A_370 : i32 to index
    %swap3A_373 = arith.constant 0 : index
    %swap3A_374 = tpu.vector_load %arg7[%swap3A_371, %swap3A_372, %swap3A_373] {strides = array<i32>} : memref<8x8x513xf32, #tpu.memory_space<vmem>>, vector<16xf32>,
    tpu.vector_store %arg7[%swap3A_371, %swap3A_372, %swap3A_373], %broadcast_in_dim3A_3 {strides = array<i32>} : memref<8x8x513xf32, #tpu.memory_space<vmem>>, vector<16xf32>,
    %swap3A_375 = arith.constant 7 : i32
    %swap3A_376 = arith.constant 6 : i32
    %swap3A_377 = arith.index_cast %swap3A_375 : i32 to index
    %swap3A_378 = arith.index_cast %swap3A_376 : i32 to index
    %swap3A_379 = arith.constant 0 : index
    %swap3A_380 = tpu.vector_load %arg7[%swap3A_377, %swap3A_378, %swap3A_379] {strides = array<i32>} : memref<8x8x513xf32, #tpu.memory_space<vmem>>, vector<16xf32>,
    tpu.vector_store %arg7[%swap3A_377, %swap3A_378, %swap3A_379], %broadcast_in_dim3A_3 {strides = array<i32>} : memref<8x8x513xf32, #tpu.memory_space<vmem>>, vector<16xf32>,
    %swap3A_381 = arith.constant 7 : i32
    %swap3A_382 = arith.constant 7 : i32
    %swap3A_383 = arith.index_cast %swap3A_381 : i32 to index
    %swap3A_384 = arith.index_cast %swap3A_382 : i32 to index
    %swap3A_385 = arith.constant 0 : index
    %swap3A_386 = tpu.vector_load %arg7[%swap3A_383, %swap3A_384, %swap3A_385] {strides = array<i32>} : memref<8x8x513xf32, #tpu.memory_space<vmem>>, vector<16xf32>,
    tpu.vector_store %arg7[%swap3A_383, %swap3A_384, %swap3A_385], %broadcast_in_dim3A_3 {strides = array<i32>} : memref<8x8x513xf32, #tpu.memory_space<vmem>>, vector<16xf32>,
    %swap3A_387 = arith.constant 0 : index
    %swap3A_388 = tpu.vector_load %arg8[%swap3A_387] {strides = array<i32>} : memref<513xf32, #tpu.memory_space<vmem>>, vector<16xf32>,
    tpu.vector_store %arg8[%swap3A_387], %broadcast_in_dim3A_3 {strides = array<i32>} : memref<513xf32, #tpu.memory_space<vmem>>, vector<16xf32>,
    %swap3A_389 = arith.constant 16 : index
    %swap3A_390 = tpu.vector_load %arg8[%swap3A_389] {strides = array<i32>} : memref<513xf32, #tpu.memory_space<vmem>>, vector<16xf32>,
    tpu.vector_store %arg8[%swap3A_389], %broadcast_in_dim3A_3 {strides = array<i32>} : memref<513xf32, #tpu.memory_space<vmem>>, vector<16xf32>,
    %swap3A_391 = arith.constant 32 : index
    %swap3A_392 = tpu.vector_load %arg8[%swap3A_391] {strides = array<i32>} : memref<513xf32, #tpu.memory_space<vmem>>, vector<16xf32>,
    tpu.vector_store %arg8[%swap3A_391], %broadcast_in_dim3A_3 {strides = array<i32>} : memref<513xf32, #tpu.memory_space<vmem>>, vector<16xf32>,
    %swap3A_393 = arith.constant 48 : index
    %swap3A_394 = tpu.vector_load %arg8[%swap3A_393] {strides = array<i32>} : memref<513xf32, #tpu.memory_space<vmem>>, vector<16xf32>,
    tpu.vector_store %arg8[%swap3A_393], %broadcast_in_dim3A_3 {strides = array<i32>} : memref<513xf32, #tpu.memory_space<vmem>>, vector<16xf32>,
    %swap3A_395 = arith.constant 64 : index
    %swap3A_396 = tpu.vector_load %arg8[%swap3A_395] {strides = array<i32>} : memref<513xf32, #tpu.memory_space<vmem>>, vector<16xf32>,
    tpu.vector_store %arg8[%swap3A_395], %broadcast_in_dim3A_3 {strides = array<i32>} : memref<513xf32, #tpu.memory_space<vmem>>, vector<16xf32>,
    %swap3A_397 = arith.constant 80 : index
    %swap3A_398 = tpu.vector_load %arg8[%swap3A_397] {strides = array<i32>} : memref<513xf32, #tpu.memory_space<vmem>>, vector<16xf32>,
    tpu.vector_store %arg8[%swap3A_397], %broadcast_in_dim3A_3 {strides = array<i32>} : memref<513xf32, #tpu.memory_space<vmem>>, vector<16xf32>,
    %swap3A_399 = arith.constant 96 : index
    %swap3A_400 = tpu.vector_load %arg8[%swap3A_399] {strides = array<i32>} : memref<513xf32, #tpu.memory_space<vmem>>, vector<16xf32>,
    tpu.vector_store %arg8[%swap3A_399], %broadcast_in_dim3A_3 {strides = array<i32>} : memref<513xf32, #tpu.memory_space<vmem>>, vector<16xf32>,
    %swap3A_401 = arith.constant 112 : index
    %swap3A_402 = tpu.vector_load %arg8[%swap3A_401] {strides = array<i32>} : memref<513xf32, #tpu.memory_space<vmem>>, vector<16xf32>,
    tpu.vector_store %arg8[%swap3A_401], %broadcast_in_dim3A_3 {strides = array<i32>} : memref<513xf32, #tpu.memory_space<vmem>>, vector<16xf32>,
    %swap3A_403 = arith.constant 128 : index
    %swap3A_404 = tpu.vector_load %arg8[%swap3A_403] {strides = array<i32>} : memref<513xf32, #tpu.memory_space<vmem>>, vector<16xf32>,
    tpu.vector_store %arg8[%swap3A_403], %broadcast_in_dim3A_3 {strides = array<i32>} : memref<513xf32, #tpu.memory_space<vmem>>, vector<16xf32>,
    %swap3A_405 = arith.constant 144 : index
    %swap3A_406 = tpu.vector_load %arg8[%swap3A_405] {strides = array<i32>} : memref<513xf32, #tpu.memory_space<vmem>>, vector<16xf32>,
    tpu.vector_store %arg8[%swap3A_405], %broadcast_in_dim3A_3 {strides = array<i32>} : memref<513xf32, #tpu.memory_space<vmem>>, vector<16xf32>,
    %swap3A_407 = arith.constant 160 : index
    %swap3A_408 = tpu.vector_load %arg8[%swap3A_407] {strides = array<i32>} : memref<513xf32, #tpu.memory_space<vmem>>, vector<16xf32>,
    tpu.vector_store %arg8[%swap3A_407], %broadcast_in_dim3A_3 {strides = array<i32>} : memref<513xf32, #tpu.memory_space<vmem>>, vector<16xf32>,
    %swap3A_409 = arith.constant 176 : index
    %swap3A_410 = tpu.vector_load %arg8[%swap3A_409] {strides = array<i32>} : memref<513xf32, #tpu.memory_space<vmem>>, vector<16xf32>,
    tpu.vector_store %arg8[%swap3A_409], %broadcast_in_dim3A_3 {strides = array<i32>} : memref<513xf32, #tpu.memory_space<vmem>>, vector<16xf32>,
    %swap3A_411 = arith.constant 192 : index
    %swap3A_412 = tpu.vector_load %arg8[%swap3A_411] {strides = array<i32>} : memref<513xf32, #tpu.memory_space<vmem>>, vector<16xf32>,
    tpu.vector_store %arg8[%swap3A_411], %broadcast_in_dim3A_3 {strides = array<i32>} : memref<513xf32, #tpu.memory_space<vmem>>, vector<16xf32>,
    %swap3A_413 = arith.constant 208 : index
    %swap3A_414 = tpu.vector_load %arg8[%swap3A_413] {strides = array<i32>} : memref<513xf32, #tpu.memory_space<vmem>>, vector<16xf32>,
    tpu.vector_store %arg8[%swap3A_413], %broadcast_in_dim3A_3 {strides = array<i32>} : memref<513xf32, #tpu.memory_space<vmem>>, vector<16xf32>,
    %swap3A_415 = arith.constant 224 : index
    %swap3A_416 = tpu.vector_load %arg8[%swap3A_415] {strides = array<i32>} : memref<513xf32, #tpu.memory_space<vmem>>, vector<16xf32>,
    tpu.vector_store %arg8[%swap3A_415], %broadcast_in_dim3A_3 {strides = array<i32>} : memref<513xf32, #tpu.memory_space<vmem>>, vector<16xf32>,
    %swap3A_417 = arith.constant 240 : index
    %swap3A_418 = tpu.vector_load %arg8[%swap3A_417] {strides = array<i32>} : memref<513xf32, #tpu.memory_space<vmem>>, vector<16xf32>,
    tpu.vector_store %arg8[%swap3A_417], %broadcast_in_dim3A_3 {strides = array<i32>} : memref<513xf32, #tpu.memory_space<vmem>>, vector<16xf32>,
    %swap3A_419 = arith.constant 256 : index
    %swap3A_420 = tpu.vector_load %arg8[%swap3A_419] {strides = array<i32>} : memref<513xf32, #tpu.memory_space<vmem>>, vector<16xf32>,
    tpu.vector_store %arg8[%swap3A_419], %broadcast_in_dim3A_3 {strides = array<i32>} : memref<513xf32, #tpu.memory_space<vmem>>, vector<16xf32>,
    %swap3A_421 = arith.constant 272 : index
    %swap3A_422 = tpu.vector_load %arg8[%swap3A_421] {strides = array<i32>} : memref<513xf32, #tpu.memory_space<vmem>>, vector<16xf32>,
    tpu.vector_store %arg8[%swap3A_421], %broadcast_in_dim3A_3 {strides = array<i32>} : memref<513xf32, #tpu.memory_space<vmem>>, vector<16xf32>,
    %swap3A_423 = arith.constant 288 : index
    %swap3A_424 = tpu.vector_load %arg8[%swap3A_423] {strides = array<i32>} : memref<513xf32, #tpu.memory_space<vmem>>, vector<16xf32>,
    tpu.vector_store %arg8[%swap3A_423], %broadcast_in_dim3A_3 {strides = array<i32>} : memref<513xf32, #tpu.memory_space<vmem>>, vector<16xf32>,
    %swap3A_425 = arith.constant 304 : index
    %swap3A_426 = tpu.vector_load %arg8[%swap3A_425] {strides = array<i32>} : memref<513xf32, #tpu.memory_space<vmem>>, vector<16xf32>,
    tpu.vector_store %arg8[%swap3A_425], %broadcast_in_dim3A_3 {strides = array<i32>} : memref<513xf32, #tpu.memory_space<vmem>>, vector<16xf32>,
    %swap3A_427 = arith.constant 320 : index
    %swap3A_428 = tpu.vector_load %arg8[%swap3A_427] {strides = array<i32>} : memref<513xf32, #tpu.memory_space<vmem>>, vector<16xf32>,
    tpu.vector_store %arg8[%swap3A_427], %broadcast_in_dim3A_3 {strides = array<i32>} : memref<513xf32, #tpu.memory_space<vmem>>, vector<16xf32>,
    %swap3A_429 = arith.constant 336 : index
    %swap3A_430 = tpu.vector_load %arg8[%swap3A_429] {strides = array<i32>} : memref<513xf32, #tpu.memory_space<vmem>>, vector<16xf32>,
    tpu.vector_store %arg8[%swap3A_429], %broadcast_in_dim3A_3 {strides = array<i32>} : memref<513xf32, #tpu.memory_space<vmem>>, vector<16xf32>,
    %swap3A_431 = arith.constant 352 : index
    %swap3A_432 = tpu.vector_load %arg8[%swap3A_431] {strides = array<i32>} : memref<513xf32, #tpu.memory_space<vmem>>, vector<16xf32>,
    tpu.vector_store %arg8[%swap3A_431], %broadcast_in_dim3A_3 {strides = array<i32>} : memref<513xf32, #tpu.memory_space<vmem>>, vector<16xf32>,
    %swap3A_433 = arith.constant 368 : index
    %swap3A_434 = tpu.vector_load %arg8[%swap3A_433] {strides = array<i32>} : memref<513xf32, #tpu.memory_space<vmem>>, vector<16xf32>,
    tpu.vector_store %arg8[%swap3A_433], %broadcast_in_dim3A_3 {strides = array<i32>} : memref<513xf32, #tpu.memory_space<vmem>>, vector<16xf32>,
    %swap3A_435 = arith.constant 384 : index
    %swap3A_436 = tpu.vector_load %arg8[%swap3A_435] {strides = array<i32>} : memref<513xf32, #tpu.memory_space<vmem>>, vector<16xf32>,
    tpu.vector_store %arg8[%swap3A_435], %broadcast_in_dim3A_3 {strides = array<i32>} : memref<513xf32, #tpu.memory_space<vmem>>, vector<16xf32>,
    %swap3A_437 = arith.constant 400 : index
    %swap3A_438 = tpu.vector_load %arg8[%swap3A_437] {strides = array<i32>} : memref<513xf32, #tpu.memory_space<vmem>>, vector<16xf32>,
    tpu.vector_store %arg8[%swap3A_437], %broadcast_in_dim3A_3 {strides = array<i32>} : memref<513xf32, #tpu.memory_space<vmem>>, vector<16xf32>,
    %swap3A_439 = arith.constant 416 : index
    %swap3A_440 = tpu.vector_load %arg8[%swap3A_439] {strides = array<i32>} : memref<513xf32, #tpu.memory_space<vmem>>, vector<16xf32>,
    tpu.vector_store %arg8[%swap3A_439], %broadcast_in_dim3A_3 {strides = array<i32>} : memref<513xf32, #tpu.memory_space<vmem>>, vector<16xf32>,
    %swap3A_441 = arith.constant 432 : index
    %swap3A_442 = tpu.vector_load %arg8[%swap3A_441] {strides = array<i32>} : memref<513xf32, #tpu.memory_space<vmem>>, vector<16xf32>,
    tpu.vector_store %arg8[%swap3A_441], %broadcast_in_dim3A_3 {strides = array<i32>} : memref<513xf32, #tpu.memory_space<vmem>>, vector<16xf32>,
    %swap3A_443 = arith.constant 448 : index
    %swap3A_444 = tpu.vector_load %arg8[%swap3A_443] {strides = array<i32>} : memref<513xf32, #tpu.memory_space<vmem>>, vector<16xf32>,
    tpu.vector_store %arg8[%swap3A_443], %broadcast_in_dim3A_3 {strides = array<i32>} : memref<513xf32, #tpu.memory_space<vmem>>, vector<16xf32>,
    %swap3A_445 = arith.constant 464 : index
    %swap3A_446 = tpu.vector_load %arg8[%swap3A_445] {strides = array<i32>} : memref<513xf32, #tpu.memory_space<vmem>>, vector<16xf32>,
    tpu.vector_store %arg8[%swap3A_445], %broadcast_in_dim3A_3 {strides = array<i32>} : memref<513xf32, #tpu.memory_space<vmem>>, vector<16xf32>,
    %swap3A_447 = arith.constant 480 : index
    %swap3A_448 = tpu.vector_load %arg8[%swap3A_447] {strides = array<i32>} : memref<513xf32, #tpu.memory_space<vmem>>, vector<16xf32>,
    tpu.vector_store %arg8[%swap3A_447], %broadcast_in_dim3A_3 {strides = array<i32>} : memref<513xf32, #tpu.memory_space<vmem>>, vector<16xf32>,
    %swap3A_449 = arith.constant 496 : index
    %swap3A_450 = tpu.vector_load %arg8[%swap3A_449] {strides = array<i32>} : memref<513xf32, #tpu.memory_space<vmem>>, vector<16xf32>,
    tpu.vector_store %arg8[%swap3A_449], %broadcast_in_dim3A_3 {strides = array<i32>} : memref<513xf32, #tpu.memory_space<vmem>>, vector<16xf32>,
    %swap3A_451 = arith.constant 497 : index
    %swap3A_452 = tpu.vector_load %arg8[%swap3A_451] {strides = array<i32>} : memref<513xf32, #tpu.memory_space<vmem>>, vector<16xf32>,
    tpu.vector_store %arg8[%swap3A_451], %broadcast_in_dim3A_3 {strides = array<i32>} : memref<513xf32, #tpu.memory_space<vmem>>, vector<16xf32>,
    %add3A = arith.constant 0 : i32
    %add3A_453 = arith.addi %mul3A_0, %add3A : i32
    %run_scoped3A = arith.constant 0 : i32
    "tpu.region"() ({
      %run_scoped3A_495 = tpu.sem_alloc : memref<!tpu.dma_semaphore, #tpu.memory_space<semaphore_mem>>
      %dma_start3A = arith.constant 0 : i32
      %dma_start3A_496 = tpu.memref_slice %arg4[%arg1, %add3A_453, %run_scoped3A, %dma_start3A] : memref<16x16x513x513xf32, #tpu.memory_space<hbm>> -> memref<1x1x1x513xf32, #tpu.memory_space<hbm>>
      %dma_start3A_497 = tpu.memref_squeeze %dma_start3A_496 : memref<1x1x1x513xf32, #tpu.memory_space<hbm>> -> memref<513xf32, #tpu.memory_space<hbm>>
      %dma_start3A_498 = arith.constant 0 : i32
      %dma_start3A_499 = tpu.memref_slice %arg4[%arg1, %add3A_453, %run_scoped3A, %dma_start3A_498] : memref<16x16x513x513xf32, #tpu.memory_space<hbm>> -> memref<1x1x1x513xf32, #tpu.memory_space<hbm>>
      %dma_start3A_500 = tpu.memref_squeeze %dma_start3A_499 : memref<1x1x1x513xf32, #tpu.memory_space<hbm>> -> memref<513xf32, #tpu.memory_space<hbm>>
      tpu.enqueue_dma source(%arg8 : memref<513xf32, #tpu.memory_space<vmem>>) target(%dma_start3A_500 : memref<513xf32, #tpu.memory_space<hbm>>) target_semaphore(%run_scoped3A_495 : memref<!tpu.dma_semaphore, #tpu.memory_space<semaphore_mem>>)
      %dma_wait3A = arith.constant 0 : i32
      %dma_wait3A_501 = tpu.memref_slice %arg4[%arg1, %add3A_453, %run_scoped3A, %dma_wait3A] : memref<16x16x513x513xf32, #tpu.memory_space<hbm>> -> memref<1x1x1x513xf32, #tpu.memory_space<hbm>>
      %dma_wait3A_502 = tpu.memref_squeeze %dma_wait3A_501 : memref<1x1x1x513xf32, #tpu.memory_space<hbm>> -> memref<513xf32, #tpu.memory_space<hbm>>
      %dma_wait3A_503 = arith.constant 0 : i32
      %dma_wait3A_504 = tpu.memref_slice %arg4[%arg1, %add3A_453, %run_scoped3A, %dma_wait3A_503] : memref<16x16x513x513xf32, #tpu.memory_space<hbm>> -> memref<1x1x1x513xf32, #tpu.memory_space<hbm>>
      %dma_wait3A_505 = tpu.memref_squeeze %dma_wait3A_504 : memref<1x1x1x513xf32, #tpu.memory_space<hbm>> -> memref<513xf32, #tpu.memory_space<hbm>>
      tpu.wait_dma2 semaphore(%run_scoped3A_495 : memref<!tpu.dma_semaphore, #tpu.memory_space<semaphore_mem>>) src(%arg8 : memref<513xf32, #tpu.memory_space<vmem>>) dst(%dma_wait3A_505 : memref<513xf32, #tpu.memory_space<hbm>>)
      tpu.yield
    }) : () -> ()
    %add3A_454 = arith.constant 1 : i32
    %add3A_455 = arith.addi %mul3A_0, %add3A_454 : i32
    %run_scoped3A_456 = arith.constant 0 : i32
    "tpu.region"() ({
      %run_scoped3A_495 = tpu.sem_alloc : memref<!tpu.dma_semaphore, #tpu.memory_space<semaphore_mem>>
      %dma_start3A = arith.constant 0 : i32
      %dma_start3A_496 = tpu.memref_slice %arg4[%arg1, %add3A_455, %run_scoped3A_456, %dma_start3A] : memref<16x16x513x513xf32, #tpu.memory_space<hbm>> -> memref<1x1x1x513xf32, #tpu.memory_space<hbm>>
      %dma_start3A_497 = tpu.memref_squeeze %dma_start3A_496 : memref<1x1x1x513xf32, #tpu.memory_space<hbm>> -> memref<513xf32, #tpu.memory_space<hbm>>
      %dma_start3A_498 = arith.constant 0 : i32
      %dma_start3A_499 = tpu.memref_slice %arg4[%arg1, %add3A_455, %run_scoped3A_456, %dma_start3A_498] : memref<16x16x513x513xf32, #tpu.memory_space<hbm>> -> memref<1x1x1x513xf32, #tpu.memory_space<hbm>>
      %dma_start3A_500 = tpu.memref_squeeze %dma_start3A_499 : memref<1x1x1x513xf32, #tpu.memory_space<hbm>> -> memref<513xf32, #tpu.memory_space<hbm>>
      tpu.enqueue_dma source(%arg8 : memref<513xf32, #tpu.memory_space<vmem>>) target(%dma_start3A_500 : memref<513xf32, #tpu.memory_space<hbm>>) target_semaphore(%run_scoped3A_495 : memref<!tpu.dma_semaphore, #tpu.memory_space<semaphore_mem>>)
      %dma_wait3A = arith.constant 0 : i32
      %dma_wait3A_501 = tpu.memref_slice %arg4[%arg1, %add3A_455, %run_scoped3A_456, %dma_wait3A] : memref<16x16x513x513xf32, #tpu.memory_space<hbm>> -> memref<1x1x1x513xf32, #tpu.memory_space<hbm>>
      %dma_wait3A_502 = tpu.memref_squeeze %dma_wait3A_501 : memref<1x1x1x513xf32, #tpu.memory_space<hbm>> -> memref<513xf32, #tpu.memory_space<hbm>>
      %dma_wait3A_503 = arith.constant 0 : i32
      %dma_wait3A_504 = tpu.memref_slice %arg4[%arg1, %add3A_455, %run_scoped3A_456, %dma_wait3A_503] : memref<16x16x513x513xf32, #tpu.memory_space<hbm>> -> memref<1x1x1x513xf32, #tpu.memory_space<hbm>>
      %dma_wait3A_505 = tpu.memref_squeeze %dma_wait3A_504 : memref<1x1x1x513xf32, #tpu.memory_space<hbm>> -> memref<513xf32, #tpu.memory_space<hbm>>
      tpu.wait_dma2 semaphore(%run_scoped3A_495 : memref<!tpu.dma_semaphore, #tpu.memory_space<semaphore_mem>>) src(%arg8 : memref<513xf32, #tpu.memory_space<vmem>>) dst(%dma_wait3A_505 : memref<513xf32, #tpu.memory_space<hbm>>)
      tpu.yield
    }) : () -> ()
    %add3A_457 = arith.constant 2 : i32
    %add3A_458 = arith.addi %mul3A_0, %add3A_457 : i32
    %run_scoped3A_459 = arith.constant 0 : i32
    "tpu.region"() ({
      %run_scoped3A_495 = tpu.sem_alloc : memref<!tpu.dma_semaphore, #tpu.memory_space<semaphore_mem>>
      %dma_start3A = arith.constant 0 : i32
      %dma_start3A_496 = tpu.memref_slice %arg4[%arg1, %add3A_458, %run_scoped3A_459, %dma_start3A] : memref<16x16x513x513xf32, #tpu.memory_space<hbm>> -> memref<1x1x1x513xf32, #tpu.memory_space<hbm>>
      %dma_start3A_497 = tpu.memref_squeeze %dma_start3A_496 : memref<1x1x1x513xf32, #tpu.memory_space<hbm>> -> memref<513xf32, #tpu.memory_space<hbm>>
      %dma_start3A_498 = arith.constant 0 : i32
      %dma_start3A_499 = tpu.memref_slice %arg4[%arg1, %add3A_458, %run_scoped3A_459, %dma_start3A_498] : memref<16x16x513x513xf32, #tpu.memory_space<hbm>> -> memref<1x1x1x513xf32, #tpu.memory_space<hbm>>
      %dma_start3A_500 = tpu.memref_squeeze %dma_start3A_499 : memref<1x1x1x513xf32, #tpu.memory_space<hbm>> -> memref<513xf32, #tpu.memory_space<hbm>>
      tpu.enqueue_dma source(%arg8 : memref<513xf32, #tpu.memory_space<vmem>>) target(%dma_start3A_500 : memref<513xf32, #tpu.memory_space<hbm>>) target_semaphore(%run_scoped3A_495 : memref<!tpu.dma_semaphore, #tpu.memory_space<semaphore_mem>>)
      %dma_wait3A = arith.constant 0 : i32
      %dma_wait3A_501 = tpu.memref_slice %arg4[%arg1, %add3A_458, %run_scoped3A_459, %dma_wait3A] : memref<16x16x513x513xf32, #tpu.memory_space<hbm>> -> memref<1x1x1x513xf32, #tpu.memory_space<hbm>>
      %dma_wait3A_502 = tpu.memref_squeeze %dma_wait3A_501 : memref<1x1x1x513xf32, #tpu.memory_space<hbm>> -> memref<513xf32, #tpu.memory_space<hbm>>
      %dma_wait3A_503 = arith.constant 0 : i32
      %dma_wait3A_504 = tpu.memref_slice %arg4[%arg1, %add3A_458, %run_scoped3A_459, %dma_wait3A_503] : memref<16x16x513x513xf32, #tpu.memory_space<hbm>> -> memref<1x1x1x513xf32, #tpu.memory_space<hbm>>
      %dma_wait3A_505 = tpu.memref_squeeze %dma_wait3A_504 : memref<1x1x1x513xf32, #tpu.memory_space<hbm>> -> memref<513xf32, #tpu.memory_space<hbm>>
      tpu.wait_dma2 semaphore(%run_scoped3A_495 : memref<!tpu.dma_semaphore, #tpu.memory_space<semaphore_mem>>) src(%arg8 : memref<513xf32, #tpu.memory_space<vmem>>) dst(%dma_wait3A_505 : memref<513xf32, #tpu.memory_space<hbm>>)
      tpu.yield
    }) : () -> ()
    %add3A_460 = arith.constant 3 : i32
    %add3A_461 = arith.addi %mul3A_0, %add3A_460 : i32
    %run_scoped3A_462 = arith.constant 0 : i32
    "tpu.region"() ({
      %run_scoped3A_495 = tpu.sem_alloc : memref<!tpu.dma_semaphore, #tpu.memory_space<semaphore_mem>>
      %dma_start3A = arith.constant 0 : i32
      %dma_start3A_496 = tpu.memref_slice %arg4[%arg1, %add3A_461, %run_scoped3A_462, %dma_start3A] : memref<16x16x513x513xf32, #tpu.memory_space<hbm>> -> memref<1x1x1x513xf32, #tpu.memory_space<hbm>>
      %dma_start3A_497 = tpu.memref_squeeze %dma_start3A_496 : memref<1x1x1x513xf32, #tpu.memory_space<hbm>> -> memref<513xf32, #tpu.memory_space<hbm>>
      %dma_start3A_498 = arith.constant 0 : i32
      %dma_start3A_499 = tpu.memref_slice %arg4[%arg1, %add3A_461, %run_scoped3A_462, %dma_start3A_498] : memref<16x16x513x513xf32, #tpu.memory_space<hbm>> -> memref<1x1x1x513xf32, #tpu.memory_space<hbm>>
      %dma_start3A_500 = tpu.memref_squeeze %dma_start3A_499 : memref<1x1x1x513xf32, #tpu.memory_space<hbm>> -> memref<513xf32, #tpu.memory_space<hbm>>
      tpu.enqueue_dma source(%arg8 : memref<513xf32, #tpu.memory_space<vmem>>) target(%dma_start3A_500 : memref<513xf32, #tpu.memory_space<hbm>>) target_semaphore(%run_scoped3A_495 : memref<!tpu.dma_semaphore, #tpu.memory_space<semaphore_mem>>)
      %dma_wait3A = arith.constant 0 : i32
      %dma_wait3A_501 = tpu.memref_slice %arg4[%arg1, %add3A_461, %run_scoped3A_462, %dma_wait3A] : memref<16x16x513x513xf32, #tpu.memory_space<hbm>> -> memref<1x1x1x513xf32, #tpu.memory_space<hbm>>
      %dma_wait3A_502 = tpu.memref_squeeze %dma_wait3A_501 : memref<1x1x1x513xf32, #tpu.memory_space<hbm>> -> memref<513xf32, #tpu.memory_space<hbm>>
      %dma_wait3A_503 = arith.constant 0 : i32
      %dma_wait3A_504 = tpu.memref_slice %arg4[%arg1, %add3A_461, %run_scoped3A_462, %dma_wait3A_503] : memref<16x16x513x513xf32, #tpu.memory_space<hbm>> -> memref<1x1x1x513xf32, #tpu.memory_space<hbm>>
      %dma_wait3A_505 = tpu.memref_squeeze %dma_wait3A_504 : memref<1x1x1x513xf32, #tpu.memory_space<hbm>> -> memref<513xf32, #tpu.memory_space<hbm>>
      tpu.wait_dma2 semaphore(%run_scoped3A_495 : memref<!tpu.dma_semaphore, #tpu.memory_space<semaphore_mem>>) src(%arg8 : memref<513xf32, #tpu.memory_space<vmem>>) dst(%dma_wait3A_505 : memref<513xf32, #tpu.memory_space<hbm>>)
      tpu.yield
    }) : () -> ()
    %add3A_463 = arith.constant 4 : i32
    %add3A_464 = arith.addi %mul3A_0, %add3A_463 : i32
    %run_scoped3A_465 = arith.constant 0 : i32
    "tpu.region"() ({
      %run_scoped3A_495 = tpu.sem_alloc : memref<!tpu.dma_semaphore, #tpu.memory_space<semaphore_mem>>
      %dma_start3A = arith.constant 0 : i32
      %dma_start3A_496 = tpu.memref_slice %arg4[%arg1, %add3A_464, %run_scoped3A_465, %dma_start3A] : memref<16x16x513x513xf32, #tpu.memory_space<hbm>> -> memref<1x1x1x513xf32, #tpu.memory_space<hbm>>
      %dma_start3A_497 = tpu.memref_squeeze %dma_start3A_496 : memref<1x1x1x513xf32, #tpu.memory_space<hbm>> -> memref<513xf32, #tpu.memory_space<hbm>>
      %dma_start3A_498 = arith.constant 0 : i32
      %dma_start3A_499 = tpu.memref_slice %arg4[%arg1, %add3A_464, %run_scoped3A_465, %dma_start3A_498] : memref<16x16x513x513xf32, #tpu.memory_space<hbm>> -> memref<1x1x1x513xf32, #tpu.memory_space<hbm>>
      %dma_start3A_500 = tpu.memref_squeeze %dma_start3A_499 : memref<1x1x1x513xf32, #tpu.memory_space<hbm>> -> memref<513xf32, #tpu.memory_space<hbm>>
      tpu.enqueue_dma source(%arg8 : memref<513xf32, #tpu.memory_space<vmem>>) target(%dma_start3A_500 : memref<513xf32, #tpu.memory_space<hbm>>) target_semaphore(%run_scoped3A_495 : memref<!tpu.dma_semaphore, #tpu.memory_space<semaphore_mem>>)
      %dma_wait3A = arith.constant 0 : i32
      %dma_wait3A_501 = tpu.memref_slice %arg4[%arg1, %add3A_464, %run_scoped3A_465, %dma_wait3A] : memref<16x16x513x513xf32, #tpu.memory_space<hbm>> -> memref<1x1x1x513xf32, #tpu.memory_space<hbm>>
      %dma_wait3A_502 = tpu.memref_squeeze %dma_wait3A_501 : memref<1x1x1x513xf32, #tpu.memory_space<hbm>> -> memref<513xf32, #tpu.memory_space<hbm>>
      %dma_wait3A_503 = arith.constant 0 : i32
      %dma_wait3A_504 = tpu.memref_slice %arg4[%arg1, %add3A_464, %run_scoped3A_465, %dma_wait3A_503] : memref<16x16x513x513xf32, #tpu.memory_space<hbm>> -> memref<1x1x1x513xf32, #tpu.memory_space<hbm>>
      %dma_wait3A_505 = tpu.memref_squeeze %dma_wait3A_504 : memref<1x1x1x513xf32, #tpu.memory_space<hbm>> -> memref<513xf32, #tpu.memory_space<hbm>>
      tpu.wait_dma2 semaphore(%run_scoped3A_495 : memref<!tpu.dma_semaphore, #tpu.memory_space<semaphore_mem>>) src(%arg8 : memref<513xf32, #tpu.memory_space<vmem>>) dst(%dma_wait3A_505 : memref<513xf32, #tpu.memory_space<hbm>>)
      tpu.yield
    }) : () -> ()
    %add3A_466 = arith.constant 5 : i32
    %add3A_467 = arith.addi %mul3A_0, %add3A_466 : i32
    %run_scoped3A_468 = arith.constant 0 : i32
    "tpu.region"() ({
      %run_scoped3A_495 = tpu.sem_alloc : memref<!tpu.dma_semaphore, #tpu.memory_space<semaphore_mem>>
      %dma_start3A = arith.constant 0 : i32
      %dma_start3A_496 = tpu.memref_slice %arg4[%arg1, %add3A_467, %run_scoped3A_468, %dma_start3A] : memref<16x16x513x513xf32, #tpu.memory_space<hbm>> -> memref<1x1x1x513xf32, #tpu.memory_space<hbm>>
      %dma_start3A_497 = tpu.memref_squeeze %dma_start3A_496 : memref<1x1x1x513xf32, #tpu.memory_space<hbm>> -> memref<513xf32, #tpu.memory_space<hbm>>
      %dma_start3A_498 = arith.constant 0 : i32
      %dma_start3A_499 = tpu.memref_slice %arg4[%arg1, %add3A_467, %run_scoped3A_468, %dma_start3A_498] : memref<16x16x513x513xf32, #tpu.memory_space<hbm>> -> memref<1x1x1x513xf32, #tpu.memory_space<hbm>>
      %dma_start3A_500 = tpu.memref_squeeze %dma_start3A_499 : memref<1x1x1x513xf32, #tpu.memory_space<hbm>> -> memref<513xf32, #tpu.memory_space<hbm>>
      tpu.enqueue_dma source(%arg8 : memref<513xf32, #tpu.memory_space<vmem>>) target(%dma_start3A_500 : memref<513xf32, #tpu.memory_space<hbm>>) target_semaphore(%run_scoped3A_495 : memref<!tpu.dma_semaphore, #tpu.memory_space<semaphore_mem>>)
      %dma_wait3A = arith.constant 0 : i32
      %dma_wait3A_501 = tpu.memref_slice %arg4[%arg1, %add3A_467, %run_scoped3A_468, %dma_wait3A] : memref<16x16x513x513xf32, #tpu.memory_space<hbm>> -> memref<1x1x1x513xf32, #tpu.memory_space<hbm>>
      %dma_wait3A_502 = tpu.memref_squeeze %dma_wait3A_501 : memref<1x1x1x513xf32, #tpu.memory_space<hbm>> -> memref<513xf32, #tpu.memory_space<hbm>>
      %dma_wait3A_503 = arith.constant 0 : i32
      %dma_wait3A_504 = tpu.memref_slice %arg4[%arg1, %add3A_467, %run_scoped3A_468, %dma_wait3A_503] : memref<16x16x513x513xf32, #tpu.memory_space<hbm>> -> memref<1x1x1x513xf32, #tpu.memory_space<hbm>>
      %dma_wait3A_505 = tpu.memref_squeeze %dma_wait3A_504 : memref<1x1x1x513xf32, #tpu.memory_space<hbm>> -> memref<513xf32, #tpu.memory_space<hbm>>
      tpu.wait_dma2 semaphore(%run_scoped3A_495 : memref<!tpu.dma_semaphore, #tpu.memory_space<semaphore_mem>>) src(%arg8 : memref<513xf32, #tpu.memory_space<vmem>>) dst(%dma_wait3A_505 : memref<513xf32, #tpu.memory_space<hbm>>)
      tpu.yield
    }) : () -> ()
    %add3A_469 = arith.constant 6 : i32
    %add3A_470 = arith.addi %mul3A_0, %add3A_469 : i32
    %run_scoped3A_471 = arith.constant 0 : i32
    "tpu.region"() ({
      %run_scoped3A_495 = tpu.sem_alloc : memref<!tpu.dma_semaphore, #tpu.memory_space<semaphore_mem>>
      %dma_start3A = arith.constant 0 : i32
      %dma_start3A_496 = tpu.memref_slice %arg4[%arg1, %add3A_470, %run_scoped3A_471, %dma_start3A] : memref<16x16x513x513xf32, #tpu.memory_space<hbm>> -> memref<1x1x1x513xf32, #tpu.memory_space<hbm>>
      %dma_start3A_497 = tpu.memref_squeeze %dma_start3A_496 : memref<1x1x1x513xf32, #tpu.memory_space<hbm>> -> memref<513xf32, #tpu.memory_space<hbm>>
      %dma_start3A_498 = arith.constant 0 : i32
      %dma_start3A_499 = tpu.memref_slice %arg4[%arg1, %add3A_470, %run_scoped3A_471, %dma_start3A_498] : memref<16x16x513x513xf32, #tpu.memory_space<hbm>> -> memref<1x1x1x513xf32, #tpu.memory_space<hbm>>
      %dma_start3A_500 = tpu.memref_squeeze %dma_start3A_499 : memref<1x1x1x513xf32, #tpu.memory_space<hbm>> -> memref<513xf32, #tpu.memory_space<hbm>>
      tpu.enqueue_dma source(%arg8 : memref<513xf32, #tpu.memory_space<vmem>>) target(%dma_start3A_500 : memref<513xf32, #tpu.memory_space<hbm>>) target_semaphore(%run_scoped3A_495 : memref<!tpu.dma_semaphore, #tpu.memory_space<semaphore_mem>>)
      %dma_wait3A = arith.constant 0 : i32
      %dma_wait3A_501 = tpu.memref_slice %arg4[%arg1, %add3A_470, %run_scoped3A_471, %dma_wait3A] : memref<16x16x513x513xf32, #tpu.memory_space<hbm>> -> memref<1x1x1x513xf32, #tpu.memory_space<hbm>>
      %dma_wait3A_502 = tpu.memref_squeeze %dma_wait3A_501 : memref<1x1x1x513xf32, #tpu.memory_space<hbm>> -> memref<513xf32, #tpu.memory_space<hbm>>
      %dma_wait3A_503 = arith.constant 0 : i32
      %dma_wait3A_504 = tpu.memref_slice %arg4[%arg1, %add3A_470, %run_scoped3A_471, %dma_wait3A_503] : memref<16x16x513x513xf32, #tpu.memory_space<hbm>> -> memref<1x1x1x513xf32, #tpu.memory_space<hbm>>
      %dma_wait3A_505 = tpu.memref_squeeze %dma_wait3A_504 : memref<1x1x1x513xf32, #tpu.memory_space<hbm>> -> memref<513xf32, #tpu.memory_space<hbm>>
      tpu.wait_dma2 semaphore(%run_scoped3A_495 : memref<!tpu.dma_semaphore, #tpu.memory_space<semaphore_mem>>) src(%arg8 : memref<513xf32, #tpu.memory_space<vmem>>) dst(%dma_wait3A_505 : memref<513xf32, #tpu.memory_space<hbm>>)
      tpu.yield
    }) : () -> ()
    %add3A_472 = arith.constant 7 : i32
    %add3A_473 = arith.addi %mul3A_0, %add3A_472 : i32
    %run_scoped3A_474 = arith.constant 0 : i32
    "tpu.region"() ({
      %run_scoped3A_495 = tpu.sem_alloc : memref<!tpu.dma_semaphore, #tpu.memory_space<semaphore_mem>>
      %dma_start3A = arith.constant 0 : i32
      %dma_start3A_496 = tpu.memref_slice %arg4[%arg1, %add3A_473, %run_scoped3A_474, %dma_start3A] : memref<16x16x513x513xf32, #tpu.memory_space<hbm>> -> memref<1x1x1x513xf32, #tpu.memory_space<hbm>>
      %dma_start3A_497 = tpu.memref_squeeze %dma_start3A_496 : memref<1x1x1x513xf32, #tpu.memory_space<hbm>> -> memref<513xf32, #tpu.memory_space<hbm>>
      %dma_start3A_498 = arith.constant 0 : i32
      %dma_start3A_499 = tpu.memref_slice %arg4[%arg1, %add3A_473, %run_scoped3A_474, %dma_start3A_498] : memref<16x16x513x513xf32, #tpu.memory_space<hbm>> -> memref<1x1x1x513xf32, #tpu.memory_space<hbm>>
      %dma_start3A_500 = tpu.memref_squeeze %dma_start3A_499 : memref<1x1x1x513xf32, #tpu.memory_space<hbm>> -> memref<513xf32, #tpu.memory_space<hbm>>
      tpu.enqueue_dma source(%arg8 : memref<513xf32, #tpu.memory_space<vmem>>) target(%dma_start3A_500 : memref<513xf32, #tpu.memory_space<hbm>>) target_semaphore(%run_scoped3A_495 : memref<!tpu.dma_semaphore, #tpu.memory_space<semaphore_mem>>)
      %dma_wait3A = arith.constant 0 : i32
      %dma_wait3A_501 = tpu.memref_slice %arg4[%arg1, %add3A_473, %run_scoped3A_474, %dma_wait3A] : memref<16x16x513x513xf32, #tpu.memory_space<hbm>> -> memref<1x1x1x513xf32, #tpu.memory_space<hbm>>
      %dma_wait3A_502 = tpu.memref_squeeze %dma_wait3A_501 : memref<1x1x1x513xf32, #tpu.memory_space<hbm>> -> memref<513xf32, #tpu.memory_space<hbm>>
      %dma_wait3A_503 = arith.constant 0 : i32
      %dma_wait3A_504 = tpu.memref_slice %arg4[%arg1, %add3A_473, %run_scoped3A_474, %dma_wait3A_503] : memref<16x16x513x513xf32, #tpu.memory_space<hbm>> -> memref<1x1x1x513xf32, #tpu.memory_space<hbm>>
      %dma_wait3A_505 = tpu.memref_squeeze %dma_wait3A_504 : memref<1x1x1x513xf32, #tpu.memory_space<hbm>> -> memref<513xf32, #tpu.memory_space<hbm>>
      tpu.wait_dma2 semaphore(%run_scoped3A_495 : memref<!tpu.dma_semaphore, #tpu.memory_space<semaphore_mem>>) src(%arg8 : memref<513xf32, #tpu.memory_space<vmem>>) dst(%dma_wait3A_505 : memref<513xf32, #tpu.memory_space<hbm>>)
      tpu.yield
    }) : () -> ()
    %broadcast_in_dim3A_475 = arith.constant 0 : i32
    %broadcast_in_dim3A_476 = vector.broadcast %broadcast_in_dim3A_475 : i32 to vector<16xi32>
    %broadcast_in_dim3A_477 = arith.constant 256 : i32
    %broadcast_in_dim3A_478 = vector.broadcast %broadcast_in_dim3A_477 : i32 to vector<16xi32>
    %broadcast_in_dim3A_479 = arith.constant 512 : i32
    %broadcast_in_dim3A_480 = vector.broadcast %broadcast_in_dim3A_479 : i32 to vector<16xi32>
    %broadcast_in_dim3A_481 = arith.constant 768 : i32
    %broadcast_in_dim3A_482 = vector.broadcast %broadcast_in_dim3A_481 : i32 to vector<16xi32>
    %broadcast_in_dim3A_483 = arith.constant 1024 : i32
    %broadcast_in_dim3A_484 = vector.broadcast %broadcast_in_dim3A_483 : i32 to vector<16xi32>
    %broadcast_in_dim3A_485 = arith.constant 1280 : i32
    %broadcast_in_dim3A_486 = vector.broadcast %broadcast_in_dim3A_485 : i32 to vector<16xi32>
    %broadcast_in_dim3A_487 = arith.constant 1536 : i32
    %broadcast_in_dim3A_488 = vector.broadcast %broadcast_in_dim3A_487 : i32 to vector<16xi32>
    %broadcast_in_dim3A_489 = arith.constant 1792 : i32
    %broadcast_in_dim3A_490 = vector.broadcast %broadcast_in_dim3A_489 : i32 to vector<16xi32>
    %scan3A = arith.constant 0 : i32
    %scan3A_491 = arith.constant 64 : i32
    %scan3A_492 = arith.addi %scan3A, %scan3A_491 : i32
    %scan3A_493 = arith.constant 1 : i32
    scf.for %scan3A_495 = %scan3A to %scan3A_492 step %scan3A_493  : i32 {
      %mul3A_496 = arith.constant 1 : i32
      %mul3A_497 = arith.muli %scan3A_495, %mul3A_496 : i32
      %add3A_498 = arith.constant 0 : i32
      %add3A_499 = arith.addi %add3A_498, %mul3A_497 : i32
      %mul3A_500 = arith.constant 8 : i32
      %mul3A_501 = arith.muli %add3A_499, %mul3A_500 : i32
      "tpu.region"() ({
        %run_scoped3A_563 = tpu.sem_alloc : memref<!tpu.dma_semaphore, #tpu.memory_space<semaphore_mem>>
        %dma_start3A = arith.constant 0 : i32
        %dma_start3A_564 = tpu.memref_slice %arg2[%arg1, %mul3A_501, %dma_start3A] : memref<16x512x512xi32, #tpu.memory_space<hbm>> -> memref<1x8x512xi32, #tpu.memory_space<hbm>>
        %dma_start3A_565 = tpu.memref_squeeze %dma_start3A_564 : memref<1x8x512xi32, #tpu.memory_space<hbm>> -> memref<8x512xi32, #tpu.memory_space<hbm>>
        %dma_start3A_566 = arith.constant 0 : i32
        %dma_start3A_567 = tpu.memref_slice %arg2[%arg1, %mul3A_501, %dma_start3A_566] : memref<16x512x512xi32, #tpu.memory_space<hbm>> -> memref<1x8x512xi32, #tpu.memory_space<hbm>>
        %dma_start3A_568 = tpu.memref_squeeze %dma_start3A_567 : memref<1x8x512xi32, #tpu.memory_space<hbm>> -> memref<8x512xi32, #tpu.memory_space<hbm>>
        tpu.enqueue_dma source(%dma_start3A_568 : memref<8x512xi32, #tpu.memory_space<hbm>>) target(%arg6 : memref<8x512xi32, #tpu.memory_space<vmem>>) target_semaphore(%run_scoped3A_563 : memref<!tpu.dma_semaphore, #tpu.memory_space<semaphore_mem>>)
        %dma_wait3A = arith.constant 0 : i32
        %dma_wait3A_569 = tpu.memref_slice %arg2[%arg1, %mul3A_501, %dma_wait3A] : memref<16x512x512xi32, #tpu.memory_space<hbm>> -> memref<1x8x512xi32, #tpu.memory_space<hbm>>
        %dma_wait3A_570 = tpu.memref_squeeze %dma_wait3A_569 : memref<1x8x512xi32, #tpu.memory_space<hbm>> -> memref<8x512xi32, #tpu.memory_space<hbm>>
        %dma_wait3A_571 = arith.constant 0 : i32
        %dma_wait3A_572 = tpu.memref_slice %arg2[%arg1, %mul3A_501, %dma_wait3A_571] : memref<16x512x512xi32, #tpu.memory_space<hbm>> -> memref<1x8x512xi32, #tpu.memory_space<hbm>>
        %dma_wait3A_573 = tpu.memref_squeeze %dma_wait3A_572 : memref<1x8x512xi32, #tpu.memory_space<hbm>> -> memref<8x512xi32, #tpu.memory_space<hbm>>
        tpu.wait_dma2 semaphore(%run_scoped3A_563 : memref<!tpu.dma_semaphore, #tpu.memory_space<semaphore_mem>>) src(%dma_wait3A_573 : memref<8x512xi32, #tpu.memory_space<hbm>>) dst(%arg6 : memref<8x512xi32, #tpu.memory_space<vmem>>)
        tpu.yield
      }) : () -> ()
      %scan3A_502 = arith.constant 0 : i32
      %scan3A_503 = arith.constant 8 : i32
      %scan3A_504 = arith.addi %scan3A_502, %scan3A_503 : i32
      %scan3A_505 = arith.constant 1 : i32
      scf.for %scan3A_563 = %scan3A_502 to %scan3A_504 step %scan3A_505  : i32 {
        %mul3A_564 = arith.constant 1 : i32
        %mul3A_565 = arith.muli %scan3A_563, %mul3A_564 : i32
        %add3A_566 = arith.constant 0 : i32
        %add3A_567 = arith.addi %add3A_566, %mul3A_565 : i32
        %get3A = arith.index_cast %add3A_567 : i32 to index
        %get3A_568 = arith.constant 0 : index
        %get3A_569 = tpu.vector_load %arg6[%get3A, %get3A_568] {strides = array<i32>} : memref<8x512xi32, #tpu.memory_space<vmem>>, vector<16xi32>,
        %add3A_570 = arith.addi %broadcast_in_dim3A_476, %get3A_569 : vector<16xi32>
        %gather3A = tpu.vector_load_idx %arg5[%add3A_570] : memref<2048xf32, #tpu.memory_space<vmem>>[vector<16xi32>], vector<16xf32>,
        %swap3A_571 = arith.constant 0 : i32
        %swap3A_572 = arith.index_cast %swap3A_571 : i32 to index
        %swap3A_573 = arith.index_cast %add3A_567 : i32 to index
        %swap3A_574 = arith.constant 1 : index
        %swap3A_575 = tpu.vector_load %arg7[%swap3A_572, %swap3A_573, %swap3A_574] {strides = array<i32>} : memref<8x8x513xf32, #tpu.memory_space<vmem>>, vector<16xf32>,
        tpu.vector_store %arg7[%swap3A_572, %swap3A_573, %swap3A_574], %gather3A {strides = array<i32>} : memref<8x8x513xf32, #tpu.memory_space<vmem>>, vector<16xf32>,
        %add3A_576 = arith.addi %broadcast_in_dim3A_478, %get3A_569 : vector<16xi32>
        %gather3A_577 = tpu.vector_load_idx %arg5[%add3A_576] : memref<2048xf32, #tpu.memory_space<vmem>>[vector<16xi32>], vector<16xf32>,
        %swap3A_578 = arith.constant 1 : i32
        %swap3A_579 = arith.index_cast %swap3A_578 : i32 to index
        %swap3A_580 = arith.index_cast %add3A_567 : i32 to index
        %swap3A_581 = arith.constant 1 : index
        %swap3A_582 = tpu.vector_load %arg7[%swap3A_579, %swap3A_580, %swap3A_581] {strides = array<i32>} : memref<8x8x513xf32, #tpu.memory_space<vmem>>, vector<16xf32>,
        tpu.vector_store %arg7[%swap3A_579, %swap3A_580, %swap3A_581], %gather3A_577 {strides = array<i32>} : memref<8x8x513xf32, #tpu.memory_space<vmem>>, vector<16xf32>,
        %add3A_583 = arith.addi %broadcast_in_dim3A_480, %get3A_569 : vector<16xi32>
        %gather3A_584 = tpu.vector_load_idx %arg5[%add3A_583] : memref<2048xf32, #tpu.memory_space<vmem>>[vector<16xi32>], vector<16xf32>,
        %swap3A_585 = arith.constant 2 : i32
        %swap3A_586 = arith.index_cast %swap3A_585 : i32 to index
        %swap3A_587 = arith.index_cast %add3A_567 : i32 to index
        %swap3A_588 = arith.constant 1 : index
        %swap3A_589 = tpu.vector_load %arg7[%swap3A_586, %swap3A_587, %swap3A_588] {strides = array<i32>} : memref<8x8x513xf32, #tpu.memory_space<vmem>>, vector<16xf32>,
        tpu.vector_store %arg7[%swap3A_586, %swap3A_587, %swap3A_588], %gather3A_584 {strides = array<i32>} : memref<8x8x513xf32, #tpu.memory_space<vmem>>, vector<16xf32>,
        %add3A_590 = arith.addi %broadcast_in_dim3A_482, %get3A_569 : vector<16xi32>
        %gather3A_591 = tpu.vector_load_idx %arg5[%add3A_590] : memref<2048xf32, #tpu.memory_space<vmem>>[vector<16xi32>], vector<16xf32>,
        %swap3A_592 = arith.constant 3 : i32
        %swap3A_593 = arith.index_cast %swap3A_592 : i32 to index
        %swap3A_594 = arith.index_cast %add3A_567 : i32 to index
        %swap3A_595 = arith.constant 1 : index
        %swap3A_596 = tpu.vector_load %arg7[%swap3A_593, %swap3A_594, %swap3A_595] {strides = array<i32>} : memref<8x8x513xf32, #tpu.memory_space<vmem>>, vector<16xf32>,
        tpu.vector_store %arg7[%swap3A_593, %swap3A_594, %swap3A_595], %gather3A_591 {strides = array<i32>} : memref<8x8x513xf32, #tpu.memory_space<vmem>>, vector<16xf32>,
        %add3A_597 = arith.addi %broadcast_in_dim3A_484, %get3A_569 : vector<16xi32>
        %gather3A_598 = tpu.vector_load_idx %arg5[%add3A_597] : memref<2048xf32, #tpu.memory_space<vmem>>[vector<16xi32>], vector<16xf32>,
        %swap3A_599 = arith.constant 4 : i32
        %swap3A_600 = arith.index_cast %swap3A_599 : i32 to index
        %swap3A_601 = arith.index_cast %add3A_567 : i32 to index
        %swap3A_602 = arith.constant 1 : index
        %swap3A_603 = tpu.vector_load %arg7[%swap3A_600, %swap3A_601, %swap3A_602] {strides = array<i32>} : memref<8x8x513xf32, #tpu.memory_space<vmem>>, vector<16xf32>,
        tpu.vector_store %arg7[%swap3A_600, %swap3A_601, %swap3A_602], %gather3A_598 {strides = array<i32>} : memref<8x8x513xf32, #tpu.memory_space<vmem>>, vector<16xf32>,
        %add3A_604 = arith.addi %broadcast_in_dim3A_486, %get3A_569 : vector<16xi32>
        %gather3A_605 = tpu.vector_load_idx %arg5[%add3A_604] : memref<2048xf32, #tpu.memory_space<vmem>>[vector<16xi32>], vector<16xf32>,
        %swap3A_606 = arith.constant 5 : i32
        %swap3A_607 = arith.index_cast %swap3A_606 : i32 to index
        %swap3A_608 = arith.index_cast %add3A_567 : i32 to index
        %swap3A_609 = arith.constant 1 : index
        %swap3A_610 = tpu.vector_load %arg7[%swap3A_607, %swap3A_608, %swap3A_609] {strides = array<i32>} : memref<8x8x513xf32, #tpu.memory_space<vmem>>, vector<16xf32>,
        tpu.vector_store %arg7[%swap3A_607, %swap3A_608, %swap3A_609], %gather3A_605 {strides = array<i32>} : memref<8x8x513xf32, #tpu.memory_space<vmem>>, vector<16xf32>,
        %add3A_611 = arith.addi %broadcast_in_dim3A_488, %get3A_569 : vector<16xi32>
        %gather3A_612 = tpu.vector_load_idx %arg5[%add3A_611] : memref<2048xf32, #tpu.memory_space<vmem>>[vector<16xi32>], vector<16xf32>,
        %swap3A_613 = arith.constant 6 : i32
        %swap3A_614 = arith.index_cast %swap3A_613 : i32 to index
        %swap3A_615 = arith.index_cast %add3A_567 : i32 to index
        %swap3A_616 = arith.constant 1 : index
        %swap3A_617 = tpu.vector_load %arg7[%swap3A_614, %swap3A_615, %swap3A_616] {strides = array<i32>} : memref<8x8x513xf32, #tpu.memory_space<vmem>>, vector<16xf32>,
        tpu.vector_store %arg7[%swap3A_614, %swap3A_615, %swap3A_616], %gather3A_612 {strides = array<i32>} : memref<8x8x513xf32, #tpu.memory_space<vmem>>, vector<16xf32>,
        %add3A_618 = arith.addi %broadcast_in_dim3A_490, %get3A_569 : vector<16xi32>
        %gather3A_619 = tpu.vector_load_idx %arg5[%add3A_618] : memref<2048xf32, #tpu.memory_space<vmem>>[vector<16xi32>], vector<16xf32>,
        %swap3A_620 = arith.constant 7 : i32
        %swap3A_621 = arith.index_cast %swap3A_620 : i32 to index
        %swap3A_622 = arith.index_cast %add3A_567 : i32 to index
        %swap3A_623 = arith.constant 1 : index
        %swap3A_624 = tpu.vector_load %arg7[%swap3A_621, %swap3A_622, %swap3A_623] {strides = array<i32>} : memref<8x8x513xf32, #tpu.memory_space<vmem>>, vector<16xf32>,
        tpu.vector_store %arg7[%swap3A_621, %swap3A_622, %swap3A_623], %gather3A_619 {strides = array<i32>} : memref<8x8x513xf32, #tpu.memory_space<vmem>>, vector<16xf32>,
        %get3A_625 = arith.index_cast %add3A_567 : i32 to index
        %get3A_626 = arith.constant 16 : index
        %get3A_627 = tpu.vector_load %arg6[%get3A_625, %get3A_626] {strides = array<i32>} : memref<8x512xi32, #tpu.memory_space<vmem>>, vector<16xi32>,
        %add3A_628 = arith.addi %broadcast_in_dim3A_476, %get3A_627 : vector<16xi32>
        %gather3A_629 = tpu.vector_load_idx %arg5[%add3A_628] : memref<2048xf32, #tpu.memory_space<vmem>>[vector<16xi32>], vector<16xf32>,
        %swap3A_630 = arith.constant 0 : i32
        %swap3A_631 = arith.index_cast %swap3A_630 : i32 to index
        %swap3A_632 = arith.index_cast %add3A_567 : i32 to index
        %swap3A_633 = arith.constant 17 : index
        %swap3A_634 = tpu.vector_load %arg7[%swap3A_631, %swap3A_632, %swap3A_633] {strides = array<i32>} : memref<8x8x513xf32, #tpu.memory_space<vmem>>, vector<16xf32>,
        tpu.vector_store %arg7[%swap3A_631, %swap3A_632, %swap3A_633], %gather3A_629 {strides = array<i32>} : memref<8x8x513xf32, #tpu.memory_space<vmem>>, vector<16xf32>,
        %add3A_635 = arith.addi %broadcast_in_dim3A_478, %get3A_627 : vector<16xi32>
        %gather3A_636 = tpu.vector_load_idx %arg5[%add3A_635] : memref<2048xf32, #tpu.memory_space<vmem>>[vector<16xi32>], vector<16xf32>,
        %swap3A_637 = arith.constant 1 : i32
        %swap3A_638 = arith.index_cast %swap3A_637 : i32 to index
        %swap3A_639 = arith.index_cast %add3A_567 : i32 to index
        %swap3A_640 = arith.constant 17 : index
        %swap3A_641 = tpu.vector_load %arg7[%swap3A_638, %swap3A_639, %swap3A_640] {strides = array<i32>} : memref<8x8x513xf32, #tpu.memory_space<vmem>>, vector<16xf32>,
        tpu.vector_store %arg7[%swap3A_638, %swap3A_639, %swap3A_640], %gather3A_636 {strides = array<i32>} : memref<8x8x513xf32, #tpu.memory_space<vmem>>, vector<16xf32>,
        %add3A_642 = arith.addi %broadcast_in_dim3A_480, %get3A_627 : vector<16xi32>
        %gather3A_643 = tpu.vector_load_idx %arg5[%add3A_642] : memref<2048xf32, #tpu.memory_space<vmem>>[vector<16xi32>], vector<16xf32>,
        %swap3A_644 = arith.constant 2 : i32
        %swap3A_645 = arith.index_cast %swap3A_644 : i32 to index
        %swap3A_646 = arith.index_cast %add3A_567 : i32 to index
        %swap3A_647 = arith.constant 17 : index
        %swap3A_648 = tpu.vector_load %arg7[%swap3A_645, %swap3A_646, %swap3A_647] {strides = array<i32>} : memref<8x8x513xf32, #tpu.memory_space<vmem>>, vector<16xf32>,
        tpu.vector_store %arg7[%swap3A_645, %swap3A_646, %swap3A_647], %gather3A_643 {strides = array<i32>} : memref<8x8x513xf32, #tpu.memory_space<vmem>>, vector<16xf32>,
        %add3A_649 = arith.addi %broadcast_in_dim3A_482, %get3A_627 : vector<16xi32>
        %gather3A_650 = tpu.vector_load_idx %arg5[%add3A_649] : memref<2048xf32, #tpu.memory_space<vmem>>[vector<16xi32>], vector<16xf32>,
        %swap3A_651 = arith.constant 3 : i32
        %swap3A_652 = arith.index_cast %swap3A_651 : i32 to index
        %swap3A_653 = arith.index_cast %add3A_567 : i32 to index
        %swap3A_654 = arith.constant 17 : index
        %swap3A_655 = tpu.vector_load %arg7[%swap3A_652, %swap3A_653, %swap3A_654] {strides = array<i32>} : memref<8x8x513xf32, #tpu.memory_space<vmem>>, vector<16xf32>,
        tpu.vector_store %arg7[%swap3A_652, %swap3A_653, %swap3A_654], %gather3A_650 {strides = array<i32>} : memref<8x8x513xf32, #tpu.memory_space<vmem>>, vector<16xf32>,
        %add3A_656 = arith.addi %broadcast_in_dim3A_484, %get3A_627 : vector<16xi32>
        %gather3A_657 = tpu.vector_load_idx %arg5[%add3A_656] : memref<2048xf32, #tpu.memory_space<vmem>>[vector<16xi32>], vector<16xf32>,
        %swap3A_658 = arith.constant 4 : i32
        %swap3A_659 = arith.index_cast %swap3A_658 : i32 to index
        %swap3A_660 = arith.index_cast %add3A_567 : i32 to index
        %swap3A_661 = arith.constant 17 : index
        %swap3A_662 = tpu.vector_load %arg7[%swap3A_659, %swap3A_660, %swap3A_661] {strides = array<i32>} : memref<8x8x513xf32, #tpu.memory_space<vmem>>, vector<16xf32>,
        tpu.vector_store %arg7[%swap3A_659, %swap3A_660, %swap3A_661], %gather3A_657 {strides = array<i32>} : memref<8x8x513xf32, #tpu.memory_space<vmem>>, vector<16xf32>,
        %add3A_663 = arith.addi %broadcast_in_dim3A_486, %get3A_627 : vector<16xi32>
        %gather3A_664 = tpu.vector_load_idx %arg5[%add3A_663] : memref<2048xf32, #tpu.memory_space<vmem>>[vector<16xi32>], vector<16xf32>,
        %swap3A_665 = arith.constant 5 : i32
        %swap3A_666 = arith.index_cast %swap3A_665 : i32 to index
        %swap3A_667 = arith.index_cast %add3A_567 : i32 to index
        %swap3A_668 = arith.constant 17 : index
        %swap3A_669 = tpu.vector_load %arg7[%swap3A_666, %swap3A_667, %swap3A_668] {strides = array<i32>} : memref<8x8x513xf32, #tpu.memory_space<vmem>>, vector<16xf32>,
        tpu.vector_store %arg7[%swap3A_666, %swap3A_667, %swap3A_668], %gather3A_664 {strides = array<i32>} : memref<8x8x513xf32, #tpu.memory_space<vmem>>, vector<16xf32>,
        %add3A_670 = arith.addi %broadcast_in_dim3A_488, %get3A_627 : vector<16xi32>
        %gather3A_671 = tpu.vector_load_idx %arg5[%add3A_670] : memref<2048xf32, #tpu.memory_space<vmem>>[vector<16xi32>], vector<16xf32>,
        %swap3A_672 = arith.constant 6 : i32
        %swap3A_673 = arith.index_cast %swap3A_672 : i32 to index
        %swap3A_674 = arith.index_cast %add3A_567 : i32 to index
        %swap3A_675 = arith.constant 17 : index
        %swap3A_676 = tpu.vector_load %arg7[%swap3A_673, %swap3A_674, %swap3A_675] {strides = array<i32>} : memref<8x8x513xf32, #tpu.memory_space<vmem>>, vector<16xf32>,
        tpu.vector_store %arg7[%swap3A_673, %swap3A_674, %swap3A_675], %gather3A_671 {strides = array<i32>} : memref<8x8x513xf32, #tpu.memory_space<vmem>>, vector<16xf32>,
        %add3A_677 = arith.addi %broadcast_in_dim3A_490, %get3A_627 : vector<16xi32>
        %gather3A_678 = tpu.vector_load_idx %arg5[%add3A_677] : memref<2048xf32, #tpu.memory_space<vmem>>[vector<16xi32>], vector<16xf32>,
        %swap3A_679 = arith.constant 7 : i32
        %swap3A_680 = arith.index_cast %swap3A_679 : i32 to index
        %swap3A_681 = arith.index_cast %add3A_567 : i32 to index
        %swap3A_682 = arith.constant 17 : index
        %swap3A_683 = tpu.vector_load %arg7[%swap3A_680, %swap3A_681, %swap3A_682] {strides = array<i32>} : memref<8x8x513xf32, #tpu.memory_space<vmem>>, vector<16xf32>,
        tpu.vector_store %arg7[%swap3A_680, %swap3A_681, %swap3A_682], %gather3A_678 {strides = array<i32>} : memref<8x8x513xf32, #tpu.memory_space<vmem>>, vector<16xf32>,
        %get3A_684 = arith.index_cast %add3A_567 : i32 to index
        %get3A_685 = arith.constant 32 : index
        %get3A_686 = tpu.vector_load %arg6[%get3A_684, %get3A_685] {strides = array<i32>} : memref<8x512xi32, #tpu.memory_space<vmem>>, vector<16xi32>,
        %add3A_687 = arith.addi %broadcast_in_dim3A_476, %get3A_686 : vector<16xi32>
        %gather3A_688 = tpu.vector_load_idx %arg5[%add3A_687] : memref<2048xf32, #tpu.memory_space<vmem>>[vector<16xi32>], vector<16xf32>,
        %swap3A_689 = arith.constant 0 : i32
        %swap3A_690 = arith.index_cast %swap3A_689 : i32 to index
        %swap3A_691 = arith.index_cast %add3A_567 : i32 to index
        %swap3A_692 = arith.constant 33 : index
        %swap3A_693 = tpu.vector_load %arg7[%swap3A_690, %swap3A_691, %swap3A_692] {strides = array<i32>} : memref<8x8x513xf32, #tpu.memory_space<vmem>>, vector<16xf32>,
        tpu.vector_store %arg7[%swap3A_690, %swap3A_691, %swap3A_692], %gather3A_688 {strides = array<i32>} : memref<8x8x513xf32, #tpu.memory_space<vmem>>, vector<16xf32>,
        %add3A_694 = arith.addi %broadcast_in_dim3A_478, %get3A_686 : vector<16xi32>
        %gather3A_695 = tpu.vector_load_idx %arg5[%add3A_694] : memref<2048xf32, #tpu.memory_space<vmem>>[vector<16xi32>], vector<16xf32>,
        %swap3A_696 = arith.constant 1 : i32
        %swap3A_697 = arith.index_cast %swap3A_696 : i32 to index
        %swap3A_698 = arith.index_cast %add3A_567 : i32 to index
        %swap3A_699 = arith.constant 33 : index
        %swap3A_700 = tpu.vector_load %arg7[%swap3A_697, %swap3A_698, %swap3A_699] {strides = array<i32>} : memref<8x8x513xf32, #tpu.memory_space<vmem>>, vector<16xf32>,
        tpu.vector_store %arg7[%swap3A_697, %swap3A_698, %swap3A_699], %gather3A_695 {strides = array<i32>} : memref<8x8x513xf32, #tpu.memory_space<vmem>>, vector<16xf32>,
        %add3A_701 = arith.addi %broadcast_in_dim3A_480, %get3A_686 : vector<16xi32>
        %gather3A_702 = tpu.vector_load_idx %arg5[%add3A_701] : memref<2048xf32, #tpu.memory_space<vmem>>[vector<16xi32>], vector<16xf32>,
        %swap3A_703 = arith.constant 2 : i32
        %swap3A_704 = arith.index_cast %swap3A_703 : i32 to index
        %swap3A_705 = arith.index_cast %add3A_567 : i32 to index
        %swap3A_706 = arith.constant 33 : index
        %swap3A_707 = tpu.vector_load %arg7[%swap3A_704, %swap3A_705, %swap3A_706] {strides = array<i32>} : memref<8x8x513xf32, #tpu.memory_space<vmem>>, vector<16xf32>,
        tpu.vector_store %arg7[%swap3A_704, %swap3A_705, %swap3A_706], %gather3A_702 {strides = array<i32>} : memref<8x8x513xf32, #tpu.memory_space<vmem>>, vector<16xf32>,
        %add3A_708 = arith.addi %broadcast_in_dim3A_482, %get3A_686 : vector<16xi32>
        %gather3A_709 = tpu.vector_load_idx %arg5[%add3A_708] : memref<2048xf32, #tpu.memory_space<vmem>>[vector<16xi32>], vector<16xf32>,
        %swap3A_710 = arith.constant 3 : i32
        %swap3A_711 = arith.index_cast %swap3A_710 : i32 to index
        %swap3A_712 = arith.index_cast %add3A_567 : i32 to index
        %swap3A_713 = arith.constant 33 : index
        %swap3A_714 = tpu.vector_load %arg7[%swap3A_711, %swap3A_712, %swap3A_713] {strides = array<i32>} : memref<8x8x513xf32, #tpu.memory_space<vmem>>, vector<16xf32>,
        tpu.vector_store %arg7[%swap3A_711, %swap3A_712, %swap3A_713], %gather3A_709 {strides = array<i32>} : memref<8x8x513xf32, #tpu.memory_space<vmem>>, vector<16xf32>,
        %add3A_715 = arith.addi %broadcast_in_dim3A_484, %get3A_686 : vector<16xi32>
        %gather3A_716 = tpu.vector_load_idx %arg5[%add3A_715] : memref<2048xf32, #tpu.memory_space<vmem>>[vector<16xi32>], vector<16xf32>,
        %swap3A_717 = arith.constant 4 : i32
        %swap3A_718 = arith.index_cast %swap3A_717 : i32 to index
        %swap3A_719 = arith.index_cast %add3A_567 : i32 to index
        %swap3A_720 = arith.constant 33 : index
        %swap3A_721 = tpu.vector_load %arg7[%swap3A_718, %swap3A_719, %swap3A_720] {strides = array<i32>} : memref<8x8x513xf32, #tpu.memory_space<vmem>>, vector<16xf32>,
        tpu.vector_store %arg7[%swap3A_718, %swap3A_719, %swap3A_720], %gather3A_716 {strides = array<i32>} : memref<8x8x513xf32, #tpu.memory_space<vmem>>, vector<16xf32>,
        %add3A_722 = arith.addi %broadcast_in_dim3A_486, %get3A_686 : vector<16xi32>
        %gather3A_723 = tpu.vector_load_idx %arg5[%add3A_722] : memref<2048xf32, #tpu.memory_space<vmem>>[vector<16xi32>], vector<16xf32>,
        %swap3A_724 = arith.constant 5 : i32
        %swap3A_725 = arith.index_cast %swap3A_724 : i32 to index
        %swap3A_726 = arith.index_cast %add3A_567 : i32 to index
        %swap3A_727 = arith.constant 33 : index
        %swap3A_728 = tpu.vector_load %arg7[%swap3A_725, %swap3A_726, %swap3A_727] {strides = array<i32>} : memref<8x8x513xf32, #tpu.memory_space<vmem>>, vector<16xf32>,
        tpu.vector_store %arg7[%swap3A_725, %swap3A_726, %swap3A_727], %gather3A_723 {strides = array<i32>} : memref<8x8x513xf32, #tpu.memory_space<vmem>>, vector<16xf32>,
        %add3A_729 = arith.addi %broadcast_in_dim3A_488, %get3A_686 : vector<16xi32>
        %gather3A_730 = tpu.vector_load_idx %arg5[%add3A_729] : memref<2048xf32, #tpu.memory_space<vmem>>[vector<16xi32>], vector<16xf32>,
        %swap3A_731 = arith.constant 6 : i32
        %swap3A_732 = arith.index_cast %swap3A_731 : i32 to index
        %swap3A_733 = arith.index_cast %add3A_567 : i32 to index
        %swap3A_734 = arith.constant 33 : index
        %swap3A_735 = tpu.vector_load %arg7[%swap3A_732, %swap3A_733, %swap3A_734] {strides = array<i32>} : memref<8x8x513xf32, #tpu.memory_space<vmem>>, vector<16xf32>,
        tpu.vector_store %arg7[%swap3A_732, %swap3A_733, %swap3A_734], %gather3A_730 {strides = array<i32>} : memref<8x8x513xf32, #tpu.memory_space<vmem>>, vector<16xf32>,
        %add3A_736 = arith.addi %broadcast_in_dim3A_490, %get3A_686 : vector<16xi32>
        %gather3A_737 = tpu.vector_load_idx %arg5[%add3A_736] : memref<2048xf32, #tpu.memory_space<vmem>>[vector<16xi32>], vector<16xf32>,
        %swap3A_738 = arith.constant 7 : i32
        %swap3A_739 = arith.index_cast %swap3A_738 : i32 to index
        %swap3A_740 = arith.index_cast %add3A_567 : i32 to index
        %swap3A_741 = arith.constant 33 : index
        %swap3A_742 = tpu.vector_load %arg7[%swap3A_739, %swap3A_740, %swap3A_741] {strides = array<i32>} : memref<8x8x513xf32, #tpu.memory_space<vmem>>, vector<16xf32>,
        tpu.vector_store %arg7[%swap3A_739, %swap3A_740, %swap3A_741], %gather3A_737 {strides = array<i32>} : memref<8x8x513xf32, #tpu.memory_space<vmem>>, vector<16xf32>,
        %get3A_743 = arith.index_cast %add3A_567 : i32 to index
        %get3A_744 = arith.constant 48 : index
        %get3A_745 = tpu.vector_load %arg6[%get3A_743, %get3A_744] {strides = array<i32>} : memref<8x512xi32, #tpu.memory_space<vmem>>, vector<16xi32>,
        %add3A_746 = arith.addi %broadcast_in_dim3A_476, %get3A_745 : vector<16xi32>
        %gather3A_747 = tpu.vector_load_idx %arg5[%add3A_746] : memref<2048xf32, #tpu.memory_space<vmem>>[vector<16xi32>], vector<16xf32>,
        %swap3A_748 = arith.constant 0 : i32
        %swap3A_749 = arith.index_cast %swap3A_748 : i32 to index
        %swap3A_750 = arith.index_cast %add3A_567 : i32 to index
        %swap3A_751 = arith.constant 49 : index
        %swap3A_752 = tpu.vector_load %arg7[%swap3A_749, %swap3A_750, %swap3A_751] {strides = array<i32>} : memref<8x8x513xf32, #tpu.memory_space<vmem>>, vector<16xf32>,
        tpu.vector_store %arg7[%swap3A_749, %swap3A_750, %swap3A_751], %gather3A_747 {strides = array<i32>} : memref<8x8x513xf32, #tpu.memory_space<vmem>>, vector<16xf32>,
        %add3A_753 = arith.addi %broadcast_in_dim3A_478, %get3A_745 : vector<16xi32>
        %gather3A_754 = tpu.vector_load_idx %arg5[%add3A_753] : memref<2048xf32, #tpu.memory_space<vmem>>[vector<16xi32>], vector<16xf32>,
        %swap3A_755 = arith.constant 1 : i32
        %swap3A_756 = arith.index_cast %swap3A_755 : i32 to index
        %swap3A_757 = arith.index_cast %add3A_567 : i32 to index
        %swap3A_758 = arith.constant 49 : index
        %swap3A_759 = tpu.vector_load %arg7[%swap3A_756, %swap3A_757, %swap3A_758] {strides = array<i32>} : memref<8x8x513xf32, #tpu.memory_space<vmem>>, vector<16xf32>,
        tpu.vector_store %arg7[%swap3A_756, %swap3A_757, %swap3A_758], %gather3A_754 {strides = array<i32>} : memref<8x8x513xf32, #tpu.memory_space<vmem>>, vector<16xf32>,
        %add3A_760 = arith.addi %broadcast_in_dim3A_480, %get3A_745 : vector<16xi32>
        %gather3A_761 = tpu.vector_load_idx %arg5[%add3A_760] : memref<2048xf32, #tpu.memory_space<vmem>>[vector<16xi32>], vector<16xf32>,
        %swap3A_762 = arith.constant 2 : i32
        %swap3A_763 = arith.index_cast %swap3A_762 : i32 to index
        %swap3A_764 = arith.index_cast %add3A_567 : i32 to index
        %swap3A_765 = arith.constant 49 : index
        %swap3A_766 = tpu.vector_load %arg7[%swap3A_763, %swap3A_764, %swap3A_765] {strides = array<i32>} : memref<8x8x513xf32, #tpu.memory_space<vmem>>, vector<16xf32>,
        tpu.vector_store %arg7[%swap3A_763, %swap3A_764, %swap3A_765], %gather3A_761 {strides = array<i32>} : memref<8x8x513xf32, #tpu.memory_space<vmem>>, vector<16xf32>,
        %add3A_767 = arith.addi %broadcast_in_dim3A_482, %get3A_745 : vector<16xi32>
        %gather3A_768 = tpu.vector_load_idx %arg5[%add3A_767] : memref<2048xf32, #tpu.memory_space<vmem>>[vector<16xi32>], vector<16xf32>,
        %swap3A_769 = arith.constant 3 : i32
        %swap3A_770 = arith.index_cast %swap3A_769 : i32 to index
        %swap3A_771 = arith.index_cast %add3A_567 : i32 to index
        %swap3A_772 = arith.constant 49 : index
        %swap3A_773 = tpu.vector_load %arg7[%swap3A_770, %swap3A_771, %swap3A_772] {strides = array<i32>} : memref<8x8x513xf32, #tpu.memory_space<vmem>>, vector<16xf32>,
        tpu.vector_store %arg7[%swap3A_770, %swap3A_771, %swap3A_772], %gather3A_768 {strides = array<i32>} : memref<8x8x513xf32, #tpu.memory_space<vmem>>, vector<16xf32>,
        %add3A_774 = arith.addi %broadcast_in_dim3A_484, %get3A_745 : vector<16xi32>
        %gather3A_775 = tpu.vector_load_idx %arg5[%add3A_774] : memref<2048xf32, #tpu.memory_space<vmem>>[vector<16xi32>], vector<16xf32>,
        %swap3A_776 = arith.constant 4 : i32
        %swap3A_777 = arith.index_cast %swap3A_776 : i32 to index
        %swap3A_778 = arith.index_cast %add3A_567 : i32 to index
        %swap3A_779 = arith.constant 49 : index
        %swap3A_780 = tpu.vector_load %arg7[%swap3A_777, %swap3A_778, %swap3A_779] {strides = array<i32>} : memref<8x8x513xf32, #tpu.memory_space<vmem>>, vector<16xf32>,
        tpu.vector_store %arg7[%swap3A_777, %swap3A_778, %swap3A_779], %gather3A_775 {strides = array<i32>} : memref<8x8x513xf32, #tpu.memory_space<vmem>>, vector<16xf32>,
        %add3A_781 = arith.addi %broadcast_in_dim3A_486, %get3A_745 : vector<16xi32>
        %gather3A_782 = tpu.vector_load_idx %arg5[%add3A_781] : memref<2048xf32, #tpu.memory_space<vmem>>[vector<16xi32>], vector<16xf32>,
        %swap3A_783 = arith.constant 5 : i32
        %swap3A_784 = arith.index_cast %swap3A_783 : i32 to index
        %swap3A_785 = arith.index_cast %add3A_567 : i32 to index
        %swap3A_786 = arith.constant 49 : index
        %swap3A_787 = tpu.vector_load %arg7[%swap3A_784, %swap3A_785, %swap3A_786] {strides = array<i32>} : memref<8x8x513xf32, #tpu.memory_space<vmem>>, vector<16xf32>,
        tpu.vector_store %arg7[%swap3A_784, %swap3A_785, %swap3A_786], %gather3A_782 {strides = array<i32>} : memref<8x8x513xf32, #tpu.memory_space<vmem>>, vector<16xf32>,
        %add3A_788 = arith.addi %broadcast_in_dim3A_488, %get3A_745 : vector<16xi32>
        %gather3A_789 = tpu.vector_load_idx %arg5[%add3A_788] : memref<2048xf32, #tpu.memory_space<vmem>>[vector<16xi32>], vector<16xf32>,
        %swap3A_790 = arith.constant 6 : i32
        %swap3A_791 = arith.index_cast %swap3A_790 : i32 to index
        %swap3A_792 = arith.index_cast %add3A_567 : i32 to index
        %swap3A_793 = arith.constant 49 : index
        %swap3A_794 = tpu.vector_load %arg7[%swap3A_791, %swap3A_792, %swap3A_793] {strides = array<i32>} : memref<8x8x513xf32, #tpu.memory_space<vmem>>, vector<16xf32>,
        tpu.vector_store %arg7[%swap3A_791, %swap3A_792, %swap3A_793], %gather3A_789 {strides = array<i32>} : memref<8x8x513xf32, #tpu.memory_space<vmem>>, vector<16xf32>,
        %add3A_795 = arith.addi %broadcast_in_dim3A_490, %get3A_745 : vector<16xi32>
        %gather3A_796 = tpu.vector_load_idx %arg5[%add3A_795] : memref<2048xf32, #tpu.memory_space<vmem>>[vector<16xi32>], vector<16xf32>,
        %swap3A_797 = arith.constant 7 : i32
        %swap3A_798 = arith.index_cast %swap3A_797 : i32 to index
        %swap3A_799 = arith.index_cast %add3A_567 : i32 to index
        %swap3A_800 = arith.constant 49 : index
        %swap3A_801 = tpu.vector_load %arg7[%swap3A_798, %swap3A_799, %swap3A_800] {strides = array<i32>} : memref<8x8x513xf32, #tpu.memory_space<vmem>>, vector<16xf32>,
        tpu.vector_store %arg7[%swap3A_798, %swap3A_799, %swap3A_800], %gather3A_796 {strides = array<i32>} : memref<8x8x513xf32, #tpu.memory_space<vmem>>, vector<16xf32>,
        %get3A_802 = arith.index_cast %add3A_567 : i32 to index
        %get3A_803 = arith.constant 64 : index
        %get3A_804 = tpu.vector_load %arg6[%get3A_802, %get3A_803] {strides = array<i32>} : memref<8x512xi32, #tpu.memory_space<vmem>>, vector<16xi32>,
        %add3A_805 = arith.addi %broadcast_in_dim3A_476, %get3A_804 : vector<16xi32>
        %gather3A_806 = tpu.vector_load_idx %arg5[%add3A_805] : memref<2048xf32, #tpu.memory_space<vmem>>[vector<16xi32>], vector<16xf32>,
        %swap3A_807 = arith.constant 0 : i32
        %swap3A_808 = arith.index_cast %swap3A_807 : i32 to index
        %swap3A_809 = arith.index_cast %add3A_567 : i32 to index
        %swap3A_810 = arith.constant 65 : index
        %swap3A_811 = tpu.vector_load %arg7[%swap3A_808, %swap3A_809, %swap3A_810] {strides = array<i32>} : memref<8x8x513xf32, #tpu.memory_space<vmem>>, vector<16xf32>,
        tpu.vector_store %arg7[%swap3A_808, %swap3A_809, %swap3A_810], %gather3A_806 {strides = array<i32>} : memref<8x8x513xf32, #tpu.memory_space<vmem>>, vector<16xf32>,
        %add3A_812 = arith.addi %broadcast_in_dim3A_478, %get3A_804 : vector<16xi32>
        %gather3A_813 = tpu.vector_load_idx %arg5[%add3A_812] : memref<2048xf32, #tpu.memory_space<vmem>>[vector<16xi32>], vector<16xf32>,
        %swap3A_814 = arith.constant 1 : i32
        %swap3A_815 = arith.index_cast %swap3A_814 : i32 to index
        %swap3A_816 = arith.index_cast %add3A_567 : i32 to index
        %swap3A_817 = arith.constant 65 : index
        %swap3A_818 = tpu.vector_load %arg7[%swap3A_815, %swap3A_816, %swap3A_817] {strides = array<i32>} : memref<8x8x513xf32, #tpu.memory_space<vmem>>, vector<16xf32>,
        tpu.vector_store %arg7[%swap3A_815, %swap3A_816, %swap3A_817], %gather3A_813 {strides = array<i32>} : memref<8x8x513xf32, #tpu.memory_space<vmem>>, vector<16xf32>,
        %add3A_819 = arith.addi %broadcast_in_dim3A_480, %get3A_804 : vector<16xi32>
        %gather3A_820 = tpu.vector_load_idx %arg5[%add3A_819] : memref<2048xf32, #tpu.memory_space<vmem>>[vector<16xi32>], vector<16xf32>,
        %swap3A_821 = arith.constant 2 : i32
        %swap3A_822 = arith.index_cast %swap3A_821 : i32 to index
        %swap3A_823 = arith.index_cast %add3A_567 : i32 to index
        %swap3A_824 = arith.constant 65 : index
        %swap3A_825 = tpu.vector_load %arg7[%swap3A_822, %swap3A_823, %swap3A_824] {strides = array<i32>} : memref<8x8x513xf32, #tpu.memory_space<vmem>>, vector<16xf32>,
        tpu.vector_store %arg7[%swap3A_822, %swap3A_823, %swap3A_824], %gather3A_820 {strides = array<i32>} : memref<8x8x513xf32, #tpu.memory_space<vmem>>, vector<16xf32>,
        %add3A_826 = arith.addi %broadcast_in_dim3A_482, %get3A_804 : vector<16xi32>
        %gather3A_827 = tpu.vector_load_idx %arg5[%add3A_826] : memref<2048xf32, #tpu.memory_space<vmem>>[vector<16xi32>], vector<16xf32>,
        %swap3A_828 = arith.constant 3 : i32
        %swap3A_829 = arith.index_cast %swap3A_828 : i32 to index
        %swap3A_830 = arith.index_cast %add3A_567 : i32 to index
        %swap3A_831 = arith.constant 65 : index
        %swap3A_832 = tpu.vector_load %arg7[%swap3A_829, %swap3A_830, %swap3A_831] {strides = array<i32>} : memref<8x8x513xf32, #tpu.memory_space<vmem>>, vector<16xf32>,
        tpu.vector_store %arg7[%swap3A_829, %swap3A_830, %swap3A_831], %gather3A_827 {strides = array<i32>} : memref<8x8x513xf32, #tpu.memory_space<vmem>>, vector<16xf32>,
        %add3A_833 = arith.addi %broadcast_in_dim3A_484, %get3A_804 : vector<16xi32>
        %gather3A_834 = tpu.vector_load_idx %arg5[%add3A_833] : memref<2048xf32, #tpu.memory_space<vmem>>[vector<16xi32>], vector<16xf32>,
        %swap3A_835 = arith.constant 4 : i32
        %swap3A_836 = arith.index_cast %swap3A_835 : i32 to index
        %swap3A_837 = arith.index_cast %add3A_567 : i32 to index
        %swap3A_838 = arith.constant 65 : index
        %swap3A_839 = tpu.vector_load %arg7[%swap3A_836, %swap3A_837, %swap3A_838] {strides = array<i32>} : memref<8x8x513xf32, #tpu.memory_space<vmem>>, vector<16xf32>,
        tpu.vector_store %arg7[%swap3A_836, %swap3A_837, %swap3A_838], %gather3A_834 {strides = array<i32>} : memref<8x8x513xf32, #tpu.memory_space<vmem>>, vector<16xf32>,
        %add3A_840 = arith.addi %broadcast_in_dim3A_486, %get3A_804 : vector<16xi32>
        %gather3A_841 = tpu.vector_load_idx %arg5[%add3A_840] : memref<2048xf32, #tpu.memory_space<vmem>>[vector<16xi32>], vector<16xf32>,
        %swap3A_842 = arith.constant 5 : i32
        %swap3A_843 = arith.index_cast %swap3A_842 : i32 to index
        %swap3A_844 = arith.index_cast %add3A_567 : i32 to index
        %swap3A_845 = arith.constant 65 : index
        %swap3A_846 = tpu.vector_load %arg7[%swap3A_843, %swap3A_844, %swap3A_845] {strides = array<i32>} : memref<8x8x513xf32, #tpu.memory_space<vmem>>, vector<16xf32>,
        tpu.vector_store %arg7[%swap3A_843, %swap3A_844, %swap3A_845], %gather3A_841 {strides = array<i32>} : memref<8x8x513xf32, #tpu.memory_space<vmem>>, vector<16xf32>,
        %add3A_847 = arith.addi %broadcast_in_dim3A_488, %get3A_804 : vector<16xi32>
        %gather3A_848 = tpu.vector_load_idx %arg5[%add3A_847] : memref<2048xf32, #tpu.memory_space<vmem>>[vector<16xi32>], vector<16xf32>,
        %swap3A_849 = arith.constant 6 : i32
        %swap3A_850 = arith.index_cast %swap3A_849 : i32 to index
        %swap3A_851 = arith.index_cast %add3A_567 : i32 to index
        %swap3A_852 = arith.constant 65 : index
        %swap3A_853 = tpu.vector_load %arg7[%swap3A_850, %swap3A_851, %swap3A_852] {strides = array<i32>} : memref<8x8x513xf32, #tpu.memory_space<vmem>>, vector<16xf32>,
        tpu.vector_store %arg7[%swap3A_850, %swap3A_851, %swap3A_852], %gather3A_848 {strides = array<i32>} : memref<8x8x513xf32, #tpu.memory_space<vmem>>, vector<16xf32>,
        %add3A_854 = arith.addi %broadcast_in_dim3A_490, %get3A_804 : vector<16xi32>
        %gather3A_855 = tpu.vector_load_idx %arg5[%add3A_854] : memref<2048xf32, #tpu.memory_space<vmem>>[vector<16xi32>], vector<16xf32>,
        %swap3A_856 = arith.constant 7 : i32
        %swap3A_857 = arith.index_cast %swap3A_856 : i32 to index
        %swap3A_858 = arith.index_cast %add3A_567 : i32 to index
        %swap3A_859 = arith.constant 65 : index
        %swap3A_860 = tpu.vector_load %arg7[%swap3A_857, %swap3A_858, %swap3A_859] {strides = array<i32>} : memref<8x8x513xf32, #tpu.memory_space<vmem>>, vector<16xf32>,
        tpu.vector_store %arg7[%swap3A_857, %swap3A_858, %swap3A_859], %gather3A_855 {strides = array<i32>} : memref<8x8x513xf32, #tpu.memory_space<vmem>>, vector<16xf32>,
        %get3A_861 = arith.index_cast %add3A_567 : i32 to index
        %get3A_862 = arith.constant 80 : index
        %get3A_863 = tpu.vector_load %arg6[%get3A_861, %get3A_862] {strides = array<i32>} : memref<8x512xi32, #tpu.memory_space<vmem>>, vector<16xi32>,
        %add3A_864 = arith.addi %broadcast_in_dim3A_476, %get3A_863 : vector<16xi32>
        %gather3A_865 = tpu.vector_load_idx %arg5[%add3A_864] : memref<2048xf32, #tpu.memory_space<vmem>>[vector<16xi32>], vector<16xf32>,
        %swap3A_866 = arith.constant 0 : i32
        %swap3A_867 = arith.index_cast %swap3A_866 : i32 to index
        %swap3A_868 = arith.index_cast %add3A_567 : i32 to index
        %swap3A_869 = arith.constant 81 : index
        %swap3A_870 = tpu.vector_load %arg7[%swap3A_867, %swap3A_868, %swap3A_869] {strides = array<i32>} : memref<8x8x513xf32, #tpu.memory_space<vmem>>, vector<16xf32>,
        tpu.vector_store %arg7[%swap3A_867, %swap3A_868, %swap3A_869], %gather3A_865 {strides = array<i32>} : memref<8x8x513xf32, #tpu.memory_space<vmem>>, vector<16xf32>,
        %add3A_871 = arith.addi %broadcast_in_dim3A_478, %get3A_863 : vector<16xi32>
        %gather3A_872 = tpu.vector_load_idx %arg5[%add3A_871] : memref<2048xf32, #tpu.memory_space<vmem>>[vector<16xi32>], vector<16xf32>,
        %swap3A_873 = arith.constant 1 : i32
        %swap3A_874 = arith.index_cast %swap3A_873 : i32 to index
        %swap3A_875 = arith.index_cast %add3A_567 : i32 to index
        %swap3A_876 = arith.constant 81 : index
        %swap3A_877 = tpu.vector_load %arg7[%swap3A_874, %swap3A_875, %swap3A_876] {strides = array<i32>} : memref<8x8x513xf32, #tpu.memory_space<vmem>>, vector<16xf32>,
        tpu.vector_store %arg7[%swap3A_874, %swap3A_875, %swap3A_876], %gather3A_872 {strides = array<i32>} : memref<8x8x513xf32, #tpu.memory_space<vmem>>, vector<16xf32>,
        %add3A_878 = arith.addi %broadcast_in_dim3A_480, %get3A_863 : vector<16xi32>
        %gather3A_879 = tpu.vector_load_idx %arg5[%add3A_878] : memref<2048xf32, #tpu.memory_space<vmem>>[vector<16xi32>], vector<16xf32>,
        %swap3A_880 = arith.constant 2 : i32
        %swap3A_881 = arith.index_cast %swap3A_880 : i32 to index
        %swap3A_882 = arith.index_cast %add3A_567 : i32 to index
        %swap3A_883 = arith.constant 81 : index
        %swap3A_884 = tpu.vector_load %arg7[%swap3A_881, %swap3A_882, %swap3A_883] {strides = array<i32>} : memref<8x8x513xf32, #tpu.memory_space<vmem>>, vector<16xf32>,
        tpu.vector_store %arg7[%swap3A_881, %swap3A_882, %swap3A_883], %gather3A_879 {strides = array<i32>} : memref<8x8x513xf32, #tpu.memory_space<vmem>>, vector<16xf32>,
        %add3A_885 = arith.addi %broadcast_in_dim3A_482, %get3A_863 : vector<16xi32>
        %gather3A_886 = tpu.vector_load_idx %arg5[%add3A_885] : memref<2048xf32, #tpu.memory_space<vmem>>[vector<16xi32>], vector<16xf32>,
        %swap3A_887 = arith.constant 3 : i32
        %swap3A_888 = arith.index_cast %swap3A_887 : i32 to index
        %swap3A_889 = arith.index_cast %add3A_567 : i32 to index
        %swap3A_890 = arith.constant 81 : index
        %swap3A_891 = tpu.vector_load %arg7[%swap3A_888, %swap3A_889, %swap3A_890] {strides = array<i32>} : memref<8x8x513xf32, #tpu.memory_space<vmem>>, vector<16xf32>,
        tpu.vector_store %arg7[%swap3A_888, %swap3A_889, %swap3A_890], %gather3A_886 {strides = array<i32>} : memref<8x8x513xf32, #tpu.memory_space<vmem>>, vector<16xf32>,
        %add3A_892 = arith.addi %broadcast_in_dim3A_484, %get3A_863 : vector<16xi32>
        %gather3A_893 = tpu.vector_load_idx %arg5[%add3A_892] : memref<2048xf32, #tpu.memory_space<vmem>>[vector<16xi32>], vector<16xf32>,
        %swap3A_894 = arith.constant 4 : i32
        %swap3A_895 = arith.index_cast %swap3A_894 : i32 to index
        %swap3A_896 = arith.index_cast %add3A_567 : i32 to index
        %swap3A_897 = arith.constant 81 : index
        %swap3A_898 = tpu.vector_load %arg7[%swap3A_895, %swap3A_896, %swap3A_897] {strides = array<i32>} : memref<8x8x513xf32, #tpu.memory_space<vmem>>, vector<16xf32>,
        tpu.vector_store %arg7[%swap3A_895, %swap3A_896, %swap3A_897], %gather3A_893 {strides = array<i32>} : memref<8x8x513xf32, #tpu.memory_space<vmem>>, vector<16xf32>,
        %add3A_899 = arith.addi %broadcast_in_dim3A_486, %get3A_863 : vector<16xi32>
        %gather3A_900 = tpu.vector_load_idx %arg5[%add3A_899] : memref<2048xf32, #tpu.memory_space<vmem>>[vector<16xi32>], vector<16xf32>,
        %swap3A_901 = arith.constant 5 : i32
        %swap3A_902 = arith.index_cast %swap3A_901 : i32 to index
        %swap3A_903 = arith.index_cast %add3A_567 : i32 to index
        %swap3A_904 = arith.constant 81 : index
        %swap3A_905 = tpu.vector_load %arg7[%swap3A_902, %swap3A_903, %swap3A_904] {strides = array<i32>} : memref<8x8x513xf32, #tpu.memory_space<vmem>>, vector<16xf32>,
        tpu.vector_store %arg7[%swap3A_902, %swap3A_903, %swap3A_904], %gather3A_900 {strides = array<i32>} : memref<8x8x513xf32, #tpu.memory_space<vmem>>, vector<16xf32>,
        %add3A_906 = arith.addi %broadcast_in_dim3A_488, %get3A_863 : vector<16xi32>
        %gather3A_907 = tpu.vector_load_idx %arg5[%add3A_906] : memref<2048xf32, #tpu.memory_space<vmem>>[vector<16xi32>], vector<16xf32>,
        %swap3A_908 = arith.constant 6 : i32
        %swap3A_909 = arith.index_cast %swap3A_908 : i32 to index
        %swap3A_910 = arith.index_cast %add3A_567 : i32 to index
        %swap3A_911 = arith.constant 81 : index
        %swap3A_912 = tpu.vector_load %arg7[%swap3A_909, %swap3A_910, %swap3A_911] {strides = array<i32>} : memref<8x8x513xf32, #tpu.memory_space<vmem>>, vector<16xf32>,
        tpu.vector_store %arg7[%swap3A_909, %swap3A_910, %swap3A_911], %gather3A_907 {strides = array<i32>} : memref<8x8x513xf32, #tpu.memory_space<vmem>>, vector<16xf32>,
        %add3A_913 = arith.addi %broadcast_in_dim3A_490, %get3A_863 : vector<16xi32>
        %gather3A_914 = tpu.vector_load_idx %arg5[%add3A_913] : memref<2048xf32, #tpu.memory_space<vmem>>[vector<16xi32>], vector<16xf32>,
        %swap3A_915 = arith.constant 7 : i32
        %swap3A_916 = arith.index_cast %swap3A_915 : i32 to index
        %swap3A_917 = arith.index_cast %add3A_567 : i32 to index
        %swap3A_918 = arith.constant 81 : index
        %swap3A_919 = tpu.vector_load %arg7[%swap3A_916, %swap3A_917, %swap3A_918] {strides = array<i32>} : memref<8x8x513xf32, #tpu.memory_space<vmem>>, vector<16xf32>,
        tpu.vector_store %arg7[%swap3A_916, %swap3A_917, %swap3A_918], %gather3A_914 {strides = array<i32>} : memref<8x8x513xf32, #tpu.memory_space<vmem>>, vector<16xf32>,
        %get3A_920 = arith.index_cast %add3A_567 : i32 to index
        %get3A_921 = arith.constant 96 : index
        %get3A_922 = tpu.vector_load %arg6[%get3A_920, %get3A_921] {strides = array<i32>} : memref<8x512xi32, #tpu.memory_space<vmem>>, vector<16xi32>,
        %add3A_923 = arith.addi %broadcast_in_dim3A_476, %get3A_922 : vector<16xi32>
        %gather3A_924 = tpu.vector_load_idx %arg5[%add3A_923] : memref<2048xf32, #tpu.memory_space<vmem>>[vector<16xi32>], vector<16xf32>,
        %swap3A_925 = arith.constant 0 : i32
        %swap3A_926 = arith.index_cast %swap3A_925 : i32 to index
        %swap3A_927 = arith.index_cast %add3A_567 : i32 to index
        %swap3A_928 = arith.constant 97 : index
        %swap3A_929 = tpu.vector_load %arg7[%swap3A_926, %swap3A_927, %swap3A_928] {strides = array<i32>} : memref<8x8x513xf32, #tpu.memory_space<vmem>>, vector<16xf32>,
        tpu.vector_store %arg7[%swap3A_926, %swap3A_927, %swap3A_928], %gather3A_924 {strides = array<i32>} : memref<8x8x513xf32, #tpu.memory_space<vmem>>, vector<16xf32>,
        %add3A_930 = arith.addi %broadcast_in_dim3A_478, %get3A_922 : vector<16xi32>
        %gather3A_931 = tpu.vector_load_idx %arg5[%add3A_930] : memref<2048xf32, #tpu.memory_space<vmem>>[vector<16xi32>], vector<16xf32>,
        %swap3A_932 = arith.constant 1 : i32
        %swap3A_933 = arith.index_cast %swap3A_932 : i32 to index
        %swap3A_934 = arith.index_cast %add3A_567 : i32 to index
        %swap3A_935 = arith.constant 97 : index
        %swap3A_936 = tpu.vector_load %arg7[%swap3A_933, %swap3A_934, %swap3A_935] {strides = array<i32>} : memref<8x8x513xf32, #tpu.memory_space<vmem>>, vector<16xf32>,
        tpu.vector_store %arg7[%swap3A_933, %swap3A_934, %swap3A_935], %gather3A_931 {strides = array<i32>} : memref<8x8x513xf32, #tpu.memory_space<vmem>>, vector<16xf32>,
        %add3A_937 = arith.addi %broadcast_in_dim3A_480, %get3A_922 : vector<16xi32>
        %gather3A_938 = tpu.vector_load_idx %arg5[%add3A_937] : memref<2048xf32, #tpu.memory_space<vmem>>[vector<16xi32>], vector<16xf32>,
        %swap3A_939 = arith.constant 2 : i32
        %swap3A_940 = arith.index_cast %swap3A_939 : i32 to index
        %swap3A_941 = arith.index_cast %add3A_567 : i32 to index
        %swap3A_942 = arith.constant 97 : index
        %swap3A_943 = tpu.vector_load %arg7[%swap3A_940, %swap3A_941, %swap3A_942] {strides = array<i32>} : memref<8x8x513xf32, #tpu.memory_space<vmem>>, vector<16xf32>,
        tpu.vector_store %arg7[%swap3A_940, %swap3A_941, %swap3A_942], %gather3A_938 {strides = array<i32>} : memref<8x8x513xf32, #tpu.memory_space<vmem>>, vector<16xf32>,
        %add3A_944 = arith.addi %broadcast_in_dim3A_482, %get3A_922 : vector<16xi32>
        %gather3A_945 = tpu.vector_load_idx %arg5[%add3A_944] : memref<2048xf32, #tpu.memory_space<vmem>>[vector<16xi32>], vector<16xf32>,
        %swap3A_946 = arith.constant 3 : i32
        %swap3A_947 = arith.index_cast %swap3A_946 : i32 to index
        %swap3A_948 = arith.index_cast %add3A_567 : i32 to index
        %swap3A_949 = arith.constant 97 : index
        %swap3A_950 = tpu.vector_load %arg7[%swap3A_947, %swap3A_948, %swap3A_949] {strides = array<i32>} : memref<8x8x513xf32, #tpu.memory_space<vmem>>, vector<16xf32>,
        tpu.vector_store %arg7[%swap3A_947, %swap3A_948, %swap3A_949], %gather3A_945 {strides = array<i32>} : memref<8x8x513xf32, #tpu.memory_space<vmem>>, vector<16xf32>,
        %add3A_951 = arith.addi %broadcast_in_dim3A_484, %get3A_922 : vector<16xi32>
        %gather3A_952 = tpu.vector_load_idx %arg5[%add3A_951] : memref<2048xf32, #tpu.memory_space<vmem>>[vector<16xi32>], vector<16xf32>,
        %swap3A_953 = arith.constant 4 : i32
        %swap3A_954 = arith.index_cast %swap3A_953 : i32 to index
        %swap3A_955 = arith.index_cast %add3A_567 : i32 to index
        %swap3A_956 = arith.constant 97 : index
        %swap3A_957 = tpu.vector_load %arg7[%swap3A_954, %swap3A_955, %swap3A_956] {strides = array<i32>} : memref<8x8x513xf32, #tpu.memory_space<vmem>>, vector<16xf32>,
        tpu.vector_store %arg7[%swap3A_954, %swap3A_955, %swap3A_956], %gather3A_952 {strides = array<i32>} : memref<8x8x513xf32, #tpu.memory_space<vmem>>, vector<16xf32>,
        %add3A_958 = arith.addi %broadcast_in_dim3A_486, %get3A_922 : vector<16xi32>
        %gather3A_959 = tpu.vector_load_idx %arg5[%add3A_958] : memref<2048xf32, #tpu.memory_space<vmem>>[vector<16xi32>], vector<16xf32>,
        %swap3A_960 = arith.constant 5 : i32
        %swap3A_961 = arith.index_cast %swap3A_960 : i32 to index
        %swap3A_962 = arith.index_cast %add3A_567 : i32 to index
        %swap3A_963 = arith.constant 97 : index
        %swap3A_964 = tpu.vector_load %arg7[%swap3A_961, %swap3A_962, %swap3A_963] {strides = array<i32>} : memref<8x8x513xf32, #tpu.memory_space<vmem>>, vector<16xf32>,
        tpu.vector_store %arg7[%swap3A_961, %swap3A_962, %swap3A_963], %gather3A_959 {strides = array<i32>} : memref<8x8x513xf32, #tpu.memory_space<vmem>>, vector<16xf32>,
        %add3A_965 = arith.addi %broadcast_in_dim3A_488, %get3A_922 : vector<16xi32>
        %gather3A_966 = tpu.vector_load_idx %arg5[%add3A_965] : memref<2048xf32, #tpu.memory_space<vmem>>[vector<16xi32>], vector<16xf32>,
        %swap3A_967 = arith.constant 6 : i32
        %swap3A_968 = arith.index_cast %swap3A_967 : i32 to index
        %swap3A_969 = arith.index_cast %add3A_567 : i32 to index
        %swap3A_970 = arith.constant 97 : index
        %swap3A_971 = tpu.vector_load %arg7[%swap3A_968, %swap3A_969, %swap3A_970] {strides = array<i32>} : memref<8x8x513xf32, #tpu.memory_space<vmem>>, vector<16xf32>,
        tpu.vector_store %arg7[%swap3A_968, %swap3A_969, %swap3A_970], %gather3A_966 {strides = array<i32>} : memref<8x8x513xf32, #tpu.memory_space<vmem>>, vector<16xf32>,
        %add3A_972 = arith.addi %broadcast_in_dim3A_490, %get3A_922 : vector<16xi32>
        %gather3A_973 = tpu.vector_load_idx %arg5[%add3A_972] : memref<2048xf32, #tpu.memory_space<vmem>>[vector<16xi32>], vector<16xf32>,
        %swap3A_974 = arith.constant 7 : i32
        %swap3A_975 = arith.index_cast %swap3A_974 : i32 to index
        %swap3A_976 = arith.index_cast %add3A_567 : i32 to index
        %swap3A_977 = arith.constant 97 : index
        %swap3A_978 = tpu.vector_load %arg7[%swap3A_975, %swap3A_976, %swap3A_977] {strides = array<i32>} : memref<8x8x513xf32, #tpu.memory_space<vmem>>, vector<16xf32>,
        tpu.vector_store %arg7[%swap3A_975, %swap3A_976, %swap3A_977], %gather3A_973 {strides = array<i32>} : memref<8x8x513xf32, #tpu.memory_space<vmem>>, vector<16xf32>,
        %get3A_979 = arith.index_cast %add3A_567 : i32 to index
        %get3A_980 = arith.constant 112 : index
        %get3A_981 = tpu.vector_load %arg6[%get3A_979, %get3A_980] {strides = array<i32>} : memref<8x512xi32, #tpu.memory_space<vmem>>, vector<16xi32>,
        %add3A_982 = arith.addi %broadcast_in_dim3A_476, %get3A_981 : vector<16xi32>
        %gather3A_983 = tpu.vector_load_idx %arg5[%add3A_982] : memref<2048xf32, #tpu.memory_space<vmem>>[vector<16xi32>], vector<16xf32>,
        %swap3A_984 = arith.constant 0 : i32
        %swap3A_985 = arith.index_cast %swap3A_984 : i32 to index
        %swap3A_986 = arith.index_cast %add3A_567 : i32 to index
        %swap3A_987 = arith.constant 113 : index
        %swap3A_988 = tpu.vector_load %arg7[%swap3A_985, %swap3A_986, %swap3A_987] {strides = array<i32>} : memref<8x8x513xf32, #tpu.memory_space<vmem>>, vector<16xf32>,
        tpu.vector_store %arg7[%swap3A_985, %swap3A_986, %swap3A_987], %gather3A_983 {strides = array<i32>} : memref<8x8x513xf32, #tpu.memory_space<vmem>>, vector<16xf32>,
        %add3A_989 = arith.addi %broadcast_in_dim3A_478, %get3A_981 : vector<16xi32>
        %gather3A_990 = tpu.vector_load_idx %arg5[%add3A_989] : memref<2048xf32, #tpu.memory_space<vmem>>[vector<16xi32>], vector<16xf32>,
        %swap3A_991 = arith.constant 1 : i32
        %swap3A_992 = arith.index_cast %swap3A_991 : i32 to index
        %swap3A_993 = arith.index_cast %add3A_567 : i32 to index
        %swap3A_994 = arith.constant 113 : index
        %swap3A_995 = tpu.vector_load %arg7[%swap3A_992, %swap3A_993, %swap3A_994] {strides = array<i32>} : memref<8x8x513xf32, #tpu.memory_space<vmem>>, vector<16xf32>,
        tpu.vector_store %arg7[%swap3A_992, %swap3A_993, %swap3A_994], %gather3A_990 {strides = array<i32>} : memref<8x8x513xf32, #tpu.memory_space<vmem>>, vector<16xf32>,
        %add3A_996 = arith.addi %broadcast_in_dim3A_480, %get3A_981 : vector<16xi32>
        %gather3A_997 = tpu.vector_load_idx %arg5[%add3A_996] : memref<2048xf32, #tpu.memory_space<vmem>>[vector<16xi32>], vector<16xf32>,
        %swap3A_998 = arith.constant 2 : i32
        %swap3A_999 = arith.index_cast %swap3A_998 : i32 to index
        %swap3A_1000 = arith.index_cast %add3A_567 : i32 to index
        %swap3A_1001 = arith.constant 113 : index
        %swap3A_1002 = tpu.vector_load %arg7[%swap3A_999, %swap3A_1000, %swap3A_1001] {strides = array<i32>} : memref<8x8x513xf32, #tpu.memory_space<vmem>>, vector<16xf32>,
        tpu.vector_store %arg7[%swap3A_999, %swap3A_1000, %swap3A_1001], %gather3A_997 {strides = array<i32>} : memref<8x8x513xf32, #tpu.memory_space<vmem>>, vector<16xf32>,
        %add3A_1003 = arith.addi %broadcast_in_dim3A_482, %get3A_981 : vector<16xi32>
        %gather3A_1004 = tpu.vector_load_idx %arg5[%add3A_1003] : memref<2048xf32, #tpu.memory_space<vmem>>[vector<16xi32>], vector<16xf32>,
        %swap3A_1005 = arith.constant 3 : i32
        %swap3A_1006 = arith.index_cast %swap3A_1005 : i32 to index
        %swap3A_1007 = arith.index_cast %add3A_567 : i32 to index
        %swap3A_1008 = arith.constant 113 : index
        %swap3A_1009 = tpu.vector_load %arg7[%swap3A_1006, %swap3A_1007, %swap3A_1008] {strides = array<i32>} : memref<8x8x513xf32, #tpu.memory_space<vmem>>, vector<16xf32>,
        tpu.vector_store %arg7[%swap3A_1006, %swap3A_1007, %swap3A_1008], %gather3A_1004 {strides = array<i32>} : memref<8x8x513xf32, #tpu.memory_space<vmem>>, vector<16xf32>,
        %add3A_1010 = arith.addi %broadcast_in_dim3A_484, %get3A_981 : vector<16xi32>
        %gather3A_1011 = tpu.vector_load_idx %arg5[%add3A_1010] : memref<2048xf32, #tpu.memory_space<vmem>>[vector<16xi32>], vector<16xf32>,
        %swap3A_1012 = arith.constant 4 : i32
        %swap3A_1013 = arith.index_cast %swap3A_1012 : i32 to index
        %swap3A_1014 = arith.index_cast %add3A_567 : i32 to index
        %swap3A_1015 = arith.constant 113 : index
        %swap3A_1016 = tpu.vector_load %arg7[%swap3A_1013, %swap3A_1014, %swap3A_1015] {strides = array<i32>} : memref<8x8x513xf32, #tpu.memory_space<vmem>>, vector<16xf32>,
        tpu.vector_store %arg7[%swap3A_1013, %swap3A_1014, %swap3A_1015], %gather3A_1011 {strides = array<i32>} : memref<8x8x513xf32, #tpu.memory_space<vmem>>, vector<16xf32>,
        %add3A_1017 = arith.addi %broadcast_in_dim3A_486, %get3A_981 : vector<16xi32>
        %gather3A_1018 = tpu.vector_load_idx %arg5[%add3A_1017] : memref<2048xf32, #tpu.memory_space<vmem>>[vector<16xi32>], vector<16xf32>,
        %swap3A_1019 = arith.constant 5 : i32
        %swap3A_1020 = arith.index_cast %swap3A_1019 : i32 to index
        %swap3A_1021 = arith.index_cast %add3A_567 : i32 to index
        %swap3A_1022 = arith.constant 113 : index
        %swap3A_1023 = tpu.vector_load %arg7[%swap3A_1020, %swap3A_1021, %swap3A_1022] {strides = array<i32>} : memref<8x8x513xf32, #tpu.memory_space<vmem>>, vector<16xf32>,
        tpu.vector_store %arg7[%swap3A_1020, %swap3A_1021, %swap3A_1022], %gather3A_1018 {strides = array<i32>} : memref<8x8x513xf32, #tpu.memory_space<vmem>>, vector<16xf32>,
        %add3A_1024 = arith.addi %broadcast_in_dim3A_488, %get3A_981 : vector<16xi32>
        %gather3A_1025 = tpu.vector_load_idx %arg5[%add3A_1024] : memref<2048xf32, #tpu.memory_space<vmem>>[vector<16xi32>], vector<16xf32>,
        %swap3A_1026 = arith.constant 6 : i32
        %swap3A_1027 = arith.index_cast %swap3A_1026 : i32 to index
        %swap3A_1028 = arith.index_cast %add3A_567 : i32 to index
        %swap3A_1029 = arith.constant 113 : index
        %swap3A_1030 = tpu.vector_load %arg7[%swap3A_1027, %swap3A_1028, %swap3A_1029] {strides = array<i32>} : memref<8x8x513xf32, #tpu.memory_space<vmem>>, vector<16xf32>,
        tpu.vector_store %arg7[%swap3A_1027, %swap3A_1028, %swap3A_1029], %gather3A_1025 {strides = array<i32>} : memref<8x8x513xf32, #tpu.memory_space<vmem>>, vector<16xf32>,
        %add3A_1031 = arith.addi %broadcast_in_dim3A_490, %get3A_981 : vector<16xi32>
        %gather3A_1032 = tpu.vector_load_idx %arg5[%add3A_1031] : memref<2048xf32, #tpu.memory_space<vmem>>[vector<16xi32>], vector<16xf32>,
        %swap3A_1033 = arith.constant 7 : i32
        %swap3A_1034 = arith.index_cast %swap3A_1033 : i32 to index
        %swap3A_1035 = arith.index_cast %add3A_567 : i32 to index
        %swap3A_1036 = arith.constant 113 : index
        %swap3A_1037 = tpu.vector_load %arg7[%swap3A_1034, %swap3A_1035, %swap3A_1036] {strides = array<i32>} : memref<8x8x513xf32, #tpu.memory_space<vmem>>, vector<16xf32>,
        tpu.vector_store %arg7[%swap3A_1034, %swap3A_1035, %swap3A_1036], %gather3A_1032 {strides = array<i32>} : memref<8x8x513xf32, #tpu.memory_space<vmem>>, vector<16xf32>,
        %get3A_1038 = arith.index_cast %add3A_567 : i32 to index
        %get3A_1039 = arith.constant 128 : index
        %get3A_1040 = tpu.vector_load %arg6[%get3A_1038, %get3A_1039] {strides = array<i32>} : memref<8x512xi32, #tpu.memory_space<vmem>>, vector<16xi32>,
        %add3A_1041 = arith.addi %broadcast_in_dim3A_476, %get3A_1040 : vector<16xi32>
        %gather3A_1042 = tpu.vector_load_idx %arg5[%add3A_1041] : memref<2048xf32, #tpu.memory_space<vmem>>[vector<16xi32>], vector<16xf32>,
        %swap3A_1043 = arith.constant 0 : i32
        %swap3A_1044 = arith.index_cast %swap3A_1043 : i32 to index
        %swap3A_1045 = arith.index_cast %add3A_567 : i32 to index
        %swap3A_1046 = arith.constant 129 : index
        %swap3A_1047 = tpu.vector_load %arg7[%swap3A_1044, %swap3A_1045, %swap3A_1046] {strides = array<i32>} : memref<8x8x513xf32, #tpu.memory_space<vmem>>, vector<16xf32>,
        tpu.vector_store %arg7[%swap3A_1044, %swap3A_1045, %swap3A_1046], %gather3A_1042 {strides = array<i32>} : memref<8x8x513xf32, #tpu.memory_space<vmem>>, vector<16xf32>,
        %add3A_1048 = arith.addi %broadcast_in_dim3A_478, %get3A_1040 : vector<16xi32>
        %gather3A_1049 = tpu.vector_load_idx %arg5[%add3A_1048] : memref<2048xf32, #tpu.memory_space<vmem>>[vector<16xi32>], vector<16xf32>,
        %swap3A_1050 = arith.constant 1 : i32
        %swap3A_1051 = arith.index_cast %swap3A_1050 : i32 to index
        %swap3A_1052 = arith.index_cast %add3A_567 : i32 to index
        %swap3A_1053 = arith.constant 129 : index
        %swap3A_1054 = tpu.vector_load %arg7[%swap3A_1051, %swap3A_1052, %swap3A_1053] {strides = array<i32>} : memref<8x8x513xf32, #tpu.memory_space<vmem>>, vector<16xf32>,
        tpu.vector_store %arg7[%swap3A_1051, %swap3A_1052, %swap3A_1053], %gather3A_1049 {strides = array<i32>} : memref<8x8x513xf32, #tpu.memory_space<vmem>>, vector<16xf32>,
        %add3A_1055 = arith.addi %broadcast_in_dim3A_480, %get3A_1040 : vector<16xi32>
        %gather3A_1056 = tpu.vector_load_idx %arg5[%add3A_1055] : memref<2048xf32, #tpu.memory_space<vmem>>[vector<16xi32>], vector<16xf32>,
        %swap3A_1057 = arith.constant 2 : i32
        %swap3A_1058 = arith.index_cast %swap3A_1057 : i32 to index
        %swap3A_1059 = arith.index_cast %add3A_567 : i32 to index
        %swap3A_1060 = arith.constant 129 : index
        %swap3A_1061 = tpu.vector_load %arg7[%swap3A_1058, %swap3A_1059, %swap3A_1060] {strides = array<i32>} : memref<8x8x513xf32, #tpu.memory_space<vmem>>, vector<16xf32>,
        tpu.vector_store %arg7[%swap3A_1058, %swap3A_1059, %swap3A_1060], %gather3A_1056 {strides = array<i32>} : memref<8x8x513xf32, #tpu.memory_space<vmem>>, vector<16xf32>,
        %add3A_1062 = arith.addi %broadcast_in_dim3A_482, %get3A_1040 : vector<16xi32>
        %gather3A_1063 = tpu.vector_load_idx %arg5[%add3A_1062] : memref<2048xf32, #tpu.memory_space<vmem>>[vector<16xi32>], vector<16xf32>,
        %swap3A_1064 = arith.constant 3 : i32
        %swap3A_1065 = arith.index_cast %swap3A_1064 : i32 to index
        %swap3A_1066 = arith.index_cast %add3A_567 : i32 to index
        %swap3A_1067 = arith.constant 129 : index
        %swap3A_1068 = tpu.vector_load %arg7[%swap3A_1065, %swap3A_1066, %swap3A_1067] {strides = array<i32>} : memref<8x8x513xf32, #tpu.memory_space<vmem>>, vector<16xf32>,
        tpu.vector_store %arg7[%swap3A_1065, %swap3A_1066, %swap3A_1067], %gather3A_1063 {strides = array<i32>} : memref<8x8x513xf32, #tpu.memory_space<vmem>>, vector<16xf32>,
        %add3A_1069 = arith.addi %broadcast_in_dim3A_484, %get3A_1040 : vector<16xi32>
        %gather3A_1070 = tpu.vector_load_idx %arg5[%add3A_1069] : memref<2048xf32, #tpu.memory_space<vmem>>[vector<16xi32>], vector<16xf32>,
        %swap3A_1071 = arith.constant 4 : i32
        %swap3A_1072 = arith.index_cast %swap3A_1071 : i32 to index
        %swap3A_1073 = arith.index_cast %add3A_567 : i32 to index
        %swap3A_1074 = arith.constant 129 : index
        %swap3A_1075 = tpu.vector_load %arg7[%swap3A_1072, %swap3A_1073, %swap3A_1074] {strides = array<i32>} : memref<8x8x513xf32, #tpu.memory_space<vmem>>, vector<16xf32>,
        tpu.vector_store %arg7[%swap3A_1072, %swap3A_1073, %swap3A_1074], %gather3A_1070 {strides = array<i32>} : memref<8x8x513xf32, #tpu.memory_space<vmem>>, vector<16xf32>,
        %add3A_1076 = arith.addi %broadcast_in_dim3A_486, %get3A_1040 : vector<16xi32>
        %gather3A_1077 = tpu.vector_load_idx %arg5[%add3A_1076] : memref<2048xf32, #tpu.memory_space<vmem>>[vector<16xi32>], vector<16xf32>,
        %swap3A_1078 = arith.constant 5 : i32
        %swap3A_1079 = arith.index_cast %swap3A_1078 : i32 to index
        %swap3A_1080 = arith.index_cast %add3A_567 : i32 to index
        %swap3A_1081 = arith.constant 129 : index
        %swap3A_1082 = tpu.vector_load %arg7[%swap3A_1079, %swap3A_1080, %swap3A_1081] {strides = array<i32>} : memref<8x8x513xf32, #tpu.memory_space<vmem>>, vector<16xf32>,
        tpu.vector_store %arg7[%swap3A_1079, %swap3A_1080, %swap3A_1081], %gather3A_1077 {strides = array<i32>} : memref<8x8x513xf32, #tpu.memory_space<vmem>>, vector<16xf32>,
        %add3A_1083 = arith.addi %broadcast_in_dim3A_488, %get3A_1040 : vector<16xi32>
        %gather3A_1084 = tpu.vector_load_idx %arg5[%add3A_1083] : memref<2048xf32, #tpu.memory_space<vmem>>[vector<16xi32>], vector<16xf32>,
        %swap3A_1085 = arith.constant 6 : i32
        %swap3A_1086 = arith.index_cast %swap3A_1085 : i32 to index
        %swap3A_1087 = arith.index_cast %add3A_567 : i32 to index
        %swap3A_1088 = arith.constant 129 : index
        %swap3A_1089 = tpu.vector_load %arg7[%swap3A_1086, %swap3A_1087, %swap3A_1088] {strides = array<i32>} : memref<8x8x513xf32, #tpu.memory_space<vmem>>, vector<16xf32>,
        tpu.vector_store %arg7[%swap3A_1086, %swap3A_1087, %swap3A_1088], %gather3A_1084 {strides = array<i32>} : memref<8x8x513xf32, #tpu.memory_space<vmem>>, vector<16xf32>,
        %add3A_1090 = arith.addi %broadcast_in_dim3A_490, %get3A_1040 : vector<16xi32>
        %gather3A_1091 = tpu.vector_load_idx %arg5[%add3A_1090] : memref<2048xf32, #tpu.memory_space<vmem>>[vector<16xi32>], vector<16xf32>,
        %swap3A_1092 = arith.constant 7 : i32
        %swap3A_1093 = arith.index_cast %swap3A_1092 : i32 to index
        %swap3A_1094 = arith.index_cast %add3A_567 : i32 to index
        %swap3A_1095 = arith.constant 129 : index
        %swap3A_1096 = tpu.vector_load %arg7[%swap3A_1093, %swap3A_1094, %swap3A_1095] {strides = array<i32>} : memref<8x8x513xf32, #tpu.memory_space<vmem>>, vector<16xf32>,
        tpu.vector_store %arg7[%swap3A_1093, %swap3A_1094, %swap3A_1095], %gather3A_1091 {strides = array<i32>} : memref<8x8x513xf32, #tpu.memory_space<vmem>>, vector<16xf32>,
        %get3A_1097 = arith.index_cast %add3A_567 : i32 to index
        %get3A_1098 = arith.constant 144 : index
        %get3A_1099 = tpu.vector_load %arg6[%get3A_1097, %get3A_1098] {strides = array<i32>} : memref<8x512xi32, #tpu.memory_space<vmem>>, vector<16xi32>,
        %add3A_1100 = arith.addi %broadcast_in_dim3A_476, %get3A_1099 : vector<16xi32>
        %gather3A_1101 = tpu.vector_load_idx %arg5[%add3A_1100] : memref<2048xf32, #tpu.memory_space<vmem>>[vector<16xi32>], vector<16xf32>,
        %swap3A_1102 = arith.constant 0 : i32
        %swap3A_1103 = arith.index_cast %swap3A_1102 : i32 to index
        %swap3A_1104 = arith.index_cast %add3A_567 : i32 to index
        %swap3A_1105 = arith.constant 145 : index
        %swap3A_1106 = tpu.vector_load %arg7[%swap3A_1103, %swap3A_1104, %swap3A_1105] {strides = array<i32>} : memref<8x8x513xf32, #tpu.memory_space<vmem>>, vector<16xf32>,
        tpu.vector_store %arg7[%swap3A_1103, %swap3A_1104, %swap3A_1105], %gather3A_1101 {strides = array<i32>} : memref<8x8x513xf32, #tpu.memory_space<vmem>>, vector<16xf32>,
        %add3A_1107 = arith.addi %broadcast_in_dim3A_478, %get3A_1099 : vector<16xi32>
        %gather3A_1108 = tpu.vector_load_idx %arg5[%add3A_1107] : memref<2048xf32, #tpu.memory_space<vmem>>[vector<16xi32>], vector<16xf32>,
        %swap3A_1109 = arith.constant 1 : i32
        %swap3A_1110 = arith.index_cast %swap3A_1109 : i32 to index
        %swap3A_1111 = arith.index_cast %add3A_567 : i32 to index
        %swap3A_1112 = arith.constant 145 : index
        %swap3A_1113 = tpu.vector_load %arg7[%swap3A_1110, %swap3A_1111, %swap3A_1112] {strides = array<i32>} : memref<8x8x513xf32, #tpu.memory_space<vmem>>, vector<16xf32>,
        tpu.vector_store %arg7[%swap3A_1110, %swap3A_1111, %swap3A_1112], %gather3A_1108 {strides = array<i32>} : memref<8x8x513xf32, #tpu.memory_space<vmem>>, vector<16xf32>,
        %add3A_1114 = arith.addi %broadcast_in_dim3A_480, %get3A_1099 : vector<16xi32>
        %gather3A_1115 = tpu.vector_load_idx %arg5[%add3A_1114] : memref<2048xf32, #tpu.memory_space<vmem>>[vector<16xi32>], vector<16xf32>,
        %swap3A_1116 = arith.constant 2 : i32
        %swap3A_1117 = arith.index_cast %swap3A_1116 : i32 to index
        %swap3A_1118 = arith.index_cast %add3A_567 : i32 to index
        %swap3A_1119 = arith.constant 145 : index
        %swap3A_1120 = tpu.vector_load %arg7[%swap3A_1117, %swap3A_1118, %swap3A_1119] {strides = array<i32>} : memref<8x8x513xf32, #tpu.memory_space<vmem>>, vector<16xf32>,
        tpu.vector_store %arg7[%swap3A_1117, %swap3A_1118, %swap3A_1119], %gather3A_1115 {strides = array<i32>} : memref<8x8x513xf32, #tpu.memory_space<vmem>>, vector<16xf32>,
        %add3A_1121 = arith.addi %broadcast_in_dim3A_482, %get3A_1099 : vector<16xi32>
        %gather3A_1122 = tpu.vector_load_idx %arg5[%add3A_1121] : memref<2048xf32, #tpu.memory_space<vmem>>[vector<16xi32>], vector<16xf32>,
        %swap3A_1123 = arith.constant 3 : i32
        %swap3A_1124 = arith.index_cast %swap3A_1123 : i32 to index
        %swap3A_1125 = arith.index_cast %add3A_567 : i32 to index
        %swap3A_1126 = arith.constant 145 : index
        %swap3A_1127 = tpu.vector_load %arg7[%swap3A_1124, %swap3A_1125, %swap3A_1126] {strides = array<i32>} : memref<8x8x513xf32, #tpu.memory_space<vmem>>, vector<16xf32>,
        tpu.vector_store %arg7[%swap3A_1124, %swap3A_1125, %swap3A_1126], %gather3A_1122 {strides = array<i32>} : memref<8x8x513xf32, #tpu.memory_space<vmem>>, vector<16xf32>,
        %add3A_1128 = arith.addi %broadcast_in_dim3A_484, %get3A_1099 : vector<16xi32>
        %gather3A_1129 = tpu.vector_load_idx %arg5[%add3A_1128] : memref<2048xf32, #tpu.memory_space<vmem>>[vector<16xi32>], vector<16xf32>,
        %swap3A_1130 = arith.constant 4 : i32
        %swap3A_1131 = arith.index_cast %swap3A_1130 : i32 to index
        %swap3A_1132 = arith.index_cast %add3A_567 : i32 to index
        %swap3A_1133 = arith.constant 145 : index
        %swap3A_1134 = tpu.vector_load %arg7[%swap3A_1131, %swap3A_1132, %swap3A_1133] {strides = array<i32>} : memref<8x8x513xf32, #tpu.memory_space<vmem>>, vector<16xf32>,
        tpu.vector_store %arg7[%swap3A_1131, %swap3A_1132, %swap3A_1133], %gather3A_1129 {strides = array<i32>} : memref<8x8x513xf32, #tpu.memory_space<vmem>>, vector<16xf32>,
        %add3A_1135 = arith.addi %broadcast_in_dim3A_486, %get3A_1099 : vector<16xi32>
        %gather3A_1136 = tpu.vector_load_idx %arg5[%add3A_1135] : memref<2048xf32, #tpu.memory_space<vmem>>[vector<16xi32>], vector<16xf32>,
        %swap3A_1137 = arith.constant 5 : i32
        %swap3A_1138 = arith.index_cast %swap3A_1137 : i32 to index
        %swap3A_1139 = arith.index_cast %add3A_567 : i32 to index
        %swap3A_1140 = arith.constant 145 : index
        %swap3A_1141 = tpu.vector_load %arg7[%swap3A_1138, %swap3A_1139, %swap3A_1140] {strides = array<i32>} : memref<8x8x513xf32, #tpu.memory_space<vmem>>, vector<16xf32>,
        tpu.vector_store %arg7[%swap3A_1138, %swap3A_1139, %swap3A_1140], %gather3A_1136 {strides = array<i32>} : memref<8x8x513xf32, #tpu.memory_space<vmem>>, vector<16xf32>,
        %add3A_1142 = arith.addi %broadcast_in_dim3A_488, %get3A_1099 : vector<16xi32>
        %gather3A_1143 = tpu.vector_load_idx %arg5[%add3A_1142] : memref<2048xf32, #tpu.memory_space<vmem>>[vector<16xi32>], vector<16xf32>,
        %swap3A_1144 = arith.constant 6 : i32
        %swap3A_1145 = arith.index_cast %swap3A_1144 : i32 to index
        %swap3A_1146 = arith.index_cast %add3A_567 : i32 to index
        %swap3A_1147 = arith.constant 145 : index
        %swap3A_1148 = tpu.vector_load %arg7[%swap3A_1145, %swap3A_1146, %swap3A_1147] {strides = array<i32>} : memref<8x8x513xf32, #tpu.memory_space<vmem>>, vector<16xf32>,
        tpu.vector_store %arg7[%swap3A_1145, %swap3A_1146, %swap3A_1147], %gather3A_1143 {strides = array<i32>} : memref<8x8x513xf32, #tpu.memory_space<vmem>>, vector<16xf32>,
        %add3A_1149 = arith.addi %broadcast_in_dim3A_490, %get3A_1099 : vector<16xi32>
        %gather3A_1150 = tpu.vector_load_idx %arg5[%add3A_1149] : memref<2048xf32, #tpu.memory_space<vmem>>[vector<16xi32>], vector<16xf32>,
        %swap3A_1151 = arith.constant 7 : i32
        %swap3A_1152 = arith.index_cast %swap3A_1151 : i32 to index
        %swap3A_1153 = arith.index_cast %add3A_567 : i32 to index
        %swap3A_1154 = arith.constant 145 : index
        %swap3A_1155 = tpu.vector_load %arg7[%swap3A_1152, %swap3A_1153, %swap3A_1154] {strides = array<i32>} : memref<8x8x513xf32, #tpu.memory_space<vmem>>, vector<16xf32>,
        tpu.vector_store %arg7[%swap3A_1152, %swap3A_1153, %swap3A_1154], %gather3A_1150 {strides = array<i32>} : memref<8x8x513xf32, #tpu.memory_space<vmem>>, vector<16xf32>,
        %get3A_1156 = arith.index_cast %add3A_567 : i32 to index
        %get3A_1157 = arith.constant 160 : index
        %get3A_1158 = tpu.vector_load %arg6[%get3A_1156, %get3A_1157] {strides = array<i32>} : memref<8x512xi32, #tpu.memory_space<vmem>>, vector<16xi32>,
        %add3A_1159 = arith.addi %broadcast_in_dim3A_476, %get3A_1158 : vector<16xi32>
        %gather3A_1160 = tpu.vector_load_idx %arg5[%add3A_1159] : memref<2048xf32, #tpu.memory_space<vmem>>[vector<16xi32>], vector<16xf32>,
        %swap3A_1161 = arith.constant 0 : i32
        %swap3A_1162 = arith.index_cast %swap3A_1161 : i32 to index
        %swap3A_1163 = arith.index_cast %add3A_567 : i32 to index
        %swap3A_1164 = arith.constant 161 : index
        %swap3A_1165 = tpu.vector_load %arg7[%swap3A_1162, %swap3A_1163, %swap3A_1164] {strides = array<i32>} : memref<8x8x513xf32, #tpu.memory_space<vmem>>, vector<16xf32>,
        tpu.vector_store %arg7[%swap3A_1162, %swap3A_1163, %swap3A_1164], %gather3A_1160 {strides = array<i32>} : memref<8x8x513xf32, #tpu.memory_space<vmem>>, vector<16xf32>,
        %add3A_1166 = arith.addi %broadcast_in_dim3A_478, %get3A_1158 : vector<16xi32>
        %gather3A_1167 = tpu.vector_load_idx %arg5[%add3A_1166] : memref<2048xf32, #tpu.memory_space<vmem>>[vector<16xi32>], vector<16xf32>,
        %swap3A_1168 = arith.constant 1 : i32
        %swap3A_1169 = arith.index_cast %swap3A_1168 : i32 to index
        %swap3A_1170 = arith.index_cast %add3A_567 : i32 to index
        %swap3A_1171 = arith.constant 161 : index
        %swap3A_1172 = tpu.vector_load %arg7[%swap3A_1169, %swap3A_1170, %swap3A_1171] {strides = array<i32>} : memref<8x8x513xf32, #tpu.memory_space<vmem>>, vector<16xf32>,
        tpu.vector_store %arg7[%swap3A_1169, %swap3A_1170, %swap3A_1171], %gather3A_1167 {strides = array<i32>} : memref<8x8x513xf32, #tpu.memory_space<vmem>>, vector<16xf32>,
        %add3A_1173 = arith.addi %broadcast_in_dim3A_480, %get3A_1158 : vector<16xi32>
        %gather3A_1174 = tpu.vector_load_idx %arg5[%add3A_1173] : memref<2048xf32, #tpu.memory_space<vmem>>[vector<16xi32>], vector<16xf32>,
        %swap3A_1175 = arith.constant 2 : i32
        %swap3A_1176 = arith.index_cast %swap3A_1175 : i32 to index
        %swap3A_1177 = arith.index_cast %add3A_567 : i32 to index
        %swap3A_1178 = arith.constant 161 : index
        %swap3A_1179 = tpu.vector_load %arg7[%swap3A_1176, %swap3A_1177, %swap3A_1178] {strides = array<i32>} : memref<8x8x513xf32, #tpu.memory_space<vmem>>, vector<16xf32>,
        tpu.vector_store %arg7[%swap3A_1176, %swap3A_1177, %swap3A_1178], %gather3A_1174 {strides = array<i32>} : memref<8x8x513xf32, #tpu.memory_space<vmem>>, vector<16xf32>,
        %add3A_1180 = arith.addi %broadcast_in_dim3A_482, %get3A_1158 : vector<16xi32>
        %gather3A_1181 = tpu.vector_load_idx %arg5[%add3A_1180] : memref<2048xf32, #tpu.memory_space<vmem>>[vector<16xi32>], vector<16xf32>,
        %swap3A_1182 = arith.constant 3 : i32
        %swap3A_1183 = arith.index_cast %swap3A_1182 : i32 to index
        %swap3A_1184 = arith.index_cast %add3A_567 : i32 to index
        %swap3A_1185 = arith.constant 161 : index
        %swap3A_1186 = tpu.vector_load %arg7[%swap3A_1183, %swap3A_1184, %swap3A_1185] {strides = array<i32>} : memref<8x8x513xf32, #tpu.memory_space<vmem>>, vector<16xf32>,
        tpu.vector_store %arg7[%swap3A_1183, %swap3A_1184, %swap3A_1185], %gather3A_1181 {strides = array<i32>} : memref<8x8x513xf32, #tpu.memory_space<vmem>>, vector<16xf32>,
        %add3A_1187 = arith.addi %broadcast_in_dim3A_484, %get3A_1158 : vector<16xi32>
        %gather3A_1188 = tpu.vector_load_idx %arg5[%add3A_1187] : memref<2048xf32, #tpu.memory_space<vmem>>[vector<16xi32>], vector<16xf32>,
        %swap3A_1189 = arith.constant 4 : i32
        %swap3A_1190 = arith.index_cast %swap3A_1189 : i32 to index
        %swap3A_1191 = arith.index_cast %add3A_567 : i32 to index
        %swap3A_1192 = arith.constant 161 : index
        %swap3A_1193 = tpu.vector_load %arg7[%swap3A_1190, %swap3A_1191, %swap3A_1192] {strides = array<i32>} : memref<8x8x513xf32, #tpu.memory_space<vmem>>, vector<16xf32>,
        tpu.vector_store %arg7[%swap3A_1190, %swap3A_1191, %swap3A_1192], %gather3A_1188 {strides = array<i32>} : memref<8x8x513xf32, #tpu.memory_space<vmem>>, vector<16xf32>,
        %add3A_1194 = arith.addi %broadcast_in_dim3A_486, %get3A_1158 : vector<16xi32>
        %gather3A_1195 = tpu.vector_load_idx %arg5[%add3A_1194] : memref<2048xf32, #tpu.memory_space<vmem>>[vector<16xi32>], vector<16xf32>,
        %swap3A_1196 = arith.constant 5 : i32
        %swap3A_1197 = arith.index_cast %swap3A_1196 : i32 to index
        %swap3A_1198 = arith.index_cast %add3A_567 : i32 to index
        %swap3A_1199 = arith.constant 161 : index
        %swap3A_1200 = tpu.vector_load %arg7[%swap3A_1197, %swap3A_1198, %swap3A_1199] {strides = array<i32>} : memref<8x8x513xf32, #tpu.memory_space<vmem>>, vector<16xf32>,
        tpu.vector_store %arg7[%swap3A_1197, %swap3A_1198, %swap3A_1199], %gather3A_1195 {strides = array<i32>} : memref<8x8x513xf32, #tpu.memory_space<vmem>>, vector<16xf32>,
        %add3A_1201 = arith.addi %broadcast_in_dim3A_488, %get3A_1158 : vector<16xi32>
        %gather3A_1202 = tpu.vector_load_idx %arg5[%add3A_1201] : memref<2048xf32, #tpu.memory_space<vmem>>[vector<16xi32>], vector<16xf32>,
        %swap3A_1203 = arith.constant 6 : i32
        %swap3A_1204 = arith.index_cast %swap3A_1203 : i32 to index
        %swap3A_1205 = arith.index_cast %add3A_567 : i32 to index
        %swap3A_1206 = arith.constant 161 : index
        %swap3A_1207 = tpu.vector_load %arg7[%swap3A_1204, %swap3A_1205, %swap3A_1206] {strides = array<i32>} : memref<8x8x513xf32, #tpu.memory_space<vmem>>, vector<16xf32>,
        tpu.vector_store %arg7[%swap3A_1204, %swap3A_1205, %swap3A_1206], %gather3A_1202 {strides = array<i32>} : memref<8x8x513xf32, #tpu.memory_space<vmem>>, vector<16xf32>,
        %add3A_1208 = arith.addi %broadcast_in_dim3A_490, %get3A_1158 : vector<16xi32>
        %gather3A_1209 = tpu.vector_load_idx %arg5[%add3A_1208] : memref<2048xf32, #tpu.memory_space<vmem>>[vector<16xi32>], vector<16xf32>,
        %swap3A_1210 = arith.constant 7 : i32
        %swap3A_1211 = arith.index_cast %swap3A_1210 : i32 to index
        %swap3A_1212 = arith.index_cast %add3A_567 : i32 to index
        %swap3A_1213 = arith.constant 161 : index
        %swap3A_1214 = tpu.vector_load %arg7[%swap3A_1211, %swap3A_1212, %swap3A_1213] {strides = array<i32>} : memref<8x8x513xf32, #tpu.memory_space<vmem>>, vector<16xf32>,
        tpu.vector_store %arg7[%swap3A_1211, %swap3A_1212, %swap3A_1213], %gather3A_1209 {strides = array<i32>} : memref<8x8x513xf32, #tpu.memory_space<vmem>>, vector<16xf32>,
        %get3A_1215 = arith.index_cast %add3A_567 : i32 to index
        %get3A_1216 = arith.constant 176 : index
        %get3A_1217 = tpu.vector_load %arg6[%get3A_1215, %get3A_1216] {strides = array<i32>} : memref<8x512xi32, #tpu.memory_space<vmem>>, vector<16xi32>,
        %add3A_1218 = arith.addi %broadcast_in_dim3A_476, %get3A_1217 : vector<16xi32>
        %gather3A_1219 = tpu.vector_load_idx %arg5[%add3A_1218] : memref<2048xf32, #tpu.memory_space<vmem>>[vector<16xi32>], vector<16xf32>,
        %swap3A_1220 = arith.constant 0 : i32
        %swap3A_1221 = arith.index_cast %swap3A_1220 : i32 to index
        %swap3A_1222 = arith.index_cast %add3A_567 : i32 to index
        %swap3A_1223 = arith.constant 177 : index
        %swap3A_1224 = tpu.vector_load %arg7[%swap3A_1221, %swap3A_1222, %swap3A_1223] {strides = array<i32>} : memref<8x8x513xf32, #tpu.memory_space<vmem>>, vector<16xf32>,
        tpu.vector_store %arg7[%swap3A_1221, %swap3A_1222, %swap3A_1223], %gather3A_1219 {strides = array<i32>} : memref<8x8x513xf32, #tpu.memory_space<vmem>>, vector<16xf32>,
        %add3A_1225 = arith.addi %broadcast_in_dim3A_478, %get3A_1217 : vector<16xi32>
        %gather3A_1226 = tpu.vector_load_idx %arg5[%add3A_1225] : memref<2048xf32, #tpu.memory_space<vmem>>[vector<16xi32>], vector<16xf32>,
        %swap3A_1227 = arith.constant 1 : i32
        %swap3A_1228 = arith.index_cast %swap3A_1227 : i32 to index
        %swap3A_1229 = arith.index_cast %add3A_567 : i32 to index
        %swap3A_1230 = arith.constant 177 : index
        %swap3A_1231 = tpu.vector_load %arg7[%swap3A_1228, %swap3A_1229, %swap3A_1230] {strides = array<i32>} : memref<8x8x513xf32, #tpu.memory_space<vmem>>, vector<16xf32>,
        tpu.vector_store %arg7[%swap3A_1228, %swap3A_1229, %swap3A_1230], %gather3A_1226 {strides = array<i32>} : memref<8x8x513xf32, #tpu.memory_space<vmem>>, vector<16xf32>,
        %add3A_1232 = arith.addi %broadcast_in_dim3A_480, %get3A_1217 : vector<16xi32>
        %gather3A_1233 = tpu.vector_load_idx %arg5[%add3A_1232] : memref<2048xf32, #tpu.memory_space<vmem>>[vector<16xi32>], vector<16xf32>,
        %swap3A_1234 = arith.constant 2 : i32
        %swap3A_1235 = arith.index_cast %swap3A_1234 : i32 to index
        %swap3A_1236 = arith.index_cast %add3A_567 : i32 to index
        %swap3A_1237 = arith.constant 177 : index
        %swap3A_1238 = tpu.vector_load %arg7[%swap3A_1235, %swap3A_1236, %swap3A_1237] {strides = array<i32>} : memref<8x8x513xf32, #tpu.memory_space<vmem>>, vector<16xf32>,
        tpu.vector_store %arg7[%swap3A_1235, %swap3A_1236, %swap3A_1237], %gather3A_1233 {strides = array<i32>} : memref<8x8x513xf32, #tpu.memory_space<vmem>>, vector<16xf32>,
        %add3A_1239 = arith.addi %broadcast_in_dim3A_482, %get3A_1217 : vector<16xi32>
        %gather3A_1240 = tpu.vector_load_idx %arg5[%add3A_1239] : memref<2048xf32, #tpu.memory_space<vmem>>[vector<16xi32>], vector<16xf32>,
        %swap3A_1241 = arith.constant 3 : i32
        %swap3A_1242 = arith.index_cast %swap3A_1241 : i32 to index
        %swap3A_1243 = arith.index_cast %add3A_567 : i32 to index
        %swap3A_1244 = arith.constant 177 : index
        %swap3A_1245 = tpu.vector_load %arg7[%swap3A_1242, %swap3A_1243, %swap3A_1244] {strides = array<i32>} : memref<8x8x513xf32, #tpu.memory_space<vmem>>, vector<16xf32>,
        tpu.vector_store %arg7[%swap3A_1242, %swap3A_1243, %swap3A_1244], %gather3A_1240 {strides = array<i32>} : memref<8x8x513xf32, #tpu.memory_space<vmem>>, vector<16xf32>,
        %add3A_1246 = arith.addi %broadcast_in_dim3A_484, %get3A_1217 : vector<16xi32>
        %gather3A_1247 = tpu.vector_load_idx %arg5[%add3A_1246] : memref<2048xf32, #tpu.memory_space<vmem>>[vector<16xi32>], vector<16xf32>,
        %swap3A_1248 = arith.constant 4 : i32
        %swap3A_1249 = arith.index_cast %swap3A_1248 : i32 to index
        %swap3A_1250 = arith.index_cast %add3A_567 : i32 to index
        %swap3A_1251 = arith.constant 177 : index
        %swap3A_1252 = tpu.vector_load %arg7[%swap3A_1249, %swap3A_1250, %swap3A_1251] {strides = array<i32>} : memref<8x8x513xf32, #tpu.memory_space<vmem>>, vector<16xf32>,
        tpu.vector_store %arg7[%swap3A_1249, %swap3A_1250, %swap3A_1251], %gather3A_1247 {strides = array<i32>} : memref<8x8x513xf32, #tpu.memory_space<vmem>>, vector<16xf32>,
        %add3A_1253 = arith.addi %broadcast_in_dim3A_486, %get3A_1217 : vector<16xi32>
        %gather3A_1254 = tpu.vector_load_idx %arg5[%add3A_1253] : memref<2048xf32, #tpu.memory_space<vmem>>[vector<16xi32>], vector<16xf32>,
        %swap3A_1255 = arith.constant 5 : i32
        %swap3A_1256 = arith.index_cast %swap3A_1255 : i32 to index
        %swap3A_1257 = arith.index_cast %add3A_567 : i32 to index
        %swap3A_1258 = arith.constant 177 : index
        %swap3A_1259 = tpu.vector_load %arg7[%swap3A_1256, %swap3A_1257, %swap3A_1258] {strides = array<i32>} : memref<8x8x513xf32, #tpu.memory_space<vmem>>, vector<16xf32>,
        tpu.vector_store %arg7[%swap3A_1256, %swap3A_1257, %swap3A_1258], %gather3A_1254 {strides = array<i32>} : memref<8x8x513xf32, #tpu.memory_space<vmem>>, vector<16xf32>,
        %add3A_1260 = arith.addi %broadcast_in_dim3A_488, %get3A_1217 : vector<16xi32>
        %gather3A_1261 = tpu.vector_load_idx %arg5[%add3A_1260] : memref<2048xf32, #tpu.memory_space<vmem>>[vector<16xi32>], vector<16xf32>,
        %swap3A_1262 = arith.constant 6 : i32
        %swap3A_1263 = arith.index_cast %swap3A_1262 : i32 to index
        %swap3A_1264 = arith.index_cast %add3A_567 : i32 to index
        %swap3A_1265 = arith.constant 177 : index
        %swap3A_1266 = tpu.vector_load %arg7[%swap3A_1263, %swap3A_1264, %swap3A_1265] {strides = array<i32>} : memref<8x8x513xf32, #tpu.memory_space<vmem>>, vector<16xf32>,
        tpu.vector_store %arg7[%swap3A_1263, %swap3A_1264, %swap3A_1265], %gather3A_1261 {strides = array<i32>} : memref<8x8x513xf32, #tpu.memory_space<vmem>>, vector<16xf32>,
        %add3A_1267 = arith.addi %broadcast_in_dim3A_490, %get3A_1217 : vector<16xi32>
        %gather3A_1268 = tpu.vector_load_idx %arg5[%add3A_1267] : memref<2048xf32, #tpu.memory_space<vmem>>[vector<16xi32>], vector<16xf32>,
        %swap3A_1269 = arith.constant 7 : i32
        %swap3A_1270 = arith.index_cast %swap3A_1269 : i32 to index
        %swap3A_1271 = arith.index_cast %add3A_567 : i32 to index
        %swap3A_1272 = arith.constant 177 : index
        %swap3A_1273 = tpu.vector_load %arg7[%swap3A_1270, %swap3A_1271, %swap3A_1272] {strides = array<i32>} : memref<8x8x513xf32, #tpu.memory_space<vmem>>, vector<16xf32>,
        tpu.vector_store %arg7[%swap3A_1270, %swap3A_1271, %swap3A_1272], %gather3A_1268 {strides = array<i32>} : memref<8x8x513xf32, #tpu.memory_space<vmem>>, vector<16xf32>,
        %get3A_1274 = arith.index_cast %add3A_567 : i32 to index
        %get3A_1275 = arith.constant 192 : index
        %get3A_1276 = tpu.vector_load %arg6[%get3A_1274, %get3A_1275] {strides = array<i32>} : memref<8x512xi32, #tpu.memory_space<vmem>>, vector<16xi32>,
        %add3A_1277 = arith.addi %broadcast_in_dim3A_476, %get3A_1276 : vector<16xi32>
        %gather3A_1278 = tpu.vector_load_idx %arg5[%add3A_1277] : memref<2048xf32, #tpu.memory_space<vmem>>[vector<16xi32>], vector<16xf32>,
        %swap3A_1279 = arith.constant 0 : i32
        %swap3A_1280 = arith.index_cast %swap3A_1279 : i32 to index
        %swap3A_1281 = arith.index_cast %add3A_567 : i32 to index
        %swap3A_1282 = arith.constant 193 : index
        %swap3A_1283 = tpu.vector_load %arg7[%swap3A_1280, %swap3A_1281, %swap3A_1282] {strides = array<i32>} : memref<8x8x513xf32, #tpu.memory_space<vmem>>, vector<16xf32>,
        tpu.vector_store %arg7[%swap3A_1280, %swap3A_1281, %swap3A_1282], %gather3A_1278 {strides = array<i32>} : memref<8x8x513xf32, #tpu.memory_space<vmem>>, vector<16xf32>,
        %add3A_1284 = arith.addi %broadcast_in_dim3A_478, %get3A_1276 : vector<16xi32>
        %gather3A_1285 = tpu.vector_load_idx %arg5[%add3A_1284] : memref<2048xf32, #tpu.memory_space<vmem>>[vector<16xi32>], vector<16xf32>,
        %swap3A_1286 = arith.constant 1 : i32
        %swap3A_1287 = arith.index_cast %swap3A_1286 : i32 to index
        %swap3A_1288 = arith.index_cast %add3A_567 : i32 to index
        %swap3A_1289 = arith.constant 193 : index
        %swap3A_1290 = tpu.vector_load %arg7[%swap3A_1287, %swap3A_1288, %swap3A_1289] {strides = array<i32>} : memref<8x8x513xf32, #tpu.memory_space<vmem>>, vector<16xf32>,
        tpu.vector_store %arg7[%swap3A_1287, %swap3A_1288, %swap3A_1289], %gather3A_1285 {strides = array<i32>} : memref<8x8x513xf32, #tpu.memory_space<vmem>>, vector<16xf32>,
        %add3A_1291 = arith.addi %broadcast_in_dim3A_480, %get3A_1276 : vector<16xi32>
        %gather3A_1292 = tpu.vector_load_idx %arg5[%add3A_1291] : memref<2048xf32, #tpu.memory_space<vmem>>[vector<16xi32>], vector<16xf32>,
        %swap3A_1293 = arith.constant 2 : i32
        %swap3A_1294 = arith.index_cast %swap3A_1293 : i32 to index
        %swap3A_1295 = arith.index_cast %add3A_567 : i32 to index
        %swap3A_1296 = arith.constant 193 : index
        %swap3A_1297 = tpu.vector_load %arg7[%swap3A_1294, %swap3A_1295, %swap3A_1296] {strides = array<i32>} : memref<8x8x513xf32, #tpu.memory_space<vmem>>, vector<16xf32>,
        tpu.vector_store %arg7[%swap3A_1294, %swap3A_1295, %swap3A_1296], %gather3A_1292 {strides = array<i32>} : memref<8x8x513xf32, #tpu.memory_space<vmem>>, vector<16xf32>,
        %add3A_1298 = arith.addi %broadcast_in_dim3A_482, %get3A_1276 : vector<16xi32>
        %gather3A_1299 = tpu.vector_load_idx %arg5[%add3A_1298] : memref<2048xf32, #tpu.memory_space<vmem>>[vector<16xi32>], vector<16xf32>,
        %swap3A_1300 = arith.constant 3 : i32
        %swap3A_1301 = arith.index_cast %swap3A_1300 : i32 to index
        %swap3A_1302 = arith.index_cast %add3A_567 : i32 to index
        %swap3A_1303 = arith.constant 193 : index
        %swap3A_1304 = tpu.vector_load %arg7[%swap3A_1301, %swap3A_1302, %swap3A_1303] {strides = array<i32>} : memref<8x8x513xf32, #tpu.memory_space<vmem>>, vector<16xf32>,
        tpu.vector_store %arg7[%swap3A_1301, %swap3A_1302, %swap3A_1303], %gather3A_1299 {strides = array<i32>} : memref<8x8x513xf32, #tpu.memory_space<vmem>>, vector<16xf32>,
        %add3A_1305 = arith.addi %broadcast_in_dim3A_484, %get3A_1276 : vector<16xi32>
        %gather3A_1306 = tpu.vector_load_idx %arg5[%add3A_1305] : memref<2048xf32, #tpu.memory_space<vmem>>[vector<16xi32>], vector<16xf32>,
        %swap3A_1307 = arith.constant 4 : i32
        %swap3A_1308 = arith.index_cast %swap3A_1307 : i32 to index
        %swap3A_1309 = arith.index_cast %add3A_567 : i32 to index
        %swap3A_1310 = arith.constant 193 : index
        %swap3A_1311 = tpu.vector_load %arg7[%swap3A_1308, %swap3A_1309, %swap3A_1310] {strides = array<i32>} : memref<8x8x513xf32, #tpu.memory_space<vmem>>, vector<16xf32>,
        tpu.vector_store %arg7[%swap3A_1308, %swap3A_1309, %swap3A_1310], %gather3A_1306 {strides = array<i32>} : memref<8x8x513xf32, #tpu.memory_space<vmem>>, vector<16xf32>,
        %add3A_1312 = arith.addi %broadcast_in_dim3A_486, %get3A_1276 : vector<16xi32>
        %gather3A_1313 = tpu.vector_load_idx %arg5[%add3A_1312] : memref<2048xf32, #tpu.memory_space<vmem>>[vector<16xi32>], vector<16xf32>,
        %swap3A_1314 = arith.constant 5 : i32
        %swap3A_1315 = arith.index_cast %swap3A_1314 : i32 to index
        %swap3A_1316 = arith.index_cast %add3A_567 : i32 to index
        %swap3A_1317 = arith.constant 193 : index
        %swap3A_1318 = tpu.vector_load %arg7[%swap3A_1315, %swap3A_1316, %swap3A_1317] {strides = array<i32>} : memref<8x8x513xf32, #tpu.memory_space<vmem>>, vector<16xf32>,
        tpu.vector_store %arg7[%swap3A_1315, %swap3A_1316, %swap3A_1317], %gather3A_1313 {strides = array<i32>} : memref<8x8x513xf32, #tpu.memory_space<vmem>>, vector<16xf32>,
        %add3A_1319 = arith.addi %broadcast_in_dim3A_488, %get3A_1276 : vector<16xi32>
        %gather3A_1320 = tpu.vector_load_idx %arg5[%add3A_1319] : memref<2048xf32, #tpu.memory_space<vmem>>[vector<16xi32>], vector<16xf32>,
        %swap3A_1321 = arith.constant 6 : i32
        %swap3A_1322 = arith.index_cast %swap3A_1321 : i32 to index
        %swap3A_1323 = arith.index_cast %add3A_567 : i32 to index
        %swap3A_1324 = arith.constant 193 : index
        %swap3A_1325 = tpu.vector_load %arg7[%swap3A_1322, %swap3A_1323, %swap3A_1324] {strides = array<i32>} : memref<8x8x513xf32, #tpu.memory_space<vmem>>, vector<16xf32>,
        tpu.vector_store %arg7[%swap3A_1322, %swap3A_1323, %swap3A_1324], %gather3A_1320 {strides = array<i32>} : memref<8x8x513xf32, #tpu.memory_space<vmem>>, vector<16xf32>,
        %add3A_1326 = arith.addi %broadcast_in_dim3A_490, %get3A_1276 : vector<16xi32>
        %gather3A_1327 = tpu.vector_load_idx %arg5[%add3A_1326] : memref<2048xf32, #tpu.memory_space<vmem>>[vector<16xi32>], vector<16xf32>,
        %swap3A_1328 = arith.constant 7 : i32
        %swap3A_1329 = arith.index_cast %swap3A_1328 : i32 to index
        %swap3A_1330 = arith.index_cast %add3A_567 : i32 to index
        %swap3A_1331 = arith.constant 193 : index
        %swap3A_1332 = tpu.vector_load %arg7[%swap3A_1329, %swap3A_1330, %swap3A_1331] {strides = array<i32>} : memref<8x8x513xf32, #tpu.memory_space<vmem>>, vector<16xf32>,
        tpu.vector_store %arg7[%swap3A_1329, %swap3A_1330, %swap3A_1331], %gather3A_1327 {strides = array<i32>} : memref<8x8x513xf32, #tpu.memory_space<vmem>>, vector<16xf32>,
        %get3A_1333 = arith.index_cast %add3A_567 : i32 to index
        %get3A_1334 = arith.constant 208 : index
        %get3A_1335 = tpu.vector_load %arg6[%get3A_1333, %get3A_1334] {strides = array<i32>} : memref<8x512xi32, #tpu.memory_space<vmem>>, vector<16xi32>,
        %add3A_1336 = arith.addi %broadcast_in_dim3A_476, %get3A_1335 : vector<16xi32>
        %gather3A_1337 = tpu.vector_load_idx %arg5[%add3A_1336] : memref<2048xf32, #tpu.memory_space<vmem>>[vector<16xi32>], vector<16xf32>,
        %swap3A_1338 = arith.constant 0 : i32
        %swap3A_1339 = arith.index_cast %swap3A_1338 : i32 to index
        %swap3A_1340 = arith.index_cast %add3A_567 : i32 to index
        %swap3A_1341 = arith.constant 209 : index
        %swap3A_1342 = tpu.vector_load %arg7[%swap3A_1339, %swap3A_1340, %swap3A_1341] {strides = array<i32>} : memref<8x8x513xf32, #tpu.memory_space<vmem>>, vector<16xf32>,
        tpu.vector_store %arg7[%swap3A_1339, %swap3A_1340, %swap3A_1341], %gather3A_1337 {strides = array<i32>} : memref<8x8x513xf32, #tpu.memory_space<vmem>>, vector<16xf32>,
        %add3A_1343 = arith.addi %broadcast_in_dim3A_478, %get3A_1335 : vector<16xi32>
        %gather3A_1344 = tpu.vector_load_idx %arg5[%add3A_1343] : memref<2048xf32, #tpu.memory_space<vmem>>[vector<16xi32>], vector<16xf32>,
        %swap3A_1345 = arith.constant 1 : i32
        %swap3A_1346 = arith.index_cast %swap3A_1345 : i32 to index
        %swap3A_1347 = arith.index_cast %add3A_567 : i32 to index
        %swap3A_1348 = arith.constant 209 : index
        %swap3A_1349 = tpu.vector_load %arg7[%swap3A_1346, %swap3A_1347, %swap3A_1348] {strides = array<i32>} : memref<8x8x513xf32, #tpu.memory_space<vmem>>, vector<16xf32>,
        tpu.vector_store %arg7[%swap3A_1346, %swap3A_1347, %swap3A_1348], %gather3A_1344 {strides = array<i32>} : memref<8x8x513xf32, #tpu.memory_space<vmem>>, vector<16xf32>,
        %add3A_1350 = arith.addi %broadcast_in_dim3A_480, %get3A_1335 : vector<16xi32>
        %gather3A_1351 = tpu.vector_load_idx %arg5[%add3A_1350] : memref<2048xf32, #tpu.memory_space<vmem>>[vector<16xi32>], vector<16xf32>,
        %swap3A_1352 = arith.constant 2 : i32
        %swap3A_1353 = arith.index_cast %swap3A_1352 : i32 to index
        %swap3A_1354 = arith.index_cast %add3A_567 : i32 to index
        %swap3A_1355 = arith.constant 209 : index
        %swap3A_1356 = tpu.vector_load %arg7[%swap3A_1353, %swap3A_1354, %swap3A_1355] {strides = array<i32>} : memref<8x8x513xf32, #tpu.memory_space<vmem>>, vector<16xf32>,
        tpu.vector_store %arg7[%swap3A_1353, %swap3A_1354, %swap3A_1355], %gather3A_1351 {strides = array<i32>} : memref<8x8x513xf32, #tpu.memory_space<vmem>>, vector<16xf32>,
        %add3A_1357 = arith.addi %broadcast_in_dim3A_482, %get3A_1335 : vector<16xi32>
        %gather3A_1358 = tpu.vector_load_idx %arg5[%add3A_1357] : memref<2048xf32, #tpu.memory_space<vmem>>[vector<16xi32>], vector<16xf32>,
        %swap3A_1359 = arith.constant 3 : i32
        %swap3A_1360 = arith.index_cast %swap3A_1359 : i32 to index
        %swap3A_1361 = arith.index_cast %add3A_567 : i32 to index
        %swap3A_1362 = arith.constant 209 : index
        %swap3A_1363 = tpu.vector_load %arg7[%swap3A_1360, %swap3A_1361, %swap3A_1362] {strides = array<i32>} : memref<8x8x513xf32, #tpu.memory_space<vmem>>, vector<16xf32>,
        tpu.vector_store %arg7[%swap3A_1360, %swap3A_1361, %swap3A_1362], %gather3A_1358 {strides = array<i32>} : memref<8x8x513xf32, #tpu.memory_space<vmem>>, vector<16xf32>,
        %add3A_1364 = arith.addi %broadcast_in_dim3A_484, %get3A_1335 : vector<16xi32>
        %gather3A_1365 = tpu.vector_load_idx %arg5[%add3A_1364] : memref<2048xf32, #tpu.memory_space<vmem>>[vector<16xi32>], vector<16xf32>,
        %swap3A_1366 = arith.constant 4 : i32
        %swap3A_1367 = arith.index_cast %swap3A_1366 : i32 to index
        %swap3A_1368 = arith.index_cast %add3A_567 : i32 to index
        %swap3A_1369 = arith.constant 209 : index
        %swap3A_1370 = tpu.vector_load %arg7[%swap3A_1367, %swap3A_1368, %swap3A_1369] {strides = array<i32>} : memref<8x8x513xf32, #tpu.memory_space<vmem>>, vector<16xf32>,
        tpu.vector_store %arg7[%swap3A_1367, %swap3A_1368, %swap3A_1369], %gather3A_1365 {strides = array<i32>} : memref<8x8x513xf32, #tpu.memory_space<vmem>>, vector<16xf32>,
        %add3A_1371 = arith.addi %broadcast_in_dim3A_486, %get3A_1335 : vector<16xi32>
        %gather3A_1372 = tpu.vector_load_idx %arg5[%add3A_1371] : memref<2048xf32, #tpu.memory_space<vmem>>[vector<16xi32>], vector<16xf32>,
        %swap3A_1373 = arith.constant 5 : i32
        %swap3A_1374 = arith.index_cast %swap3A_1373 : i32 to index
        %swap3A_1375 = arith.index_cast %add3A_567 : i32 to index
        %swap3A_1376 = arith.constant 209 : index
        %swap3A_1377 = tpu.vector_load %arg7[%swap3A_1374, %swap3A_1375, %swap3A_1376] {strides = array<i32>} : memref<8x8x513xf32, #tpu.memory_space<vmem>>, vector<16xf32>,
        tpu.vector_store %arg7[%swap3A_1374, %swap3A_1375, %swap3A_1376], %gather3A_1372 {strides = array<i32>} : memref<8x8x513xf32, #tpu.memory_space<vmem>>, vector<16xf32>,
        %add3A_1378 = arith.addi %broadcast_in_dim3A_488, %get3A_1335 : vector<16xi32>
        %gather3A_1379 = tpu.vector_load_idx %arg5[%add3A_1378] : memref<2048xf32, #tpu.memory_space<vmem>>[vector<16xi32>], vector<16xf32>,
        %swap3A_1380 = arith.constant 6 : i32
        %swap3A_1381 = arith.index_cast %swap3A_1380 : i32 to index
        %swap3A_1382 = arith.index_cast %add3A_567 : i32 to index
        %swap3A_1383 = arith.constant 209 : index
        %swap3A_1384 = tpu.vector_load %arg7[%swap3A_1381, %swap3A_1382, %swap3A_1383] {strides = array<i32>} : memref<8x8x513xf32, #tpu.memory_space<vmem>>, vector<16xf32>,
        tpu.vector_store %arg7[%swap3A_1381, %swap3A_1382, %swap3A_1383], %gather3A_1379 {strides = array<i32>} : memref<8x8x513xf32, #tpu.memory_space<vmem>>, vector<16xf32>,
        %add3A_1385 = arith.addi %broadcast_in_dim3A_490, %get3A_1335 : vector<16xi32>
        %gather3A_1386 = tpu.vector_load_idx %arg5[%add3A_1385] : memref<2048xf32, #tpu.memory_space<vmem>>[vector<16xi32>], vector<16xf32>,
        %swap3A_1387 = arith.constant 7 : i32
        %swap3A_1388 = arith.index_cast %swap3A_1387 : i32 to index
        %swap3A_1389 = arith.index_cast %add3A_567 : i32 to index
        %swap3A_1390 = arith.constant 209 : index
        %swap3A_1391 = tpu.vector_load %arg7[%swap3A_1388, %swap3A_1389, %swap3A_1390] {strides = array<i32>} : memref<8x8x513xf32, #tpu.memory_space<vmem>>, vector<16xf32>,
        tpu.vector_store %arg7[%swap3A_1388, %swap3A_1389, %swap3A_1390], %gather3A_1386 {strides = array<i32>} : memref<8x8x513xf32, #tpu.memory_space<vmem>>, vector<16xf32>,
        %get3A_1392 = arith.index_cast %add3A_567 : i32 to index
        %get3A_1393 = arith.constant 224 : index
        %get3A_1394 = tpu.vector_load %arg6[%get3A_1392, %get3A_1393] {strides = array<i32>} : memref<8x512xi32, #tpu.memory_space<vmem>>, vector<16xi32>,
        %add3A_1395 = arith.addi %broadcast_in_dim3A_476, %get3A_1394 : vector<16xi32>
        %gather3A_1396 = tpu.vector_load_idx %arg5[%add3A_1395] : memref<2048xf32, #tpu.memory_space<vmem>>[vector<16xi32>], vector<16xf32>,
        %swap3A_1397 = arith.constant 0 : i32
        %swap3A_1398 = arith.index_cast %swap3A_1397 : i32 to index
        %swap3A_1399 = arith.index_cast %add3A_567 : i32 to index
        %swap3A_1400 = arith.constant 225 : index
        %swap3A_1401 = tpu.vector_load %arg7[%swap3A_1398, %swap3A_1399, %swap3A_1400] {strides = array<i32>} : memref<8x8x513xf32, #tpu.memory_space<vmem>>, vector<16xf32>,
        tpu.vector_store %arg7[%swap3A_1398, %swap3A_1399, %swap3A_1400], %gather3A_1396 {strides = array<i32>} : memref<8x8x513xf32, #tpu.memory_space<vmem>>, vector<16xf32>,
        %add3A_1402 = arith.addi %broadcast_in_dim3A_478, %get3A_1394 : vector<16xi32>
        %gather3A_1403 = tpu.vector_load_idx %arg5[%add3A_1402] : memref<2048xf32, #tpu.memory_space<vmem>>[vector<16xi32>], vector<16xf32>,
        %swap3A_1404 = arith.constant 1 : i32
        %swap3A_1405 = arith.index_cast %swap3A_1404 : i32 to index
        %swap3A_1406 = arith.index_cast %add3A_567 : i32 to index
        %swap3A_1407 = arith.constant 225 : index
        %swap3A_1408 = tpu.vector_load %arg7[%swap3A_1405, %swap3A_1406, %swap3A_1407] {strides = array<i32>} : memref<8x8x513xf32, #tpu.memory_space<vmem>>, vector<16xf32>,
        tpu.vector_store %arg7[%swap3A_1405, %swap3A_1406, %swap3A_1407], %gather3A_1403 {strides = array<i32>} : memref<8x8x513xf32, #tpu.memory_space<vmem>>, vector<16xf32>,
        %add3A_1409 = arith.addi %broadcast_in_dim3A_480, %get3A_1394 : vector<16xi32>
        %gather3A_1410 = tpu.vector_load_idx %arg5[%add3A_1409] : memref<2048xf32, #tpu.memory_space<vmem>>[vector<16xi32>], vector<16xf32>,
        %swap3A_1411 = arith.constant 2 : i32
        %swap3A_1412 = arith.index_cast %swap3A_1411 : i32 to index
        %swap3A_1413 = arith.index_cast %add3A_567 : i32 to index
        %swap3A_1414 = arith.constant 225 : index
        %swap3A_1415 = tpu.vector_load %arg7[%swap3A_1412, %swap3A_1413, %swap3A_1414] {strides = array<i32>} : memref<8x8x513xf32, #tpu.memory_space<vmem>>, vector<16xf32>,
        tpu.vector_store %arg7[%swap3A_1412, %swap3A_1413, %swap3A_1414], %gather3A_1410 {strides = array<i32>} : memref<8x8x513xf32, #tpu.memory_space<vmem>>, vector<16xf32>,
        %add3A_1416 = arith.addi %broadcast_in_dim3A_482, %get3A_1394 : vector<16xi32>
        %gather3A_1417 = tpu.vector_load_idx %arg5[%add3A_1416] : memref<2048xf32, #tpu.memory_space<vmem>>[vector<16xi32>], vector<16xf32>,
        %swap3A_1418 = arith.constant 3 : i32
        %swap3A_1419 = arith.index_cast %swap3A_1418 : i32 to index
        %swap3A_1420 = arith.index_cast %add3A_567 : i32 to index
        %swap3A_1421 = arith.constant 225 : index
        %swap3A_1422 = tpu.vector_load %arg7[%swap3A_1419, %swap3A_1420, %swap3A_1421] {strides = array<i32>} : memref<8x8x513xf32, #tpu.memory_space<vmem>>, vector<16xf32>,
        tpu.vector_store %arg7[%swap3A_1419, %swap3A_1420, %swap3A_1421], %gather3A_1417 {strides = array<i32>} : memref<8x8x513xf32, #tpu.memory_space<vmem>>, vector<16xf32>,
        %add3A_1423 = arith.addi %broadcast_in_dim3A_484, %get3A_1394 : vector<16xi32>
        %gather3A_1424 = tpu.vector_load_idx %arg5[%add3A_1423] : memref<2048xf32, #tpu.memory_space<vmem>>[vector<16xi32>], vector<16xf32>,
        %swap3A_1425 = arith.constant 4 : i32
        %swap3A_1426 = arith.index_cast %swap3A_1425 : i32 to index
        %swap3A_1427 = arith.index_cast %add3A_567 : i32 to index
        %swap3A_1428 = arith.constant 225 : index
        %swap3A_1429 = tpu.vector_load %arg7[%swap3A_1426, %swap3A_1427, %swap3A_1428] {strides = array<i32>} : memref<8x8x513xf32, #tpu.memory_space<vmem>>, vector<16xf32>,
        tpu.vector_store %arg7[%swap3A_1426, %swap3A_1427, %swap3A_1428], %gather3A_1424 {strides = array<i32>} : memref<8x8x513xf32, #tpu.memory_space<vmem>>, vector<16xf32>,
        %add3A_1430 = arith.addi %broadcast_in_dim3A_486, %get3A_1394 : vector<16xi32>
        %gather3A_1431 = tpu.vector_load_idx %arg5[%add3A_1430] : memref<2048xf32, #tpu.memory_space<vmem>>[vector<16xi32>], vector<16xf32>,
        %swap3A_1432 = arith.constant 5 : i32
        %swap3A_1433 = arith.index_cast %swap3A_1432 : i32 to index
        %swap3A_1434 = arith.index_cast %add3A_567 : i32 to index
        %swap3A_1435 = arith.constant 225 : index
        %swap3A_1436 = tpu.vector_load %arg7[%swap3A_1433, %swap3A_1434, %swap3A_1435] {strides = array<i32>} : memref<8x8x513xf32, #tpu.memory_space<vmem>>, vector<16xf32>,
        tpu.vector_store %arg7[%swap3A_1433, %swap3A_1434, %swap3A_1435], %gather3A_1431 {strides = array<i32>} : memref<8x8x513xf32, #tpu.memory_space<vmem>>, vector<16xf32>,
        %add3A_1437 = arith.addi %broadcast_in_dim3A_488, %get3A_1394 : vector<16xi32>
        %gather3A_1438 = tpu.vector_load_idx %arg5[%add3A_1437] : memref<2048xf32, #tpu.memory_space<vmem>>[vector<16xi32>], vector<16xf32>,
        %swap3A_1439 = arith.constant 6 : i32
        %swap3A_1440 = arith.index_cast %swap3A_1439 : i32 to index
        %swap3A_1441 = arith.index_cast %add3A_567 : i32 to index
        %swap3A_1442 = arith.constant 225 : index
        %swap3A_1443 = tpu.vector_load %arg7[%swap3A_1440, %swap3A_1441, %swap3A_1442] {strides = array<i32>} : memref<8x8x513xf32, #tpu.memory_space<vmem>>, vector<16xf32>,
        tpu.vector_store %arg7[%swap3A_1440, %swap3A_1441, %swap3A_1442], %gather3A_1438 {strides = array<i32>} : memref<8x8x513xf32, #tpu.memory_space<vmem>>, vector<16xf32>,
        %add3A_1444 = arith.addi %broadcast_in_dim3A_490, %get3A_1394 : vector<16xi32>
        %gather3A_1445 = tpu.vector_load_idx %arg5[%add3A_1444] : memref<2048xf32, #tpu.memory_space<vmem>>[vector<16xi32>], vector<16xf32>,
        %swap3A_1446 = arith.constant 7 : i32
        %swap3A_1447 = arith.index_cast %swap3A_1446 : i32 to index
        %swap3A_1448 = arith.index_cast %add3A_567 : i32 to index
        %swap3A_1449 = arith.constant 225 : index
        %swap3A_1450 = tpu.vector_load %arg7[%swap3A_1447, %swap3A_1448, %swap3A_1449] {strides = array<i32>} : memref<8x8x513xf32, #tpu.memory_space<vmem>>, vector<16xf32>,
        tpu.vector_store %arg7[%swap3A_1447, %swap3A_1448, %swap3A_1449], %gather3A_1445 {strides = array<i32>} : memref<8x8x513xf32, #tpu.memory_space<vmem>>, vector<16xf32>,
        %get3A_1451 = arith.index_cast %add3A_567 : i32 to index
        %get3A_1452 = arith.constant 240 : index
        %get3A_1453 = tpu.vector_load %arg6[%get3A_1451, %get3A_1452] {strides = array<i32>} : memref<8x512xi32, #tpu.memory_space<vmem>>, vector<16xi32>,
        %add3A_1454 = arith.addi %broadcast_in_dim3A_476, %get3A_1453 : vector<16xi32>
        %gather3A_1455 = tpu.vector_load_idx %arg5[%add3A_1454] : memref<2048xf32, #tpu.memory_space<vmem>>[vector<16xi32>], vector<16xf32>,
        %swap3A_1456 = arith.constant 0 : i32
        %swap3A_1457 = arith.index_cast %swap3A_1456 : i32 to index
        %swap3A_1458 = arith.index_cast %add3A_567 : i32 to index
        %swap3A_1459 = arith.constant 241 : index
        %swap3A_1460 = tpu.vector_load %arg7[%swap3A_1457, %swap3A_1458, %swap3A_1459] {strides = array<i32>} : memref<8x8x513xf32, #tpu.memory_space<vmem>>, vector<16xf32>,
        tpu.vector_store %arg7[%swap3A_1457, %swap3A_1458, %swap3A_1459], %gather3A_1455 {strides = array<i32>} : memref<8x8x513xf32, #tpu.memory_space<vmem>>, vector<16xf32>,
        %add3A_1461 = arith.addi %broadcast_in_dim3A_478, %get3A_1453 : vector<16xi32>
        %gather3A_1462 = tpu.vector_load_idx %arg5[%add3A_1461] : memref<2048xf32, #tpu.memory_space<vmem>>[vector<16xi32>], vector<16xf32>,
        %swap3A_1463 = arith.constant 1 : i32
        %swap3A_1464 = arith.index_cast %swap3A_1463 : i32 to index
        %swap3A_1465 = arith.index_cast %add3A_567 : i32 to index
        %swap3A_1466 = arith.constant 241 : index
        %swap3A_1467 = tpu.vector_load %arg7[%swap3A_1464, %swap3A_1465, %swap3A_1466] {strides = array<i32>} : memref<8x8x513xf32, #tpu.memory_space<vmem>>, vector<16xf32>,
        tpu.vector_store %arg7[%swap3A_1464, %swap3A_1465, %swap3A_1466], %gather3A_1462 {strides = array<i32>} : memref<8x8x513xf32, #tpu.memory_space<vmem>>, vector<16xf32>,
        %add3A_1468 = arith.addi %broadcast_in_dim3A_480, %get3A_1453 : vector<16xi32>
        %gather3A_1469 = tpu.vector_load_idx %arg5[%add3A_1468] : memref<2048xf32, #tpu.memory_space<vmem>>[vector<16xi32>], vector<16xf32>,
        %swap3A_1470 = arith.constant 2 : i32
        %swap3A_1471 = arith.index_cast %swap3A_1470 : i32 to index
        %swap3A_1472 = arith.index_cast %add3A_567 : i32 to index
        %swap3A_1473 = arith.constant 241 : index
        %swap3A_1474 = tpu.vector_load %arg7[%swap3A_1471, %swap3A_1472, %swap3A_1473] {strides = array<i32>} : memref<8x8x513xf32, #tpu.memory_space<vmem>>, vector<16xf32>,
        tpu.vector_store %arg7[%swap3A_1471, %swap3A_1472, %swap3A_1473], %gather3A_1469 {strides = array<i32>} : memref<8x8x513xf32, #tpu.memory_space<vmem>>, vector<16xf32>,
        %add3A_1475 = arith.addi %broadcast_in_dim3A_482, %get3A_1453 : vector<16xi32>
        %gather3A_1476 = tpu.vector_load_idx %arg5[%add3A_1475] : memref<2048xf32, #tpu.memory_space<vmem>>[vector<16xi32>], vector<16xf32>,
        %swap3A_1477 = arith.constant 3 : i32
        %swap3A_1478 = arith.index_cast %swap3A_1477 : i32 to index
        %swap3A_1479 = arith.index_cast %add3A_567 : i32 to index
        %swap3A_1480 = arith.constant 241 : index
        %swap3A_1481 = tpu.vector_load %arg7[%swap3A_1478, %swap3A_1479, %swap3A_1480] {strides = array<i32>} : memref<8x8x513xf32, #tpu.memory_space<vmem>>, vector<16xf32>,
        tpu.vector_store %arg7[%swap3A_1478, %swap3A_1479, %swap3A_1480], %gather3A_1476 {strides = array<i32>} : memref<8x8x513xf32, #tpu.memory_space<vmem>>, vector<16xf32>,
        %add3A_1482 = arith.addi %broadcast_in_dim3A_484, %get3A_1453 : vector<16xi32>
        %gather3A_1483 = tpu.vector_load_idx %arg5[%add3A_1482] : memref<2048xf32, #tpu.memory_space<vmem>>[vector<16xi32>], vector<16xf32>,
        %swap3A_1484 = arith.constant 4 : i32
        %swap3A_1485 = arith.index_cast %swap3A_1484 : i32 to index
        %swap3A_1486 = arith.index_cast %add3A_567 : i32 to index
        %swap3A_1487 = arith.constant 241 : index
        %swap3A_1488 = tpu.vector_load %arg7[%swap3A_1485, %swap3A_1486, %swap3A_1487] {strides = array<i32>} : memref<8x8x513xf32, #tpu.memory_space<vmem>>, vector<16xf32>,
        tpu.vector_store %arg7[%swap3A_1485, %swap3A_1486, %swap3A_1487], %gather3A_1483 {strides = array<i32>} : memref<8x8x513xf32, #tpu.memory_space<vmem>>, vector<16xf32>,
        %add3A_1489 = arith.addi %broadcast_in_dim3A_486, %get3A_1453 : vector<16xi32>
        %gather3A_1490 = tpu.vector_load_idx %arg5[%add3A_1489] : memref<2048xf32, #tpu.memory_space<vmem>>[vector<16xi32>], vector<16xf32>,
        %swap3A_1491 = arith.constant 5 : i32
        %swap3A_1492 = arith.index_cast %swap3A_1491 : i32 to index
        %swap3A_1493 = arith.index_cast %add3A_567 : i32 to index
        %swap3A_1494 = arith.constant 241 : index
        %swap3A_1495 = tpu.vector_load %arg7[%swap3A_1492, %swap3A_1493, %swap3A_1494] {strides = array<i32>} : memref<8x8x513xf32, #tpu.memory_space<vmem>>, vector<16xf32>,
        tpu.vector_store %arg7[%swap3A_1492, %swap3A_1493, %swap3A_1494], %gather3A_1490 {strides = array<i32>} : memref<8x8x513xf32, #tpu.memory_space<vmem>>, vector<16xf32>,
        %add3A_1496 = arith.addi %broadcast_in_dim3A_488, %get3A_1453 : vector<16xi32>
        %gather3A_1497 = tpu.vector_load_idx %arg5[%add3A_1496] : memref<2048xf32, #tpu.memory_space<vmem>>[vector<16xi32>], vector<16xf32>,
        %swap3A_1498 = arith.constant 6 : i32
        %swap3A_1499 = arith.index_cast %swap3A_1498 : i32 to index
        %swap3A_1500 = arith.index_cast %add3A_567 : i32 to index
        %swap3A_1501 = arith.constant 241 : index
        %swap3A_1502 = tpu.vector_load %arg7[%swap3A_1499, %swap3A_1500, %swap3A_1501] {strides = array<i32>} : memref<8x8x513xf32, #tpu.memory_space<vmem>>, vector<16xf32>,
        tpu.vector_store %arg7[%swap3A_1499, %swap3A_1500, %swap3A_1501], %gather3A_1497 {strides = array<i32>} : memref<8x8x513xf32, #tpu.memory_space<vmem>>, vector<16xf32>,
        %add3A_1503 = arith.addi %broadcast_in_dim3A_490, %get3A_1453 : vector<16xi32>
        %gather3A_1504 = tpu.vector_load_idx %arg5[%add3A_1503] : memref<2048xf32, #tpu.memory_space<vmem>>[vector<16xi32>], vector<16xf32>,
        %swap3A_1505 = arith.constant 7 : i32
        %swap3A_1506 = arith.index_cast %swap3A_1505 : i32 to index
        %swap3A_1507 = arith.index_cast %add3A_567 : i32 to index
        %swap3A_1508 = arith.constant 241 : index
        %swap3A_1509 = tpu.vector_load %arg7[%swap3A_1506, %swap3A_1507, %swap3A_1508] {strides = array<i32>} : memref<8x8x513xf32, #tpu.memory_space<vmem>>, vector<16xf32>,
        tpu.vector_store %arg7[%swap3A_1506, %swap3A_1507, %swap3A_1508], %gather3A_1504 {strides = array<i32>} : memref<8x8x513xf32, #tpu.memory_space<vmem>>, vector<16xf32>,
        %get3A_1510 = arith.index_cast %add3A_567 : i32 to index
        %get3A_1511 = arith.constant 256 : index
        %get3A_1512 = tpu.vector_load %arg6[%get3A_1510, %get3A_1511] {strides = array<i32>} : memref<8x512xi32, #tpu.memory_space<vmem>>, vector<16xi32>,
        %add3A_1513 = arith.addi %broadcast_in_dim3A_476, %get3A_1512 : vector<16xi32>
        %gather3A_1514 = tpu.vector_load_idx %arg5[%add3A_1513] : memref<2048xf32, #tpu.memory_space<vmem>>[vector<16xi32>], vector<16xf32>,
        %swap3A_1515 = arith.constant 0 : i32
        %swap3A_1516 = arith.index_cast %swap3A_1515 : i32 to index
        %swap3A_1517 = arith.index_cast %add3A_567 : i32 to index
        %swap3A_1518 = arith.constant 257 : index
        %swap3A_1519 = tpu.vector_load %arg7[%swap3A_1516, %swap3A_1517, %swap3A_1518] {strides = array<i32>} : memref<8x8x513xf32, #tpu.memory_space<vmem>>, vector<16xf32>,
        tpu.vector_store %arg7[%swap3A_1516, %swap3A_1517, %swap3A_1518], %gather3A_1514 {strides = array<i32>} : memref<8x8x513xf32, #tpu.memory_space<vmem>>, vector<16xf32>,
        %add3A_1520 = arith.addi %broadcast_in_dim3A_478, %get3A_1512 : vector<16xi32>
        %gather3A_1521 = tpu.vector_load_idx %arg5[%add3A_1520] : memref<2048xf32, #tpu.memory_space<vmem>>[vector<16xi32>], vector<16xf32>,
        %swap3A_1522 = arith.constant 1 : i32
        %swap3A_1523 = arith.index_cast %swap3A_1522 : i32 to index
        %swap3A_1524 = arith.index_cast %add3A_567 : i32 to index
        %swap3A_1525 = arith.constant 257 : index
        %swap3A_1526 = tpu.vector_load %arg7[%swap3A_1523, %swap3A_1524, %swap3A_1525] {strides = array<i32>} : memref<8x8x513xf32, #tpu.memory_space<vmem>>, vector<16xf32>,
        tpu.vector_store %arg7[%swap3A_1523, %swap3A_1524, %swap3A_1525], %gather3A_1521 {strides = array<i32>} : memref<8x8x513xf32, #tpu.memory_space<vmem>>, vector<16xf32>,
        %add3A_1527 = arith.addi %broadcast_in_dim3A_480, %get3A_1512 : vector<16xi32>
        %gather3A_1528 = tpu.vector_load_idx %arg5[%add3A_1527] : memref<2048xf32, #tpu.memory_space<vmem>>[vector<16xi32>], vector<16xf32>,
        %swap3A_1529 = arith.constant 2 : i32
        %swap3A_1530 = arith.index_cast %swap3A_1529 : i32 to index
        %swap3A_1531 = arith.index_cast %add3A_567 : i32 to index
        %swap3A_1532 = arith.constant 257 : index
        %swap3A_1533 = tpu.vector_load %arg7[%swap3A_1530, %swap3A_1531, %swap3A_1532] {strides = array<i32>} : memref<8x8x513xf32, #tpu.memory_space<vmem>>, vector<16xf32>,
        tpu.vector_store %arg7[%swap3A_1530, %swap3A_1531, %swap3A_1532], %gather3A_1528 {strides = array<i32>} : memref<8x8x513xf32, #tpu.memory_space<vmem>>, vector<16xf32>,
        %add3A_1534 = arith.addi %broadcast_in_dim3A_482, %get3A_1512 : vector<16xi32>
        %gather3A_1535 = tpu.vector_load_idx %arg5[%add3A_1534] : memref<2048xf32, #tpu.memory_space<vmem>>[vector<16xi32>], vector<16xf32>,
        %swap3A_1536 = arith.constant 3 : i32
        %swap3A_1537 = arith.index_cast %swap3A_1536 : i32 to index
        %swap3A_1538 = arith.index_cast %add3A_567 : i32 to index
        %swap3A_1539 = arith.constant 257 : index
        %swap3A_1540 = tpu.vector_load %arg7[%swap3A_1537, %swap3A_1538, %swap3A_1539] {strides = array<i32>} : memref<8x8x513xf32, #tpu.memory_space<vmem>>, vector<16xf32>,
        tpu.vector_store %arg7[%swap3A_1537, %swap3A_1538, %swap3A_1539], %gather3A_1535 {strides = array<i32>} : memref<8x8x513xf32, #tpu.memory_space<vmem>>, vector<16xf32>,
        %add3A_1541 = arith.addi %broadcast_in_dim3A_484, %get3A_1512 : vector<16xi32>
        %gather3A_1542 = tpu.vector_load_idx %arg5[%add3A_1541] : memref<2048xf32, #tpu.memory_space<vmem>>[vector<16xi32>], vector<16xf32>,
        %swap3A_1543 = arith.constant 4 : i32
        %swap3A_1544 = arith.index_cast %swap3A_1543 : i32 to index
        %swap3A_1545 = arith.index_cast %add3A_567 : i32 to index
        %swap3A_1546 = arith.constant 257 : index
        %swap3A_1547 = tpu.vector_load %arg7[%swap3A_1544, %swap3A_1545, %swap3A_1546] {strides = array<i32>} : memref<8x8x513xf32, #tpu.memory_space<vmem>>, vector<16xf32>,
        tpu.vector_store %arg7[%swap3A_1544, %swap3A_1545, %swap3A_1546], %gather3A_1542 {strides = array<i32>} : memref<8x8x513xf32, #tpu.memory_space<vmem>>, vector<16xf32>,
        %add3A_1548 = arith.addi %broadcast_in_dim3A_486, %get3A_1512 : vector<16xi32>
        %gather3A_1549 = tpu.vector_load_idx %arg5[%add3A_1548] : memref<2048xf32, #tpu.memory_space<vmem>>[vector<16xi32>], vector<16xf32>,
        %swap3A_1550 = arith.constant 5 : i32
        %swap3A_1551 = arith.index_cast %swap3A_1550 : i32 to index
        %swap3A_1552 = arith.index_cast %add3A_567 : i32 to index
        %swap3A_1553 = arith.constant 257 : index
        %swap3A_1554 = tpu.vector_load %arg7[%swap3A_1551, %swap3A_1552, %swap3A_1553] {strides = array<i32>} : memref<8x8x513xf32, #tpu.memory_space<vmem>>, vector<16xf32>,
        tpu.vector_store %arg7[%swap3A_1551, %swap3A_1552, %swap3A_1553], %gather3A_1549 {strides = array<i32>} : memref<8x8x513xf32, #tpu.memory_space<vmem>>, vector<16xf32>,
        %add3A_1555 = arith.addi %broadcast_in_dim3A_488, %get3A_1512 : vector<16xi32>
        %gather3A_1556 = tpu.vector_load_idx %arg5[%add3A_1555] : memref<2048xf32, #tpu.memory_space<vmem>>[vector<16xi32>], vector<16xf32>,
        %swap3A_1557 = arith.constant 6 : i32
        %swap3A_1558 = arith.index_cast %swap3A_1557 : i32 to index
        %swap3A_1559 = arith.index_cast %add3A_567 : i32 to index
        %swap3A_1560 = arith.constant 257 : index
        %swap3A_1561 = tpu.vector_load %arg7[%swap3A_1558, %swap3A_1559, %swap3A_1560] {strides = array<i32>} : memref<8x8x513xf32, #tpu.memory_space<vmem>>, vector<16xf32>,
        tpu.vector_store %arg7[%swap3A_1558, %swap3A_1559, %swap3A_1560], %gather3A_1556 {strides = array<i32>} : memref<8x8x513xf32, #tpu.memory_space<vmem>>, vector<16xf32>,
        %add3A_1562 = arith.addi %broadcast_in_dim3A_490, %get3A_1512 : vector<16xi32>
        %gather3A_1563 = tpu.vector_load_idx %arg5[%add3A_1562] : memref<2048xf32, #tpu.memory_space<vmem>>[vector<16xi32>], vector<16xf32>,
        %swap3A_1564 = arith.constant 7 : i32
        %swap3A_1565 = arith.index_cast %swap3A_1564 : i32 to index
        %swap3A_1566 = arith.index_cast %add3A_567 : i32 to index
        %swap3A_1567 = arith.constant 257 : index
        %swap3A_1568 = tpu.vector_load %arg7[%swap3A_1565, %swap3A_1566, %swap3A_1567] {strides = array<i32>} : memref<8x8x513xf32, #tpu.memory_space<vmem>>, vector<16xf32>,
        tpu.vector_store %arg7[%swap3A_1565, %swap3A_1566, %swap3A_1567], %gather3A_1563 {strides = array<i32>} : memref<8x8x513xf32, #tpu.memory_space<vmem>>, vector<16xf32>,
        %get3A_1569 = arith.index_cast %add3A_567 : i32 to index
        %get3A_1570 = arith.constant 272 : index
        %get3A_1571 = tpu.vector_load %arg6[%get3A_1569, %get3A_1570] {strides = array<i32>} : memref<8x512xi32, #tpu.memory_space<vmem>>, vector<16xi32>,
        %add3A_1572 = arith.addi %broadcast_in_dim3A_476, %get3A_1571 : vector<16xi32>
        %gather3A_1573 = tpu.vector_load_idx %arg5[%add3A_1572] : memref<2048xf32, #tpu.memory_space<vmem>>[vector<16xi32>], vector<16xf32>,
        %swap3A_1574 = arith.constant 0 : i32
        %swap3A_1575 = arith.index_cast %swap3A_1574 : i32 to index
        %swap3A_1576 = arith.index_cast %add3A_567 : i32 to index
        %swap3A_1577 = arith.constant 273 : index
        %swap3A_1578 = tpu.vector_load %arg7[%swap3A_1575, %swap3A_1576, %swap3A_1577] {strides = array<i32>} : memref<8x8x513xf32, #tpu.memory_space<vmem>>, vector<16xf32>,
        tpu.vector_store %arg7[%swap3A_1575, %swap3A_1576, %swap3A_1577], %gather3A_1573 {strides = array<i32>} : memref<8x8x513xf32, #tpu.memory_space<vmem>>, vector<16xf32>,
        %add3A_1579 = arith.addi %broadcast_in_dim3A_478, %get3A_1571 : vector<16xi32>
        %gather3A_1580 = tpu.vector_load_idx %arg5[%add3A_1579] : memref<2048xf32, #tpu.memory_space<vmem>>[vector<16xi32>], vector<16xf32>,
        %swap3A_1581 = arith.constant 1 : i32
        %swap3A_1582 = arith.index_cast %swap3A_1581 : i32 to index
        %swap3A_1583 = arith.index_cast %add3A_567 : i32 to index
        %swap3A_1584 = arith.constant 273 : index
        %swap3A_1585 = tpu.vector_load %arg7[%swap3A_1582, %swap3A_1583, %swap3A_1584] {strides = array<i32>} : memref<8x8x513xf32, #tpu.memory_space<vmem>>, vector<16xf32>,
        tpu.vector_store %arg7[%swap3A_1582, %swap3A_1583, %swap3A_1584], %gather3A_1580 {strides = array<i32>} : memref<8x8x513xf32, #tpu.memory_space<vmem>>, vector<16xf32>,
        %add3A_1586 = arith.addi %broadcast_in_dim3A_480, %get3A_1571 : vector<16xi32>
        %gather3A_1587 = tpu.vector_load_idx %arg5[%add3A_1586] : memref<2048xf32, #tpu.memory_space<vmem>>[vector<16xi32>], vector<16xf32>,
        %swap3A_1588 = arith.constant 2 : i32
        %swap3A_1589 = arith.index_cast %swap3A_1588 : i32 to index
        %swap3A_1590 = arith.index_cast %add3A_567 : i32 to index
        %swap3A_1591 = arith.constant 273 : index
        %swap3A_1592 = tpu.vector_load %arg7[%swap3A_1589, %swap3A_1590, %swap3A_1591] {strides = array<i32>} : memref<8x8x513xf32, #tpu.memory_space<vmem>>, vector<16xf32>,
        tpu.vector_store %arg7[%swap3A_1589, %swap3A_1590, %swap3A_1591], %gather3A_1587 {strides = array<i32>} : memref<8x8x513xf32, #tpu.memory_space<vmem>>, vector<16xf32>,
        %add3A_1593 = arith.addi %broadcast_in_dim3A_482, %get3A_1571 : vector<16xi32>
        %gather3A_1594 = tpu.vector_load_idx %arg5[%add3A_1593] : memref<2048xf32, #tpu.memory_space<vmem>>[vector<16xi32>], vector<16xf32>,
        %swap3A_1595 = arith.constant 3 : i32
        %swap3A_1596 = arith.index_cast %swap3A_1595 : i32 to index
        %swap3A_1597 = arith.index_cast %add3A_567 : i32 to index
        %swap3A_1598 = arith.constant 273 : index
        %swap3A_1599 = tpu.vector_load %arg7[%swap3A_1596, %swap3A_1597, %swap3A_1598] {strides = array<i32>} : memref<8x8x513xf32, #tpu.memory_space<vmem>>, vector<16xf32>,
        tpu.vector_store %arg7[%swap3A_1596, %swap3A_1597, %swap3A_1598], %gather3A_1594 {strides = array<i32>} : memref<8x8x513xf32, #tpu.memory_space<vmem>>, vector<16xf32>,
        %add3A_1600 = arith.addi %broadcast_in_dim3A_484, %get3A_1571 : vector<16xi32>
        %gather3A_1601 = tpu.vector_load_idx %arg5[%add3A_1600] : memref<2048xf32, #tpu.memory_space<vmem>>[vector<16xi32>], vector<16xf32>,
        %swap3A_1602 = arith.constant 4 : i32
        %swap3A_1603 = arith.index_cast %swap3A_1602 : i32 to index
        %swap3A_1604 = arith.index_cast %add3A_567 : i32 to index
        %swap3A_1605 = arith.constant 273 : index
        %swap3A_1606 = tpu.vector_load %arg7[%swap3A_1603, %swap3A_1604, %swap3A_1605] {strides = array<i32>} : memref<8x8x513xf32, #tpu.memory_space<vmem>>, vector<16xf32>,
        tpu.vector_store %arg7[%swap3A_1603, %swap3A_1604, %swap3A_1605], %gather3A_1601 {strides = array<i32>} : memref<8x8x513xf32, #tpu.memory_space<vmem>>, vector<16xf32>,
        %add3A_1607 = arith.addi %broadcast_in_dim3A_486, %get3A_1571 : vector<16xi32>
        %gather3A_1608 = tpu.vector_load_idx %arg5[%add3A_1607] : memref<2048xf32, #tpu.memory_space<vmem>>[vector<16xi32>], vector<16xf32>,
        %swap3A_1609 = arith.constant 5 : i32
        %swap3A_1610 = arith.index_cast %swap3A_1609 : i32 to index
        %swap3A_1611 = arith.index_cast %add3A_567 : i32 to index
        %swap3A_1612 = arith.constant 273 : index
        %swap3A_1613 = tpu.vector_load %arg7[%swap3A_1610, %swap3A_1611, %swap3A_1612] {strides = array<i32>} : memref<8x8x513xf32, #tpu.memory_space<vmem>>, vector<16xf32>,
        tpu.vector_store %arg7[%swap3A_1610, %swap3A_1611, %swap3A_1612], %gather3A_1608 {strides = array<i32>} : memref<8x8x513xf32, #tpu.memory_space<vmem>>, vector<16xf32>,
        %add3A_1614 = arith.addi %broadcast_in_dim3A_488, %get3A_1571 : vector<16xi32>
        %gather3A_1615 = tpu.vector_load_idx %arg5[%add3A_1614] : memref<2048xf32, #tpu.memory_space<vmem>>[vector<16xi32>], vector<16xf32>,
        %swap3A_1616 = arith.constant 6 : i32
        %swap3A_1617 = arith.index_cast %swap3A_1616 : i32 to index
        %swap3A_1618 = arith.index_cast %add3A_567 : i32 to index
        %swap3A_1619 = arith.constant 273 : index
        %swap3A_1620 = tpu.vector_load %arg7[%swap3A_1617, %swap3A_1618, %swap3A_1619] {strides = array<i32>} : memref<8x8x513xf32, #tpu.memory_space<vmem>>, vector<16xf32>,
        tpu.vector_store %arg7[%swap3A_1617, %swap3A_1618, %swap3A_1619], %gather3A_1615 {strides = array<i32>} : memref<8x8x513xf32, #tpu.memory_space<vmem>>, vector<16xf32>,
        %add3A_1621 = arith.addi %broadcast_in_dim3A_490, %get3A_1571 : vector<16xi32>
        %gather3A_1622 = tpu.vector_load_idx %arg5[%add3A_1621] : memref<2048xf32, #tpu.memory_space<vmem>>[vector<16xi32>], vector<16xf32>,
        %swap3A_1623 = arith.constant 7 : i32
        %swap3A_1624 = arith.index_cast %swap3A_1623 : i32 to index
        %swap3A_1625 = arith.index_cast %add3A_567 : i32 to index
        %swap3A_1626 = arith.constant 273 : index
        %swap3A_1627 = tpu.vector_load %arg7[%swap3A_1624, %swap3A_1625, %swap3A_1626] {strides = array<i32>} : memref<8x8x513xf32, #tpu.memory_space<vmem>>, vector<16xf32>,
        tpu.vector_store %arg7[%swap3A_1624, %swap3A_1625, %swap3A_1626], %gather3A_1622 {strides = array<i32>} : memref<8x8x513xf32, #tpu.memory_space<vmem>>, vector<16xf32>,
        %get3A_1628 = arith.index_cast %add3A_567 : i32 to index
        %get3A_1629 = arith.constant 288 : index
        %get3A_1630 = tpu.vector_load %arg6[%get3A_1628, %get3A_1629] {strides = array<i32>} : memref<8x512xi32, #tpu.memory_space<vmem>>, vector<16xi32>,
        %add3A_1631 = arith.addi %broadcast_in_dim3A_476, %get3A_1630 : vector<16xi32>
        %gather3A_1632 = tpu.vector_load_idx %arg5[%add3A_1631] : memref<2048xf32, #tpu.memory_space<vmem>>[vector<16xi32>], vector<16xf32>,
        %swap3A_1633 = arith.constant 0 : i32
        %swap3A_1634 = arith.index_cast %swap3A_1633 : i32 to index
        %swap3A_1635 = arith.index_cast %add3A_567 : i32 to index
        %swap3A_1636 = arith.constant 289 : index
        %swap3A_1637 = tpu.vector_load %arg7[%swap3A_1634, %swap3A_1635, %swap3A_1636] {strides = array<i32>} : memref<8x8x513xf32, #tpu.memory_space<vmem>>, vector<16xf32>,
        tpu.vector_store %arg7[%swap3A_1634, %swap3A_1635, %swap3A_1636], %gather3A_1632 {strides = array<i32>} : memref<8x8x513xf32, #tpu.memory_space<vmem>>, vector<16xf32>,
        %add3A_1638 = arith.addi %broadcast_in_dim3A_478, %get3A_1630 : vector<16xi32>
        %gather3A_1639 = tpu.vector_load_idx %arg5[%add3A_1638] : memref<2048xf32, #tpu.memory_space<vmem>>[vector<16xi32>], vector<16xf32>,
        %swap3A_1640 = arith.constant 1 : i32
        %swap3A_1641 = arith.index_cast %swap3A_1640 : i32 to index
        %swap3A_1642 = arith.index_cast %add3A_567 : i32 to index
        %swap3A_1643 = arith.constant 289 : index
        %swap3A_1644 = tpu.vector_load %arg7[%swap3A_1641, %swap3A_1642, %swap3A_1643] {strides = array<i32>} : memref<8x8x513xf32, #tpu.memory_space<vmem>>, vector<16xf32>,
        tpu.vector_store %arg7[%swap3A_1641, %swap3A_1642, %swap3A_1643], %gather3A_1639 {strides = array<i32>} : memref<8x8x513xf32, #tpu.memory_space<vmem>>, vector<16xf32>,
        %add3A_1645 = arith.addi %broadcast_in_dim3A_480, %get3A_1630 : vector<16xi32>
        %gather3A_1646 = tpu.vector_load_idx %arg5[%add3A_1645] : memref<2048xf32, #tpu.memory_space<vmem>>[vector<16xi32>], vector<16xf32>,
        %swap3A_1647 = arith.constant 2 : i32
        %swap3A_1648 = arith.index_cast %swap3A_1647 : i32 to index
        %swap3A_1649 = arith.index_cast %add3A_567 : i32 to index
        %swap3A_1650 = arith.constant 289 : index
        %swap3A_1651 = tpu.vector_load %arg7[%swap3A_1648, %swap3A_1649, %swap3A_1650] {strides = array<i32>} : memref<8x8x513xf32, #tpu.memory_space<vmem>>, vector<16xf32>,
        tpu.vector_store %arg7[%swap3A_1648, %swap3A_1649, %swap3A_1650], %gather3A_1646 {strides = array<i32>} : memref<8x8x513xf32, #tpu.memory_space<vmem>>, vector<16xf32>,
        %add3A_1652 = arith.addi %broadcast_in_dim3A_482, %get3A_1630 : vector<16xi32>
        %gather3A_1653 = tpu.vector_load_idx %arg5[%add3A_1652] : memref<2048xf32, #tpu.memory_space<vmem>>[vector<16xi32>], vector<16xf32>,
        %swap3A_1654 = arith.constant 3 : i32
        %swap3A_1655 = arith.index_cast %swap3A_1654 : i32 to index
        %swap3A_1656 = arith.index_cast %add3A_567 : i32 to index
        %swap3A_1657 = arith.constant 289 : index
        %swap3A_1658 = tpu.vector_load %arg7[%swap3A_1655, %swap3A_1656, %swap3A_1657] {strides = array<i32>} : memref<8x8x513xf32, #tpu.memory_space<vmem>>, vector<16xf32>,
        tpu.vector_store %arg7[%swap3A_1655, %swap3A_1656, %swap3A_1657], %gather3A_1653 {strides = array<i32>} : memref<8x8x513xf32, #tpu.memory_space<vmem>>, vector<16xf32>,
        %add3A_1659 = arith.addi %broadcast_in_dim3A_484, %get3A_1630 : vector<16xi32>
        %gather3A_1660 = tpu.vector_load_idx %arg5[%add3A_1659] : memref<2048xf32, #tpu.memory_space<vmem>>[vector<16xi32>], vector<16xf32>,
        %swap3A_1661 = arith.constant 4 : i32
        %swap3A_1662 = arith.index_cast %swap3A_1661 : i32 to index
        %swap3A_1663 = arith.index_cast %add3A_567 : i32 to index
        %swap3A_1664 = arith.constant 289 : index
        %swap3A_1665 = tpu.vector_load %arg7[%swap3A_1662, %swap3A_1663, %swap3A_1664] {strides = array<i32>} : memref<8x8x513xf32, #tpu.memory_space<vmem>>, vector<16xf32>,
        tpu.vector_store %arg7[%swap3A_1662, %swap3A_1663, %swap3A_1664], %gather3A_1660 {strides = array<i32>} : memref<8x8x513xf32, #tpu.memory_space<vmem>>, vector<16xf32>,
        %add3A_1666 = arith.addi %broadcast_in_dim3A_486, %get3A_1630 : vector<16xi32>
        %gather3A_1667 = tpu.vector_load_idx %arg5[%add3A_1666] : memref<2048xf32, #tpu.memory_space<vmem>>[vector<16xi32>], vector<16xf32>,
        %swap3A_1668 = arith.constant 5 : i32
        %swap3A_1669 = arith.index_cast %swap3A_1668 : i32 to index
        %swap3A_1670 = arith.index_cast %add3A_567 : i32 to index
        %swap3A_1671 = arith.constant 289 : index
        %swap3A_1672 = tpu.vector_load %arg7[%swap3A_1669, %swap3A_1670, %swap3A_1671] {strides = array<i32>} : memref<8x8x513xf32, #tpu.memory_space<vmem>>, vector<16xf32>,
        tpu.vector_store %arg7[%swap3A_1669, %swap3A_1670, %swap3A_1671], %gather3A_1667 {strides = array<i32>} : memref<8x8x513xf32, #tpu.memory_space<vmem>>, vector<16xf32>,
        %add3A_1673 = arith.addi %broadcast_in_dim3A_488, %get3A_1630 : vector<16xi32>
        %gather3A_1674 = tpu.vector_load_idx %arg5[%add3A_1673] : memref<2048xf32, #tpu.memory_space<vmem>>[vector<16xi32>], vector<16xf32>,
        %swap3A_1675 = arith.constant 6 : i32
        %swap3A_1676 = arith.index_cast %swap3A_1675 : i32 to index
        %swap3A_1677 = arith.index_cast %add3A_567 : i32 to index
        %swap3A_1678 = arith.constant 289 : index
        %swap3A_1679 = tpu.vector_load %arg7[%swap3A_1676, %swap3A_1677, %swap3A_1678] {strides = array<i32>} : memref<8x8x513xf32, #tpu.memory_space<vmem>>, vector<16xf32>,
        tpu.vector_store %arg7[%swap3A_1676, %swap3A_1677, %swap3A_1678], %gather3A_1674 {strides = array<i32>} : memref<8x8x513xf32, #tpu.memory_space<vmem>>, vector<16xf32>,
        %add3A_1680 = arith.addi %broadcast_in_dim3A_490, %get3A_1630 : vector<16xi32>
        %gather3A_1681 = tpu.vector_load_idx %arg5[%add3A_1680] : memref<2048xf32, #tpu.memory_space<vmem>>[vector<16xi32>], vector<16xf32>,
        %swap3A_1682 = arith.constant 7 : i32
        %swap3A_1683 = arith.index_cast %swap3A_1682 : i32 to index
        %swap3A_1684 = arith.index_cast %add3A_567 : i32 to index
        %swap3A_1685 = arith.constant 289 : index
        %swap3A_1686 = tpu.vector_load %arg7[%swap3A_1683, %swap3A_1684, %swap3A_1685] {strides = array<i32>} : memref<8x8x513xf32, #tpu.memory_space<vmem>>, vector<16xf32>,
        tpu.vector_store %arg7[%swap3A_1683, %swap3A_1684, %swap3A_1685], %gather3A_1681 {strides = array<i32>} : memref<8x8x513xf32, #tpu.memory_space<vmem>>, vector<16xf32>,
        %get3A_1687 = arith.index_cast %add3A_567 : i32 to index
        %get3A_1688 = arith.constant 304 : index
        %get3A_1689 = tpu.vector_load %arg6[%get3A_1687, %get3A_1688] {strides = array<i32>} : memref<8x512xi32, #tpu.memory_space<vmem>>, vector<16xi32>,
        %add3A_1690 = arith.addi %broadcast_in_dim3A_476, %get3A_1689 : vector<16xi32>
        %gather3A_1691 = tpu.vector_load_idx %arg5[%add3A_1690] : memref<2048xf32, #tpu.memory_space<vmem>>[vector<16xi32>], vector<16xf32>,
        %swap3A_1692 = arith.constant 0 : i32
        %swap3A_1693 = arith.index_cast %swap3A_1692 : i32 to index
        %swap3A_1694 = arith.index_cast %add3A_567 : i32 to index
        %swap3A_1695 = arith.constant 305 : index
        %swap3A_1696 = tpu.vector_load %arg7[%swap3A_1693, %swap3A_1694, %swap3A_1695] {strides = array<i32>} : memref<8x8x513xf32, #tpu.memory_space<vmem>>, vector<16xf32>,
        tpu.vector_store %arg7[%swap3A_1693, %swap3A_1694, %swap3A_1695], %gather3A_1691 {strides = array<i32>} : memref<8x8x513xf32, #tpu.memory_space<vmem>>, vector<16xf32>,
        %add3A_1697 = arith.addi %broadcast_in_dim3A_478, %get3A_1689 : vector<16xi32>
        %gather3A_1698 = tpu.vector_load_idx %arg5[%add3A_1697] : memref<2048xf32, #tpu.memory_space<vmem>>[vector<16xi32>], vector<16xf32>,
        %swap3A_1699 = arith.constant 1 : i32
        %swap3A_1700 = arith.index_cast %swap3A_1699 : i32 to index
        %swap3A_1701 = arith.index_cast %add3A_567 : i32 to index
        %swap3A_1702 = arith.constant 305 : index
        %swap3A_1703 = tpu.vector_load %arg7[%swap3A_1700, %swap3A_1701, %swap3A_1702] {strides = array<i32>} : memref<8x8x513xf32, #tpu.memory_space<vmem>>, vector<16xf32>,
        tpu.vector_store %arg7[%swap3A_1700, %swap3A_1701, %swap3A_1702], %gather3A_1698 {strides = array<i32>} : memref<8x8x513xf32, #tpu.memory_space<vmem>>, vector<16xf32>,
        %add3A_1704 = arith.addi %broadcast_in_dim3A_480, %get3A_1689 : vector<16xi32>
        %gather3A_1705 = tpu.vector_load_idx %arg5[%add3A_1704] : memref<2048xf32, #tpu.memory_space<vmem>>[vector<16xi32>], vector<16xf32>,
        %swap3A_1706 = arith.constant 2 : i32
        %swap3A_1707 = arith.index_cast %swap3A_1706 : i32 to index
        %swap3A_1708 = arith.index_cast %add3A_567 : i32 to index
        %swap3A_1709 = arith.constant 305 : index
        %swap3A_1710 = tpu.vector_load %arg7[%swap3A_1707, %swap3A_1708, %swap3A_1709] {strides = array<i32>} : memref<8x8x513xf32, #tpu.memory_space<vmem>>, vector<16xf32>,
        tpu.vector_store %arg7[%swap3A_1707, %swap3A_1708, %swap3A_1709], %gather3A_1705 {strides = array<i32>} : memref<8x8x513xf32, #tpu.memory_space<vmem>>, vector<16xf32>,
        %add3A_1711 = arith.addi %broadcast_in_dim3A_482, %get3A_1689 : vector<16xi32>
        %gather3A_1712 = tpu.vector_load_idx %arg5[%add3A_1711] : memref<2048xf32, #tpu.memory_space<vmem>>[vector<16xi32>], vector<16xf32>,
        %swap3A_1713 = arith.constant 3 : i32
        %swap3A_1714 = arith.index_cast %swap3A_1713 : i32 to index
        %swap3A_1715 = arith.index_cast %add3A_567 : i32 to index
        %swap3A_1716 = arith.constant 305 : index
        %swap3A_1717 = tpu.vector_load %arg7[%swap3A_1714, %swap3A_1715, %swap3A_1716] {strides = array<i32>} : memref<8x8x513xf32, #tpu.memory_space<vmem>>, vector<16xf32>,
        tpu.vector_store %arg7[%swap3A_1714, %swap3A_1715, %swap3A_1716], %gather3A_1712 {strides = array<i32>} : memref<8x8x513xf32, #tpu.memory_space<vmem>>, vector<16xf32>,
        %add3A_1718 = arith.addi %broadcast_in_dim3A_484, %get3A_1689 : vector<16xi32>
        %gather3A_1719 = tpu.vector_load_idx %arg5[%add3A_1718] : memref<2048xf32, #tpu.memory_space<vmem>>[vector<16xi32>], vector<16xf32>,
        %swap3A_1720 = arith.constant 4 : i32
        %swap3A_1721 = arith.index_cast %swap3A_1720 : i32 to index
        %swap3A_1722 = arith.index_cast %add3A_567 : i32 to index
        %swap3A_1723 = arith.constant 305 : index
        %swap3A_1724 = tpu.vector_load %arg7[%swap3A_1721, %swap3A_1722, %swap3A_1723] {strides = array<i32>} : memref<8x8x513xf32, #tpu.memory_space<vmem>>, vector<16xf32>,
        tpu.vector_store %arg7[%swap3A_1721, %swap3A_1722, %swap3A_1723], %gather3A_1719 {strides = array<i32>} : memref<8x8x513xf32, #tpu.memory_space<vmem>>, vector<16xf32>,
        %add3A_1725 = arith.addi %broadcast_in_dim3A_486, %get3A_1689 : vector<16xi32>
        %gather3A_1726 = tpu.vector_load_idx %arg5[%add3A_1725] : memref<2048xf32, #tpu.memory_space<vmem>>[vector<16xi32>], vector<16xf32>,
        %swap3A_1727 = arith.constant 5 : i32
        %swap3A_1728 = arith.index_cast %swap3A_1727 : i32 to index
        %swap3A_1729 = arith.index_cast %add3A_567 : i32 to index
        %swap3A_1730 = arith.constant 305 : index
        %swap3A_1731 = tpu.vector_load %arg7[%swap3A_1728, %swap3A_1729, %swap3A_1730] {strides = array<i32>} : memref<8x8x513xf32, #tpu.memory_space<vmem>>, vector<16xf32>,
        tpu.vector_store %arg7[%swap3A_1728, %swap3A_1729, %swap3A_1730], %gather3A_1726 {strides = array<i32>} : memref<8x8x513xf32, #tpu.memory_space<vmem>>, vector<16xf32>,
        %add3A_1732 = arith.addi %broadcast_in_dim3A_488, %get3A_1689 : vector<16xi32>
        %gather3A_1733 = tpu.vector_load_idx %arg5[%add3A_1732] : memref<2048xf32, #tpu.memory_space<vmem>>[vector<16xi32>], vector<16xf32>,
        %swap3A_1734 = arith.constant 6 : i32
        %swap3A_1735 = arith.index_cast %swap3A_1734 : i32 to index
        %swap3A_1736 = arith.index_cast %add3A_567 : i32 to index
        %swap3A_1737 = arith.constant 305 : index
        %swap3A_1738 = tpu.vector_load %arg7[%swap3A_1735, %swap3A_1736, %swap3A_1737] {strides = array<i32>} : memref<8x8x513xf32, #tpu.memory_space<vmem>>, vector<16xf32>,
        tpu.vector_store %arg7[%swap3A_1735, %swap3A_1736, %swap3A_1737], %gather3A_1733 {strides = array<i32>} : memref<8x8x513xf32, #tpu.memory_space<vmem>>, vector<16xf32>,
        %add3A_1739 = arith.addi %broadcast_in_dim3A_490, %get3A_1689 : vector<16xi32>
        %gather3A_1740 = tpu.vector_load_idx %arg5[%add3A_1739] : memref<2048xf32, #tpu.memory_space<vmem>>[vector<16xi32>], vector<16xf32>,
        %swap3A_1741 = arith.constant 7 : i32
        %swap3A_1742 = arith.index_cast %swap3A_1741 : i32 to index
        %swap3A_1743 = arith.index_cast %add3A_567 : i32 to index
        %swap3A_1744 = arith.constant 305 : index
        %swap3A_1745 = tpu.vector_load %arg7[%swap3A_1742, %swap3A_1743, %swap3A_1744] {strides = array<i32>} : memref<8x8x513xf32, #tpu.memory_space<vmem>>, vector<16xf32>,
        tpu.vector_store %arg7[%swap3A_1742, %swap3A_1743, %swap3A_1744], %gather3A_1740 {strides = array<i32>} : memref<8x8x513xf32, #tpu.memory_space<vmem>>, vector<16xf32>,
        %get3A_1746 = arith.index_cast %add3A_567 : i32 to index
        %get3A_1747 = arith.constant 320 : index
        %get3A_1748 = tpu.vector_load %arg6[%get3A_1746, %get3A_1747] {strides = array<i32>} : memref<8x512xi32, #tpu.memory_space<vmem>>, vector<16xi32>,
        %add3A_1749 = arith.addi %broadcast_in_dim3A_476, %get3A_1748 : vector<16xi32>
        %gather3A_1750 = tpu.vector_load_idx %arg5[%add3A_1749] : memref<2048xf32, #tpu.memory_space<vmem>>[vector<16xi32>], vector<16xf32>,
        %swap3A_1751 = arith.constant 0 : i32
        %swap3A_1752 = arith.index_cast %swap3A_1751 : i32 to index
        %swap3A_1753 = arith.index_cast %add3A_567 : i32 to index
        %swap3A_1754 = arith.constant 321 : index
        %swap3A_1755 = tpu.vector_load %arg7[%swap3A_1752, %swap3A_1753, %swap3A_1754] {strides = array<i32>} : memref<8x8x513xf32, #tpu.memory_space<vmem>>, vector<16xf32>,
        tpu.vector_store %arg7[%swap3A_1752, %swap3A_1753, %swap3A_1754], %gather3A_1750 {strides = array<i32>} : memref<8x8x513xf32, #tpu.memory_space<vmem>>, vector<16xf32>,
        %add3A_1756 = arith.addi %broadcast_in_dim3A_478, %get3A_1748 : vector<16xi32>
        %gather3A_1757 = tpu.vector_load_idx %arg5[%add3A_1756] : memref<2048xf32, #tpu.memory_space<vmem>>[vector<16xi32>], vector<16xf32>,
        %swap3A_1758 = arith.constant 1 : i32
        %swap3A_1759 = arith.index_cast %swap3A_1758 : i32 to index
        %swap3A_1760 = arith.index_cast %add3A_567 : i32 to index
        %swap3A_1761 = arith.constant 321 : index
        %swap3A_1762 = tpu.vector_load %arg7[%swap3A_1759, %swap3A_1760, %swap3A_1761] {strides = array<i32>} : memref<8x8x513xf32, #tpu.memory_space<vmem>>, vector<16xf32>,
        tpu.vector_store %arg7[%swap3A_1759, %swap3A_1760, %swap3A_1761], %gather3A_1757 {strides = array<i32>} : memref<8x8x513xf32, #tpu.memory_space<vmem>>, vector<16xf32>,
        %add3A_1763 = arith.addi %broadcast_in_dim3A_480, %get3A_1748 : vector<16xi32>
        %gather3A_1764 = tpu.vector_load_idx %arg5[%add3A_1763] : memref<2048xf32, #tpu.memory_space<vmem>>[vector<16xi32>], vector<16xf32>,
        %swap3A_1765 = arith.constant 2 : i32
        %swap3A_1766 = arith.index_cast %swap3A_1765 : i32 to index
        %swap3A_1767 = arith.index_cast %add3A_567 : i32 to index
        %swap3A_1768 = arith.constant 321 : index
        %swap3A_1769 = tpu.vector_load %arg7[%swap3A_1766, %swap3A_1767, %swap3A_1768] {strides = array<i32>} : memref<8x8x513xf32, #tpu.memory_space<vmem>>, vector<16xf32>,
        tpu.vector_store %arg7[%swap3A_1766, %swap3A_1767, %swap3A_1768], %gather3A_1764 {strides = array<i32>} : memref<8x8x513xf32, #tpu.memory_space<vmem>>, vector<16xf32>,
        %add3A_1770 = arith.addi %broadcast_in_dim3A_482, %get3A_1748 : vector<16xi32>
        %gather3A_1771 = tpu.vector_load_idx %arg5[%add3A_1770] : memref<2048xf32, #tpu.memory_space<vmem>>[vector<16xi32>], vector<16xf32>,
        %swap3A_1772 = arith.constant 3 : i32
        %swap3A_1773 = arith.index_cast %swap3A_1772 : i32 to index
        %swap3A_1774 = arith.index_cast %add3A_567 : i32 to index
        %swap3A_1775 = arith.constant 321 : index
        %swap3A_1776 = tpu.vector_load %arg7[%swap3A_1773, %swap3A_1774, %swap3A_1775] {strides = array<i32>} : memref<8x8x513xf32, #tpu.memory_space<vmem>>, vector<16xf32>,
        tpu.vector_store %arg7[%swap3A_1773, %swap3A_1774, %swap3A_1775], %gather3A_1771 {strides = array<i32>} : memref<8x8x513xf32, #tpu.memory_space<vmem>>, vector<16xf32>,
        %add3A_1777 = arith.addi %broadcast_in_dim3A_484, %get3A_1748 : vector<16xi32>
        %gather3A_1778 = tpu.vector_load_idx %arg5[%add3A_1777] : memref<2048xf32, #tpu.memory_space<vmem>>[vector<16xi32>], vector<16xf32>,
        %swap3A_1779 = arith.constant 4 : i32
        %swap3A_1780 = arith.index_cast %swap3A_1779 : i32 to index
        %swap3A_1781 = arith.index_cast %add3A_567 : i32 to index
        %swap3A_1782 = arith.constant 321 : index
        %swap3A_1783 = tpu.vector_load %arg7[%swap3A_1780, %swap3A_1781, %swap3A_1782] {strides = array<i32>} : memref<8x8x513xf32, #tpu.memory_space<vmem>>, vector<16xf32>,
        tpu.vector_store %arg7[%swap3A_1780, %swap3A_1781, %swap3A_1782], %gather3A_1778 {strides = array<i32>} : memref<8x8x513xf32, #tpu.memory_space<vmem>>, vector<16xf32>,
        %add3A_1784 = arith.addi %broadcast_in_dim3A_486, %get3A_1748 : vector<16xi32>
        %gather3A_1785 = tpu.vector_load_idx %arg5[%add3A_1784] : memref<2048xf32, #tpu.memory_space<vmem>>[vector<16xi32>], vector<16xf32>,
        %swap3A_1786 = arith.constant 5 : i32
        %swap3A_1787 = arith.index_cast %swap3A_1786 : i32 to index
        %swap3A_1788 = arith.index_cast %add3A_567 : i32 to index
        %swap3A_1789 = arith.constant 321 : index
        %swap3A_1790 = tpu.vector_load %arg7[%swap3A_1787, %swap3A_1788, %swap3A_1789] {strides = array<i32>} : memref<8x8x513xf32, #tpu.memory_space<vmem>>, vector<16xf32>,
        tpu.vector_store %arg7[%swap3A_1787, %swap3A_1788, %swap3A_1789], %gather3A_1785 {strides = array<i32>} : memref<8x8x513xf32, #tpu.memory_space<vmem>>, vector<16xf32>,
        %add3A_1791 = arith.addi %broadcast_in_dim3A_488, %get3A_1748 : vector<16xi32>
        %gather3A_1792 = tpu.vector_load_idx %arg5[%add3A_1791] : memref<2048xf32, #tpu.memory_space<vmem>>[vector<16xi32>], vector<16xf32>,
        %swap3A_1793 = arith.constant 6 : i32
        %swap3A_1794 = arith.index_cast %swap3A_1793 : i32 to index
        %swap3A_1795 = arith.index_cast %add3A_567 : i32 to index
        %swap3A_1796 = arith.constant 321 : index
        %swap3A_1797 = tpu.vector_load %arg7[%swap3A_1794, %swap3A_1795, %swap3A_1796] {strides = array<i32>} : memref<8x8x513xf32, #tpu.memory_space<vmem>>, vector<16xf32>,
        tpu.vector_store %arg7[%swap3A_1794, %swap3A_1795, %swap3A_1796], %gather3A_1792 {strides = array<i32>} : memref<8x8x513xf32, #tpu.memory_space<vmem>>, vector<16xf32>,
        %add3A_1798 = arith.addi %broadcast_in_dim3A_490, %get3A_1748 : vector<16xi32>
        %gather3A_1799 = tpu.vector_load_idx %arg5[%add3A_1798] : memref<2048xf32, #tpu.memory_space<vmem>>[vector<16xi32>], vector<16xf32>,
        %swap3A_1800 = arith.constant 7 : i32
        %swap3A_1801 = arith.index_cast %swap3A_1800 : i32 to index
        %swap3A_1802 = arith.index_cast %add3A_567 : i32 to index
        %swap3A_1803 = arith.constant 321 : index
        %swap3A_1804 = tpu.vector_load %arg7[%swap3A_1801, %swap3A_1802, %swap3A_1803] {strides = array<i32>} : memref<8x8x513xf32, #tpu.memory_space<vmem>>, vector<16xf32>,
        tpu.vector_store %arg7[%swap3A_1801, %swap3A_1802, %swap3A_1803], %gather3A_1799 {strides = array<i32>} : memref<8x8x513xf32, #tpu.memory_space<vmem>>, vector<16xf32>,
        %get3A_1805 = arith.index_cast %add3A_567 : i32 to index
        %get3A_1806 = arith.constant 336 : index
        %get3A_1807 = tpu.vector_load %arg6[%get3A_1805, %get3A_1806] {strides = array<i32>} : memref<8x512xi32, #tpu.memory_space<vmem>>, vector<16xi32>,
        %add3A_1808 = arith.addi %broadcast_in_dim3A_476, %get3A_1807 : vector<16xi32>
        %gather3A_1809 = tpu.vector_load_idx %arg5[%add3A_1808] : memref<2048xf32, #tpu.memory_space<vmem>>[vector<16xi32>], vector<16xf32>,
        %swap3A_1810 = arith.constant 0 : i32
        %swap3A_1811 = arith.index_cast %swap3A_1810 : i32 to index
        %swap3A_1812 = arith.index_cast %add3A_567 : i32 to index
        %swap3A_1813 = arith.constant 337 : index
        %swap3A_1814 = tpu.vector_load %arg7[%swap3A_1811, %swap3A_1812, %swap3A_1813] {strides = array<i32>} : memref<8x8x513xf32, #tpu.memory_space<vmem>>, vector<16xf32>,
        tpu.vector_store %arg7[%swap3A_1811, %swap3A_1812, %swap3A_1813], %gather3A_1809 {strides = array<i32>} : memref<8x8x513xf32, #tpu.memory_space<vmem>>, vector<16xf32>,
        %add3A_1815 = arith.addi %broadcast_in_dim3A_478, %get3A_1807 : vector<16xi32>
        %gather3A_1816 = tpu.vector_load_idx %arg5[%add3A_1815] : memref<2048xf32, #tpu.memory_space<vmem>>[vector<16xi32>], vector<16xf32>,
        %swap3A_1817 = arith.constant 1 : i32
        %swap3A_1818 = arith.index_cast %swap3A_1817 : i32 to index
        %swap3A_1819 = arith.index_cast %add3A_567 : i32 to index
        %swap3A_1820 = arith.constant 337 : index
        %swap3A_1821 = tpu.vector_load %arg7[%swap3A_1818, %swap3A_1819, %swap3A_1820] {strides = array<i32>} : memref<8x8x513xf32, #tpu.memory_space<vmem>>, vector<16xf32>,
        tpu.vector_store %arg7[%swap3A_1818, %swap3A_1819, %swap3A_1820], %gather3A_1816 {strides = array<i32>} : memref<8x8x513xf32, #tpu.memory_space<vmem>>, vector<16xf32>,
        %add3A_1822 = arith.addi %broadcast_in_dim3A_480, %get3A_1807 : vector<16xi32>
        %gather3A_1823 = tpu.vector_load_idx %arg5[%add3A_1822] : memref<2048xf32, #tpu.memory_space<vmem>>[vector<16xi32>], vector<16xf32>,
        %swap3A_1824 = arith.constant 2 : i32
        %swap3A_1825 = arith.index_cast %swap3A_1824 : i32 to index
        %swap3A_1826 = arith.index_cast %add3A_567 : i32 to index
        %swap3A_1827 = arith.constant 337 : index
        %swap3A_1828 = tpu.vector_load %arg7[%swap3A_1825, %swap3A_1826, %swap3A_1827] {strides = array<i32>} : memref<8x8x513xf32, #tpu.memory_space<vmem>>, vector<16xf32>,
        tpu.vector_store %arg7[%swap3A_1825, %swap3A_1826, %swap3A_1827], %gather3A_1823 {strides = array<i32>} : memref<8x8x513xf32, #tpu.memory_space<vmem>>, vector<16xf32>,
        %add3A_1829 = arith.addi %broadcast_in_dim3A_482, %get3A_1807 : vector<16xi32>
        %gather3A_1830 = tpu.vector_load_idx %arg5[%add3A_1829] : memref<2048xf32, #tpu.memory_space<vmem>>[vector<16xi32>], vector<16xf32>,
        %swap3A_1831 = arith.constant 3 : i32
        %swap3A_1832 = arith.index_cast %swap3A_1831 : i32 to index
        %swap3A_1833 = arith.index_cast %add3A_567 : i32 to index
        %swap3A_1834 = arith.constant 337 : index
        %swap3A_1835 = tpu.vector_load %arg7[%swap3A_1832, %swap3A_1833, %swap3A_1834] {strides = array<i32>} : memref<8x8x513xf32, #tpu.memory_space<vmem>>, vector<16xf32>,
        tpu.vector_store %arg7[%swap3A_1832, %swap3A_1833, %swap3A_1834], %gather3A_1830 {strides = array<i32>} : memref<8x8x513xf32, #tpu.memory_space<vmem>>, vector<16xf32>,
        %add3A_1836 = arith.addi %broadcast_in_dim3A_484, %get3A_1807 : vector<16xi32>
        %gather3A_1837 = tpu.vector_load_idx %arg5[%add3A_1836] : memref<2048xf32, #tpu.memory_space<vmem>>[vector<16xi32>], vector<16xf32>,
        %swap3A_1838 = arith.constant 4 : i32
        %swap3A_1839 = arith.index_cast %swap3A_1838 : i32 to index
        %swap3A_1840 = arith.index_cast %add3A_567 : i32 to index
        %swap3A_1841 = arith.constant 337 : index
        %swap3A_1842 = tpu.vector_load %arg7[%swap3A_1839, %swap3A_1840, %swap3A_1841] {strides = array<i32>} : memref<8x8x513xf32, #tpu.memory_space<vmem>>, vector<16xf32>,
        tpu.vector_store %arg7[%swap3A_1839, %swap3A_1840, %swap3A_1841], %gather3A_1837 {strides = array<i32>} : memref<8x8x513xf32, #tpu.memory_space<vmem>>, vector<16xf32>,
        %add3A_1843 = arith.addi %broadcast_in_dim3A_486, %get3A_1807 : vector<16xi32>
        %gather3A_1844 = tpu.vector_load_idx %arg5[%add3A_1843] : memref<2048xf32, #tpu.memory_space<vmem>>[vector<16xi32>], vector<16xf32>,
        %swap3A_1845 = arith.constant 5 : i32
        %swap3A_1846 = arith.index_cast %swap3A_1845 : i32 to index
        %swap3A_1847 = arith.index_cast %add3A_567 : i32 to index
        %swap3A_1848 = arith.constant 337 : index
        %swap3A_1849 = tpu.vector_load %arg7[%swap3A_1846, %swap3A_1847, %swap3A_1848] {strides = array<i32>} : memref<8x8x513xf32, #tpu.memory_space<vmem>>, vector<16xf32>,
        tpu.vector_store %arg7[%swap3A_1846, %swap3A_1847, %swap3A_1848], %gather3A_1844 {strides = array<i32>} : memref<8x8x513xf32, #tpu.memory_space<vmem>>, vector<16xf32>,
        %add3A_1850 = arith.addi %broadcast_in_dim3A_488, %get3A_1807 : vector<16xi32>
        %gather3A_1851 = tpu.vector_load_idx %arg5[%add3A_1850] : memref<2048xf32, #tpu.memory_space<vmem>>[vector<16xi32>], vector<16xf32>,
        %swap3A_1852 = arith.constant 6 : i32
        %swap3A_1853 = arith.index_cast %swap3A_1852 : i32 to index
        %swap3A_1854 = arith.index_cast %add3A_567 : i32 to index
        %swap3A_1855 = arith.constant 337 : index
        %swap3A_1856 = tpu.vector_load %arg7[%swap3A_1853, %swap3A_1854, %swap3A_1855] {strides = array<i32>} : memref<8x8x513xf32, #tpu.memory_space<vmem>>, vector<16xf32>,
        tpu.vector_store %arg7[%swap3A_1853, %swap3A_1854, %swap3A_1855], %gather3A_1851 {strides = array<i32>} : memref<8x8x513xf32, #tpu.memory_space<vmem>>, vector<16xf32>,
        %add3A_1857 = arith.addi %broadcast_in_dim3A_490, %get3A_1807 : vector<16xi32>
        %gather3A_1858 = tpu.vector_load_idx %arg5[%add3A_1857] : memref<2048xf32, #tpu.memory_space<vmem>>[vector<16xi32>], vector<16xf32>,
        %swap3A_1859 = arith.constant 7 : i32
        %swap3A_1860 = arith.index_cast %swap3A_1859 : i32 to index
        %swap3A_1861 = arith.index_cast %add3A_567 : i32 to index
        %swap3A_1862 = arith.constant 337 : index
        %swap3A_1863 = tpu.vector_load %arg7[%swap3A_1860, %swap3A_1861, %swap3A_1862] {strides = array<i32>} : memref<8x8x513xf32, #tpu.memory_space<vmem>>, vector<16xf32>,
        tpu.vector_store %arg7[%swap3A_1860, %swap3A_1861, %swap3A_1862], %gather3A_1858 {strides = array<i32>} : memref<8x8x513xf32, #tpu.memory_space<vmem>>, vector<16xf32>,
        %get3A_1864 = arith.index_cast %add3A_567 : i32 to index
        %get3A_1865 = arith.constant 352 : index
        %get3A_1866 = tpu.vector_load %arg6[%get3A_1864, %get3A_1865] {strides = array<i32>} : memref<8x512xi32, #tpu.memory_space<vmem>>, vector<16xi32>,
        %add3A_1867 = arith.addi %broadcast_in_dim3A_476, %get3A_1866 : vector<16xi32>
        %gather3A_1868 = tpu.vector_load_idx %arg5[%add3A_1867] : memref<2048xf32, #tpu.memory_space<vmem>>[vector<16xi32>], vector<16xf32>,
        %swap3A_1869 = arith.constant 0 : i32
        %swap3A_1870 = arith.index_cast %swap3A_1869 : i32 to index
        %swap3A_1871 = arith.index_cast %add3A_567 : i32 to index
        %swap3A_1872 = arith.constant 353 : index
        %swap3A_1873 = tpu.vector_load %arg7[%swap3A_1870, %swap3A_1871, %swap3A_1872] {strides = array<i32>} : memref<8x8x513xf32, #tpu.memory_space<vmem>>, vector<16xf32>,
        tpu.vector_store %arg7[%swap3A_1870, %swap3A_1871, %swap3A_1872], %gather3A_1868 {strides = array<i32>} : memref<8x8x513xf32, #tpu.memory_space<vmem>>, vector<16xf32>,
        %add3A_1874 = arith.addi %broadcast_in_dim3A_478, %get3A_1866 : vector<16xi32>
        %gather3A_1875 = tpu.vector_load_idx %arg5[%add3A_1874] : memref<2048xf32, #tpu.memory_space<vmem>>[vector<16xi32>], vector<16xf32>,
        %swap3A_1876 = arith.constant 1 : i32
        %swap3A_1877 = arith.index_cast %swap3A_1876 : i32 to index
        %swap3A_1878 = arith.index_cast %add3A_567 : i32 to index
        %swap3A_1879 = arith.constant 353 : index
        %swap3A_1880 = tpu.vector_load %arg7[%swap3A_1877, %swap3A_1878, %swap3A_1879] {strides = array<i32>} : memref<8x8x513xf32, #tpu.memory_space<vmem>>, vector<16xf32>,
        tpu.vector_store %arg7[%swap3A_1877, %swap3A_1878, %swap3A_1879], %gather3A_1875 {strides = array<i32>} : memref<8x8x513xf32, #tpu.memory_space<vmem>>, vector<16xf32>,
        %add3A_1881 = arith.addi %broadcast_in_dim3A_480, %get3A_1866 : vector<16xi32>
        %gather3A_1882 = tpu.vector_load_idx %arg5[%add3A_1881] : memref<2048xf32, #tpu.memory_space<vmem>>[vector<16xi32>], vector<16xf32>,
        %swap3A_1883 = arith.constant 2 : i32
        %swap3A_1884 = arith.index_cast %swap3A_1883 : i32 to index
        %swap3A_1885 = arith.index_cast %add3A_567 : i32 to index
        %swap3A_1886 = arith.constant 353 : index
        %swap3A_1887 = tpu.vector_load %arg7[%swap3A_1884, %swap3A_1885, %swap3A_1886] {strides = array<i32>} : memref<8x8x513xf32, #tpu.memory_space<vmem>>, vector<16xf32>,
        tpu.vector_store %arg7[%swap3A_1884, %swap3A_1885, %swap3A_1886], %gather3A_1882 {strides = array<i32>} : memref<8x8x513xf32, #tpu.memory_space<vmem>>, vector<16xf32>,
        %add3A_1888 = arith.addi %broadcast_in_dim3A_482, %get3A_1866 : vector<16xi32>
        %gather3A_1889 = tpu.vector_load_idx %arg5[%add3A_1888] : memref<2048xf32, #tpu.memory_space<vmem>>[vector<16xi32>], vector<16xf32>,
        %swap3A_1890 = arith.constant 3 : i32
        %swap3A_1891 = arith.index_cast %swap3A_1890 : i32 to index
        %swap3A_1892 = arith.index_cast %add3A_567 : i32 to index
        %swap3A_1893 = arith.constant 353 : index
        %swap3A_1894 = tpu.vector_load %arg7[%swap3A_1891, %swap3A_1892, %swap3A_1893] {strides = array<i32>} : memref<8x8x513xf32, #tpu.memory_space<vmem>>, vector<16xf32>,
        tpu.vector_store %arg7[%swap3A_1891, %swap3A_1892, %swap3A_1893], %gather3A_1889 {strides = array<i32>} : memref<8x8x513xf32, #tpu.memory_space<vmem>>, vector<16xf32>,
        %add3A_1895 = arith.addi %broadcast_in_dim3A_484, %get3A_1866 : vector<16xi32>
        %gather3A_1896 = tpu.vector_load_idx %arg5[%add3A_1895] : memref<2048xf32, #tpu.memory_space<vmem>>[vector<16xi32>], vector<16xf32>,
        %swap3A_1897 = arith.constant 4 : i32
        %swap3A_1898 = arith.index_cast %swap3A_1897 : i32 to index
        %swap3A_1899 = arith.index_cast %add3A_567 : i32 to index
        %swap3A_1900 = arith.constant 353 : index
        %swap3A_1901 = tpu.vector_load %arg7[%swap3A_1898, %swap3A_1899, %swap3A_1900] {strides = array<i32>} : memref<8x8x513xf32, #tpu.memory_space<vmem>>, vector<16xf32>,
        tpu.vector_store %arg7[%swap3A_1898, %swap3A_1899, %swap3A_1900], %gather3A_1896 {strides = array<i32>} : memref<8x8x513xf32, #tpu.memory_space<vmem>>, vector<16xf32>,
        %add3A_1902 = arith.addi %broadcast_in_dim3A_486, %get3A_1866 : vector<16xi32>
        %gather3A_1903 = tpu.vector_load_idx %arg5[%add3A_1902] : memref<2048xf32, #tpu.memory_space<vmem>>[vector<16xi32>], vector<16xf32>,
        %swap3A_1904 = arith.constant 5 : i32
        %swap3A_1905 = arith.index_cast %swap3A_1904 : i32 to index
        %swap3A_1906 = arith.index_cast %add3A_567 : i32 to index
        %swap3A_1907 = arith.constant 353 : index
        %swap3A_1908 = tpu.vector_load %arg7[%swap3A_1905, %swap3A_1906, %swap3A_1907] {strides = array<i32>} : memref<8x8x513xf32, #tpu.memory_space<vmem>>, vector<16xf32>,
        tpu.vector_store %arg7[%swap3A_1905, %swap3A_1906, %swap3A_1907], %gather3A_1903 {strides = array<i32>} : memref<8x8x513xf32, #tpu.memory_space<vmem>>, vector<16xf32>,
        %add3A_1909 = arith.addi %broadcast_in_dim3A_488, %get3A_1866 : vector<16xi32>
        %gather3A_1910 = tpu.vector_load_idx %arg5[%add3A_1909] : memref<2048xf32, #tpu.memory_space<vmem>>[vector<16xi32>], vector<16xf32>,
        %swap3A_1911 = arith.constant 6 : i32
        %swap3A_1912 = arith.index_cast %swap3A_1911 : i32 to index
        %swap3A_1913 = arith.index_cast %add3A_567 : i32 to index
        %swap3A_1914 = arith.constant 353 : index
        %swap3A_1915 = tpu.vector_load %arg7[%swap3A_1912, %swap3A_1913, %swap3A_1914] {strides = array<i32>} : memref<8x8x513xf32, #tpu.memory_space<vmem>>, vector<16xf32>,
        tpu.vector_store %arg7[%swap3A_1912, %swap3A_1913, %swap3A_1914], %gather3A_1910 {strides = array<i32>} : memref<8x8x513xf32, #tpu.memory_space<vmem>>, vector<16xf32>,
        %add3A_1916 = arith.addi %broadcast_in_dim3A_490, %get3A_1866 : vector<16xi32>
        %gather3A_1917 = tpu.vector_load_idx %arg5[%add3A_1916] : memref<2048xf32, #tpu.memory_space<vmem>>[vector<16xi32>], vector<16xf32>,
        %swap3A_1918 = arith.constant 7 : i32
        %swap3A_1919 = arith.index_cast %swap3A_1918 : i32 to index
        %swap3A_1920 = arith.index_cast %add3A_567 : i32 to index
        %swap3A_1921 = arith.constant 353 : index
        %swap3A_1922 = tpu.vector_load %arg7[%swap3A_1919, %swap3A_1920, %swap3A_1921] {strides = array<i32>} : memref<8x8x513xf32, #tpu.memory_space<vmem>>, vector<16xf32>,
        tpu.vector_store %arg7[%swap3A_1919, %swap3A_1920, %swap3A_1921], %gather3A_1917 {strides = array<i32>} : memref<8x8x513xf32, #tpu.memory_space<vmem>>, vector<16xf32>,
        %get3A_1923 = arith.index_cast %add3A_567 : i32 to index
        %get3A_1924 = arith.constant 368 : index
        %get3A_1925 = tpu.vector_load %arg6[%get3A_1923, %get3A_1924] {strides = array<i32>} : memref<8x512xi32, #tpu.memory_space<vmem>>, vector<16xi32>,
        %add3A_1926 = arith.addi %broadcast_in_dim3A_476, %get3A_1925 : vector<16xi32>
        %gather3A_1927 = tpu.vector_load_idx %arg5[%add3A_1926] : memref<2048xf32, #tpu.memory_space<vmem>>[vector<16xi32>], vector<16xf32>,
        %swap3A_1928 = arith.constant 0 : i32
        %swap3A_1929 = arith.index_cast %swap3A_1928 : i32 to index
        %swap3A_1930 = arith.index_cast %add3A_567 : i32 to index
        %swap3A_1931 = arith.constant 369 : index
        %swap3A_1932 = tpu.vector_load %arg7[%swap3A_1929, %swap3A_1930, %swap3A_1931] {strides = array<i32>} : memref<8x8x513xf32, #tpu.memory_space<vmem>>, vector<16xf32>,
        tpu.vector_store %arg7[%swap3A_1929, %swap3A_1930, %swap3A_1931], %gather3A_1927 {strides = array<i32>} : memref<8x8x513xf32, #tpu.memory_space<vmem>>, vector<16xf32>,
        %add3A_1933 = arith.addi %broadcast_in_dim3A_478, %get3A_1925 : vector<16xi32>
        %gather3A_1934 = tpu.vector_load_idx %arg5[%add3A_1933] : memref<2048xf32, #tpu.memory_space<vmem>>[vector<16xi32>], vector<16xf32>,
        %swap3A_1935 = arith.constant 1 : i32
        %swap3A_1936 = arith.index_cast %swap3A_1935 : i32 to index
        %swap3A_1937 = arith.index_cast %add3A_567 : i32 to index
        %swap3A_1938 = arith.constant 369 : index
        %swap3A_1939 = tpu.vector_load %arg7[%swap3A_1936, %swap3A_1937, %swap3A_1938] {strides = array<i32>} : memref<8x8x513xf32, #tpu.memory_space<vmem>>, vector<16xf32>,
        tpu.vector_store %arg7[%swap3A_1936, %swap3A_1937, %swap3A_1938], %gather3A_1934 {strides = array<i32>} : memref<8x8x513xf32, #tpu.memory_space<vmem>>, vector<16xf32>,
        %add3A_1940 = arith.addi %broadcast_in_dim3A_480, %get3A_1925 : vector<16xi32>
        %gather3A_1941 = tpu.vector_load_idx %arg5[%add3A_1940] : memref<2048xf32, #tpu.memory_space<vmem>>[vector<16xi32>], vector<16xf32>,
        %swap3A_1942 = arith.constant 2 : i32
        %swap3A_1943 = arith.index_cast %swap3A_1942 : i32 to index
        %swap3A_1944 = arith.index_cast %add3A_567 : i32 to index
        %swap3A_1945 = arith.constant 369 : index
        %swap3A_1946 = tpu.vector_load %arg7[%swap3A_1943, %swap3A_1944, %swap3A_1945] {strides = array<i32>} : memref<8x8x513xf32, #tpu.memory_space<vmem>>, vector<16xf32>,
        tpu.vector_store %arg7[%swap3A_1943, %swap3A_1944, %swap3A_1945], %gather3A_1941 {strides = array<i32>} : memref<8x8x513xf32, #tpu.memory_space<vmem>>, vector<16xf32>,
        %add3A_1947 = arith.addi %broadcast_in_dim3A_482, %get3A_1925 : vector<16xi32>
        %gather3A_1948 = tpu.vector_load_idx %arg5[%add3A_1947] : memref<2048xf32, #tpu.memory_space<vmem>>[vector<16xi32>], vector<16xf32>,
        %swap3A_1949 = arith.constant 3 : i32
        %swap3A_1950 = arith.index_cast %swap3A_1949 : i32 to index
        %swap3A_1951 = arith.index_cast %add3A_567 : i32 to index
        %swap3A_1952 = arith.constant 369 : index
        %swap3A_1953 = tpu.vector_load %arg7[%swap3A_1950, %swap3A_1951, %swap3A_1952] {strides = array<i32>} : memref<8x8x513xf32, #tpu.memory_space<vmem>>, vector<16xf32>,
        tpu.vector_store %arg7[%swap3A_1950, %swap3A_1951, %swap3A_1952], %gather3A_1948 {strides = array<i32>} : memref<8x8x513xf32, #tpu.memory_space<vmem>>, vector<16xf32>,
        %add3A_1954 = arith.addi %broadcast_in_dim3A_484, %get3A_1925 : vector<16xi32>
        %gather3A_1955 = tpu.vector_load_idx %arg5[%add3A_1954] : memref<2048xf32, #tpu.memory_space<vmem>>[vector<16xi32>], vector<16xf32>,
        %swap3A_1956 = arith.constant 4 : i32
        %swap3A_1957 = arith.index_cast %swap3A_1956 : i32 to index
        %swap3A_1958 = arith.index_cast %add3A_567 : i32 to index
        %swap3A_1959 = arith.constant 369 : index
        %swap3A_1960 = tpu.vector_load %arg7[%swap3A_1957, %swap3A_1958, %swap3A_1959] {strides = array<i32>} : memref<8x8x513xf32, #tpu.memory_space<vmem>>, vector<16xf32>,
        tpu.vector_store %arg7[%swap3A_1957, %swap3A_1958, %swap3A_1959], %gather3A_1955 {strides = array<i32>} : memref<8x8x513xf32, #tpu.memory_space<vmem>>, vector<16xf32>,
        %add3A_1961 = arith.addi %broadcast_in_dim3A_486, %get3A_1925 : vector<16xi32>
        %gather3A_1962 = tpu.vector_load_idx %arg5[%add3A_1961] : memref<2048xf32, #tpu.memory_space<vmem>>[vector<16xi32>], vector<16xf32>,
        %swap3A_1963 = arith.constant 5 : i32
        %swap3A_1964 = arith.index_cast %swap3A_1963 : i32 to index
        %swap3A_1965 = arith.index_cast %add3A_567 : i32 to index
        %swap3A_1966 = arith.constant 369 : index
        %swap3A_1967 = tpu.vector_load %arg7[%swap3A_1964, %swap3A_1965, %swap3A_1966] {strides = array<i32>} : memref<8x8x513xf32, #tpu.memory_space<vmem>>, vector<16xf32>,
        tpu.vector_store %arg7[%swap3A_1964, %swap3A_1965, %swap3A_1966], %gather3A_1962 {strides = array<i32>} : memref<8x8x513xf32, #tpu.memory_space<vmem>>, vector<16xf32>,
        %add3A_1968 = arith.addi %broadcast_in_dim3A_488, %get3A_1925 : vector<16xi32>
        %gather3A_1969 = tpu.vector_load_idx %arg5[%add3A_1968] : memref<2048xf32, #tpu.memory_space<vmem>>[vector<16xi32>], vector<16xf32>,
        %swap3A_1970 = arith.constant 6 : i32
        %swap3A_1971 = arith.index_cast %swap3A_1970 : i32 to index
        %swap3A_1972 = arith.index_cast %add3A_567 : i32 to index
        %swap3A_1973 = arith.constant 369 : index
        %swap3A_1974 = tpu.vector_load %arg7[%swap3A_1971, %swap3A_1972, %swap3A_1973] {strides = array<i32>} : memref<8x8x513xf32, #tpu.memory_space<vmem>>, vector<16xf32>,
        tpu.vector_store %arg7[%swap3A_1971, %swap3A_1972, %swap3A_1973], %gather3A_1969 {strides = array<i32>} : memref<8x8x513xf32, #tpu.memory_space<vmem>>, vector<16xf32>,
        %add3A_1975 = arith.addi %broadcast_in_dim3A_490, %get3A_1925 : vector<16xi32>
        %gather3A_1976 = tpu.vector_load_idx %arg5[%add3A_1975] : memref<2048xf32, #tpu.memory_space<vmem>>[vector<16xi32>], vector<16xf32>,
        %swap3A_1977 = arith.constant 7 : i32
        %swap3A_1978 = arith.index_cast %swap3A_1977 : i32 to index
        %swap3A_1979 = arith.index_cast %add3A_567 : i32 to index
        %swap3A_1980 = arith.constant 369 : index
        %swap3A_1981 = tpu.vector_load %arg7[%swap3A_1978, %swap3A_1979, %swap3A_1980] {strides = array<i32>} : memref<8x8x513xf32, #tpu.memory_space<vmem>>, vector<16xf32>,
        tpu.vector_store %arg7[%swap3A_1978, %swap3A_1979, %swap3A_1980], %gather3A_1976 {strides = array<i32>} : memref<8x8x513xf32, #tpu.memory_space<vmem>>, vector<16xf32>,
        %get3A_1982 = arith.index_cast %add3A_567 : i32 to index
        %get3A_1983 = arith.constant 384 : index
        %get3A_1984 = tpu.vector_load %arg6[%get3A_1982, %get3A_1983] {strides = array<i32>} : memref<8x512xi32, #tpu.memory_space<vmem>>, vector<16xi32>,
        %add3A_1985 = arith.addi %broadcast_in_dim3A_476, %get3A_1984 : vector<16xi32>
        %gather3A_1986 = tpu.vector_load_idx %arg5[%add3A_1985] : memref<2048xf32, #tpu.memory_space<vmem>>[vector<16xi32>], vector<16xf32>,
        %swap3A_1987 = arith.constant 0 : i32
        %swap3A_1988 = arith.index_cast %swap3A_1987 : i32 to index
        %swap3A_1989 = arith.index_cast %add3A_567 : i32 to index
        %swap3A_1990 = arith.constant 385 : index
        %swap3A_1991 = tpu.vector_load %arg7[%swap3A_1988, %swap3A_1989, %swap3A_1990] {strides = array<i32>} : memref<8x8x513xf32, #tpu.memory_space<vmem>>, vector<16xf32>,
        tpu.vector_store %arg7[%swap3A_1988, %swap3A_1989, %swap3A_1990], %gather3A_1986 {strides = array<i32>} : memref<8x8x513xf32, #tpu.memory_space<vmem>>, vector<16xf32>,
        %add3A_1992 = arith.addi %broadcast_in_dim3A_478, %get3A_1984 : vector<16xi32>
        %gather3A_1993 = tpu.vector_load_idx %arg5[%add3A_1992] : memref<2048xf32, #tpu.memory_space<vmem>>[vector<16xi32>], vector<16xf32>,
        %swap3A_1994 = arith.constant 1 : i32
        %swap3A_1995 = arith.index_cast %swap3A_1994 : i32 to index
        %swap3A_1996 = arith.index_cast %add3A_567 : i32 to index
        %swap3A_1997 = arith.constant 385 : index
        %swap3A_1998 = tpu.vector_load %arg7[%swap3A_1995, %swap3A_1996, %swap3A_1997] {strides = array<i32>} : memref<8x8x513xf32, #tpu.memory_space<vmem>>, vector<16xf32>,
        tpu.vector_store %arg7[%swap3A_1995, %swap3A_1996, %swap3A_1997], %gather3A_1993 {strides = array<i32>} : memref<8x8x513xf32, #tpu.memory_space<vmem>>, vector<16xf32>,
        %add3A_1999 = arith.addi %broadcast_in_dim3A_480, %get3A_1984 : vector<16xi32>
        %gather3A_2000 = tpu.vector_load_idx %arg5[%add3A_1999] : memref<2048xf32, #tpu.memory_space<vmem>>[vector<16xi32>], vector<16xf32>,
        %swap3A_2001 = arith.constant 2 : i32
        %swap3A_2002 = arith.index_cast %swap3A_2001 : i32 to index
        %swap3A_2003 = arith.index_cast %add3A_567 : i32 to index
        %swap3A_2004 = arith.constant 385 : index
        %swap3A_2005 = tpu.vector_load %arg7[%swap3A_2002, %swap3A_2003, %swap3A_2004] {strides = array<i32>} : memref<8x8x513xf32, #tpu.memory_space<vmem>>, vector<16xf32>,
        tpu.vector_store %arg7[%swap3A_2002, %swap3A_2003, %swap3A_2004], %gather3A_2000 {strides = array<i32>} : memref<8x8x513xf32, #tpu.memory_space<vmem>>, vector<16xf32>,
        %add3A_2006 = arith.addi %broadcast_in_dim3A_482, %get3A_1984 : vector<16xi32>
        %gather3A_2007 = tpu.vector_load_idx %arg5[%add3A_2006] : memref<2048xf32, #tpu.memory_space<vmem>>[vector<16xi32>], vector<16xf32>,
        %swap3A_2008 = arith.constant 3 : i32
        %swap3A_2009 = arith.index_cast %swap3A_2008 : i32 to index
        %swap3A_2010 = arith.index_cast %add3A_567 : i32 to index
        %swap3A_2011 = arith.constant 385 : index
        %swap3A_2012 = tpu.vector_load %arg7[%swap3A_2009, %swap3A_2010, %swap3A_2011] {strides = array<i32>} : memref<8x8x513xf32, #tpu.memory_space<vmem>>, vector<16xf32>,
        tpu.vector_store %arg7[%swap3A_2009, %swap3A_2010, %swap3A_2011], %gather3A_2007 {strides = array<i32>} : memref<8x8x513xf32, #tpu.memory_space<vmem>>, vector<16xf32>,
        %add3A_2013 = arith.addi %broadcast_in_dim3A_484, %get3A_1984 : vector<16xi32>
        %gather3A_2014 = tpu.vector_load_idx %arg5[%add3A_2013] : memref<2048xf32, #tpu.memory_space<vmem>>[vector<16xi32>], vector<16xf32>,
        %swap3A_2015 = arith.constant 4 : i32
        %swap3A_2016 = arith.index_cast %swap3A_2015 : i32 to index
        %swap3A_2017 = arith.index_cast %add3A_567 : i32 to index
        %swap3A_2018 = arith.constant 385 : index
        %swap3A_2019 = tpu.vector_load %arg7[%swap3A_2016, %swap3A_2017, %swap3A_2018] {strides = array<i32>} : memref<8x8x513xf32, #tpu.memory_space<vmem>>, vector<16xf32>,
        tpu.vector_store %arg7[%swap3A_2016, %swap3A_2017, %swap3A_2018], %gather3A_2014 {strides = array<i32>} : memref<8x8x513xf32, #tpu.memory_space<vmem>>, vector<16xf32>,
        %add3A_2020 = arith.addi %broadcast_in_dim3A_486, %get3A_1984 : vector<16xi32>
        %gather3A_2021 = tpu.vector_load_idx %arg5[%add3A_2020] : memref<2048xf32, #tpu.memory_space<vmem>>[vector<16xi32>], vector<16xf32>,
        %swap3A_2022 = arith.constant 5 : i32
        %swap3A_2023 = arith.index_cast %swap3A_2022 : i32 to index
        %swap3A_2024 = arith.index_cast %add3A_567 : i32 to index
        %swap3A_2025 = arith.constant 385 : index
        %swap3A_2026 = tpu.vector_load %arg7[%swap3A_2023, %swap3A_2024, %swap3A_2025] {strides = array<i32>} : memref<8x8x513xf32, #tpu.memory_space<vmem>>, vector<16xf32>,
        tpu.vector_store %arg7[%swap3A_2023, %swap3A_2024, %swap3A_2025], %gather3A_2021 {strides = array<i32>} : memref<8x8x513xf32, #tpu.memory_space<vmem>>, vector<16xf32>,
        %add3A_2027 = arith.addi %broadcast_in_dim3A_488, %get3A_1984 : vector<16xi32>
        %gather3A_2028 = tpu.vector_load_idx %arg5[%add3A_2027] : memref<2048xf32, #tpu.memory_space<vmem>>[vector<16xi32>], vector<16xf32>,
        %swap3A_2029 = arith.constant 6 : i32
        %swap3A_2030 = arith.index_cast %swap3A_2029 : i32 to index
        %swap3A_2031 = arith.index_cast %add3A_567 : i32 to index
        %swap3A_2032 = arith.constant 385 : index
        %swap3A_2033 = tpu.vector_load %arg7[%swap3A_2030, %swap3A_2031, %swap3A_2032] {strides = array<i32>} : memref<8x8x513xf32, #tpu.memory_space<vmem>>, vector<16xf32>,
        tpu.vector_store %arg7[%swap3A_2030, %swap3A_2031, %swap3A_2032], %gather3A_2028 {strides = array<i32>} : memref<8x8x513xf32, #tpu.memory_space<vmem>>, vector<16xf32>,
        %add3A_2034 = arith.addi %broadcast_in_dim3A_490, %get3A_1984 : vector<16xi32>
        %gather3A_2035 = tpu.vector_load_idx %arg5[%add3A_2034] : memref<2048xf32, #tpu.memory_space<vmem>>[vector<16xi32>], vector<16xf32>,
        %swap3A_2036 = arith.constant 7 : i32
        %swap3A_2037 = arith.index_cast %swap3A_2036 : i32 to index
        %swap3A_2038 = arith.index_cast %add3A_567 : i32 to index
        %swap3A_2039 = arith.constant 385 : index
        %swap3A_2040 = tpu.vector_load %arg7[%swap3A_2037, %swap3A_2038, %swap3A_2039] {strides = array<i32>} : memref<8x8x513xf32, #tpu.memory_space<vmem>>, vector<16xf32>,
        tpu.vector_store %arg7[%swap3A_2037, %swap3A_2038, %swap3A_2039], %gather3A_2035 {strides = array<i32>} : memref<8x8x513xf32, #tpu.memory_space<vmem>>, vector<16xf32>,
        %get3A_2041 = arith.index_cast %add3A_567 : i32 to index
        %get3A_2042 = arith.constant 400 : index
        %get3A_2043 = tpu.vector_load %arg6[%get3A_2041, %get3A_2042] {strides = array<i32>} : memref<8x512xi32, #tpu.memory_space<vmem>>, vector<16xi32>,
        %add3A_2044 = arith.addi %broadcast_in_dim3A_476, %get3A_2043 : vector<16xi32>
        %gather3A_2045 = tpu.vector_load_idx %arg5[%add3A_2044] : memref<2048xf32, #tpu.memory_space<vmem>>[vector<16xi32>], vector<16xf32>,
        %swap3A_2046 = arith.constant 0 : i32
        %swap3A_2047 = arith.index_cast %swap3A_2046 : i32 to index
        %swap3A_2048 = arith.index_cast %add3A_567 : i32 to index
        %swap3A_2049 = arith.constant 401 : index
        %swap3A_2050 = tpu.vector_load %arg7[%swap3A_2047, %swap3A_2048, %swap3A_2049] {strides = array<i32>} : memref<8x8x513xf32, #tpu.memory_space<vmem>>, vector<16xf32>,
        tpu.vector_store %arg7[%swap3A_2047, %swap3A_2048, %swap3A_2049], %gather3A_2045 {strides = array<i32>} : memref<8x8x513xf32, #tpu.memory_space<vmem>>, vector<16xf32>,
        %add3A_2051 = arith.addi %broadcast_in_dim3A_478, %get3A_2043 : vector<16xi32>
        %gather3A_2052 = tpu.vector_load_idx %arg5[%add3A_2051] : memref<2048xf32, #tpu.memory_space<vmem>>[vector<16xi32>], vector<16xf32>,
        %swap3A_2053 = arith.constant 1 : i32
        %swap3A_2054 = arith.index_cast %swap3A_2053 : i32 to index
        %swap3A_2055 = arith.index_cast %add3A_567 : i32 to index
        %swap3A_2056 = arith.constant 401 : index
        %swap3A_2057 = tpu.vector_load %arg7[%swap3A_2054, %swap3A_2055, %swap3A_2056] {strides = array<i32>} : memref<8x8x513xf32, #tpu.memory_space<vmem>>, vector<16xf32>,
        tpu.vector_store %arg7[%swap3A_2054, %swap3A_2055, %swap3A_2056], %gather3A_2052 {strides = array<i32>} : memref<8x8x513xf32, #tpu.memory_space<vmem>>, vector<16xf32>,
        %add3A_2058 = arith.addi %broadcast_in_dim3A_480, %get3A_2043 : vector<16xi32>
        %gather3A_2059 = tpu.vector_load_idx %arg5[%add3A_2058] : memref<2048xf32, #tpu.memory_space<vmem>>[vector<16xi32>], vector<16xf32>,
        %swap3A_2060 = arith.constant 2 : i32
        %swap3A_2061 = arith.index_cast %swap3A_2060 : i32 to index
        %swap3A_2062 = arith.index_cast %add3A_567 : i32 to index
        %swap3A_2063 = arith.constant 401 : index
        %swap3A_2064 = tpu.vector_load %arg7[%swap3A_2061, %swap3A_2062, %swap3A_2063] {strides = array<i32>} : memref<8x8x513xf32, #tpu.memory_space<vmem>>, vector<16xf32>,
        tpu.vector_store %arg7[%swap3A_2061, %swap3A_2062, %swap3A_2063], %gather3A_2059 {strides = array<i32>} : memref<8x8x513xf32, #tpu.memory_space<vmem>>, vector<16xf32>,
        %add3A_2065 = arith.addi %broadcast_in_dim3A_482, %get3A_2043 : vector<16xi32>
        %gather3A_2066 = tpu.vector_load_idx %arg5[%add3A_2065] : memref<2048xf32, #tpu.memory_space<vmem>>[vector<16xi32>], vector<16xf32>,
        %swap3A_2067 = arith.constant 3 : i32
        %swap3A_2068 = arith.index_cast %swap3A_2067 : i32 to index
        %swap3A_2069 = arith.index_cast %add3A_567 : i32 to index
        %swap3A_2070 = arith.constant 401 : index
        %swap3A_2071 = tpu.vector_load %arg7[%swap3A_2068, %swap3A_2069, %swap3A_2070] {strides = array<i32>} : memref<8x8x513xf32, #tpu.memory_space<vmem>>, vector<16xf32>,
        tpu.vector_store %arg7[%swap3A_2068, %swap3A_2069, %swap3A_2070], %gather3A_2066 {strides = array<i32>} : memref<8x8x513xf32, #tpu.memory_space<vmem>>, vector<16xf32>,
        %add3A_2072 = arith.addi %broadcast_in_dim3A_484, %get3A_2043 : vector<16xi32>
        %gather3A_2073 = tpu.vector_load_idx %arg5[%add3A_2072] : memref<2048xf32, #tpu.memory_space<vmem>>[vector<16xi32>], vector<16xf32>,
        %swap3A_2074 = arith.constant 4 : i32
        %swap3A_2075 = arith.index_cast %swap3A_2074 : i32 to index
        %swap3A_2076 = arith.index_cast %add3A_567 : i32 to index
        %swap3A_2077 = arith.constant 401 : index
        %swap3A_2078 = tpu.vector_load %arg7[%swap3A_2075, %swap3A_2076, %swap3A_2077] {strides = array<i32>} : memref<8x8x513xf32, #tpu.memory_space<vmem>>, vector<16xf32>,
        tpu.vector_store %arg7[%swap3A_2075, %swap3A_2076, %swap3A_2077], %gather3A_2073 {strides = array<i32>} : memref<8x8x513xf32, #tpu.memory_space<vmem>>, vector<16xf32>,
        %add3A_2079 = arith.addi %broadcast_in_dim3A_486, %get3A_2043 : vector<16xi32>
        %gather3A_2080 = tpu.vector_load_idx %arg5[%add3A_2079] : memref<2048xf32, #tpu.memory_space<vmem>>[vector<16xi32>], vector<16xf32>,
        %swap3A_2081 = arith.constant 5 : i32
        %swap3A_2082 = arith.index_cast %swap3A_2081 : i32 to index
        %swap3A_2083 = arith.index_cast %add3A_567 : i32 to index
        %swap3A_2084 = arith.constant 401 : index
        %swap3A_2085 = tpu.vector_load %arg7[%swap3A_2082, %swap3A_2083, %swap3A_2084] {strides = array<i32>} : memref<8x8x513xf32, #tpu.memory_space<vmem>>, vector<16xf32>,
        tpu.vector_store %arg7[%swap3A_2082, %swap3A_2083, %swap3A_2084], %gather3A_2080 {strides = array<i32>} : memref<8x8x513xf32, #tpu.memory_space<vmem>>, vector<16xf32>,
        %add3A_2086 = arith.addi %broadcast_in_dim3A_488, %get3A_2043 : vector<16xi32>
        %gather3A_2087 = tpu.vector_load_idx %arg5[%add3A_2086] : memref<2048xf32, #tpu.memory_space<vmem>>[vector<16xi32>], vector<16xf32>,
        %swap3A_2088 = arith.constant 6 : i32
        %swap3A_2089 = arith.index_cast %swap3A_2088 : i32 to index
        %swap3A_2090 = arith.index_cast %add3A_567 : i32 to index
        %swap3A_2091 = arith.constant 401 : index
        %swap3A_2092 = tpu.vector_load %arg7[%swap3A_2089, %swap3A_2090, %swap3A_2091] {strides = array<i32>} : memref<8x8x513xf32, #tpu.memory_space<vmem>>, vector<16xf32>,
        tpu.vector_store %arg7[%swap3A_2089, %swap3A_2090, %swap3A_2091], %gather3A_2087 {strides = array<i32>} : memref<8x8x513xf32, #tpu.memory_space<vmem>>, vector<16xf32>,
        %add3A_2093 = arith.addi %broadcast_in_dim3A_490, %get3A_2043 : vector<16xi32>
        %gather3A_2094 = tpu.vector_load_idx %arg5[%add3A_2093] : memref<2048xf32, #tpu.memory_space<vmem>>[vector<16xi32>], vector<16xf32>,
        %swap3A_2095 = arith.constant 7 : i32
        %swap3A_2096 = arith.index_cast %swap3A_2095 : i32 to index
        %swap3A_2097 = arith.index_cast %add3A_567 : i32 to index
        %swap3A_2098 = arith.constant 401 : index
        %swap3A_2099 = tpu.vector_load %arg7[%swap3A_2096, %swap3A_2097, %swap3A_2098] {strides = array<i32>} : memref<8x8x513xf32, #tpu.memory_space<vmem>>, vector<16xf32>,
        tpu.vector_store %arg7[%swap3A_2096, %swap3A_2097, %swap3A_2098], %gather3A_2094 {strides = array<i32>} : memref<8x8x513xf32, #tpu.memory_space<vmem>>, vector<16xf32>,
        %get3A_2100 = arith.index_cast %add3A_567 : i32 to index
        %get3A_2101 = arith.constant 416 : index
        %get3A_2102 = tpu.vector_load %arg6[%get3A_2100, %get3A_2101] {strides = array<i32>} : memref<8x512xi32, #tpu.memory_space<vmem>>, vector<16xi32>,
        %add3A_2103 = arith.addi %broadcast_in_dim3A_476, %get3A_2102 : vector<16xi32>
        %gather3A_2104 = tpu.vector_load_idx %arg5[%add3A_2103] : memref<2048xf32, #tpu.memory_space<vmem>>[vector<16xi32>], vector<16xf32>,
        %swap3A_2105 = arith.constant 0 : i32
        %swap3A_2106 = arith.index_cast %swap3A_2105 : i32 to index
        %swap3A_2107 = arith.index_cast %add3A_567 : i32 to index
        %swap3A_2108 = arith.constant 417 : index
        %swap3A_2109 = tpu.vector_load %arg7[%swap3A_2106, %swap3A_2107, %swap3A_2108] {strides = array<i32>} : memref<8x8x513xf32, #tpu.memory_space<vmem>>, vector<16xf32>,
        tpu.vector_store %arg7[%swap3A_2106, %swap3A_2107, %swap3A_2108], %gather3A_2104 {strides = array<i32>} : memref<8x8x513xf32, #tpu.memory_space<vmem>>, vector<16xf32>,
        %add3A_2110 = arith.addi %broadcast_in_dim3A_478, %get3A_2102 : vector<16xi32>
        %gather3A_2111 = tpu.vector_load_idx %arg5[%add3A_2110] : memref<2048xf32, #tpu.memory_space<vmem>>[vector<16xi32>], vector<16xf32>,
        %swap3A_2112 = arith.constant 1 : i32
        %swap3A_2113 = arith.index_cast %swap3A_2112 : i32 to index
        %swap3A_2114 = arith.index_cast %add3A_567 : i32 to index
        %swap3A_2115 = arith.constant 417 : index
        %swap3A_2116 = tpu.vector_load %arg7[%swap3A_2113, %swap3A_2114, %swap3A_2115] {strides = array<i32>} : memref<8x8x513xf32, #tpu.memory_space<vmem>>, vector<16xf32>,
        tpu.vector_store %arg7[%swap3A_2113, %swap3A_2114, %swap3A_2115], %gather3A_2111 {strides = array<i32>} : memref<8x8x513xf32, #tpu.memory_space<vmem>>, vector<16xf32>,
        %add3A_2117 = arith.addi %broadcast_in_dim3A_480, %get3A_2102 : vector<16xi32>
        %gather3A_2118 = tpu.vector_load_idx %arg5[%add3A_2117] : memref<2048xf32, #tpu.memory_space<vmem>>[vector<16xi32>], vector<16xf32>,
        %swap3A_2119 = arith.constant 2 : i32
        %swap3A_2120 = arith.index_cast %swap3A_2119 : i32 to index
        %swap3A_2121 = arith.index_cast %add3A_567 : i32 to index
        %swap3A_2122 = arith.constant 417 : index
        %swap3A_2123 = tpu.vector_load %arg7[%swap3A_2120, %swap3A_2121, %swap3A_2122] {strides = array<i32>} : memref<8x8x513xf32, #tpu.memory_space<vmem>>, vector<16xf32>,
        tpu.vector_store %arg7[%swap3A_2120, %swap3A_2121, %swap3A_2122], %gather3A_2118 {strides = array<i32>} : memref<8x8x513xf32, #tpu.memory_space<vmem>>, vector<16xf32>,
        %add3A_2124 = arith.addi %broadcast_in_dim3A_482, %get3A_2102 : vector<16xi32>
        %gather3A_2125 = tpu.vector_load_idx %arg5[%add3A_2124] : memref<2048xf32, #tpu.memory_space<vmem>>[vector<16xi32>], vector<16xf32>,
        %swap3A_2126 = arith.constant 3 : i32
        %swap3A_2127 = arith.index_cast %swap3A_2126 : i32 to index
        %swap3A_2128 = arith.index_cast %add3A_567 : i32 to index
        %swap3A_2129 = arith.constant 417 : index
        %swap3A_2130 = tpu.vector_load %arg7[%swap3A_2127, %swap3A_2128, %swap3A_2129] {strides = array<i32>} : memref<8x8x513xf32, #tpu.memory_space<vmem>>, vector<16xf32>,
        tpu.vector_store %arg7[%swap3A_2127, %swap3A_2128, %swap3A_2129], %gather3A_2125 {strides = array<i32>} : memref<8x8x513xf32, #tpu.memory_space<vmem>>, vector<16xf32>,
        %add3A_2131 = arith.addi %broadcast_in_dim3A_484, %get3A_2102 : vector<16xi32>
        %gather3A_2132 = tpu.vector_load_idx %arg5[%add3A_2131] : memref<2048xf32, #tpu.memory_space<vmem>>[vector<16xi32>], vector<16xf32>,
        %swap3A_2133 = arith.constant 4 : i32
        %swap3A_2134 = arith.index_cast %swap3A_2133 : i32 to index
        %swap3A_2135 = arith.index_cast %add3A_567 : i32 to index
        %swap3A_2136 = arith.constant 417 : index
        %swap3A_2137 = tpu.vector_load %arg7[%swap3A_2134, %swap3A_2135, %swap3A_2136] {strides = array<i32>} : memref<8x8x513xf32, #tpu.memory_space<vmem>>, vector<16xf32>,
        tpu.vector_store %arg7[%swap3A_2134, %swap3A_2135, %swap3A_2136], %gather3A_2132 {strides = array<i32>} : memref<8x8x513xf32, #tpu.memory_space<vmem>>, vector<16xf32>,
        %add3A_2138 = arith.addi %broadcast_in_dim3A_486, %get3A_2102 : vector<16xi32>
        %gather3A_2139 = tpu.vector_load_idx %arg5[%add3A_2138] : memref<2048xf32, #tpu.memory_space<vmem>>[vector<16xi32>], vector<16xf32>,
        %swap3A_2140 = arith.constant 5 : i32
        %swap3A_2141 = arith.index_cast %swap3A_2140 : i32 to index
        %swap3A_2142 = arith.index_cast %add3A_567 : i32 to index
        %swap3A_2143 = arith.constant 417 : index
        %swap3A_2144 = tpu.vector_load %arg7[%swap3A_2141, %swap3A_2142, %swap3A_2143] {strides = array<i32>} : memref<8x8x513xf32, #tpu.memory_space<vmem>>, vector<16xf32>,
        tpu.vector_store %arg7[%swap3A_2141, %swap3A_2142, %swap3A_2143], %gather3A_2139 {strides = array<i32>} : memref<8x8x513xf32, #tpu.memory_space<vmem>>, vector<16xf32>,
        %add3A_2145 = arith.addi %broadcast_in_dim3A_488, %get3A_2102 : vector<16xi32>
        %gather3A_2146 = tpu.vector_load_idx %arg5[%add3A_2145] : memref<2048xf32, #tpu.memory_space<vmem>>[vector<16xi32>], vector<16xf32>,
        %swap3A_2147 = arith.constant 6 : i32
        %swap3A_2148 = arith.index_cast %swap3A_2147 : i32 to index
        %swap3A_2149 = arith.index_cast %add3A_567 : i32 to index
        %swap3A_2150 = arith.constant 417 : index
        %swap3A_2151 = tpu.vector_load %arg7[%swap3A_2148, %swap3A_2149, %swap3A_2150] {strides = array<i32>} : memref<8x8x513xf32, #tpu.memory_space<vmem>>, vector<16xf32>,
        tpu.vector_store %arg7[%swap3A_2148, %swap3A_2149, %swap3A_2150], %gather3A_2146 {strides = array<i32>} : memref<8x8x513xf32, #tpu.memory_space<vmem>>, vector<16xf32>,
        %add3A_2152 = arith.addi %broadcast_in_dim3A_490, %get3A_2102 : vector<16xi32>
        %gather3A_2153 = tpu.vector_load_idx %arg5[%add3A_2152] : memref<2048xf32, #tpu.memory_space<vmem>>[vector<16xi32>], vector<16xf32>,
        %swap3A_2154 = arith.constant 7 : i32
        %swap3A_2155 = arith.index_cast %swap3A_2154 : i32 to index
        %swap3A_2156 = arith.index_cast %add3A_567 : i32 to index
        %swap3A_2157 = arith.constant 417 : index
        %swap3A_2158 = tpu.vector_load %arg7[%swap3A_2155, %swap3A_2156, %swap3A_2157] {strides = array<i32>} : memref<8x8x513xf32, #tpu.memory_space<vmem>>, vector<16xf32>,
        tpu.vector_store %arg7[%swap3A_2155, %swap3A_2156, %swap3A_2157], %gather3A_2153 {strides = array<i32>} : memref<8x8x513xf32, #tpu.memory_space<vmem>>, vector<16xf32>,
        %get3A_2159 = arith.index_cast %add3A_567 : i32 to index
        %get3A_2160 = arith.constant 432 : index
        %get3A_2161 = tpu.vector_load %arg6[%get3A_2159, %get3A_2160] {strides = array<i32>} : memref<8x512xi32, #tpu.memory_space<vmem>>, vector<16xi32>,
        %add3A_2162 = arith.addi %broadcast_in_dim3A_476, %get3A_2161 : vector<16xi32>
        %gather3A_2163 = tpu.vector_load_idx %arg5[%add3A_2162] : memref<2048xf32, #tpu.memory_space<vmem>>[vector<16xi32>], vector<16xf32>,
        %swap3A_2164 = arith.constant 0 : i32
        %swap3A_2165 = arith.index_cast %swap3A_2164 : i32 to index
        %swap3A_2166 = arith.index_cast %add3A_567 : i32 to index
        %swap3A_2167 = arith.constant 433 : index
        %swap3A_2168 = tpu.vector_load %arg7[%swap3A_2165, %swap3A_2166, %swap3A_2167] {strides = array<i32>} : memref<8x8x513xf32, #tpu.memory_space<vmem>>, vector<16xf32>,
        tpu.vector_store %arg7[%swap3A_2165, %swap3A_2166, %swap3A_2167], %gather3A_2163 {strides = array<i32>} : memref<8x8x513xf32, #tpu.memory_space<vmem>>, vector<16xf32>,
        %add3A_2169 = arith.addi %broadcast_in_dim3A_478, %get3A_2161 : vector<16xi32>
        %gather3A_2170 = tpu.vector_load_idx %arg5[%add3A_2169] : memref<2048xf32, #tpu.memory_space<vmem>>[vector<16xi32>], vector<16xf32>,
        %swap3A_2171 = arith.constant 1 : i32
        %swap3A_2172 = arith.index_cast %swap3A_2171 : i32 to index
        %swap3A_2173 = arith.index_cast %add3A_567 : i32 to index
        %swap3A_2174 = arith.constant 433 : index
        %swap3A_2175 = tpu.vector_load %arg7[%swap3A_2172, %swap3A_2173, %swap3A_2174] {strides = array<i32>} : memref<8x8x513xf32, #tpu.memory_space<vmem>>, vector<16xf32>,
        tpu.vector_store %arg7[%swap3A_2172, %swap3A_2173, %swap3A_2174], %gather3A_2170 {strides = array<i32>} : memref<8x8x513xf32, #tpu.memory_space<vmem>>, vector<16xf32>,
        %add3A_2176 = arith.addi %broadcast_in_dim3A_480, %get3A_2161 : vector<16xi32>
        %gather3A_2177 = tpu.vector_load_idx %arg5[%add3A_2176] : memref<2048xf32, #tpu.memory_space<vmem>>[vector<16xi32>], vector<16xf32>,
        %swap3A_2178 = arith.constant 2 : i32
        %swap3A_2179 = arith.index_cast %swap3A_2178 : i32 to index
        %swap3A_2180 = arith.index_cast %add3A_567 : i32 to index
        %swap3A_2181 = arith.constant 433 : index
        %swap3A_2182 = tpu.vector_load %arg7[%swap3A_2179, %swap3A_2180, %swap3A_2181] {strides = array<i32>} : memref<8x8x513xf32, #tpu.memory_space<vmem>>, vector<16xf32>,
        tpu.vector_store %arg7[%swap3A_2179, %swap3A_2180, %swap3A_2181], %gather3A_2177 {strides = array<i32>} : memref<8x8x513xf32, #tpu.memory_space<vmem>>, vector<16xf32>,
        %add3A_2183 = arith.addi %broadcast_in_dim3A_482, %get3A_2161 : vector<16xi32>
        %gather3A_2184 = tpu.vector_load_idx %arg5[%add3A_2183] : memref<2048xf32, #tpu.memory_space<vmem>>[vector<16xi32>], vector<16xf32>,
        %swap3A_2185 = arith.constant 3 : i32
        %swap3A_2186 = arith.index_cast %swap3A_2185 : i32 to index
        %swap3A_2187 = arith.index_cast %add3A_567 : i32 to index
        %swap3A_2188 = arith.constant 433 : index
        %swap3A_2189 = tpu.vector_load %arg7[%swap3A_2186, %swap3A_2187, %swap3A_2188] {strides = array<i32>} : memref<8x8x513xf32, #tpu.memory_space<vmem>>, vector<16xf32>,
        tpu.vector_store %arg7[%swap3A_2186, %swap3A_2187, %swap3A_2188], %gather3A_2184 {strides = array<i32>} : memref<8x8x513xf32, #tpu.memory_space<vmem>>, vector<16xf32>,
        %add3A_2190 = arith.addi %broadcast_in_dim3A_484, %get3A_2161 : vector<16xi32>
        %gather3A_2191 = tpu.vector_load_idx %arg5[%add3A_2190] : memref<2048xf32, #tpu.memory_space<vmem>>[vector<16xi32>], vector<16xf32>,
        %swap3A_2192 = arith.constant 4 : i32
        %swap3A_2193 = arith.index_cast %swap3A_2192 : i32 to index
        %swap3A_2194 = arith.index_cast %add3A_567 : i32 to index
        %swap3A_2195 = arith.constant 433 : index
        %swap3A_2196 = tpu.vector_load %arg7[%swap3A_2193, %swap3A_2194, %swap3A_2195] {strides = array<i32>} : memref<8x8x513xf32, #tpu.memory_space<vmem>>, vector<16xf32>,
        tpu.vector_store %arg7[%swap3A_2193, %swap3A_2194, %swap3A_2195], %gather3A_2191 {strides = array<i32>} : memref<8x8x513xf32, #tpu.memory_space<vmem>>, vector<16xf32>,
        %add3A_2197 = arith.addi %broadcast_in_dim3A_486, %get3A_2161 : vector<16xi32>
        %gather3A_2198 = tpu.vector_load_idx %arg5[%add3A_2197] : memref<2048xf32, #tpu.memory_space<vmem>>[vector<16xi32>], vector<16xf32>,
        %swap3A_2199 = arith.constant 5 : i32
        %swap3A_2200 = arith.index_cast %swap3A_2199 : i32 to index
        %swap3A_2201 = arith.index_cast %add3A_567 : i32 to index
        %swap3A_2202 = arith.constant 433 : index
        %swap3A_2203 = tpu.vector_load %arg7[%swap3A_2200, %swap3A_2201, %swap3A_2202] {strides = array<i32>} : memref<8x8x513xf32, #tpu.memory_space<vmem>>, vector<16xf32>,
        tpu.vector_store %arg7[%swap3A_2200, %swap3A_2201, %swap3A_2202], %gather3A_2198 {strides = array<i32>} : memref<8x8x513xf32, #tpu.memory_space<vmem>>, vector<16xf32>,
        %add3A_2204 = arith.addi %broadcast_in_dim3A_488, %get3A_2161 : vector<16xi32>
        %gather3A_2205 = tpu.vector_load_idx %arg5[%add3A_2204] : memref<2048xf32, #tpu.memory_space<vmem>>[vector<16xi32>], vector<16xf32>,
        %swap3A_2206 = arith.constant 6 : i32
        %swap3A_2207 = arith.index_cast %swap3A_2206 : i32 to index
        %swap3A_2208 = arith.index_cast %add3A_567 : i32 to index
        %swap3A_2209 = arith.constant 433 : index
        %swap3A_2210 = tpu.vector_load %arg7[%swap3A_2207, %swap3A_2208, %swap3A_2209] {strides = array<i32>} : memref<8x8x513xf32, #tpu.memory_space<vmem>>, vector<16xf32>,
        tpu.vector_store %arg7[%swap3A_2207, %swap3A_2208, %swap3A_2209], %gather3A_2205 {strides = array<i32>} : memref<8x8x513xf32, #tpu.memory_space<vmem>>, vector<16xf32>,
        %add3A_2211 = arith.addi %broadcast_in_dim3A_490, %get3A_2161 : vector<16xi32>
        %gather3A_2212 = tpu.vector_load_idx %arg5[%add3A_2211] : memref<2048xf32, #tpu.memory_space<vmem>>[vector<16xi32>], vector<16xf32>,
        %swap3A_2213 = arith.constant 7 : i32
        %swap3A_2214 = arith.index_cast %swap3A_2213 : i32 to index
        %swap3A_2215 = arith.index_cast %add3A_567 : i32 to index
        %swap3A_2216 = arith.constant 433 : index
        %swap3A_2217 = tpu.vector_load %arg7[%swap3A_2214, %swap3A_2215, %swap3A_2216] {strides = array<i32>} : memref<8x8x513xf32, #tpu.memory_space<vmem>>, vector<16xf32>,
        tpu.vector_store %arg7[%swap3A_2214, %swap3A_2215, %swap3A_2216], %gather3A_2212 {strides = array<i32>} : memref<8x8x513xf32, #tpu.memory_space<vmem>>, vector<16xf32>,
        %get3A_2218 = arith.index_cast %add3A_567 : i32 to index
        %get3A_2219 = arith.constant 448 : index
        %get3A_2220 = tpu.vector_load %arg6[%get3A_2218, %get3A_2219] {strides = array<i32>} : memref<8x512xi32, #tpu.memory_space<vmem>>, vector<16xi32>,
        %add3A_2221 = arith.addi %broadcast_in_dim3A_476, %get3A_2220 : vector<16xi32>
        %gather3A_2222 = tpu.vector_load_idx %arg5[%add3A_2221] : memref<2048xf32, #tpu.memory_space<vmem>>[vector<16xi32>], vector<16xf32>,
        %swap3A_2223 = arith.constant 0 : i32
        %swap3A_2224 = arith.index_cast %swap3A_2223 : i32 to index
        %swap3A_2225 = arith.index_cast %add3A_567 : i32 to index
        %swap3A_2226 = arith.constant 449 : index
        %swap3A_2227 = tpu.vector_load %arg7[%swap3A_2224, %swap3A_2225, %swap3A_2226] {strides = array<i32>} : memref<8x8x513xf32, #tpu.memory_space<vmem>>, vector<16xf32>,
        tpu.vector_store %arg7[%swap3A_2224, %swap3A_2225, %swap3A_2226], %gather3A_2222 {strides = array<i32>} : memref<8x8x513xf32, #tpu.memory_space<vmem>>, vector<16xf32>,
        %add3A_2228 = arith.addi %broadcast_in_dim3A_478, %get3A_2220 : vector<16xi32>
        %gather3A_2229 = tpu.vector_load_idx %arg5[%add3A_2228] : memref<2048xf32, #tpu.memory_space<vmem>>[vector<16xi32>], vector<16xf32>,
        %swap3A_2230 = arith.constant 1 : i32
        %swap3A_2231 = arith.index_cast %swap3A_2230 : i32 to index
        %swap3A_2232 = arith.index_cast %add3A_567 : i32 to index
        %swap3A_2233 = arith.constant 449 : index
        %swap3A_2234 = tpu.vector_load %arg7[%swap3A_2231, %swap3A_2232, %swap3A_2233] {strides = array<i32>} : memref<8x8x513xf32, #tpu.memory_space<vmem>>, vector<16xf32>,
        tpu.vector_store %arg7[%swap3A_2231, %swap3A_2232, %swap3A_2233], %gather3A_2229 {strides = array<i32>} : memref<8x8x513xf32, #tpu.memory_space<vmem>>, vector<16xf32>,
        %add3A_2235 = arith.addi %broadcast_in_dim3A_480, %get3A_2220 : vector<16xi32>
        %gather3A_2236 = tpu.vector_load_idx %arg5[%add3A_2235] : memref<2048xf32, #tpu.memory_space<vmem>>[vector<16xi32>], vector<16xf32>,
        %swap3A_2237 = arith.constant 2 : i32
        %swap3A_2238 = arith.index_cast %swap3A_2237 : i32 to index
        %swap3A_2239 = arith.index_cast %add3A_567 : i32 to index
        %swap3A_2240 = arith.constant 449 : index
        %swap3A_2241 = tpu.vector_load %arg7[%swap3A_2238, %swap3A_2239, %swap3A_2240] {strides = array<i32>} : memref<8x8x513xf32, #tpu.memory_space<vmem>>, vector<16xf32>,
        tpu.vector_store %arg7[%swap3A_2238, %swap3A_2239, %swap3A_2240], %gather3A_2236 {strides = array<i32>} : memref<8x8x513xf32, #tpu.memory_space<vmem>>, vector<16xf32>,
        %add3A_2242 = arith.addi %broadcast_in_dim3A_482, %get3A_2220 : vector<16xi32>
        %gather3A_2243 = tpu.vector_load_idx %arg5[%add3A_2242] : memref<2048xf32, #tpu.memory_space<vmem>>[vector<16xi32>], vector<16xf32>,
        %swap3A_2244 = arith.constant 3 : i32
        %swap3A_2245 = arith.index_cast %swap3A_2244 : i32 to index
        %swap3A_2246 = arith.index_cast %add3A_567 : i32 to index
        %swap3A_2247 = arith.constant 449 : index
        %swap3A_2248 = tpu.vector_load %arg7[%swap3A_2245, %swap3A_2246, %swap3A_2247] {strides = array<i32>} : memref<8x8x513xf32, #tpu.memory_space<vmem>>, vector<16xf32>,
        tpu.vector_store %arg7[%swap3A_2245, %swap3A_2246, %swap3A_2247], %gather3A_2243 {strides = array<i32>} : memref<8x8x513xf32, #tpu.memory_space<vmem>>, vector<16xf32>,
        %add3A_2249 = arith.addi %broadcast_in_dim3A_484, %get3A_2220 : vector<16xi32>
        %gather3A_2250 = tpu.vector_load_idx %arg5[%add3A_2249] : memref<2048xf32, #tpu.memory_space<vmem>>[vector<16xi32>], vector<16xf32>,
        %swap3A_2251 = arith.constant 4 : i32
        %swap3A_2252 = arith.index_cast %swap3A_2251 : i32 to index
        %swap3A_2253 = arith.index_cast %add3A_567 : i32 to index
        %swap3A_2254 = arith.constant 449 : index
        %swap3A_2255 = tpu.vector_load %arg7[%swap3A_2252, %swap3A_2253, %swap3A_2254] {strides = array<i32>} : memref<8x8x513xf32, #tpu.memory_space<vmem>>, vector<16xf32>,
        tpu.vector_store %arg7[%swap3A_2252, %swap3A_2253, %swap3A_2254], %gather3A_2250 {strides = array<i32>} : memref<8x8x513xf32, #tpu.memory_space<vmem>>, vector<16xf32>,
        %add3A_2256 = arith.addi %broadcast_in_dim3A_486, %get3A_2220 : vector<16xi32>
        %gather3A_2257 = tpu.vector_load_idx %arg5[%add3A_2256] : memref<2048xf32, #tpu.memory_space<vmem>>[vector<16xi32>], vector<16xf32>,
        %swap3A_2258 = arith.constant 5 : i32
        %swap3A_2259 = arith.index_cast %swap3A_2258 : i32 to index
        %swap3A_2260 = arith.index_cast %add3A_567 : i32 to index
        %swap3A_2261 = arith.constant 449 : index
        %swap3A_2262 = tpu.vector_load %arg7[%swap3A_2259, %swap3A_2260, %swap3A_2261] {strides = array<i32>} : memref<8x8x513xf32, #tpu.memory_space<vmem>>, vector<16xf32>,
        tpu.vector_store %arg7[%swap3A_2259, %swap3A_2260, %swap3A_2261], %gather3A_2257 {strides = array<i32>} : memref<8x8x513xf32, #tpu.memory_space<vmem>>, vector<16xf32>,
        %add3A_2263 = arith.addi %broadcast_in_dim3A_488, %get3A_2220 : vector<16xi32>
        %gather3A_2264 = tpu.vector_load_idx %arg5[%add3A_2263] : memref<2048xf32, #tpu.memory_space<vmem>>[vector<16xi32>], vector<16xf32>,
        %swap3A_2265 = arith.constant 6 : i32
        %swap3A_2266 = arith.index_cast %swap3A_2265 : i32 to index
        %swap3A_2267 = arith.index_cast %add3A_567 : i32 to index
        %swap3A_2268 = arith.constant 449 : index
        %swap3A_2269 = tpu.vector_load %arg7[%swap3A_2266, %swap3A_2267, %swap3A_2268] {strides = array<i32>} : memref<8x8x513xf32, #tpu.memory_space<vmem>>, vector<16xf32>,
        tpu.vector_store %arg7[%swap3A_2266, %swap3A_2267, %swap3A_2268], %gather3A_2264 {strides = array<i32>} : memref<8x8x513xf32, #tpu.memory_space<vmem>>, vector<16xf32>,
        %add3A_2270 = arith.addi %broadcast_in_dim3A_490, %get3A_2220 : vector<16xi32>
        %gather3A_2271 = tpu.vector_load_idx %arg5[%add3A_2270] : memref<2048xf32, #tpu.memory_space<vmem>>[vector<16xi32>], vector<16xf32>,
        %swap3A_2272 = arith.constant 7 : i32
        %swap3A_2273 = arith.index_cast %swap3A_2272 : i32 to index
        %swap3A_2274 = arith.index_cast %add3A_567 : i32 to index
        %swap3A_2275 = arith.constant 449 : index
        %swap3A_2276 = tpu.vector_load %arg7[%swap3A_2273, %swap3A_2274, %swap3A_2275] {strides = array<i32>} : memref<8x8x513xf32, #tpu.memory_space<vmem>>, vector<16xf32>,
        tpu.vector_store %arg7[%swap3A_2273, %swap3A_2274, %swap3A_2275], %gather3A_2271 {strides = array<i32>} : memref<8x8x513xf32, #tpu.memory_space<vmem>>, vector<16xf32>,
        %get3A_2277 = arith.index_cast %add3A_567 : i32 to index
        %get3A_2278 = arith.constant 464 : index
        %get3A_2279 = tpu.vector_load %arg6[%get3A_2277, %get3A_2278] {strides = array<i32>} : memref<8x512xi32, #tpu.memory_space<vmem>>, vector<16xi32>,
        %add3A_2280 = arith.addi %broadcast_in_dim3A_476, %get3A_2279 : vector<16xi32>
        %gather3A_2281 = tpu.vector_load_idx %arg5[%add3A_2280] : memref<2048xf32, #tpu.memory_space<vmem>>[vector<16xi32>], vector<16xf32>,
        %swap3A_2282 = arith.constant 0 : i32
        %swap3A_2283 = arith.index_cast %swap3A_2282 : i32 to index
        %swap3A_2284 = arith.index_cast %add3A_567 : i32 to index
        %swap3A_2285 = arith.constant 465 : index
        %swap3A_2286 = tpu.vector_load %arg7[%swap3A_2283, %swap3A_2284, %swap3A_2285] {strides = array<i32>} : memref<8x8x513xf32, #tpu.memory_space<vmem>>, vector<16xf32>,
        tpu.vector_store %arg7[%swap3A_2283, %swap3A_2284, %swap3A_2285], %gather3A_2281 {strides = array<i32>} : memref<8x8x513xf32, #tpu.memory_space<vmem>>, vector<16xf32>,
        %add3A_2287 = arith.addi %broadcast_in_dim3A_478, %get3A_2279 : vector<16xi32>
        %gather3A_2288 = tpu.vector_load_idx %arg5[%add3A_2287] : memref<2048xf32, #tpu.memory_space<vmem>>[vector<16xi32>], vector<16xf32>,
        %swap3A_2289 = arith.constant 1 : i32
        %swap3A_2290 = arith.index_cast %swap3A_2289 : i32 to index
        %swap3A_2291 = arith.index_cast %add3A_567 : i32 to index
        %swap3A_2292 = arith.constant 465 : index
        %swap3A_2293 = tpu.vector_load %arg7[%swap3A_2290, %swap3A_2291, %swap3A_2292] {strides = array<i32>} : memref<8x8x513xf32, #tpu.memory_space<vmem>>, vector<16xf32>,
        tpu.vector_store %arg7[%swap3A_2290, %swap3A_2291, %swap3A_2292], %gather3A_2288 {strides = array<i32>} : memref<8x8x513xf32, #tpu.memory_space<vmem>>, vector<16xf32>,
        %add3A_2294 = arith.addi %broadcast_in_dim3A_480, %get3A_2279 : vector<16xi32>
        %gather3A_2295 = tpu.vector_load_idx %arg5[%add3A_2294] : memref<2048xf32, #tpu.memory_space<vmem>>[vector<16xi32>], vector<16xf32>,
        %swap3A_2296 = arith.constant 2 : i32
        %swap3A_2297 = arith.index_cast %swap3A_2296 : i32 to index
        %swap3A_2298 = arith.index_cast %add3A_567 : i32 to index
        %swap3A_2299 = arith.constant 465 : index
        %swap3A_2300 = tpu.vector_load %arg7[%swap3A_2297, %swap3A_2298, %swap3A_2299] {strides = array<i32>} : memref<8x8x513xf32, #tpu.memory_space<vmem>>, vector<16xf32>,
        tpu.vector_store %arg7[%swap3A_2297, %swap3A_2298, %swap3A_2299], %gather3A_2295 {strides = array<i32>} : memref<8x8x513xf32, #tpu.memory_space<vmem>>, vector<16xf32>,
        %add3A_2301 = arith.addi %broadcast_in_dim3A_482, %get3A_2279 : vector<16xi32>
        %gather3A_2302 = tpu.vector_load_idx %arg5[%add3A_2301] : memref<2048xf32, #tpu.memory_space<vmem>>[vector<16xi32>], vector<16xf32>,
        %swap3A_2303 = arith.constant 3 : i32
        %swap3A_2304 = arith.index_cast %swap3A_2303 : i32 to index
        %swap3A_2305 = arith.index_cast %add3A_567 : i32 to index
        %swap3A_2306 = arith.constant 465 : index
        %swap3A_2307 = tpu.vector_load %arg7[%swap3A_2304, %swap3A_2305, %swap3A_2306] {strides = array<i32>} : memref<8x8x513xf32, #tpu.memory_space<vmem>>, vector<16xf32>,
        tpu.vector_store %arg7[%swap3A_2304, %swap3A_2305, %swap3A_2306], %gather3A_2302 {strides = array<i32>} : memref<8x8x513xf32, #tpu.memory_space<vmem>>, vector<16xf32>,
        %add3A_2308 = arith.addi %broadcast_in_dim3A_484, %get3A_2279 : vector<16xi32>
        %gather3A_2309 = tpu.vector_load_idx %arg5[%add3A_2308] : memref<2048xf32, #tpu.memory_space<vmem>>[vector<16xi32>], vector<16xf32>,
        %swap3A_2310 = arith.constant 4 : i32
        %swap3A_2311 = arith.index_cast %swap3A_2310 : i32 to index
        %swap3A_2312 = arith.index_cast %add3A_567 : i32 to index
        %swap3A_2313 = arith.constant 465 : index
        %swap3A_2314 = tpu.vector_load %arg7[%swap3A_2311, %swap3A_2312, %swap3A_2313] {strides = array<i32>} : memref<8x8x513xf32, #tpu.memory_space<vmem>>, vector<16xf32>,
        tpu.vector_store %arg7[%swap3A_2311, %swap3A_2312, %swap3A_2313], %gather3A_2309 {strides = array<i32>} : memref<8x8x513xf32, #tpu.memory_space<vmem>>, vector<16xf32>,
        %add3A_2315 = arith.addi %broadcast_in_dim3A_486, %get3A_2279 : vector<16xi32>
        %gather3A_2316 = tpu.vector_load_idx %arg5[%add3A_2315] : memref<2048xf32, #tpu.memory_space<vmem>>[vector<16xi32>], vector<16xf32>,
        %swap3A_2317 = arith.constant 5 : i32
        %swap3A_2318 = arith.index_cast %swap3A_2317 : i32 to index
        %swap3A_2319 = arith.index_cast %add3A_567 : i32 to index
        %swap3A_2320 = arith.constant 465 : index
        %swap3A_2321 = tpu.vector_load %arg7[%swap3A_2318, %swap3A_2319, %swap3A_2320] {strides = array<i32>} : memref<8x8x513xf32, #tpu.memory_space<vmem>>, vector<16xf32>,
        tpu.vector_store %arg7[%swap3A_2318, %swap3A_2319, %swap3A_2320], %gather3A_2316 {strides = array<i32>} : memref<8x8x513xf32, #tpu.memory_space<vmem>>, vector<16xf32>,
        %add3A_2322 = arith.addi %broadcast_in_dim3A_488, %get3A_2279 : vector<16xi32>
        %gather3A_2323 = tpu.vector_load_idx %arg5[%add3A_2322] : memref<2048xf32, #tpu.memory_space<vmem>>[vector<16xi32>], vector<16xf32>,
        %swap3A_2324 = arith.constant 6 : i32
        %swap3A_2325 = arith.index_cast %swap3A_2324 : i32 to index
        %swap3A_2326 = arith.index_cast %add3A_567 : i32 to index
        %swap3A_2327 = arith.constant 465 : index
        %swap3A_2328 = tpu.vector_load %arg7[%swap3A_2325, %swap3A_2326, %swap3A_2327] {strides = array<i32>} : memref<8x8x513xf32, #tpu.memory_space<vmem>>, vector<16xf32>,
        tpu.vector_store %arg7[%swap3A_2325, %swap3A_2326, %swap3A_2327], %gather3A_2323 {strides = array<i32>} : memref<8x8x513xf32, #tpu.memory_space<vmem>>, vector<16xf32>,
        %add3A_2329 = arith.addi %broadcast_in_dim3A_490, %get3A_2279 : vector<16xi32>
        %gather3A_2330 = tpu.vector_load_idx %arg5[%add3A_2329] : memref<2048xf32, #tpu.memory_space<vmem>>[vector<16xi32>], vector<16xf32>,
        %swap3A_2331 = arith.constant 7 : i32
        %swap3A_2332 = arith.index_cast %swap3A_2331 : i32 to index
        %swap3A_2333 = arith.index_cast %add3A_567 : i32 to index
        %swap3A_2334 = arith.constant 465 : index
        %swap3A_2335 = tpu.vector_load %arg7[%swap3A_2332, %swap3A_2333, %swap3A_2334] {strides = array<i32>} : memref<8x8x513xf32, #tpu.memory_space<vmem>>, vector<16xf32>,
        tpu.vector_store %arg7[%swap3A_2332, %swap3A_2333, %swap3A_2334], %gather3A_2330 {strides = array<i32>} : memref<8x8x513xf32, #tpu.memory_space<vmem>>, vector<16xf32>,
        %get3A_2336 = arith.index_cast %add3A_567 : i32 to index
        %get3A_2337 = arith.constant 480 : index
        %get3A_2338 = tpu.vector_load %arg6[%get3A_2336, %get3A_2337] {strides = array<i32>} : memref<8x512xi32, #tpu.memory_space<vmem>>, vector<16xi32>,
        %add3A_2339 = arith.addi %broadcast_in_dim3A_476, %get3A_2338 : vector<16xi32>
        %gather3A_2340 = tpu.vector_load_idx %arg5[%add3A_2339] : memref<2048xf32, #tpu.memory_space<vmem>>[vector<16xi32>], vector<16xf32>,
        %swap3A_2341 = arith.constant 0 : i32
        %swap3A_2342 = arith.index_cast %swap3A_2341 : i32 to index
        %swap3A_2343 = arith.index_cast %add3A_567 : i32 to index
        %swap3A_2344 = arith.constant 481 : index
        %swap3A_2345 = tpu.vector_load %arg7[%swap3A_2342, %swap3A_2343, %swap3A_2344] {strides = array<i32>} : memref<8x8x513xf32, #tpu.memory_space<vmem>>, vector<16xf32>,
        tpu.vector_store %arg7[%swap3A_2342, %swap3A_2343, %swap3A_2344], %gather3A_2340 {strides = array<i32>} : memref<8x8x513xf32, #tpu.memory_space<vmem>>, vector<16xf32>,
        %add3A_2346 = arith.addi %broadcast_in_dim3A_478, %get3A_2338 : vector<16xi32>
        %gather3A_2347 = tpu.vector_load_idx %arg5[%add3A_2346] : memref<2048xf32, #tpu.memory_space<vmem>>[vector<16xi32>], vector<16xf32>,
        %swap3A_2348 = arith.constant 1 : i32
        %swap3A_2349 = arith.index_cast %swap3A_2348 : i32 to index
        %swap3A_2350 = arith.index_cast %add3A_567 : i32 to index
        %swap3A_2351 = arith.constant 481 : index
        %swap3A_2352 = tpu.vector_load %arg7[%swap3A_2349, %swap3A_2350, %swap3A_2351] {strides = array<i32>} : memref<8x8x513xf32, #tpu.memory_space<vmem>>, vector<16xf32>,
        tpu.vector_store %arg7[%swap3A_2349, %swap3A_2350, %swap3A_2351], %gather3A_2347 {strides = array<i32>} : memref<8x8x513xf32, #tpu.memory_space<vmem>>, vector<16xf32>,
        %add3A_2353 = arith.addi %broadcast_in_dim3A_480, %get3A_2338 : vector<16xi32>
        %gather3A_2354 = tpu.vector_load_idx %arg5[%add3A_2353] : memref<2048xf32, #tpu.memory_space<vmem>>[vector<16xi32>], vector<16xf32>,
        %swap3A_2355 = arith.constant 2 : i32
        %swap3A_2356 = arith.index_cast %swap3A_2355 : i32 to index
        %swap3A_2357 = arith.index_cast %add3A_567 : i32 to index
        %swap3A_2358 = arith.constant 481 : index
        %swap3A_2359 = tpu.vector_load %arg7[%swap3A_2356, %swap3A_2357, %swap3A_2358] {strides = array<i32>} : memref<8x8x513xf32, #tpu.memory_space<vmem>>, vector<16xf32>,
        tpu.vector_store %arg7[%swap3A_2356, %swap3A_2357, %swap3A_2358], %gather3A_2354 {strides = array<i32>} : memref<8x8x513xf32, #tpu.memory_space<vmem>>, vector<16xf32>,
        %add3A_2360 = arith.addi %broadcast_in_dim3A_482, %get3A_2338 : vector<16xi32>
        %gather3A_2361 = tpu.vector_load_idx %arg5[%add3A_2360] : memref<2048xf32, #tpu.memory_space<vmem>>[vector<16xi32>], vector<16xf32>,
        %swap3A_2362 = arith.constant 3 : i32
        %swap3A_2363 = arith.index_cast %swap3A_2362 : i32 to index
        %swap3A_2364 = arith.index_cast %add3A_567 : i32 to index
        %swap3A_2365 = arith.constant 481 : index
        %swap3A_2366 = tpu.vector_load %arg7[%swap3A_2363, %swap3A_2364, %swap3A_2365] {strides = array<i32>} : memref<8x8x513xf32, #tpu.memory_space<vmem>>, vector<16xf32>,
        tpu.vector_store %arg7[%swap3A_2363, %swap3A_2364, %swap3A_2365], %gather3A_2361 {strides = array<i32>} : memref<8x8x513xf32, #tpu.memory_space<vmem>>, vector<16xf32>,
        %add3A_2367 = arith.addi %broadcast_in_dim3A_484, %get3A_2338 : vector<16xi32>
        %gather3A_2368 = tpu.vector_load_idx %arg5[%add3A_2367] : memref<2048xf32, #tpu.memory_space<vmem>>[vector<16xi32>], vector<16xf32>,
        %swap3A_2369 = arith.constant 4 : i32
        %swap3A_2370 = arith.index_cast %swap3A_2369 : i32 to index
        %swap3A_2371 = arith.index_cast %add3A_567 : i32 to index
        %swap3A_2372 = arith.constant 481 : index
        %swap3A_2373 = tpu.vector_load %arg7[%swap3A_2370, %swap3A_2371, %swap3A_2372] {strides = array<i32>} : memref<8x8x513xf32, #tpu.memory_space<vmem>>, vector<16xf32>,
        tpu.vector_store %arg7[%swap3A_2370, %swap3A_2371, %swap3A_2372], %gather3A_2368 {strides = array<i32>} : memref<8x8x513xf32, #tpu.memory_space<vmem>>, vector<16xf32>,
        %add3A_2374 = arith.addi %broadcast_in_dim3A_486, %get3A_2338 : vector<16xi32>
        %gather3A_2375 = tpu.vector_load_idx %arg5[%add3A_2374] : memref<2048xf32, #tpu.memory_space<vmem>>[vector<16xi32>], vector<16xf32>,
        %swap3A_2376 = arith.constant 5 : i32
        %swap3A_2377 = arith.index_cast %swap3A_2376 : i32 to index
        %swap3A_2378 = arith.index_cast %add3A_567 : i32 to index
        %swap3A_2379 = arith.constant 481 : index
        %swap3A_2380 = tpu.vector_load %arg7[%swap3A_2377, %swap3A_2378, %swap3A_2379] {strides = array<i32>} : memref<8x8x513xf32, #tpu.memory_space<vmem>>, vector<16xf32>,
        tpu.vector_store %arg7[%swap3A_2377, %swap3A_2378, %swap3A_2379], %gather3A_2375 {strides = array<i32>} : memref<8x8x513xf32, #tpu.memory_space<vmem>>, vector<16xf32>,
        %add3A_2381 = arith.addi %broadcast_in_dim3A_488, %get3A_2338 : vector<16xi32>
        %gather3A_2382 = tpu.vector_load_idx %arg5[%add3A_2381] : memref<2048xf32, #tpu.memory_space<vmem>>[vector<16xi32>], vector<16xf32>,
        %swap3A_2383 = arith.constant 6 : i32
        %swap3A_2384 = arith.index_cast %swap3A_2383 : i32 to index
        %swap3A_2385 = arith.index_cast %add3A_567 : i32 to index
        %swap3A_2386 = arith.constant 481 : index
        %swap3A_2387 = tpu.vector_load %arg7[%swap3A_2384, %swap3A_2385, %swap3A_2386] {strides = array<i32>} : memref<8x8x513xf32, #tpu.memory_space<vmem>>, vector<16xf32>,
        tpu.vector_store %arg7[%swap3A_2384, %swap3A_2385, %swap3A_2386], %gather3A_2382 {strides = array<i32>} : memref<8x8x513xf32, #tpu.memory_space<vmem>>, vector<16xf32>,
        %add3A_2388 = arith.addi %broadcast_in_dim3A_490, %get3A_2338 : vector<16xi32>
        %gather3A_2389 = tpu.vector_load_idx %arg5[%add3A_2388] : memref<2048xf32, #tpu.memory_space<vmem>>[vector<16xi32>], vector<16xf32>,
        %swap3A_2390 = arith.constant 7 : i32
        %swap3A_2391 = arith.index_cast %swap3A_2390 : i32 to index
        %swap3A_2392 = arith.index_cast %add3A_567 : i32 to index
        %swap3A_2393 = arith.constant 481 : index
        %swap3A_2394 = tpu.vector_load %arg7[%swap3A_2391, %swap3A_2392, %swap3A_2393] {strides = array<i32>} : memref<8x8x513xf32, #tpu.memory_space<vmem>>, vector<16xf32>,
        tpu.vector_store %arg7[%swap3A_2391, %swap3A_2392, %swap3A_2393], %gather3A_2389 {strides = array<i32>} : memref<8x8x513xf32, #tpu.memory_space<vmem>>, vector<16xf32>,
        %get3A_2395 = arith.index_cast %add3A_567 : i32 to index
        %get3A_2396 = arith.constant 496 : index
        %get3A_2397 = tpu.vector_load %arg6[%get3A_2395, %get3A_2396] {strides = array<i32>} : memref<8x512xi32, #tpu.memory_space<vmem>>, vector<16xi32>,
        %add3A_2398 = arith.addi %broadcast_in_dim3A_476, %get3A_2397 : vector<16xi32>
        %gather3A_2399 = tpu.vector_load_idx %arg5[%add3A_2398] : memref<2048xf32, #tpu.memory_space<vmem>>[vector<16xi32>], vector<16xf32>,
        %swap3A_2400 = arith.constant 0 : i32
        %swap3A_2401 = arith.index_cast %swap3A_2400 : i32 to index
        %swap3A_2402 = arith.index_cast %add3A_567 : i32 to index
        %swap3A_2403 = arith.constant 497 : index
        %swap3A_2404 = tpu.vector_load %arg7[%swap3A_2401, %swap3A_2402, %swap3A_2403] {strides = array<i32>} : memref<8x8x513xf32, #tpu.memory_space<vmem>>, vector<16xf32>,
        tpu.vector_store %arg7[%swap3A_2401, %swap3A_2402, %swap3A_2403], %gather3A_2399 {strides = array<i32>} : memref<8x8x513xf32, #tpu.memory_space<vmem>>, vector<16xf32>,
        %add3A_2405 = arith.addi %broadcast_in_dim3A_478, %get3A_2397 : vector<16xi32>
        %gather3A_2406 = tpu.vector_load_idx %arg5[%add3A_2405] : memref<2048xf32, #tpu.memory_space<vmem>>[vector<16xi32>], vector<16xf32>,
        %swap3A_2407 = arith.constant 1 : i32
        %swap3A_2408 = arith.index_cast %swap3A_2407 : i32 to index
        %swap3A_2409 = arith.index_cast %add3A_567 : i32 to index
        %swap3A_2410 = arith.constant 497 : index
        %swap3A_2411 = tpu.vector_load %arg7[%swap3A_2408, %swap3A_2409, %swap3A_2410] {strides = array<i32>} : memref<8x8x513xf32, #tpu.memory_space<vmem>>, vector<16xf32>,
        tpu.vector_store %arg7[%swap3A_2408, %swap3A_2409, %swap3A_2410], %gather3A_2406 {strides = array<i32>} : memref<8x8x513xf32, #tpu.memory_space<vmem>>, vector<16xf32>,
        %add3A_2412 = arith.addi %broadcast_in_dim3A_480, %get3A_2397 : vector<16xi32>
        %gather3A_2413 = tpu.vector_load_idx %arg5[%add3A_2412] : memref<2048xf32, #tpu.memory_space<vmem>>[vector<16xi32>], vector<16xf32>,
        %swap3A_2414 = arith.constant 2 : i32
        %swap3A_2415 = arith.index_cast %swap3A_2414 : i32 to index
        %swap3A_2416 = arith.index_cast %add3A_567 : i32 to index
        %swap3A_2417 = arith.constant 497 : index
        %swap3A_2418 = tpu.vector_load %arg7[%swap3A_2415, %swap3A_2416, %swap3A_2417] {strides = array<i32>} : memref<8x8x513xf32, #tpu.memory_space<vmem>>, vector<16xf32>,
        tpu.vector_store %arg7[%swap3A_2415, %swap3A_2416, %swap3A_2417], %gather3A_2413 {strides = array<i32>} : memref<8x8x513xf32, #tpu.memory_space<vmem>>, vector<16xf32>,
        %add3A_2419 = arith.addi %broadcast_in_dim3A_482, %get3A_2397 : vector<16xi32>
        %gather3A_2420 = tpu.vector_load_idx %arg5[%add3A_2419] : memref<2048xf32, #tpu.memory_space<vmem>>[vector<16xi32>], vector<16xf32>,
        %swap3A_2421 = arith.constant 3 : i32
        %swap3A_2422 = arith.index_cast %swap3A_2421 : i32 to index
        %swap3A_2423 = arith.index_cast %add3A_567 : i32 to index
        %swap3A_2424 = arith.constant 497 : index
        %swap3A_2425 = tpu.vector_load %arg7[%swap3A_2422, %swap3A_2423, %swap3A_2424] {strides = array<i32>} : memref<8x8x513xf32, #tpu.memory_space<vmem>>, vector<16xf32>,
        tpu.vector_store %arg7[%swap3A_2422, %swap3A_2423, %swap3A_2424], %gather3A_2420 {strides = array<i32>} : memref<8x8x513xf32, #tpu.memory_space<vmem>>, vector<16xf32>,
        %add3A_2426 = arith.addi %broadcast_in_dim3A_484, %get3A_2397 : vector<16xi32>
        %gather3A_2427 = tpu.vector_load_idx %arg5[%add3A_2426] : memref<2048xf32, #tpu.memory_space<vmem>>[vector<16xi32>], vector<16xf32>,
        %swap3A_2428 = arith.constant 4 : i32
        %swap3A_2429 = arith.index_cast %swap3A_2428 : i32 to index
        %swap3A_2430 = arith.index_cast %add3A_567 : i32 to index
        %swap3A_2431 = arith.constant 497 : index
        %swap3A_2432 = tpu.vector_load %arg7[%swap3A_2429, %swap3A_2430, %swap3A_2431] {strides = array<i32>} : memref<8x8x513xf32, #tpu.memory_space<vmem>>, vector<16xf32>,
        tpu.vector_store %arg7[%swap3A_2429, %swap3A_2430, %swap3A_2431], %gather3A_2427 {strides = array<i32>} : memref<8x8x513xf32, #tpu.memory_space<vmem>>, vector<16xf32>,
        %add3A_2433 = arith.addi %broadcast_in_dim3A_486, %get3A_2397 : vector<16xi32>
        %gather3A_2434 = tpu.vector_load_idx %arg5[%add3A_2433] : memref<2048xf32, #tpu.memory_space<vmem>>[vector<16xi32>], vector<16xf32>,
        %swap3A_2435 = arith.constant 5 : i32
        %swap3A_2436 = arith.index_cast %swap3A_2435 : i32 to index
        %swap3A_2437 = arith.index_cast %add3A_567 : i32 to index
        %swap3A_2438 = arith.constant 497 : index
        %swap3A_2439 = tpu.vector_load %arg7[%swap3A_2436, %swap3A_2437, %swap3A_2438] {strides = array<i32>} : memref<8x8x513xf32, #tpu.memory_space<vmem>>, vector<16xf32>,
        tpu.vector_store %arg7[%swap3A_2436, %swap3A_2437, %swap3A_2438], %gather3A_2434 {strides = array<i32>} : memref<8x8x513xf32, #tpu.memory_space<vmem>>, vector<16xf32>,
        %add3A_2440 = arith.addi %broadcast_in_dim3A_488, %get3A_2397 : vector<16xi32>
        %gather3A_2441 = tpu.vector_load_idx %arg5[%add3A_2440] : memref<2048xf32, #tpu.memory_space<vmem>>[vector<16xi32>], vector<16xf32>,
        %swap3A_2442 = arith.constant 6 : i32
        %swap3A_2443 = arith.index_cast %swap3A_2442 : i32 to index
        %swap3A_2444 = arith.index_cast %add3A_567 : i32 to index
        %swap3A_2445 = arith.constant 497 : index
        %swap3A_2446 = tpu.vector_load %arg7[%swap3A_2443, %swap3A_2444, %swap3A_2445] {strides = array<i32>} : memref<8x8x513xf32, #tpu.memory_space<vmem>>, vector<16xf32>,
        tpu.vector_store %arg7[%swap3A_2443, %swap3A_2444, %swap3A_2445], %gather3A_2441 {strides = array<i32>} : memref<8x8x513xf32, #tpu.memory_space<vmem>>, vector<16xf32>,
        %add3A_2447 = arith.addi %broadcast_in_dim3A_490, %get3A_2397 : vector<16xi32>
        %gather3A_2448 = tpu.vector_load_idx %arg5[%add3A_2447] : memref<2048xf32, #tpu.memory_space<vmem>>[vector<16xi32>], vector<16xf32>,
        %swap3A_2449 = arith.constant 7 : i32
        %swap3A_2450 = arith.index_cast %swap3A_2449 : i32 to index
        %swap3A_2451 = arith.index_cast %add3A_567 : i32 to index
        %swap3A_2452 = arith.constant 497 : index
        %swap3A_2453 = tpu.vector_load %arg7[%swap3A_2450, %swap3A_2451, %swap3A_2452] {strides = array<i32>} : memref<8x8x513xf32, #tpu.memory_space<vmem>>, vector<16xf32>,
        tpu.vector_store %arg7[%swap3A_2450, %swap3A_2451, %swap3A_2452], %gather3A_2448 {strides = array<i32>} : memref<8x8x513xf32, #tpu.memory_space<vmem>>, vector<16xf32>,
      }
      %scan3A_506 = arith.constant 8 : i32
      %add3A_507 = arith.constant 0 : i32
      %add3A_508 = arith.addi %mul3A_0, %add3A_507 : i32
      %mul3A_509 = arith.constant 8 : i32
      %mul3A_510 = arith.muli %add3A_499, %mul3A_509 : i32
      %add3A_511 = arith.constant 1 : i32
      %add3A_512 = arith.addi %mul3A_510, %add3A_511 : i32
      %run_scoped3A_513 = arith.constant 0 : i32
      "tpu.region"() ({
        %run_scoped3A_563 = tpu.sem_alloc : memref<!tpu.dma_semaphore, #tpu.memory_space<semaphore_mem>>
        %dma_start3A = arith.constant 0 : i32
        %dma_start3A_564 = arith.constant 0 : i32
        %dma_start3A_565 = tpu.memref_slice %arg7[%run_scoped3A_513, %dma_start3A, %dma_start3A_564] : memref<8x8x513xf32, #tpu.memory_space<vmem>> -> memref<1x8x513xf32, #tpu.memory_space<vmem>>
        %dma_start3A_566 = tpu.memref_squeeze %dma_start3A_565 : memref<1x8x513xf32, #tpu.memory_space<vmem>> -> memref<8x513xf32, #tpu.memory_space<vmem>>
        %dma_start3A_567 = arith.constant 0 : i32
        %dma_start3A_568 = tpu.memref_slice %arg4[%arg1, %add3A_508, %add3A_512, %dma_start3A_567] : memref<16x16x513x513xf32, #tpu.memory_space<hbm>> -> memref<1x1x8x513xf32, #tpu.memory_space<hbm>>
        %dma_start3A_569 = tpu.memref_squeeze %dma_start3A_568 : memref<1x1x8x513xf32, #tpu.memory_space<hbm>> -> memref<8x513xf32, #tpu.memory_space<hbm>>
        %dma_start3A_570 = arith.constant 0 : i32
        %dma_start3A_571 = tpu.memref_slice %arg4[%arg1, %add3A_508, %add3A_512, %dma_start3A_570] : memref<16x16x513x513xf32, #tpu.memory_space<hbm>> -> memref<1x1x8x513xf32, #tpu.memory_space<hbm>>
        %dma_start3A_572 = tpu.memref_squeeze %dma_start3A_571 : memref<1x1x8x513xf32, #tpu.memory_space<hbm>> -> memref<8x513xf32, #tpu.memory_space<hbm>>
        %dma_start3A_573 = arith.constant 0 : i32
        %dma_start3A_574 = arith.constant 0 : i32
        %dma_start3A_575 = tpu.memref_slice %arg7[%run_scoped3A_513, %dma_start3A_573, %dma_start3A_574] : memref<8x8x513xf32, #tpu.memory_space<vmem>> -> memref<1x8x513xf32, #tpu.memory_space<vmem>>
        %dma_start3A_576 = tpu.memref_squeeze %dma_start3A_575 : memref<1x8x513xf32, #tpu.memory_space<vmem>> -> memref<8x513xf32, #tpu.memory_space<vmem>>
        tpu.enqueue_dma source(%dma_start3A_576 : memref<8x513xf32, #tpu.memory_space<vmem>>) target(%dma_start3A_572 : memref<8x513xf32, #tpu.memory_space<hbm>>) target_semaphore(%run_scoped3A_563 : memref<!tpu.dma_semaphore, #tpu.memory_space<semaphore_mem>>)
        %dma_wait3A = arith.constant 0 : i32
        %dma_wait3A_577 = arith.constant 0 : i32
        %dma_wait3A_578 = tpu.memref_slice %arg7[%run_scoped3A_513, %dma_wait3A, %dma_wait3A_577] : memref<8x8x513xf32, #tpu.memory_space<vmem>> -> memref<1x8x513xf32, #tpu.memory_space<vmem>>
        %dma_wait3A_579 = tpu.memref_squeeze %dma_wait3A_578 : memref<1x8x513xf32, #tpu.memory_space<vmem>> -> memref<8x513xf32, #tpu.memory_space<vmem>>
        %dma_wait3A_580 = arith.constant 0 : i32
        %dma_wait3A_581 = tpu.memref_slice %arg4[%arg1, %add3A_508, %add3A_512, %dma_wait3A_580] : memref<16x16x513x513xf32, #tpu.memory_space<hbm>> -> memref<1x1x8x513xf32, #tpu.memory_space<hbm>>
        %dma_wait3A_582 = tpu.memref_squeeze %dma_wait3A_581 : memref<1x1x8x513xf32, #tpu.memory_space<hbm>> -> memref<8x513xf32, #tpu.memory_space<hbm>>
        %dma_wait3A_583 = arith.constant 0 : i32
        %dma_wait3A_584 = tpu.memref_slice %arg4[%arg1, %add3A_508, %add3A_512, %dma_wait3A_583] : memref<16x16x513x513xf32, #tpu.memory_space<hbm>> -> memref<1x1x8x513xf32, #tpu.memory_space<hbm>>
        %dma_wait3A_585 = tpu.memref_squeeze %dma_wait3A_584 : memref<1x1x8x513xf32, #tpu.memory_space<hbm>> -> memref<8x513xf32, #tpu.memory_space<hbm>>
        %dma_wait3A_586 = arith.constant 0 : i32
        %dma_wait3A_587 = arith.constant 0 : i32
        %dma_wait3A_588 = tpu.memref_slice %arg7[%run_scoped3A_513, %dma_wait3A_586, %dma_wait3A_587] : memref<8x8x513xf32, #tpu.memory_space<vmem>> -> memref<1x8x513xf32, #tpu.memory_space<vmem>>
        %dma_wait3A_589 = tpu.memref_squeeze %dma_wait3A_588 : memref<1x8x513xf32, #tpu.memory_space<vmem>> -> memref<8x513xf32, #tpu.memory_space<vmem>>
        tpu.wait_dma2 semaphore(%run_scoped3A_563 : memref<!tpu.dma_semaphore, #tpu.memory_space<semaphore_mem>>) src(%dma_wait3A_589 : memref<8x513xf32, #tpu.memory_space<vmem>>) dst(%dma_wait3A_585 : memref<8x513xf32, #tpu.memory_space<hbm>>)
        tpu.yield
      }) : () -> ()
      %add3A_514 = arith.constant 1 : i32
      %add3A_515 = arith.addi %mul3A_0, %add3A_514 : i32
      %mul3A_516 = arith.constant 8 : i32
      %mul3A_517 = arith.muli %add3A_499, %mul3A_516 : i32
      %add3A_518 = arith.constant 1 : i32
      %add3A_519 = arith.addi %mul3A_517, %add3A_518 : i32
      %run_scoped3A_520 = arith.constant 1 : i32
      "tpu.region"() ({
        %run_scoped3A_563 = tpu.sem_alloc : memref<!tpu.dma_semaphore, #tpu.memory_space<semaphore_mem>>
        %dma_start3A = arith.constant 0 : i32
        %dma_start3A_564 = arith.constant 0 : i32
        %dma_start3A_565 = tpu.memref_slice %arg7[%run_scoped3A_520, %dma_start3A, %dma_start3A_564] : memref<8x8x513xf32, #tpu.memory_space<vmem>> -> memref<1x8x513xf32, #tpu.memory_space<vmem>>
        %dma_start3A_566 = tpu.memref_squeeze %dma_start3A_565 : memref<1x8x513xf32, #tpu.memory_space<vmem>> -> memref<8x513xf32, #tpu.memory_space<vmem>>
        %dma_start3A_567 = arith.constant 0 : i32
        %dma_start3A_568 = tpu.memref_slice %arg4[%arg1, %add3A_515, %add3A_519, %dma_start3A_567] : memref<16x16x513x513xf32, #tpu.memory_space<hbm>> -> memref<1x1x8x513xf32, #tpu.memory_space<hbm>>
        %dma_start3A_569 = tpu.memref_squeeze %dma_start3A_568 : memref<1x1x8x513xf32, #tpu.memory_space<hbm>> -> memref<8x513xf32, #tpu.memory_space<hbm>>
        %dma_start3A_570 = arith.constant 0 : i32
        %dma_start3A_571 = tpu.memref_slice %arg4[%arg1, %add3A_515, %add3A_519, %dma_start3A_570] : memref<16x16x513x513xf32, #tpu.memory_space<hbm>> -> memref<1x1x8x513xf32, #tpu.memory_space<hbm>>
        %dma_start3A_572 = tpu.memref_squeeze %dma_start3A_571 : memref<1x1x8x513xf32, #tpu.memory_space<hbm>> -> memref<8x513xf32, #tpu.memory_space<hbm>>
        %dma_start3A_573 = arith.constant 0 : i32
        %dma_start3A_574 = arith.constant 0 : i32
        %dma_start3A_575 = tpu.memref_slice %arg7[%run_scoped3A_520, %dma_start3A_573, %dma_start3A_574] : memref<8x8x513xf32, #tpu.memory_space<vmem>> -> memref<1x8x513xf32, #tpu.memory_space<vmem>>
        %dma_start3A_576 = tpu.memref_squeeze %dma_start3A_575 : memref<1x8x513xf32, #tpu.memory_space<vmem>> -> memref<8x513xf32, #tpu.memory_space<vmem>>
        tpu.enqueue_dma source(%dma_start3A_576 : memref<8x513xf32, #tpu.memory_space<vmem>>) target(%dma_start3A_572 : memref<8x513xf32, #tpu.memory_space<hbm>>) target_semaphore(%run_scoped3A_563 : memref<!tpu.dma_semaphore, #tpu.memory_space<semaphore_mem>>)
        %dma_wait3A = arith.constant 0 : i32
        %dma_wait3A_577 = arith.constant 0 : i32
        %dma_wait3A_578 = tpu.memref_slice %arg7[%run_scoped3A_520, %dma_wait3A, %dma_wait3A_577] : memref<8x8x513xf32, #tpu.memory_space<vmem>> -> memref<1x8x513xf32, #tpu.memory_space<vmem>>
        %dma_wait3A_579 = tpu.memref_squeeze %dma_wait3A_578 : memref<1x8x513xf32, #tpu.memory_space<vmem>> -> memref<8x513xf32, #tpu.memory_space<vmem>>
        %dma_wait3A_580 = arith.constant 0 : i32
        %dma_wait3A_581 = tpu.memref_slice %arg4[%arg1, %add3A_515, %add3A_519, %dma_wait3A_580] : memref<16x16x513x513xf32, #tpu.memory_space<hbm>> -> memref<1x1x8x513xf32, #tpu.memory_space<hbm>>
        %dma_wait3A_582 = tpu.memref_squeeze %dma_wait3A_581 : memref<1x1x8x513xf32, #tpu.memory_space<hbm>> -> memref<8x513xf32, #tpu.memory_space<hbm>>
        %dma_wait3A_583 = arith.constant 0 : i32
        %dma_wait3A_584 = tpu.memref_slice %arg4[%arg1, %add3A_515, %add3A_519, %dma_wait3A_583] : memref<16x16x513x513xf32, #tpu.memory_space<hbm>> -> memref<1x1x8x513xf32, #tpu.memory_space<hbm>>
        %dma_wait3A_585 = tpu.memref_squeeze %dma_wait3A_584 : memref<1x1x8x513xf32, #tpu.memory_space<hbm>> -> memref<8x513xf32, #tpu.memory_space<hbm>>
        %dma_wait3A_586 = arith.constant 0 : i32
        %dma_wait3A_587 = arith.constant 0 : i32
        %dma_wait3A_588 = tpu.memref_slice %arg7[%run_scoped3A_520, %dma_wait3A_586, %dma_wait3A_587] : memref<8x8x513xf32, #tpu.memory_space<vmem>> -> memref<1x8x513xf32, #tpu.memory_space<vmem>>
        %dma_wait3A_589 = tpu.memref_squeeze %dma_wait3A_588 : memref<1x8x513xf32, #tpu.memory_space<vmem>> -> memref<8x513xf32, #tpu.memory_space<vmem>>
        tpu.wait_dma2 semaphore(%run_scoped3A_563 : memref<!tpu.dma_semaphore, #tpu.memory_space<semaphore_mem>>) src(%dma_wait3A_589 : memref<8x513xf32, #tpu.memory_space<vmem>>) dst(%dma_wait3A_585 : memref<8x513xf32, #tpu.memory_space<hbm>>)
        tpu.yield
      }) : () -> ()
      %add3A_521 = arith.constant 2 : i32
      %add3A_522 = arith.addi %mul3A_0, %add3A_521 : i32
      %mul3A_523 = arith.constant 8 : i32
      %mul3A_524 = arith.muli %add3A_499, %mul3A_523 : i32
      %add3A_525 = arith.constant 1 : i32
      %add3A_526 = arith.addi %mul3A_524, %add3A_525 : i32
      %run_scoped3A_527 = arith.constant 2 : i32
      "tpu.region"() ({
        %run_scoped3A_563 = tpu.sem_alloc : memref<!tpu.dma_semaphore, #tpu.memory_space<semaphore_mem>>
        %dma_start3A = arith.constant 0 : i32
        %dma_start3A_564 = arith.constant 0 : i32
        %dma_start3A_565 = tpu.memref_slice %arg7[%run_scoped3A_527, %dma_start3A, %dma_start3A_564] : memref<8x8x513xf32, #tpu.memory_space<vmem>> -> memref<1x8x513xf32, #tpu.memory_space<vmem>>
        %dma_start3A_566 = tpu.memref_squeeze %dma_start3A_565 : memref<1x8x513xf32, #tpu.memory_space<vmem>> -> memref<8x513xf32, #tpu.memory_space<vmem>>
        %dma_start3A_567 = arith.constant 0 : i32
        %dma_start3A_568 = tpu.memref_slice %arg4[%arg1, %add3A_522, %add3A_526, %dma_start3A_567] : memref<16x16x513x513xf32, #tpu.memory_space<hbm>> -> memref<1x1x8x513xf32, #tpu.memory_space<hbm>>
        %dma_start3A_569 = tpu.memref_squeeze %dma_start3A_568 : memref<1x1x8x513xf32, #tpu.memory_space<hbm>> -> memref<8x513xf32, #tpu.memory_space<hbm>>
        %dma_start3A_570 = arith.constant 0 : i32
        %dma_start3A_571 = tpu.memref_slice %arg4[%arg1, %add3A_522, %add3A_526, %dma_start3A_570] : memref<16x16x513x513xf32, #tpu.memory_space<hbm>> -> memref<1x1x8x513xf32, #tpu.memory_space<hbm>>
        %dma_start3A_572 = tpu.memref_squeeze %dma_start3A_571 : memref<1x1x8x513xf32, #tpu.memory_space<hbm>> -> memref<8x513xf32, #tpu.memory_space<hbm>>
        %dma_start3A_573 = arith.constant 0 : i32
        %dma_start3A_574 = arith.constant 0 : i32
        %dma_start3A_575 = tpu.memref_slice %arg7[%run_scoped3A_527, %dma_start3A_573, %dma_start3A_574] : memref<8x8x513xf32, #tpu.memory_space<vmem>> -> memref<1x8x513xf32, #tpu.memory_space<vmem>>
        %dma_start3A_576 = tpu.memref_squeeze %dma_start3A_575 : memref<1x8x513xf32, #tpu.memory_space<vmem>> -> memref<8x513xf32, #tpu.memory_space<vmem>>
        tpu.enqueue_dma source(%dma_start3A_576 : memref<8x513xf32, #tpu.memory_space<vmem>>) target(%dma_start3A_572 : memref<8x513xf32, #tpu.memory_space<hbm>>) target_semaphore(%run_scoped3A_563 : memref<!tpu.dma_semaphore, #tpu.memory_space<semaphore_mem>>)
        %dma_wait3A = arith.constant 0 : i32
        %dma_wait3A_577 = arith.constant 0 : i32
        %dma_wait3A_578 = tpu.memref_slice %arg7[%run_scoped3A_527, %dma_wait3A, %dma_wait3A_577] : memref<8x8x513xf32, #tpu.memory_space<vmem>> -> memref<1x8x513xf32, #tpu.memory_space<vmem>>
        %dma_wait3A_579 = tpu.memref_squeeze %dma_wait3A_578 : memref<1x8x513xf32, #tpu.memory_space<vmem>> -> memref<8x513xf32, #tpu.memory_space<vmem>>
        %dma_wait3A_580 = arith.constant 0 : i32
        %dma_wait3A_581 = tpu.memref_slice %arg4[%arg1, %add3A_522, %add3A_526, %dma_wait3A_580] : memref<16x16x513x513xf32, #tpu.memory_space<hbm>> -> memref<1x1x8x513xf32, #tpu.memory_space<hbm>>
        %dma_wait3A_582 = tpu.memref_squeeze %dma_wait3A_581 : memref<1x1x8x513xf32, #tpu.memory_space<hbm>> -> memref<8x513xf32, #tpu.memory_space<hbm>>
        %dma_wait3A_583 = arith.constant 0 : i32
        %dma_wait3A_584 = tpu.memref_slice %arg4[%arg1, %add3A_522, %add3A_526, %dma_wait3A_583] : memref<16x16x513x513xf32, #tpu.memory_space<hbm>> -> memref<1x1x8x513xf32, #tpu.memory_space<hbm>>
        %dma_wait3A_585 = tpu.memref_squeeze %dma_wait3A_584 : memref<1x1x8x513xf32, #tpu.memory_space<hbm>> -> memref<8x513xf32, #tpu.memory_space<hbm>>
        %dma_wait3A_586 = arith.constant 0 : i32
        %dma_wait3A_587 = arith.constant 0 : i32
        %dma_wait3A_588 = tpu.memref_slice %arg7[%run_scoped3A_527, %dma_wait3A_586, %dma_wait3A_587] : memref<8x8x513xf32, #tpu.memory_space<vmem>> -> memref<1x8x513xf32, #tpu.memory_space<vmem>>
        %dma_wait3A_589 = tpu.memref_squeeze %dma_wait3A_588 : memref<1x8x513xf32, #tpu.memory_space<vmem>> -> memref<8x513xf32, #tpu.memory_space<vmem>>
        tpu.wait_dma2 semaphore(%run_scoped3A_563 : memref<!tpu.dma_semaphore, #tpu.memory_space<semaphore_mem>>) src(%dma_wait3A_589 : memref<8x513xf32, #tpu.memory_space<vmem>>) dst(%dma_wait3A_585 : memref<8x513xf32, #tpu.memory_space<hbm>>)
        tpu.yield
      }) : () -> ()
      %add3A_528 = arith.constant 3 : i32
      %add3A_529 = arith.addi %mul3A_0, %add3A_528 : i32
      %mul3A_530 = arith.constant 8 : i32
      %mul3A_531 = arith.muli %add3A_499, %mul3A_530 : i32
      %add3A_532 = arith.constant 1 : i32
      %add3A_533 = arith.addi %mul3A_531, %add3A_532 : i32
      %run_scoped3A_534 = arith.constant 3 : i32
      "tpu.region"() ({
        %run_scoped3A_563 = tpu.sem_alloc : memref<!tpu.dma_semaphore, #tpu.memory_space<semaphore_mem>>
        %dma_start3A = arith.constant 0 : i32
        %dma_start3A_564 = arith.constant 0 : i32
        %dma_start3A_565 = tpu.memref_slice %arg7[%run_scoped3A_534, %dma_start3A, %dma_start3A_564] : memref<8x8x513xf32, #tpu.memory_space<vmem>> -> memref<1x8x513xf32, #tpu.memory_space<vmem>>
        %dma_start3A_566 = tpu.memref_squeeze %dma_start3A_565 : memref<1x8x513xf32, #tpu.memory_space<vmem>> -> memref<8x513xf32, #tpu.memory_space<vmem>>
        %dma_start3A_567 = arith.constant 0 : i32
        %dma_start3A_568 = tpu.memref_slice %arg4[%arg1, %add3A_529, %add3A_533, %dma_start3A_567] : memref<16x16x513x513xf32, #tpu.memory_space<hbm>> -> memref<1x1x8x513xf32, #tpu.memory_space<hbm>>
        %dma_start3A_569 = tpu.memref_squeeze %dma_start3A_568 : memref<1x1x8x513xf32, #tpu.memory_space<hbm>> -> memref<8x513xf32, #tpu.memory_space<hbm>>
        %dma_start3A_570 = arith.constant 0 : i32
        %dma_start3A_571 = tpu.memref_slice %arg4[%arg1, %add3A_529, %add3A_533, %dma_start3A_570] : memref<16x16x513x513xf32, #tpu.memory_space<hbm>> -> memref<1x1x8x513xf32, #tpu.memory_space<hbm>>
        %dma_start3A_572 = tpu.memref_squeeze %dma_start3A_571 : memref<1x1x8x513xf32, #tpu.memory_space<hbm>> -> memref<8x513xf32, #tpu.memory_space<hbm>>
        %dma_start3A_573 = arith.constant 0 : i32
        %dma_start3A_574 = arith.constant 0 : i32
        %dma_start3A_575 = tpu.memref_slice %arg7[%run_scoped3A_534, %dma_start3A_573, %dma_start3A_574] : memref<8x8x513xf32, #tpu.memory_space<vmem>> -> memref<1x8x513xf32, #tpu.memory_space<vmem>>
        %dma_start3A_576 = tpu.memref_squeeze %dma_start3A_575 : memref<1x8x513xf32, #tpu.memory_space<vmem>> -> memref<8x513xf32, #tpu.memory_space<vmem>>
        tpu.enqueue_dma source(%dma_start3A_576 : memref<8x513xf32, #tpu.memory_space<vmem>>) target(%dma_start3A_572 : memref<8x513xf32, #tpu.memory_space<hbm>>) target_semaphore(%run_scoped3A_563 : memref<!tpu.dma_semaphore, #tpu.memory_space<semaphore_mem>>)
        %dma_wait3A = arith.constant 0 : i32
        %dma_wait3A_577 = arith.constant 0 : i32
        %dma_wait3A_578 = tpu.memref_slice %arg7[%run_scoped3A_534, %dma_wait3A, %dma_wait3A_577] : memref<8x8x513xf32, #tpu.memory_space<vmem>> -> memref<1x8x513xf32, #tpu.memory_space<vmem>>
        %dma_wait3A_579 = tpu.memref_squeeze %dma_wait3A_578 : memref<1x8x513xf32, #tpu.memory_space<vmem>> -> memref<8x513xf32, #tpu.memory_space<vmem>>
        %dma_wait3A_580 = arith.constant 0 : i32
        %dma_wait3A_581 = tpu.memref_slice %arg4[%arg1, %add3A_529, %add3A_533, %dma_wait3A_580] : memref<16x16x513x513xf32, #tpu.memory_space<hbm>> -> memref<1x1x8x513xf32, #tpu.memory_space<hbm>>
        %dma_wait3A_582 = tpu.memref_squeeze %dma_wait3A_581 : memref<1x1x8x513xf32, #tpu.memory_space<hbm>> -> memref<8x513xf32, #tpu.memory_space<hbm>>
        %dma_wait3A_583 = arith.constant 0 : i32
        %dma_wait3A_584 = tpu.memref_slice %arg4[%arg1, %add3A_529, %add3A_533, %dma_wait3A_583] : memref<16x16x513x513xf32, #tpu.memory_space<hbm>> -> memref<1x1x8x513xf32, #tpu.memory_space<hbm>>
        %dma_wait3A_585 = tpu.memref_squeeze %dma_wait3A_584 : memref<1x1x8x513xf32, #tpu.memory_space<hbm>> -> memref<8x513xf32, #tpu.memory_space<hbm>>
        %dma_wait3A_586 = arith.constant 0 : i32
        %dma_wait3A_587 = arith.constant 0 : i32
        %dma_wait3A_588 = tpu.memref_slice %arg7[%run_scoped3A_534, %dma_wait3A_586, %dma_wait3A_587] : memref<8x8x513xf32, #tpu.memory_space<vmem>> -> memref<1x8x513xf32, #tpu.memory_space<vmem>>
        %dma_wait3A_589 = tpu.memref_squeeze %dma_wait3A_588 : memref<1x8x513xf32, #tpu.memory_space<vmem>> -> memref<8x513xf32, #tpu.memory_space<vmem>>
        tpu.wait_dma2 semaphore(%run_scoped3A_563 : memref<!tpu.dma_semaphore, #tpu.memory_space<semaphore_mem>>) src(%dma_wait3A_589 : memref<8x513xf32, #tpu.memory_space<vmem>>) dst(%dma_wait3A_585 : memref<8x513xf32, #tpu.memory_space<hbm>>)
        tpu.yield
      }) : () -> ()
      %add3A_535 = arith.constant 4 : i32
      %add3A_536 = arith.addi %mul3A_0, %add3A_535 : i32
      %mul3A_537 = arith.constant 8 : i32
      %mul3A_538 = arith.muli %add3A_499, %mul3A_537 : i32
      %add3A_539 = arith.constant 1 : i32
      %add3A_540 = arith.addi %mul3A_538, %add3A_539 : i32
      %run_scoped3A_541 = arith.constant 4 : i32
      "tpu.region"() ({
        %run_scoped3A_563 = tpu.sem_alloc : memref<!tpu.dma_semaphore, #tpu.memory_space<semaphore_mem>>
        %dma_start3A = arith.constant 0 : i32
        %dma_start3A_564 = arith.constant 0 : i32
        %dma_start3A_565 = tpu.memref_slice %arg7[%run_scoped3A_541, %dma_start3A, %dma_start3A_564] : memref<8x8x513xf32, #tpu.memory_space<vmem>> -> memref<1x8x513xf32, #tpu.memory_space<vmem>>
        %dma_start3A_566 = tpu.memref_squeeze %dma_start3A_565 : memref<1x8x513xf32, #tpu.memory_space<vmem>> -> memref<8x513xf32, #tpu.memory_space<vmem>>
        %dma_start3A_567 = arith.constant 0 : i32
        %dma_start3A_568 = tpu.memref_slice %arg4[%arg1, %add3A_536, %add3A_540, %dma_start3A_567] : memref<16x16x513x513xf32, #tpu.memory_space<hbm>> -> memref<1x1x8x513xf32, #tpu.memory_space<hbm>>
        %dma_start3A_569 = tpu.memref_squeeze %dma_start3A_568 : memref<1x1x8x513xf32, #tpu.memory_space<hbm>> -> memref<8x513xf32, #tpu.memory_space<hbm>>
        %dma_start3A_570 = arith.constant 0 : i32
        %dma_start3A_571 = tpu.memref_slice %arg4[%arg1, %add3A_536, %add3A_540, %dma_start3A_570] : memref<16x16x513x513xf32, #tpu.memory_space<hbm>> -> memref<1x1x8x513xf32, #tpu.memory_space<hbm>>
        %dma_start3A_572 = tpu.memref_squeeze %dma_start3A_571 : memref<1x1x8x513xf32, #tpu.memory_space<hbm>> -> memref<8x513xf32, #tpu.memory_space<hbm>>
        %dma_start3A_573 = arith.constant 0 : i32
        %dma_start3A_574 = arith.constant 0 : i32
        %dma_start3A_575 = tpu.memref_slice %arg7[%run_scoped3A_541, %dma_start3A_573, %dma_start3A_574] : memref<8x8x513xf32, #tpu.memory_space<vmem>> -> memref<1x8x513xf32, #tpu.memory_space<vmem>>
        %dma_start3A_576 = tpu.memref_squeeze %dma_start3A_575 : memref<1x8x513xf32, #tpu.memory_space<vmem>> -> memref<8x513xf32, #tpu.memory_space<vmem>>
        tpu.enqueue_dma source(%dma_start3A_576 : memref<8x513xf32, #tpu.memory_space<vmem>>) target(%dma_start3A_572 : memref<8x513xf32, #tpu.memory_space<hbm>>) target_semaphore(%run_scoped3A_563 : memref<!tpu.dma_semaphore, #tpu.memory_space<semaphore_mem>>)
        %dma_wait3A = arith.constant 0 : i32
        %dma_wait3A_577 = arith.constant 0 : i32
        %dma_wait3A_578 = tpu.memref_slice %arg7[%run_scoped3A_541, %dma_wait3A, %dma_wait3A_577] : memref<8x8x513xf32, #tpu.memory_space<vmem>> -> memref<1x8x513xf32, #tpu.memory_space<vmem>>
        %dma_wait3A_579 = tpu.memref_squeeze %dma_wait3A_578 : memref<1x8x513xf32, #tpu.memory_space<vmem>> -> memref<8x513xf32, #tpu.memory_space<vmem>>
        %dma_wait3A_580 = arith.constant 0 : i32
        %dma_wait3A_581 = tpu.memref_slice %arg4[%arg1, %add3A_536, %add3A_540, %dma_wait3A_580] : memref<16x16x513x513xf32, #tpu.memory_space<hbm>> -> memref<1x1x8x513xf32, #tpu.memory_space<hbm>>
        %dma_wait3A_582 = tpu.memref_squeeze %dma_wait3A_581 : memref<1x1x8x513xf32, #tpu.memory_space<hbm>> -> memref<8x513xf32, #tpu.memory_space<hbm>>
        %dma_wait3A_583 = arith.constant 0 : i32
        %dma_wait3A_584 = tpu.memref_slice %arg4[%arg1, %add3A_536, %add3A_540, %dma_wait3A_583] : memref<16x16x513x513xf32, #tpu.memory_space<hbm>> -> memref<1x1x8x513xf32, #tpu.memory_space<hbm>>
        %dma_wait3A_585 = tpu.memref_squeeze %dma_wait3A_584 : memref<1x1x8x513xf32, #tpu.memory_space<hbm>> -> memref<8x513xf32, #tpu.memory_space<hbm>>
        %dma_wait3A_586 = arith.constant 0 : i32
        %dma_wait3A_587 = arith.constant 0 : i32
        %dma_wait3A_588 = tpu.memref_slice %arg7[%run_scoped3A_541, %dma_wait3A_586, %dma_wait3A_587] : memref<8x8x513xf32, #tpu.memory_space<vmem>> -> memref<1x8x513xf32, #tpu.memory_space<vmem>>
        %dma_wait3A_589 = tpu.memref_squeeze %dma_wait3A_588 : memref<1x8x513xf32, #tpu.memory_space<vmem>> -> memref<8x513xf32, #tpu.memory_space<vmem>>
        tpu.wait_dma2 semaphore(%run_scoped3A_563 : memref<!tpu.dma_semaphore, #tpu.memory_space<semaphore_mem>>) src(%dma_wait3A_589 : memref<8x513xf32, #tpu.memory_space<vmem>>) dst(%dma_wait3A_585 : memref<8x513xf32, #tpu.memory_space<hbm>>)
        tpu.yield
      }) : () -> ()
      %add3A_542 = arith.constant 5 : i32
      %add3A_543 = arith.addi %mul3A_0, %add3A_542 : i32
      %mul3A_544 = arith.constant 8 : i32
      %mul3A_545 = arith.muli %add3A_499, %mul3A_544 : i32
      %add3A_546 = arith.constant 1 : i32
      %add3A_547 = arith.addi %mul3A_545, %add3A_546 : i32
      %run_scoped3A_548 = arith.constant 5 : i32
      "tpu.region"() ({
        %run_scoped3A_563 = tpu.sem_alloc : memref<!tpu.dma_semaphore, #tpu.memory_space<semaphore_mem>>
        %dma_start3A = arith.constant 0 : i32
        %dma_start3A_564 = arith.constant 0 : i32
        %dma_start3A_565 = tpu.memref_slice %arg7[%run_scoped3A_548, %dma_start3A, %dma_start3A_564] : memref<8x8x513xf32, #tpu.memory_space<vmem>> -> memref<1x8x513xf32, #tpu.memory_space<vmem>>
        %dma_start3A_566 = tpu.memref_squeeze %dma_start3A_565 : memref<1x8x513xf32, #tpu.memory_space<vmem>> -> memref<8x513xf32, #tpu.memory_space<vmem>>
        %dma_start3A_567 = arith.constant 0 : i32
        %dma_start3A_568 = tpu.memref_slice %arg4[%arg1, %add3A_543, %add3A_547, %dma_start3A_567] : memref<16x16x513x513xf32, #tpu.memory_space<hbm>> -> memref<1x1x8x513xf32, #tpu.memory_space<hbm>>
        %dma_start3A_569 = tpu.memref_squeeze %dma_start3A_568 : memref<1x1x8x513xf32, #tpu.memory_space<hbm>> -> memref<8x513xf32, #tpu.memory_space<hbm>>
        %dma_start3A_570 = arith.constant 0 : i32
        %dma_start3A_571 = tpu.memref_slice %arg4[%arg1, %add3A_543, %add3A_547, %dma_start3A_570] : memref<16x16x513x513xf32, #tpu.memory_space<hbm>> -> memref<1x1x8x513xf32, #tpu.memory_space<hbm>>
        %dma_start3A_572 = tpu.memref_squeeze %dma_start3A_571 : memref<1x1x8x513xf32, #tpu.memory_space<hbm>> -> memref<8x513xf32, #tpu.memory_space<hbm>>
        %dma_start3A_573 = arith.constant 0 : i32
        %dma_start3A_574 = arith.constant 0 : i32
        %dma_start3A_575 = tpu.memref_slice %arg7[%run_scoped3A_548, %dma_start3A_573, %dma_start3A_574] : memref<8x8x513xf32, #tpu.memory_space<vmem>> -> memref<1x8x513xf32, #tpu.memory_space<vmem>>
        %dma_start3A_576 = tpu.memref_squeeze %dma_start3A_575 : memref<1x8x513xf32, #tpu.memory_space<vmem>> -> memref<8x513xf32, #tpu.memory_space<vmem>>
        tpu.enqueue_dma source(%dma_start3A_576 : memref<8x513xf32, #tpu.memory_space<vmem>>) target(%dma_start3A_572 : memref<8x513xf32, #tpu.memory_space<hbm>>) target_semaphore(%run_scoped3A_563 : memref<!tpu.dma_semaphore, #tpu.memory_space<semaphore_mem>>)
        %dma_wait3A = arith.constant 0 : i32
        %dma_wait3A_577 = arith.constant 0 : i32
        %dma_wait3A_578 = tpu.memref_slice %arg7[%run_scoped3A_548, %dma_wait3A, %dma_wait3A_577] : memref<8x8x513xf32, #tpu.memory_space<vmem>> -> memref<1x8x513xf32, #tpu.memory_space<vmem>>
        %dma_wait3A_579 = tpu.memref_squeeze %dma_wait3A_578 : memref<1x8x513xf32, #tpu.memory_space<vmem>> -> memref<8x513xf32, #tpu.memory_space<vmem>>
        %dma_wait3A_580 = arith.constant 0 : i32
        %dma_wait3A_581 = tpu.memref_slice %arg4[%arg1, %add3A_543, %add3A_547, %dma_wait3A_580] : memref<16x16x513x513xf32, #tpu.memory_space<hbm>> -> memref<1x1x8x513xf32, #tpu.memory_space<hbm>>
        %dma_wait3A_582 = tpu.memref_squeeze %dma_wait3A_581 : memref<1x1x8x513xf32, #tpu.memory_space<hbm>> -> memref<8x513xf32, #tpu.memory_space<hbm>>
        %dma_wait3A_583 = arith.constant 0 : i32
        %dma_wait3A_584 = tpu.memref_slice %arg4[%arg1, %add3A_543, %add3A_547, %dma_wait3A_583] : memref<16x16x513x513xf32, #tpu.memory_space<hbm>> -> memref<1x1x8x513xf32, #tpu.memory_space<hbm>>
        %dma_wait3A_585 = tpu.memref_squeeze %dma_wait3A_584 : memref<1x1x8x513xf32, #tpu.memory_space<hbm>> -> memref<8x513xf32, #tpu.memory_space<hbm>>
        %dma_wait3A_586 = arith.constant 0 : i32
        %dma_wait3A_587 = arith.constant 0 : i32
        %dma_wait3A_588 = tpu.memref_slice %arg7[%run_scoped3A_548, %dma_wait3A_586, %dma_wait3A_587] : memref<8x8x513xf32, #tpu.memory_space<vmem>> -> memref<1x8x513xf32, #tpu.memory_space<vmem>>
        %dma_wait3A_589 = tpu.memref_squeeze %dma_wait3A_588 : memref<1x8x513xf32, #tpu.memory_space<vmem>> -> memref<8x513xf32, #tpu.memory_space<vmem>>
        tpu.wait_dma2 semaphore(%run_scoped3A_563 : memref<!tpu.dma_semaphore, #tpu.memory_space<semaphore_mem>>) src(%dma_wait3A_589 : memref<8x513xf32, #tpu.memory_space<vmem>>) dst(%dma_wait3A_585 : memref<8x513xf32, #tpu.memory_space<hbm>>)
        tpu.yield
      }) : () -> ()
      %add3A_549 = arith.constant 6 : i32
      %add3A_550 = arith.addi %mul3A_0, %add3A_549 : i32
      %mul3A_551 = arith.constant 8 : i32
      %mul3A_552 = arith.muli %add3A_499, %mul3A_551 : i32
      %add3A_553 = arith.constant 1 : i32
      %add3A_554 = arith.addi %mul3A_552, %add3A_553 : i32
      %run_scoped3A_555 = arith.constant 6 : i32
      "tpu.region"() ({
        %run_scoped3A_563 = tpu.sem_alloc : memref<!tpu.dma_semaphore, #tpu.memory_space<semaphore_mem>>
        %dma_start3A = arith.constant 0 : i32
        %dma_start3A_564 = arith.constant 0 : i32
        %dma_start3A_565 = tpu.memref_slice %arg7[%run_scoped3A_555, %dma_start3A, %dma_start3A_564] : memref<8x8x513xf32, #tpu.memory_space<vmem>> -> memref<1x8x513xf32, #tpu.memory_space<vmem>>
        %dma_start3A_566 = tpu.memref_squeeze %dma_start3A_565 : memref<1x8x513xf32, #tpu.memory_space<vmem>> -> memref<8x513xf32, #tpu.memory_space<vmem>>
        %dma_start3A_567 = arith.constant 0 : i32
        %dma_start3A_568 = tpu.memref_slice %arg4[%arg1, %add3A_550, %add3A_554, %dma_start3A_567] : memref<16x16x513x513xf32, #tpu.memory_space<hbm>> -> memref<1x1x8x513xf32, #tpu.memory_space<hbm>>
        %dma_start3A_569 = tpu.memref_squeeze %dma_start3A_568 : memref<1x1x8x513xf32, #tpu.memory_space<hbm>> -> memref<8x513xf32, #tpu.memory_space<hbm>>
        %dma_start3A_570 = arith.constant 0 : i32
        %dma_start3A_571 = tpu.memref_slice %arg4[%arg1, %add3A_550, %add3A_554, %dma_start3A_570] : memref<16x16x513x513xf32, #tpu.memory_space<hbm>> -> memref<1x1x8x513xf32, #tpu.memory_space<hbm>>
        %dma_start3A_572 = tpu.memref_squeeze %dma_start3A_571 : memref<1x1x8x513xf32, #tpu.memory_space<hbm>> -> memref<8x513xf32, #tpu.memory_space<hbm>>
        %dma_start3A_573 = arith.constant 0 : i32
        %dma_start3A_574 = arith.constant 0 : i32
        %dma_start3A_575 = tpu.memref_slice %arg7[%run_scoped3A_555, %dma_start3A_573, %dma_start3A_574] : memref<8x8x513xf32, #tpu.memory_space<vmem>> -> memref<1x8x513xf32, #tpu.memory_space<vmem>>
        %dma_start3A_576 = tpu.memref_squeeze %dma_start3A_575 : memref<1x8x513xf32, #tpu.memory_space<vmem>> -> memref<8x513xf32, #tpu.memory_space<vmem>>
        tpu.enqueue_dma source(%dma_start3A_576 : memref<8x513xf32, #tpu.memory_space<vmem>>) target(%dma_start3A_572 : memref<8x513xf32, #tpu.memory_space<hbm>>) target_semaphore(%run_scoped3A_563 : memref<!tpu.dma_semaphore, #tpu.memory_space<semaphore_mem>>)
        %dma_wait3A = arith.constant 0 : i32
        %dma_wait3A_577 = arith.constant 0 : i32
        %dma_wait3A_578 = tpu.memref_slice %arg7[%run_scoped3A_555, %dma_wait3A, %dma_wait3A_577] : memref<8x8x513xf32, #tpu.memory_space<vmem>> -> memref<1x8x513xf32, #tpu.memory_space<vmem>>
        %dma_wait3A_579 = tpu.memref_squeeze %dma_wait3A_578 : memref<1x8x513xf32, #tpu.memory_space<vmem>> -> memref<8x513xf32, #tpu.memory_space<vmem>>
        %dma_wait3A_580 = arith.constant 0 : i32
        %dma_wait3A_581 = tpu.memref_slice %arg4[%arg1, %add3A_550, %add3A_554, %dma_wait3A_580] : memref<16x16x513x513xf32, #tpu.memory_space<hbm>> -> memref<1x1x8x513xf32, #tpu.memory_space<hbm>>
        %dma_wait3A_582 = tpu.memref_squeeze %dma_wait3A_581 : memref<1x1x8x513xf32, #tpu.memory_space<hbm>> -> memref<8x513xf32, #tpu.memory_space<hbm>>
        %dma_wait3A_583 = arith.constant 0 : i32
        %dma_wait3A_584 = tpu.memref_slice %arg4[%arg1, %add3A_550, %add3A_554, %dma_wait3A_583] : memref<16x16x513x513xf32, #tpu.memory_space<hbm>> -> memref<1x1x8x513xf32, #tpu.memory_space<hbm>>
        %dma_wait3A_585 = tpu.memref_squeeze %dma_wait3A_584 : memref<1x1x8x513xf32, #tpu.memory_space<hbm>> -> memref<8x513xf32, #tpu.memory_space<hbm>>
        %dma_wait3A_586 = arith.constant 0 : i32
        %dma_wait3A_587 = arith.constant 0 : i32
        %dma_wait3A_588 = tpu.memref_slice %arg7[%run_scoped3A_555, %dma_wait3A_586, %dma_wait3A_587] : memref<8x8x513xf32, #tpu.memory_space<vmem>> -> memref<1x8x513xf32, #tpu.memory_space<vmem>>
        %dma_wait3A_589 = tpu.memref_squeeze %dma_wait3A_588 : memref<1x8x513xf32, #tpu.memory_space<vmem>> -> memref<8x513xf32, #tpu.memory_space<vmem>>
        tpu.wait_dma2 semaphore(%run_scoped3A_563 : memref<!tpu.dma_semaphore, #tpu.memory_space<semaphore_mem>>) src(%dma_wait3A_589 : memref<8x513xf32, #tpu.memory_space<vmem>>) dst(%dma_wait3A_585 : memref<8x513xf32, #tpu.memory_space<hbm>>)
        tpu.yield
      }) : () -> ()
      %add3A_556 = arith.constant 7 : i32
      %add3A_557 = arith.addi %mul3A_0, %add3A_556 : i32
      %mul3A_558 = arith.constant 8 : i32
      %mul3A_559 = arith.muli %add3A_499, %mul3A_558 : i32
      %add3A_560 = arith.constant 1 : i32
      %add3A_561 = arith.addi %mul3A_559, %add3A_560 : i32
      %run_scoped3A_562 = arith.constant 7 : i32
      "tpu.region"() ({
        %run_scoped3A_563 = tpu.sem_alloc : memref<!tpu.dma_semaphore, #tpu.memory_space<semaphore_mem>>
        %dma_start3A = arith.constant 0 : i32
        %dma_start3A_564 = arith.constant 0 : i32
        %dma_start3A_565 = tpu.memref_slice %arg7[%run_scoped3A_562, %dma_start3A, %dma_start3A_564] : memref<8x8x513xf32, #tpu.memory_space<vmem>> -> memref<1x8x513xf32, #tpu.memory_space<vmem>>
        %dma_start3A_566 = tpu.memref_squeeze %dma_start3A_565 : memref<1x8x513xf32, #tpu.memory_space<vmem>> -> memref<8x513xf32, #tpu.memory_space<vmem>>
        %dma_start3A_567 = arith.constant 0 : i32
        %dma_start3A_568 = tpu.memref_slice %arg4[%arg1, %add3A_557, %add3A_561, %dma_start3A_567] : memref<16x16x513x513xf32, #tpu.memory_space<hbm>> -> memref<1x1x8x513xf32, #tpu.memory_space<hbm>>
        %dma_start3A_569 = tpu.memref_squeeze %dma_start3A_568 : memref<1x1x8x513xf32, #tpu.memory_space<hbm>> -> memref<8x513xf32, #tpu.memory_space<hbm>>
        %dma_start3A_570 = arith.constant 0 : i32
        %dma_start3A_571 = tpu.memref_slice %arg4[%arg1, %add3A_557, %add3A_561, %dma_start3A_570] : memref<16x16x513x513xf32, #tpu.memory_space<hbm>> -> memref<1x1x8x513xf32, #tpu.memory_space<hbm>>
        %dma_start3A_572 = tpu.memref_squeeze %dma_start3A_571 : memref<1x1x8x513xf32, #tpu.memory_space<hbm>> -> memref<8x513xf32, #tpu.memory_space<hbm>>
        %dma_start3A_573 = arith.constant 0 : i32
        %dma_start3A_574 = arith.constant 0 : i32
        %dma_start3A_575 = tpu.memref_slice %arg7[%run_scoped3A_562, %dma_start3A_573, %dma_start3A_574] : memref<8x8x513xf32, #tpu.memory_space<vmem>> -> memref<1x8x513xf32, #tpu.memory_space<vmem>>
        %dma_start3A_576 = tpu.memref_squeeze %dma_start3A_575 : memref<1x8x513xf32, #tpu.memory_space<vmem>> -> memref<8x513xf32, #tpu.memory_space<vmem>>
        tpu.enqueue_dma source(%dma_start3A_576 : memref<8x513xf32, #tpu.memory_space<vmem>>) target(%dma_start3A_572 : memref<8x513xf32, #tpu.memory_space<hbm>>) target_semaphore(%run_scoped3A_563 : memref<!tpu.dma_semaphore, #tpu.memory_space<semaphore_mem>>)
        %dma_wait3A = arith.constant 0 : i32
        %dma_wait3A_577 = arith.constant 0 : i32
        %dma_wait3A_578 = tpu.memref_slice %arg7[%run_scoped3A_562, %dma_wait3A, %dma_wait3A_577] : memref<8x8x513xf32, #tpu.memory_space<vmem>> -> memref<1x8x513xf32, #tpu.memory_space<vmem>>
        %dma_wait3A_579 = tpu.memref_squeeze %dma_wait3A_578 : memref<1x8x513xf32, #tpu.memory_space<vmem>> -> memref<8x513xf32, #tpu.memory_space<vmem>>
        %dma_wait3A_580 = arith.constant 0 : i32
        %dma_wait3A_581 = tpu.memref_slice %arg4[%arg1, %add3A_557, %add3A_561, %dma_wait3A_580] : memref<16x16x513x513xf32, #tpu.memory_space<hbm>> -> memref<1x1x8x513xf32, #tpu.memory_space<hbm>>
        %dma_wait3A_582 = tpu.memref_squeeze %dma_wait3A_581 : memref<1x1x8x513xf32, #tpu.memory_space<hbm>> -> memref<8x513xf32, #tpu.memory_space<hbm>>
        %dma_wait3A_583 = arith.constant 0 : i32
        %dma_wait3A_584 = tpu.memref_slice %arg4[%arg1, %add3A_557, %add3A_561, %dma_wait3A_583] : memref<16x16x513x513xf32, #tpu.memory_space<hbm>> -> memref<1x1x8x513xf32, #tpu.memory_space<hbm>>
        %dma_wait3A_585 = tpu.memref_squeeze %dma_wait3A_584 : memref<1x1x8x513xf32, #tpu.memory_space<hbm>> -> memref<8x513xf32, #tpu.memory_space<hbm>>
        %dma_wait3A_586 = arith.constant 0 : i32
        %dma_wait3A_587 = arith.constant 0 : i32
        %dma_wait3A_588 = tpu.memref_slice %arg7[%run_scoped3A_562, %dma_wait3A_586, %dma_wait3A_587] : memref<8x8x513xf32, #tpu.memory_space<vmem>> -> memref<1x8x513xf32, #tpu.memory_space<vmem>>
        %dma_wait3A_589 = tpu.memref_squeeze %dma_wait3A_588 : memref<1x8x513xf32, #tpu.memory_space<vmem>> -> memref<8x513xf32, #tpu.memory_space<vmem>>
        tpu.wait_dma2 semaphore(%run_scoped3A_563 : memref<!tpu.dma_semaphore, #tpu.memory_space<semaphore_mem>>) src(%dma_wait3A_589 : memref<8x513xf32, #tpu.memory_space<vmem>>) dst(%dma_wait3A_585 : memref<8x513xf32, #tpu.memory_space<hbm>>)
        tpu.yield
      }) : () -> ()
    }
    %scan3A_494 = arith.constant 64 : i32
    return
  }
}

</mosaic_0001>

<sc_bundles>
// kernel: kernel.3.cloned.1.call-start
scs
__scs_entry_jumppad:
0x0: {  	(pc) =	sbr.rel $0x88, $3  }
0x1: {  	(tag) =	ssettag $0x0;
	lr =	simm.s32 $0x1  }
0x2: {  	[smem:$0x3F9F] =	sst lr;
	_ =	strace $0xD0000000  }
0x3: {  	_ = 	snop  }
0x4: {  	_ = 	snop  }
0x5: {  	_ = 	snop  }
0x6: {  	_ = 	snop  }
0x7: {  	_ = 	snop  }
__scs_overlays_trampoline_lowered:
0x8: {  	[smem:$0x3FAE] =	sst s0  }
0x9: {  	[smem:$0x3FAF] =	sst s1  }
0xa: {  	[smem:$0x3FB0] =	sst s2  }
0xb: {  	[smem:$0x3FB1] =	sst s3  }
0xc: {  	[smem:$0x3FB2] =	sst s4  }
0xd: {  	[smem:$0x3FB3] =	sst s5  }
0xe: {  	[smem:$0x3FB4] =	sst s6  }
0xf: {  	[smem:$0x3FB5] =	sst s7  }
0x10: {  	[smem:$0x3FB6] =	sst s8  }
0x11: {  	[smem:$0x3FB7] =	sst s9;
	s0 =	simm.s32 @!p0 $0x0  }
0x12: {  	s1 =	sld [smem:$0x3F9D];
	s0 =	simm.s32 @p0 $0x1  }
0x13: {  	[smem:$0x3FB8] =	sst s0;
	s0 =	simm.s32 @!p1 $0x0  }
0x14: {  	s2 =	sld [smem:$0x3F9C];
	s0 =	simm.s32 @p1 $0x1  }
0x15: {  	[smem:$0x3FB9] =	sst s0;
	s0 =	simm.s32 @!p2 $0x0  }
0x16: {  	s3 =	sld [smem:$0x3FDB];
	s0 =	simm.s32 @p2 $0x1  }
0x17: {  	s4 =	simm.s32 $0x1BF5;
	[smem:$0x3FBB] =	sst s0  }
0x18: {  	s0 =	sld [smem:$0x3F9E];
	_ =	swait.ge [sflag:s4], $0x0  }
0x19: {  	s7 =	sld [smem:$0x3F9F]  }
0x1a: {  	s8 =	sadd.s32 $0xFFFFE003, lr  }
0x1b: {  	s9 =	sadd.s32 $0xFFFFFEF7, lr;
	s5 =	simm.s32 $0xFFFFFFFF;
	p2 =	slt.u32 s8, $0xFFFFF086  }
0x1c: {  	p1 =	slt.u32 s9, $0xF7A;
	s5 =	simm.s32 @!p2 $0x0  }
0x1d: {  	s5 =	simm.s32 @p1 $0x1;
	p0 =	seq.s32 s7, s2  }
0x1e: {  	s7 =	smul.u32 @!p0 $0xF7A, s2;
	p2 =	seq.s32 @!p0 s5, $0x0  }
0x1f: {  	s9 =	smul.u32 $0xF7A, s1;
	s8 =	simm.s32 @!p0 $0x1BF5;
	p2 =	por !p2, p0  }
0x20: {  	[sflag:s8] =	ssyncset.s32 @!p0 $0xFFFFF086;
	s6 =	sadd.s32 @!p0 s3, s7;
	s7 =	simm.s32 @!p0 $0x108  }
0x21: {  	s3 =	sadd.s32 s3, s9;
	s6 =	sadd.s32 @!p0 $0x88, s6;
	s7 =	simm.s32 @p2 $0x1082  }
0x22: {  	[simem:s7], [sflag:s8] =	dma.local @!p0 [hbm:s6], $0xF7A  }
0x23: {  	s9 =	sor.u32 $0xD0000000, s2;
	s6 =	simm.s32 $0x108;
	_ =	swait.ge @!p0 [sflag:s8], $0x0  }
0x24: {  	s3 =	sadd.s32 $0x88, s3;
	s6 =	simm.s32 @!p1 $0x1082;
	[sflag:s4] =	ssyncset.s32 $0xFFFFF086  }
0x25: {  	[simem:s6], [sflag:s4] =	dma.local [hbm:s3], $0xF7A  }
0x26: {  	[smem:$0x3F9F] =	sst s1;
	(tag) =	ssettag s2;
	_ =	strace s9  }
0x27: {  	s1 =	sld [smem:$0x3FAF]  }
0x28: {  	s2 =	sld [smem:$0x3FB0]  }
0x29: {  	s4 =	sld [smem:$0x3FB2]  }
0x2a: {  	p0 =	seq.s32 s5, $0x0;
	s5 =	sld [smem:$0x3FB3]  }
0x2b: {  	s6 =	sld [smem:$0x3FB4]  }
0x2c: {  	s7 =	sld [smem:$0x3FB5]  }
0x2d: {  	s3 =	simm.s32 $0x108;
	s8 =	sld [smem:$0x3FB6]  }
0x2e: {  	s3 =	simm.s32 @!p0 $0x1082;
	s9 =	sld [smem:$0x3FB7]  }
0x2f: {  	lr =	sadd.s32 s0, s3;
	s0 =	sld [smem:$0x3FAE]  }
0x30: {  	s3 =	sld [smem:$0x3FB1]  }
0x31: {  	[smem:$0x3FBA] =	sst s10  }
0x32: {  	s10 =	sld [smem:$0x3FB8];
	_ =	sdelay $0x3  }
0x33: {  	p0 =	seq.s32 s10, $0x1;
	s10 =	sld [smem:$0x3FBA];
	_ =	sdelay $0x3  }
0x34: {  	[smem:$0x3FBA] =	sst s10  }
0x35: {  	s10 =	sld [smem:$0x3FB9];
	_ =	sdelay $0x3  }
0x36: {  	p1 =	seq.s32 s10, $0x1;
	s10 =	sld [smem:$0x3FBA];
	_ =	sdelay $0x3  }
0x37: {  	[smem:$0x3FBA] =	sst s10  }
0x38: {  	s10 =	sld [smem:$0x3FBB]  }
0x39: {  	_ = 	snop;
	(pc) =	sbr.ind lr, $3  }
0x3a: {  	_ = 	snop  }
0x3b: {  	_ = 	snop  }
0x3c: {  	p2 =	seq.s32 s10, $0x1;
	s10 =	sld [smem:$0x3FBA]  }
0x3d: {  	_ =	shalt  }
0x3e: {  	_ =	shalt  }
0x3f: {  	_ =	shalt  }
0x40: {  	_ =	shalt  }
0x41: {  	_ =	shalt  }
0x42: {  	_ =	shalt  }
0x43: {  	_ =	shalt  }
0x44: {  	_ =	shalt  }
0x45: {  	_ =	shalt  }
0x46: {  	_ =	shalt  }
0x47: {  	_ =	shalt  }
0x48: {  	_ =	shalt  }
0x49: {  	_ =	shalt  }
0x4a: {  	_ =	shalt  }
0x4b: {  	_ =	shalt  }
0x4c: {  	_ =	shalt  }
0x4d: {  	_ =	shalt  }
0x4e: {  	_ =	shalt  }
0x4f: {  	_ =	shalt  }
0x50: {  	_ =	shalt  }
0x51: {  	_ =	shalt  }
0x52: {  	_ =	shalt  }
0x53: {  	_ =	shalt  }
0x54: {  	_ =	shalt  }
0x55: {  	_ =	shalt  }
0x56: {  	_ =	shalt  }
0x57: {  	_ =	shalt  }
0x58: {  	_ =	shalt  }
0x59: {  	_ =	shalt  }
0x5a: {  	_ =	shalt  }
0x5b: {  	_ =	shalt  }
0x5c: {  	_ =	shalt  }
0x5d: {  	_ =	shalt  }
0x5e: {  	_ =	shalt  }
0x5f: {  	_ =	shalt  }
0x60: {  	_ =	shalt  }
0x61: {  	_ =	shalt  }
0x62: {  	_ =	shalt  }
0x63: {  	_ =	shalt  }
0x64: {  	_ =	shalt  }
0x65: {  	_ =	shalt  }
0x66: {  	_ =	shalt  }
0x67: {  	_ =	shalt  }
0x68: {  	_ =	shalt  }
0x69: {  	_ =	shalt  }
0x6a: {  	_ =	shalt  }
0x6b: {  	_ =	shalt  }
0x6c: {  	_ =	shalt  }
0x6d: {  	_ =	shalt  }
0x6e: {  	_ =	shalt  }
0x6f: {  	_ =	shalt  }
0x70: {  	_ =	shalt  }
0x71: {  	_ =	shalt  }
0x72: {  	_ =	shalt  }
0x73: {  	_ =	shalt  }
0x74: {  	_ =	shalt  }
0x75: {  	_ =	shalt  }
0x76: {  	_ =	shalt  }
0x77: {  	_ =	shalt  }
0x78: {  	_ =	shalt  }
0x79: {  	_ =	shalt  }
0x7a: {  	_ =	shalt  }
0x7b: {  	_ =	shalt  }
0x7c: {  	_ =	shalt  }
0x7d: {  	_ =	shalt  }
0x7e: {  	_ =	shalt  }
0x7f: {  	_ =	shalt  }
0x80: {  	_ =	shalt  }
0x81: {  	_ =	shalt  }
0x82: {  	_ =	shalt  }
0x83: {  	_ =	shalt  }
0x84: {  	_ =	shalt  }
0x85: {  	_ =	shalt  }
0x86: {  	_ =	shalt  }
0x87: {  	_ =	shalt  }
.Lfunc_end0:
.L_simem_size_0:
called_computation.1_lowered:
.L_overlay_start_0:
0x88: {  	s2 =	sld [smem:$0x3FD9]  }
0x89: {  	s3 =	sld [smem:$0x3FFE];
	_ =	sdelay $0x1  }
0x8a: {  	s1 =	srdreg.scid  }
0x8b: {  	s0 =	sand.u32 $0x1, s1  }
0x8c: {  	s17 =	sshll.u32 s0, $0xA;
	s2 =	sadd.s32 s3, s2  }
0x8d: {  	s2 =	sadd.s32 s2, s17  }
0x8e: {  	[smem:$0x3FC6] =	sst s2  }
0x8f: {  	_ = 	snop  }
0x90: {  	s2 =	sld [smem:$0x3FD0];
	(tm) =	ssettm $0x1  }
0x91: {  	s18 =	sld [smem:$0x3FFB];
	_ =	sdelay $0x3  }
0x92: {  	_ =	strace s18  }
0x93: {  	s3 =	sld [smem:$0x3FFC];
	_ =	sdelay $0x3  }
0x94: {  	_ =	strace s3  }
0x95: {  	s3 =	sld [smem:$0x3FFD];
	_ =	sdelay $0x3  }
0x96: {  	_ =	strace s3  }
0x97: {  	_ =	strace $0x8FFFFFFF  }
0x98: {  	s19 =	sld [smem:$0x3FDB];
	_ =	sdelay $0x1  }
0x99: {  	s4 =	simm.s32 $_scs_section_size  }
0x9a: {  	s5 =	simm.s32 $_size__tile_overlayer_lowered;
	s6 =	simm.s32 $_tile_overlayer_lowered  }
0x9b: {  	s22 =	simm.s32 $0x1BFF;
	s21 =	sshll.u32 s6, $0x1;
	s3 =	sadd.s32 s4, s19  }
0x9c: {  	s7 =	simm.s32 $0x0;
	s20 =	sshll.u32 s5, $0x1;
	s5 =	sadd.s32 s21, s3  }
0x9d: {  	[timem:s7], [sflag:s22] =	dma.local [hbm:s5], s20  }
0x9e: {  	_ =	swait.ge [sflag:s22], s20  }
0x9f: {  	s4 =	ssub.s32 $0x0, s20;
	[sflag:s22] =	ssyncset.done $0x0  }
0xa0: {  	[sflag:s22] =	ssyncadd.s32 s4;
	_ =	sdelay $0x1  }
0xa1: {  	s23 =	simm.s32 $0x1B8B  }
0xa2: {  	_ =	swait.ge [sflag:s23], $0x1  }
0xa3: {  	[sflag:s23] =	ssyncset.done $0x0  }
0xa4: {  	s25 =	simm.s32 $0x1B8E;
	s24 =	sld [smem:$0x3FFE];
	[sflag:s23] =	ssyncadd.s32 $0xFFFFFFFF  }
0xa5: {  	s26 =	simm.s32 $execute0_lowered;
	[smem:$0x3FD2] =	sst s25  }
0xa6: {  	s5 =	sshll.u32 s26, $0x1;
	_ =	strace $0x80000046;
	[dreg:$0x1] =	wrdreg $0xFFFFFFFF  }
0xa7: {  	s28 =	simm.s32 $_size_execute0_lowered;
	s3 =	sadd.s32 s3, s5;
	[dreg:$0x0] =	wrdreg $0x0  }
0xa8: {  	s5 =	sshll.u32 s28, $0x1;
	[dreg:$0x2] =	wrdreg s3  }
0xa9: {  	[dreg:$0x3] =	wrdreg s5  }
0xaa: {  	[dreg:$0x4] =	wrdreg $0xC0  }
0xab: {  	_ =	task [dreg:s7], $0x5FFFF  }
0xac: {  	[dreg:$0x1] =	wrdreg $0xFFFFFFFF  }
0xad: {  	[dreg:$0x0] =	wrdreg $0x60  }
0xae: {  	[dreg:$0x2] =	wrdreg s24  }
0xaf: {  	[dreg:$0x3] =	wrdreg s2  }
0xb0: {  	[dreg:$0x4] =	wrdreg $0x9  }
0xb1: {  	_ =	task.clear_ibuf [dreg:s7], $0x5FFFF;
	_ =	strace $0x90000046  }
0xb2: {  	s29 =	simm.s32 $0x9;
	_ =	strace $0x80000048  }
0xb3: {  	_ =	swait.ge [sflag:s29], $0x1  }
0xb4: {  	[sflag:s29] =	ssyncadd.s32 $0xFFFFFFFF  }
0xb5: {  	_ =	strace $0x90000048  }
0xb6: {  	_ =	sfence  }
0xb7: {  	s30 =	sld [smem:$0x0];
	_ =	sdelay $0x2  }
0xb8: {  	s31 =	sshll.u32 s1, $0xD;
	s1 =	sshrl.u32 s1, $0x2  }
0xb9: {  	s3 =	sand.u32 $0x4000, s31;
	s1 =	sadd.s32 s1, s30  }
0xba: {  	s0 =	sor.u32 s3, s0;
	s1 =	sshll.u32 s1, $0x11  }
0xbb: {  	s0 =	sor.u32 s1, s0  }
0xbc: {  	s0 =	sadd.s32 $0x8F2B, s0  }
0xbd: {  	[sflag:s0] =	ssyncadd.remote.s32 $0x1  }
0xbe: {  	_ =	sfence.sel $0xFFFF  }
0xbf: {  	[dreg:$0x0] =	wrdreg $0xFFFFFFFF;
	(pc) =	sbr.abs _section_cstart, $3  }
0xc0: {  	[dreg:$0x1] =	wrdreg $0xFFFFFFFF  }
0xc1: {  	_ =	task.clear_ibuf [dreg:s7], $0x2FFFF;
	_ =	strace $0x9FFFFFFF  }
0xc2: {  	(tm) =	ssettm $0x7FFFFFFF  }
0xc3: {  	_ =	shalt  }
tec
execute0_lowered:
.L_overlay_start_1:
0x0: {  	(tag) =	ssettag $0x1  }
0x1: {  	s0 =	rddreg [dreg:$0x0]  }
0x2: {  	s2 =	rddreg [dreg:$0x1]  }
0x3: {  	s3 =	simm.s32 $0x0;
	s5 =	stileid.u32;
	s1 =	srdreg.scid  }
0x4: {  	s28 =	simm.s32 $0x2840;
	s29 =	simm.s32 $0x3880;
	s30 =	simm.s32 $0x48C0  }
0x5: {  	s31 =	simm.s32 $0x5900;
	[smem:$0x7FF] =	sst s3;
	s4 =	smul.u32 $0x412080, s5  }
0x6: {  	s1 =	sand.u32 $0x1, s1;
	s5 =	sshll.u32 s5, $0xF;
	_ =	strace $0x80000047  }
0x7: {  	s6 =	smul.u32 $0x209040, s1;
	s16 =	sshll.u32 s1, $0x8;
	s1 =	ssub.s32 $0x2, s1  }
0x8: {  	s7 =	sadd.s32 s5, s0;
	s0 =	sadd.s32 s16, s0;
	s17 =	sshrl.u32 s1, $0x1  }
0x9: {  	s4 =	sadd.s32 s6, s4;
	s1 =	ssub.s32 s1, s17;
	s0 =	sadd.s32 $0x600, s0  }
0xa: {  	s5 =	sadd.s32 $0x41208, s4;
	s9 =	sadd.s32 $0x82410, s4;
	s10 =	sadd.s32 $0xC3618, s4  }
0xb: {  	s6 =	sshrl.u32 s4, $0x3;
	s11 =	sadd.s32 $0x104820, s4;
	s15 =	sadd.s32 $0x145A28, s4  }
0xc: {  	[dreg:$0x3] =	wrdreg s0;
	s16 =	sadd.s32 $0x186C30, s4;
	s17 =	sadd.s32 $0x1C7E38, s4  }
0xd: {  	s18 =	sadd.s32 s2, s6;
	s19 =	sshrl.u32 s5, $0x3;
	s20 =	sshrl.u32 s9, $0x3  }
0xe: {  	s21 =	sshrl.u32 s10, $0x3;
	s23 =	sshrl.u32 s11, $0x3;
	s24 =	sshrl.u32 s15, $0x3  }
0xf: {  	s25 =	sshrl.u32 s16, $0x3;
	s26 =	sshrl.u32 s17, $0x3;
	s6 =	simm.s32 $0x89C0  }
0x10: {  	[dreg:$0x4] =	wrdreg s18;
	s0 =	sadd.s32 s2, s19;
	s22 =	sadd.s32 s2, s21  }
0x11: {  	s18 =	sadd.s32 s2, s24;
	s19 =	sadd.s32 s2, s25;
	s21 =	sadd.s32 $0x800, s7  }
0x12: {  	s24 =	simm.s32 $0x9A00;
	s25 =	simm.s32 $0x800;
	[dreg:$0x5] =	wrdreg s0  }
0x13: {  	s7 =	simm.s32 $0x0;
	s0 =	sadd.s32 s2, s20;
	[dreg:$0x7] =	wrdreg s22  }
0x14: {  	s20 =	sadd.s32 s2, s26;
	s22 =	smax.u32 s1, $0x1;
	s26 =	simm.s32 $0x1800  }
0x15: {  	s1 =	simm.s32 $0x7980;
	[dreg:$0x6] =	wrdreg s0;
	s0 =	sadd.s32 s2, s23  }
0x16: {  	v0 =	vimm.f32 $0.0e+00;
	s23 =	simm.s32 $0x1;
	[dreg:$0x8] =	wrdreg s0;
	s0 =	simm.s32 $0x6940  }
.LBB2_1:
0x17: {  	s8 =	rddreg [dreg:$0x3]  }
0x18: {  	[tilespmem:s3], [sflag:$0x1] =	stream.linear.gather [hbm4b:s8+s3], $0x800, $0x38;
	[tilespmem:$0x9C08] =	vst v63  }
0x19: {  	_ =	swait.ge [sflag:s23], $0x800  }
0x1a: {  	[sflag:s23] =	ssyncset.done $0x0  }
0x1b: {  	[sflag:s23] =	ssyncadd.s32 $0xFFFFF800  }
0x1c: {  	[tilespmem:$0x1800] =	vst v0  }
0x1d: {  	[tilespmem:$0x1A08] =	vst v0  }
0x1e: {  	[tilespmem:$0x1C10] =	vst v0  }
0x1f: {  	[tilespmem:$0x1E18] =	vst v0  }
0x20: {  	[tilespmem:$0x2020] =	vst v0  }
0x21: {  	[tilespmem:$0x2228] =	vst v0  }
0x22: {  	[tilespmem:$0x2430] =	vst v0  }
0x23: {  	[tilespmem:$0x2638] =	vst v0  }
0x24: {  	[tilespmem:$0x2840] =	vst v0  }
0x25: {  	[tilespmem:$0x2A48] =	vst v0  }
0x26: {  	[tilespmem:$0x2C50] =	vst v0  }
0x27: {  	[tilespmem:$0x2E58] =	vst v0  }
0x28: {  	[tilespmem:$0x3060] =	vst v0  }
0x29: {  	[tilespmem:$0x3268] =	vst v0  }
0x2a: {  	[tilespmem:$0x3470] =	vst v0  }
0x2b: {  	[tilespmem:$0x3678] =	vst v0  }
0x2c: {  	[tilespmem:$0x3880] =	vst v0  }
0x2d: {  	[tilespmem:$0x3A88] =	vst v0  }
0x2e: {  	[tilespmem:$0x3C90] =	vst v0  }
0x2f: {  	[tilespmem:$0x3E98] =	vst v0  }
0x30: {  	[tilespmem:$0x40A0] =	vst v0  }
0x31: {  	[tilespmem:$0x42A8] =	vst v0  }
0x32: {  	[tilespmem:$0x44B0] =	vst v0  }
0x33: {  	[tilespmem:$0x46B8] =	vst v0  }
0x34: {  	[tilespmem:$0x48C0] =	vst v0  }
0x35: {  	[tilespmem:$0x4AC8] =	vst v0  }
0x36: {  	[tilespmem:$0x4CD0] =	vst v0  }
0x37: {  	[tilespmem:$0x4ED8] =	vst v0  }
0x38: {  	[tilespmem:$0x50E0] =	vst v0  }
0x39: {  	[tilespmem:$0x52E8] =	vst v0  }
0x3a: {  	[tilespmem:$0x54F0] =	vst v0  }
0x3b: {  	[tilespmem:$0x56F8] =	vst v0  }
0x3c: {  	[tilespmem:$0x5900] =	vst v0  }
0x3d: {  	[tilespmem:$0x5B08] =	vst v0  }
0x3e: {  	[tilespmem:$0x5D10] =	vst v0  }
0x3f: {  	[tilespmem:$0x5F18] =	vst v0  }
0x40: {  	[tilespmem:$0x6120] =	vst v0  }
0x41: {  	[tilespmem:$0x6328] =	vst v0  }
0x42: {  	[tilespmem:$0x6530] =	vst v0  }
0x43: {  	[tilespmem:$0x6738] =	vst v0  }
0x44: {  	[tilespmem:$0x6940] =	vst v0  }
0x45: {  	[tilespmem:$0x6B48] =	vst v0  }
0x46: {  	[tilespmem:$0x6D50] =	vst v0  }
0x47: {  	[tilespmem:$0x6F58] =	vst v0  }
0x48: {  	[tilespmem:$0x7160] =	vst v0  }
0x49: {  	[tilespmem:$0x7368] =	vst v0  }
0x4a: {  	[tilespmem:$0x7570] =	vst v0  }
0x4b: {  	[tilespmem:$0x7778] =	vst v0  }
0x4c: {  	[tilespmem:$0x7980] =	vst v0  }
0x4d: {  	[tilespmem:$0x7B88] =	vst v0  }
0x4e: {  	[tilespmem:$0x7D90] =	vst v0  }
0x4f: {  	[tilespmem:$0x7F98] =	vst v0  }
0x50: {  	[tilespmem:$0x81A0] =	vst v0  }
0x51: {  	[tilespmem:$0x83A8] =	vst v0  }
0x52: {  	[tilespmem:$0x85B0] =	vst v0  }
0x53: {  	[tilespmem:$0x87B8] =	vst v0  }
0x54: {  	[tilespmem:$0x89C0] =	vst v0  }
0x55: {  	[tilespmem:$0x8BC8] =	vst v0  }
0x56: {  	[tilespmem:$0x8DD0] =	vst v0  }
0x57: {  	[tilespmem:$0x8FD8] =	vst v0  }
0x58: {  	[tilespmem:$0x91E0] =	vst v0  }
0x59: {  	[tilespmem:$0x93E8] =	vst v0  }
0x5a: {  	[tilespmem:$0x95F0] =	vst v0  }
0x5b: {  	[tilespmem:$0x97F8] =	vst v0  }
0x5c: {  	[tilespmem:$0x9A00] =	vst v0  }
0x5d: {  	[tilespmem:$0x9A10] =	vst v0  }
0x5e: {  	[tilespmem:$0x9A20] =	vst v0  }
0x5f: {  	[tilespmem:$0x9A30] =	vst v0  }
0x60: {  	[tilespmem:$0x9A40] =	vst v0  }
0x61: {  	[tilespmem:$0x9A50] =	vst v0  }
0x62: {  	[tilespmem:$0x9A60] =	vst v0  }
0x63: {  	[tilespmem:$0x9A70] =	vst v0  }
0x64: {  	[tilespmem:$0x9A80] =	vst v0  }
0x65: {  	[tilespmem:$0x9A90] =	vst v0  }
0x66: {  	[tilespmem:$0x9AA0] =	vst v0  }
0x67: {  	[tilespmem:$0x9AB0] =	vst v0  }
0x68: {  	[tilespmem:$0x9AC0] =	vst v0  }
0x69: {  	[tilespmem:$0x9AD0] =	vst v0  }
0x6a: {  	[tilespmem:$0x9AE0] =	vst v0  }
0x6b: {  	[tilespmem:$0x9AF0] =	vst v0  }
0x6c: {  	[tilespmem:$0x9B00] =	vst v0  }
0x6d: {  	[tilespmem:$0x9B10] =	vst v0  }
0x6e: {  	[tilespmem:$0x9B20] =	vst v0  }
0x6f: {  	[tilespmem:$0x9B30] =	vst v0  }
0x70: {  	[tilespmem:$0x9B40] =	vst v0  }
0x71: {  	[tilespmem:$0x9B50] =	vst v0  }
0x72: {  	[tilespmem:$0x9B60] =	vst v0  }
0x73: {  	[tilespmem:$0x9B70] =	vst v0  }
0x74: {  	[tilespmem:$0x9B80] =	vst v0  }
0x75: {  	[tilespmem:$0x9B90] =	vst v0  }
0x76: {  	[tilespmem:$0x9BA0] =	vst v0  }
0x77: {  	[tilespmem:$0x9BB0] =	vst v0  }
0x78: {  	[tilespmem:$0x9BC0] =	vst v0  }
0x79: {  	[tilespmem:$0x9BD0] =	vst v0  }
0x7a: {  	[tilespmem:$0x9BE0] =	vst v0  }
0x7b: {  	[tilespmem:$0x9BF0] =	vst v0  }
0x7c: {  	s13 =	rddreg [dreg:$0x4];
	[tilespmem:$0x9BF1] =	vst v0  }
0x7d: {  	[hbm4b:s13+s3] =	stream.linear.scatter [tilespmem:s24], [sflag:$0x1], $0x208, $0x38;
	[tilespmem:$0x9C08] =	vst v63  }
0x7e: {  	_ =	swait.ge [sflag:s23], $0x208  }
0x7f: {  	[sflag:s23] =	ssyncset.done $0x0  }
0x80: {  	s14 =	rddreg [dreg:$0x5];
	[sflag:s23] =	ssyncadd.s32 $0xFFFFFDF8  }
0x81: {  	[hbm4b:s14+s3] =	stream.linear.scatter [tilespmem:s24], [sflag:$0x1], $0x208, $0x38;
	[tilespmem:$0x9C08] =	vst v63  }
0x82: {  	_ =	swait.ge [sflag:s23], $0x208  }
0x83: {  	[sflag:s23] =	ssyncset.done $0x0  }
0x84: {  	s12 =	rddreg [dreg:$0x6];
	[sflag:s23] =	ssyncadd.s32 $0xFFFFFDF8  }
0x85: {  	[hbm4b:s12+s3] =	stream.linear.scatter [tilespmem:s24], [sflag:$0x1], $0x208, $0x38;
	[tilespmem:$0x9C08] =	vst v63  }
0x86: {  	_ =	swait.ge [sflag:s23], $0x208  }
0x87: {  	[sflag:s23] =	ssyncset.done $0x0  }
0x88: {  	s13 =	rddreg [dreg:$0x7];
	[sflag:s23] =	ssyncadd.s32 $0xFFFFFDF8  }
0x89: {  	[hbm4b:s13+s3] =	stream.linear.scatter [tilespmem:s24], [sflag:$0x1], $0x208, $0x38;
	[tilespmem:$0x9C08] =	vst v63  }
0x8a: {  	_ =	swait.ge [sflag:s23], $0x208  }
0x8b: {  	[sflag:s23] =	ssyncset.done $0x0  }
0x8c: {  	s14 =	rddreg [dreg:$0x8];
	[sflag:s23] =	ssyncadd.s32 $0xFFFFFDF8  }
0x8d: {  	[hbm4b:s14+s3] =	stream.linear.scatter [tilespmem:s24], [sflag:$0x1], $0x208, $0x38;
	[tilespmem:$0x9C08] =	vst v63  }
0x8e: {  	_ =	swait.ge [sflag:s23], $0x208  }
0x8f: {  	[sflag:s23] =	ssyncset.done $0x0  }
0x90: {  	[sflag:s23] =	ssyncadd.s32 $0xFFFFFDF8  }
0x91: {  	[hbm4b:s18+s3] =	stream.linear.scatter [tilespmem:s24], [sflag:$0x1], $0x208, $0x38;
	[tilespmem:$0x9C08] =	vst v63  }
0x92: {  	_ =	swait.ge [sflag:s23], $0x208  }
0x93: {  	[sflag:s23] =	ssyncset.done $0x0  }
0x94: {  	[sflag:s23] =	ssyncadd.s32 $0xFFFFFDF8  }
0x95: {  	[hbm4b:s19+s3] =	stream.linear.scatter [tilespmem:s24], [sflag:$0x1], $0x208, $0x38;
	[tilespmem:$0x9C08] =	vst v63  }
0x96: {  	_ =	swait.ge [sflag:s23], $0x208  }
0x97: {  	[sflag:s23] =	ssyncset.done $0x0  }
0x98: {  	[sflag:s23] =	ssyncadd.s32 $0xFFFFFDF8  }
0x99: {  	[hbm4b:s20+s3] =	stream.linear.scatter [tilespmem:s24], [sflag:$0x1], $0x208, $0x38;
	[tilespmem:$0x9C08] =	vst v63  }
0x9a: {  	_ =	swait.ge [sflag:s23], $0x208  }
0x9b: {  	[sflag:s23] =	ssyncset.done $0x0  }
0x9c: {  	s8 =	simm.s32 $0x0;
	[sflag:s23] =	ssyncadd.s32 $0xFFFFFDF8  }
.LBB2_2:
0x9d: {  	s12 =	sshll.u32 s8, $0x9  }
0x9e: {  	s13 =	sadd.s32 s12, s21;
	s12 =	simm.s32 $0x0  }
0x9f: {  	[tilespmem:s25], [sflag:$0x1] =	stream.linear.gather [hbm4b:s13+s12], $0x1000, $0x38;
	[tilespmem:$0x9C08] =	vst v63  }
0xa0: {  	_ =	swait.ge [sflag:s23], $0x1000  }
0xa1: {  	[sflag:s23] =	ssyncset.done $0x0  }
0xa2: {  	[sflag:s23] =	ssyncadd.s32 $0xFFFFF000  }
.LBB2_3:
0xa3: {  	s13 =	sshll.u32 s12, $0x9  }
0xa4: {  	s14 =	sand.u32 $0x3FFFFE00, s13  }
0xa5: {  	v1 =	vld [tilespmem:s14+$0x800];
	_ =	sdelay $0x7  }
0xa6: {  	v2 =	vld.idx.msk [tilespmem:v1+s3+$0x0], $0xffff  }
0xa7: {  	v3 =	vadd.s32 $0x100, v1  }
0xa8: {  	s13 =	smul.u32 $0x820, s12;
	_ =	sdelay $0x1  }
0xa9: {  	s13 =	sshra.s32 s13, $0x2  }
0xaa: {  	[tilespmem:s13+$0x1801] =	vst v2  }
0xab: {  	v2 =	vld.idx.msk [tilespmem:v3+s3+$0x0], $0xffff  }
0xac: {  	v3 =	vadd.s32 $0x200, v1;
	_ =	sdelay $0x3  }
0xad: {  	[tilespmem:s13+$0x2841] =	vst v2  }
0xae: {  	v2 =	vld.idx.msk [tilespmem:v3+s3+$0x0], $0xffff  }
0xaf: {  	v3 =	vadd.s32 $0x300, v1;
	_ =	sdelay $0x3  }
0xb0: {  	[tilespmem:s13+$0x3881] =	vst v2  }
0xb1: {  	v2 =	vld.idx.msk [tilespmem:v3+s3+$0x0], $0xffff  }
0xb2: {  	v3 =	vadd.s32 $0x400, v1;
	_ =	sdelay $0x3  }
0xb3: {  	[tilespmem:s13+$0x48C1] =	vst v2  }
0xb4: {  	v2 =	vld.idx.msk [tilespmem:v3+s3+$0x0], $0xffff  }
0xb5: {  	v3 =	vadd.s32 $0x500, v1;
	_ =	sdelay $0x3  }
0xb6: {  	[tilespmem:s13+$0x5901] =	vst v2  }
0xb7: {  	v2 =	vld.idx.msk [tilespmem:v3+s3+$0x0], $0xffff  }
0xb8: {  	v3 =	vadd.s32 $0x600, v1;
	_ =	sdelay $0x3  }
0xb9: {  	[tilespmem:s13+$0x6941] =	vst v2  }
0xba: {  	v2 =	vld.idx.msk [tilespmem:v3+s3+$0x0], $0xffff  }
0xbb: {  	v1 =	vadd.s32 $0x700, v1;
	_ =	sdelay $0x3  }
0xbc: {  	[tilespmem:s13+$0x7981] =	vst v2  }
0xbd: {  	v1 =	vld.idx.msk [tilespmem:v1+s3+$0x0], $0xffff;
	_ =	sdelay $0x4  }
0xbe: {  	[tilespmem:s13+$0x89C1] =	vst v1  }
0xbf: {  	v1 =	vld [tilespmem:s14+$0x810];
	_ =	sdelay $0x7  }
0xc0: {  	v2 =	vld.idx.msk [tilespmem:v1+s3+$0x0], $0xffff  }
0xc1: {  	v3 =	vadd.s32 $0x100, v1;
	_ =	sdelay $0x3  }
0xc2: {  	[tilespmem:s13+$0x1811] =	vst v2  }
0xc3: {  	v2 =	vld.idx.msk [tilespmem:v3+s3+$0x0], $0xffff  }
0xc4: {  	v3 =	vadd.s32 $0x200, v1;
	_ =	sdelay $0x3  }
0xc5: {  	[tilespmem:s13+$0x2851] =	vst v2  }
0xc6: {  	v2 =	vld.idx.msk [tilespmem:v3+s3+$0x0], $0xffff  }
0xc7: {  	v3 =	vadd.s32 $0x300, v1;
	_ =	sdelay $0x3  }
0xc8: {  	[tilespmem:s13+$0x3891] =	vst v2  }
0xc9: {  	v2 =	vld.idx.msk [tilespmem:v3+s3+$0x0], $0xffff  }
0xca: {  	v3 =	vadd.s32 $0x400, v1;
	_ =	sdelay $0x3  }
0xcb: {  	[tilespmem:s13+$0x48D1] =	vst v2  }
0xcc: {  	v2 =	vld.idx.msk [tilespmem:v3+s3+$0x0], $0xffff  }
0xcd: {  	v3 =	vadd.s32 $0x500, v1;
	_ =	sdelay $0x3  }
0xce: {  	[tilespmem:s13+$0x5911] =	vst v2  }
0xcf: {  	v2 =	vld.idx.msk [tilespmem:v3+s3+$0x0], $0xffff  }
0xd0: {  	v3 =	vadd.s32 $0x600, v1;
	_ =	sdelay $0x3  }
0xd1: {  	[tilespmem:s13+$0x6951] =	vst v2  }
0xd2: {  	v2 =	vld.idx.msk [tilespmem:v3+s3+$0x0], $0xffff  }
0xd3: {  	v1 =	vadd.s32 $0x700, v1;
	_ =	sdelay $0x3  }
0xd4: {  	[tilespmem:s13+$0x7991] =	vst v2  }
0xd5: {  	v1 =	vld.idx.msk [tilespmem:v1+s3+$0x0], $0xffff;
	_ =	sdelay $0x4  }
0xd6: {  	[tilespmem:s13+$0x89D1] =	vst v1  }
0xd7: {  	v1 =	vld [tilespmem:s14+$0x820];
	_ =	sdelay $0x7  }
0xd8: {  	v2 =	vld.idx.msk [tilespmem:v1+s3+$0x0], $0xffff  }
0xd9: {  	v3 =	vadd.s32 $0x100, v1;
	_ =	sdelay $0x3  }
0xda: {  	[tilespmem:s13+$0x1821] =	vst v2  }
0xdb: {  	v2 =	vld.idx.msk [tilespmem:v3+s3+$0x0], $0xffff  }
0xdc: {  	v3 =	vadd.s32 $0x200, v1;
	_ =	sdelay $0x3  }
0xdd: {  	[tilespmem:s13+$0x2861] =	vst v2  }
0xde: {  	v2 =	vld.idx.msk [tilespmem:v3+s3+$0x0], $0xffff  }
0xdf: {  	v3 =	vadd.s32 $0x300, v1;
	_ =	sdelay $0x3  }
0xe0: {  	[tilespmem:s13+$0x38A1] =	vst v2  }
0xe1: {  	v2 =	vld.idx.msk [tilespmem:v3+s3+$0x0], $0xffff  }
0xe2: {  	v3 =	vadd.s32 $0x400, v1;
	_ =	sdelay $0x3  }
0xe3: {  	[tilespmem:s13+$0x48E1] =	vst v2  }
0xe4: {  	v2 =	vld.idx.msk [tilespmem:v3+s3+$0x0], $0xffff  }
0xe5: {  	v3 =	vadd.s32 $0x500, v1;
	_ =	sdelay $0x3  }
0xe6: {  	[tilespmem:s13+$0x5921] =	vst v2  }
0xe7: {  	v2 =	vld.idx.msk [tilespmem:v3+s3+$0x0], $0xffff  }
0xe8: {  	v3 =	vadd.s32 $0x600, v1;
	_ =	sdelay $0x3  }
0xe9: {  	[tilespmem:s13+$0x6961] =	vst v2  }
0xea: {  	v2 =	vld.idx.msk [tilespmem:v3+s3+$0x0], $0xffff  }
0xeb: {  	v1 =	vadd.s32 $0x700, v1;
	_ =	sdelay $0x3  }
0xec: {  	[tilespmem:s13+$0x79A1] =	vst v2  }
0xed: {  	v1 =	vld.idx.msk [tilespmem:v1+s3+$0x0], $0xffff;
	_ =	sdelay $0x4  }
0xee: {  	[tilespmem:s13+$0x89E1] =	vst v1  }
0xef: {  	v1 =	vld [tilespmem:s14+$0x830];
	_ =	sdelay $0x7  }
0xf0: {  	v2 =	vld.idx.msk [tilespmem:v1+s3+$0x0], $0xffff  }
0xf1: {  	v3 =	vadd.s32 $0x100, v1;
	_ =	sdelay $0x3  }
0xf2: {  	[tilespmem:s13+$0x1831] =	vst v2  }
0xf3: {  	v2 =	vld.idx.msk [tilespmem:v3+s3+$0x0], $0xffff  }
0xf4: {  	v3 =	vadd.s32 $0x200, v1;
	_ =	sdelay $0x3  }
0xf5: {  	[tilespmem:s13+$0x2871] =	vst v2  }
0xf6: {  	v2 =	vld.idx.msk [tilespmem:v3+s3+$0x0], $0xffff  }
0xf7: {  	v3 =	vadd.s32 $0x300, v1;
	_ =	sdelay $0x3  }
0xf8: {  	[tilespmem:s13+$0x38B1] =	vst v2  }
0xf9: {  	v2 =	vld.idx.msk [tilespmem:v3+s3+$0x0], $0xffff  }
0xfa: {  	v3 =	vadd.s32 $0x400, v1;
	_ =	sdelay $0x3  }
0xfb: {  	[tilespmem:s13+$0x48F1] =	vst v2  }
0xfc: {  	v2 =	vld.idx.msk [tilespmem:v3+s3+$0x0], $0xffff  }
0xfd: {  	v3 =	vadd.s32 $0x500, v1;
	_ =	sdelay $0x3  }
0xfe: {  	[tilespmem:s13+$0x5931] =	vst v2  }
0xff: {  	v2 =	vld.idx.msk [tilespmem:v3+s3+$0x0], $0xffff  }
0x100: {  	v3 =	vadd.s32 $0x600, v1;
	_ =	sdelay $0x3  }
0x101: {  	[tilespmem:s13+$0x6971] =	vst v2  }
0x102: {  	v2 =	vld.idx.msk [tilespmem:v3+s3+$0x0], $0xffff  }
0x103: {  	v1 =	vadd.s32 $0x700, v1;
	_ =	sdelay $0x3  }
0x104: {  	[tilespmem:s13+$0x79B1] =	vst v2  }
0x105: {  	v1 =	vld.idx.msk [tilespmem:v1+s3+$0x0], $0xffff;
	_ =	sdelay $0x4  }
0x106: {  	[tilespmem:s13+$0x89F1] =	vst v1  }
0x107: {  	v1 =	vld [tilespmem:s14+$0x840];
	_ =	sdelay $0x7  }
0x108: {  	v2 =	vld.idx.msk [tilespmem:v1+s3+$0x0], $0xffff  }
0x109: {  	v3 =	vadd.s32 $0x100, v1;
	_ =	sdelay $0x3  }
0x10a: {  	[tilespmem:s13+$0x1841] =	vst v2  }
0x10b: {  	v2 =	vld.idx.msk [tilespmem:v3+s3+$0x0], $0xffff  }
0x10c: {  	v3 =	vadd.s32 $0x200, v1;
	_ =	sdelay $0x3  }
0x10d: {  	[tilespmem:s13+$0x2881] =	vst v2  }
0x10e: {  	v2 =	vld.idx.msk [tilespmem:v3+s3+$0x0], $0xffff  }
0x10f: {  	v3 =	vadd.s32 $0x300, v1;
	_ =	sdelay $0x3  }
0x110: {  	[tilespmem:s13+$0x38C1] =	vst v2  }
0x111: {  	v2 =	vld.idx.msk [tilespmem:v3+s3+$0x0], $0xffff  }
0x112: {  	v3 =	vadd.s32 $0x400, v1;
	_ =	sdelay $0x3  }
0x113: {  	[tilespmem:s13+$0x4901] =	vst v2  }
0x114: {  	v2 =	vld.idx.msk [tilespmem:v3+s3+$0x0], $0xffff  }
0x115: {  	v3 =	vadd.s32 $0x500, v1;
	_ =	sdelay $0x3  }
0x116: {  	[tilespmem:s13+$0x5941] =	vst v2  }
0x117: {  	v2 =	vld.idx.msk [tilespmem:v3+s3+$0x0], $0xffff  }
0x118: {  	v3 =	vadd.s32 $0x600, v1;
	_ =	sdelay $0x3  }
0x119: {  	[tilespmem:s13+$0x6981] =	vst v2  }
0x11a: {  	v2 =	vld.idx.msk [tilespmem:v3+s3+$0x0], $0xffff  }
0x11b: {  	v1 =	vadd.s32 $0x700, v1;
	_ =	sdelay $0x3  }
0x11c: {  	[tilespmem:s13+$0x79C1] =	vst v2  }
0x11d: {  	v1 =	vld.idx.msk [tilespmem:v1+s3+$0x0], $0xffff;
	_ =	sdelay $0x4  }
0x11e: {  	[tilespmem:s13+$0x8A01] =	vst v1  }
0x11f: {  	v1 =	vld [tilespmem:s14+$0x850];
	_ =	sdelay $0x7  }
0x120: {  	v2 =	vld.idx.msk [tilespmem:v1+s3+$0x0], $0xffff  }
0x121: {  	v3 =	vadd.s32 $0x100, v1;
	_ =	sdelay $0x3  }
0x122: {  	[tilespmem:s13+$0x1851] =	vst v2  }
0x123: {  	v2 =	vld.idx.msk [tilespmem:v3+s3+$0x0], $0xffff  }
0x124: {  	v3 =	vadd.s32 $0x200, v1;
	_ =	sdelay $0x3  }
0x125: {  	[tilespmem:s13+$0x2891] =	vst v2  }
0x126: {  	v2 =	vld.idx.msk [tilespmem:v3+s3+$0x0], $0xffff  }
0x127: {  	v3 =	vadd.s32 $0x300, v1;
	_ =	sdelay $0x3  }
0x128: {  	[tilespmem:s13+$0x38D1] =	vst v2  }
0x129: {  	v2 =	vld.idx.msk [tilespmem:v3+s3+$0x0], $0xffff  }
0x12a: {  	v3 =	vadd.s32 $0x400, v1;
	_ =	sdelay $0x3  }
0x12b: {  	[tilespmem:s13+$0x4911] =	vst v2  }
0x12c: {  	v2 =	vld.idx.msk [tilespmem:v3+s3+$0x0], $0xffff  }
0x12d: {  	v3 =	vadd.s32 $0x500, v1;
	_ =	sdelay $0x3  }
0x12e: {  	[tilespmem:s13+$0x5951] =	vst v2  }
0x12f: {  	v2 =	vld.idx.msk [tilespmem:v3+s3+$0x0], $0xffff  }
0x130: {  	v3 =	vadd.s32 $0x600, v1;
	_ =	sdelay $0x3  }
0x131: {  	[tilespmem:s13+$0x6991] =	vst v2  }
0x132: {  	v2 =	vld.idx.msk [tilespmem:v3+s3+$0x0], $0xffff  }
0x133: {  	v1 =	vadd.s32 $0x700, v1;
	_ =	sdelay $0x3  }
0x134: {  	[tilespmem:s13+$0x79D1] =	vst v2  }
0x135: {  	v1 =	vld.idx.msk [tilespmem:v1+s3+$0x0], $0xffff;
	_ =	sdelay $0x4  }
0x136: {  	[tilespmem:s13+$0x8A11] =	vst v1  }
0x137: {  	v1 =	vld [tilespmem:s14+$0x860];
	_ =	sdelay $0x7  }
0x138: {  	v2 =	vld.idx.msk [tilespmem:v1+s3+$0x0], $0xffff  }
0x139: {  	v3 =	vadd.s32 $0x100, v1;
	_ =	sdelay $0x3  }
0x13a: {  	[tilespmem:s13+$0x1861] =	vst v2  }
0x13b: {  	v2 =	vld.idx.msk [tilespmem:v3+s3+$0x0], $0xffff  }
0x13c: {  	v3 =	vadd.s32 $0x200, v1;
	_ =	sdelay $0x3  }
0x13d: {  	[tilespmem:s13+$0x28A1] =	vst v2  }
0x13e: {  	v2 =	vld.idx.msk [tilespmem:v3+s3+$0x0], $0xffff  }
0x13f: {  	v3 =	vadd.s32 $0x300, v1;
	_ =	sdelay $0x3  }
0x140: {  	[tilespmem:s13+$0x38E1] =	vst v2  }
0x141: {  	v2 =	vld.idx.msk [tilespmem:v3+s3+$0x0], $0xffff  }
0x142: {  	v3 =	vadd.s32 $0x400, v1;
	_ =	sdelay $0x3  }
0x143: {  	[tilespmem:s13+$0x4921] =	vst v2  }
0x144: {  	v2 =	vld.idx.msk [tilespmem:v3+s3+$0x0], $0xffff  }
0x145: {  	v3 =	vadd.s32 $0x500, v1;
	_ =	sdelay $0x3  }
0x146: {  	[tilespmem:s13+$0x5961] =	vst v2  }
0x147: {  	v2 =	vld.idx.msk [tilespmem:v3+s3+$0x0], $0xffff  }
0x148: {  	v3 =	vadd.s32 $0x600, v1;
	_ =	sdelay $0x3  }
0x149: {  	[tilespmem:s13+$0x69A1] =	vst v2  }
0x14a: {  	v2 =	vld.idx.msk [tilespmem:v3+s3+$0x0], $0xffff  }
0x14b: {  	v1 =	vadd.s32 $0x700, v1;
	_ =	sdelay $0x3  }
0x14c: {  	[tilespmem:s13+$0x79E1] =	vst v2  }
0x14d: {  	v1 =	vld.idx.msk [tilespmem:v1+s3+$0x0], $0xffff;
	_ =	sdelay $0x4  }
0x14e: {  	[tilespmem:s13+$0x8A21] =	vst v1  }
0x14f: {  	v1 =	vld [tilespmem:s14+$0x870];
	_ =	sdelay $0x7  }
0x150: {  	v2 =	vld.idx.msk [tilespmem:v1+s3+$0x0], $0xffff  }
0x151: {  	v3 =	vadd.s32 $0x100, v1;
	_ =	sdelay $0x3  }
0x152: {  	[tilespmem:s13+$0x1871] =	vst v2  }
0x153: {  	v2 =	vld.idx.msk [tilespmem:v3+s3+$0x0], $0xffff  }
0x154: {  	v3 =	vadd.s32 $0x200, v1;
	_ =	sdelay $0x3  }
0x155: {  	[tilespmem:s13+$0x28B1] =	vst v2  }
0x156: {  	v2 =	vld.idx.msk [tilespmem:v3+s3+$0x0], $0xffff  }
0x157: {  	v3 =	vadd.s32 $0x300, v1;
	_ =	sdelay $0x3  }
0x158: {  	[tilespmem:s13+$0x38F1] =	vst v2  }
0x159: {  	v2 =	vld.idx.msk [tilespmem:v3+s3+$0x0], $0xffff  }
0x15a: {  	v3 =	vadd.s32 $0x400, v1;
	_ =	sdelay $0x3  }
0x15b: {  	[tilespmem:s13+$0x4931] =	vst v2  }
0x15c: {  	v2 =	vld.idx.msk [tilespmem:v3+s3+$0x0], $0xffff  }
0x15d: {  	v3 =	vadd.s32 $0x500, v1;
	_ =	sdelay $0x3  }
0x15e: {  	[tilespmem:s13+$0x5971] =	vst v2  }
0x15f: {  	v2 =	vld.idx.msk [tilespmem:v3+s3+$0x0], $0xffff  }
0x160: {  	v3 =	vadd.s32 $0x600, v1;
	_ =	sdelay $0x3  }
0x161: {  	[tilespmem:s13+$0x69B1] =	vst v2  }
0x162: {  	v2 =	vld.idx.msk [tilespmem:v3+s3+$0x0], $0xffff  }
0x163: {  	v1 =	vadd.s32 $0x700, v1;
	_ =	sdelay $0x3  }
0x164: {  	[tilespmem:s13+$0x79F1] =	vst v2  }
0x165: {  	v1 =	vld.idx.msk [tilespmem:v1+s3+$0x0], $0xffff;
	_ =	sdelay $0x4  }
0x166: {  	[tilespmem:s13+$0x8A31] =	vst v1  }
0x167: {  	v1 =	vld [tilespmem:s14+$0x880];
	_ =	sdelay $0x7  }
0x168: {  	v2 =	vld.idx.msk [tilespmem:v1+s3+$0x0], $0xffff  }
0x169: {  	v3 =	vadd.s32 $0x100, v1;
	_ =	sdelay $0x3  }
0x16a: {  	[tilespmem:s13+$0x1881] =	vst v2  }
0x16b: {  	v2 =	vld.idx.msk [tilespmem:v3+s3+$0x0], $0xffff  }
0x16c: {  	v3 =	vadd.s32 $0x200, v1;
	_ =	sdelay $0x3  }
0x16d: {  	[tilespmem:s13+$0x28C1] =	vst v2  }
0x16e: {  	v2 =	vld.idx.msk [tilespmem:v3+s3+$0x0], $0xffff  }
0x16f: {  	v3 =	vadd.s32 $0x300, v1;
	_ =	sdelay $0x3  }
0x170: {  	[tilespmem:s13+$0x3901] =	vst v2  }
0x171: {  	v2 =	vld.idx.msk [tilespmem:v3+s3+$0x0], $0xffff  }
0x172: {  	v3 =	vadd.s32 $0x400, v1;
	_ =	sdelay $0x3  }
0x173: {  	[tilespmem:s13+$0x4941] =	vst v2  }
0x174: {  	v2 =	vld.idx.msk [tilespmem:v3+s3+$0x0], $0xffff  }
0x175: {  	v3 =	vadd.s32 $0x500, v1;
	_ =	sdelay $0x3  }
0x176: {  	[tilespmem:s13+$0x5981] =	vst v2  }
0x177: {  	v2 =	vld.idx.msk [tilespmem:v3+s3+$0x0], $0xffff  }
0x178: {  	v3 =	vadd.s32 $0x600, v1;
	_ =	sdelay $0x3  }
0x179: {  	[tilespmem:s13+$0x69C1] =	vst v2  }
0x17a: {  	v2 =	vld.idx.msk [tilespmem:v3+s3+$0x0], $0xffff  }
0x17b: {  	v1 =	vadd.s32 $0x700, v1;
	_ =	sdelay $0x3  }
0x17c: {  	[tilespmem:s13+$0x7A01] =	vst v2  }
0x17d: {  	v1 =	vld.idx.msk [tilespmem:v1+s3+$0x0], $0xffff;
	_ =	sdelay $0x4  }
0x17e: {  	[tilespmem:s13+$0x8A41] =	vst v1  }
0x17f: {  	v1 =	vld [tilespmem:s14+$0x890];
	_ =	sdelay $0x7  }
0x180: {  	v2 =	vld.idx.msk [tilespmem:v1+s3+$0x0], $0xffff  }
0x181: {  	v3 =	vadd.s32 $0x100, v1;
	_ =	sdelay $0x3  }
0x182: {  	[tilespmem:s13+$0x1891] =	vst v2  }
0x183: {  	v2 =	vld.idx.msk [tilespmem:v3+s3+$0x0], $0xffff  }
0x184: {  	v3 =	vadd.s32 $0x200, v1;
	_ =	sdelay $0x3  }
0x185: {  	[tilespmem:s13+$0x28D1] =	vst v2  }
0x186: {  	v2 =	vld.idx.msk [tilespmem:v3+s3+$0x0], $0xffff  }
0x187: {  	v3 =	vadd.s32 $0x300, v1;
	_ =	sdelay $0x3  }
0x188: {  	[tilespmem:s13+$0x3911] =	vst v2  }
0x189: {  	v2 =	vld.idx.msk [tilespmem:v3+s3+$0x0], $0xffff  }
0x18a: {  	v3 =	vadd.s32 $0x400, v1;
	_ =	sdelay $0x3  }
0x18b: {  	[tilespmem:s13+$0x4951] =	vst v2  }
0x18c: {  	v2 =	vld.idx.msk [tilespmem:v3+s3+$0x0], $0xffff  }
0x18d: {  	v3 =	vadd.s32 $0x500, v1;
	_ =	sdelay $0x3  }
0x18e: {  	[tilespmem:s13+$0x5991] =	vst v2  }
0x18f: {  	v2 =	vld.idx.msk [tilespmem:v3+s3+$0x0], $0xffff  }
0x190: {  	v3 =	vadd.s32 $0x600, v1;
	_ =	sdelay $0x3  }
0x191: {  	[tilespmem:s13+$0x69D1] =	vst v2  }
0x192: {  	v2 =	vld.idx.msk [tilespmem:v3+s3+$0x0], $0xffff  }
0x193: {  	v1 =	vadd.s32 $0x700, v1;
	_ =	sdelay $0x3  }
0x194: {  	[tilespmem:s13+$0x7A11] =	vst v2  }
0x195: {  	v1 =	vld.idx.msk [tilespmem:v1+s3+$0x0], $0xffff;
	_ =	sdelay $0x4  }
0x196: {  	[tilespmem:s13+$0x8A51] =	vst v1  }
0x197: {  	v1 =	vld [tilespmem:s14+$0x8A0];
	_ =	sdelay $0x7  }
0x198: {  	v2 =	vld.idx.msk [tilespmem:v1+s3+$0x0], $0xffff  }
0x199: {  	v3 =	vadd.s32 $0x100, v1;
	_ =	sdelay $0x3  }
0x19a: {  	[tilespmem:s13+$0x18A1] =	vst v2  }
0x19b: {  	v2 =	vld.idx.msk [tilespmem:v3+s3+$0x0], $0xffff  }
0x19c: {  	v3 =	vadd.s32 $0x200, v1;
	_ =	sdelay $0x3  }
0x19d: {  	[tilespmem:s13+$0x28E1] =	vst v2  }
0x19e: {  	v2 =	vld.idx.msk [tilespmem:v3+s3+$0x0], $0xffff  }
0x19f: {  	v3 =	vadd.s32 $0x300, v1;
	_ =	sdelay $0x3  }
0x1a0: {  	[tilespmem:s13+$0x3921] =	vst v2  }
0x1a1: {  	v2 =	vld.idx.msk [tilespmem:v3+s3+$0x0], $0xffff  }
0x1a2: {  	v3 =	vadd.s32 $0x400, v1;
	_ =	sdelay $0x3  }
0x1a3: {  	[tilespmem:s13+$0x4961] =	vst v2  }
0x1a4: {  	v2 =	vld.idx.msk [tilespmem:v3+s3+$0x0], $0xffff  }
0x1a5: {  	v3 =	vadd.s32 $0x500, v1;
	_ =	sdelay $0x3  }
0x1a6: {  	[tilespmem:s13+$0x59A1] =	vst v2  }
0x1a7: {  	v2 =	vld.idx.msk [tilespmem:v3+s3+$0x0], $0xffff  }
0x1a8: {  	v3 =	vadd.s32 $0x600, v1;
	_ =	sdelay $0x3  }
0x1a9: {  	[tilespmem:s13+$0x69E1] =	vst v2  }
0x1aa: {  	v2 =	vld.idx.msk [tilespmem:v3+s3+$0x0], $0xffff  }
0x1ab: {  	v1 =	vadd.s32 $0x700, v1;
	_ =	sdelay $0x3  }
0x1ac: {  	[tilespmem:s13+$0x7A21] =	vst v2  }
0x1ad: {  	v1 =	vld.idx.msk [tilespmem:v1+s3+$0x0], $0xffff;
	_ =	sdelay $0x4  }
0x1ae: {  	[tilespmem:s13+$0x8A61] =	vst v1  }
0x1af: {  	v1 =	vld [tilespmem:s14+$0x8B0];
	_ =	sdelay $0x7  }
0x1b0: {  	v2 =	vld.idx.msk [tilespmem:v1+s3+$0x0], $0xffff  }
0x1b1: {  	v3 =	vadd.s32 $0x100, v1;
	_ =	sdelay $0x3  }
0x1b2: {  	[tilespmem:s13+$0x18B1] =	vst v2  }
0x1b3: {  	v2 =	vld.idx.msk [tilespmem:v3+s3+$0x0], $0xffff  }
0x1b4: {  	v3 =	vadd.s32 $0x200, v1;
	_ =	sdelay $0x3  }
0x1b5: {  	[tilespmem:s13+$0x28F1] =	vst v2  }
0x1b6: {  	v2 =	vld.idx.msk [tilespmem:v3+s3+$0x0], $0xffff  }
0x1b7: {  	v3 =	vadd.s32 $0x300, v1;
	_ =	sdelay $0x3  }
0x1b8: {  	[tilespmem:s13+$0x3931] =	vst v2  }
0x1b9: {  	v2 =	vld.idx.msk [tilespmem:v3+s3+$0x0], $0xffff  }
0x1ba: {  	v3 =	vadd.s32 $0x400, v1;
	_ =	sdelay $0x3  }
0x1bb: {  	[tilespmem:s13+$0x4971] =	vst v2  }
0x1bc: {  	v2 =	vld.idx.msk [tilespmem:v3+s3+$0x0], $0xffff  }
0x1bd: {  	v3 =	vadd.s32 $0x500, v1;
	_ =	sdelay $0x3  }
0x1be: {  	[tilespmem:s13+$0x59B1] =	vst v2  }
0x1bf: {  	v2 =	vld.idx.msk [tilespmem:v3+s3+$0x0], $0xffff  }
0x1c0: {  	v3 =	vadd.s32 $0x600, v1;
	_ =	sdelay $0x3  }
0x1c1: {  	[tilespmem:s13+$0x69F1] =	vst v2  }
0x1c2: {  	v2 =	vld.idx.msk [tilespmem:v3+s3+$0x0], $0xffff  }
0x1c3: {  	v1 =	vadd.s32 $0x700, v1;
	_ =	sdelay $0x3  }
0x1c4: {  	[tilespmem:s13+$0x7A31] =	vst v2  }
0x1c5: {  	v1 =	vld.idx.msk [tilespmem:v1+s3+$0x0], $0xffff;
	_ =	sdelay $0x4  }
0x1c6: {  	[tilespmem:s13+$0x8A71] =	vst v1  }
0x1c7: {  	v1 =	vld [tilespmem:s14+$0x8C0];
	_ =	sdelay $0x7  }
0x1c8: {  	v2 =	vld.idx.msk [tilespmem:v1+s3+$0x0], $0xffff  }
0x1c9: {  	v3 =	vadd.s32 $0x100, v1;
	_ =	sdelay $0x3  }
0x1ca: {  	[tilespmem:s13+$0x18C1] =	vst v2  }
0x1cb: {  	v2 =	vld.idx.msk [tilespmem:v3+s3+$0x0], $0xffff  }
0x1cc: {  	v3 =	vadd.s32 $0x200, v1;
	_ =	sdelay $0x3  }
0x1cd: {  	[tilespmem:s13+$0x2901] =	vst v2  }
0x1ce: {  	v2 =	vld.idx.msk [tilespmem:v3+s3+$0x0], $0xffff  }
0x1cf: {  	v3 =	vadd.s32 $0x300, v1;
	_ =	sdelay $0x3  }
0x1d0: {  	[tilespmem:s13+$0x3941] =	vst v2  }
0x1d1: {  	v2 =	vld.idx.msk [tilespmem:v3+s3+$0x0], $0xffff  }
0x1d2: {  	v3 =	vadd.s32 $0x400, v1;
	_ =	sdelay $0x3  }
0x1d3: {  	[tilespmem:s13+$0x4981] =	vst v2  }
0x1d4: {  	v2 =	vld.idx.msk [tilespmem:v3+s3+$0x0], $0xffff  }
0x1d5: {  	v3 =	vadd.s32 $0x500, v1;
	_ =	sdelay $0x3  }
0x1d6: {  	[tilespmem:s13+$0x59C1] =	vst v2  }
0x1d7: {  	v2 =	vld.idx.msk [tilespmem:v3+s3+$0x0], $0xffff  }
0x1d8: {  	v3 =	vadd.s32 $0x600, v1;
	_ =	sdelay $0x3  }
0x1d9: {  	[tilespmem:s13+$0x6A01] =	vst v2  }
0x1da: {  	v2 =	vld.idx.msk [tilespmem:v3+s3+$0x0], $0xffff  }
0x1db: {  	v1 =	vadd.s32 $0x700, v1;
	_ =	sdelay $0x3  }
0x1dc: {  	[tilespmem:s13+$0x7A41] =	vst v2  }
0x1dd: {  	v1 =	vld.idx.msk [tilespmem:v1+s3+$0x0], $0xffff;
	_ =	sdelay $0x4  }
0x1de: {  	[tilespmem:s13+$0x8A81] =	vst v1  }
0x1df: {  	v1 =	vld [tilespmem:s14+$0x8D0];
	_ =	sdelay $0x7  }
0x1e0: {  	v2 =	vld.idx.msk [tilespmem:v1+s3+$0x0], $0xffff  }
0x1e1: {  	v3 =	vadd.s32 $0x100, v1;
	_ =	sdelay $0x3  }
0x1e2: {  	[tilespmem:s13+$0x18D1] =	vst v2  }
0x1e3: {  	v2 =	vld.idx.msk [tilespmem:v3+s3+$0x0], $0xffff  }
0x1e4: {  	v3 =	vadd.s32 $0x200, v1;
	_ =	sdelay $0x3  }
0x1e5: {  	[tilespmem:s13+$0x2911] =	vst v2  }
0x1e6: {  	v2 =	vld.idx.msk [tilespmem:v3+s3+$0x0], $0xffff  }
0x1e7: {  	v3 =	vadd.s32 $0x300, v1;
	_ =	sdelay $0x3  }
0x1e8: {  	[tilespmem:s13+$0x3951] =	vst v2  }
0x1e9: {  	v2 =	vld.idx.msk [tilespmem:v3+s3+$0x0], $0xffff  }
0x1ea: {  	v3 =	vadd.s32 $0x400, v1;
	_ =	sdelay $0x3  }
0x1eb: {  	[tilespmem:s13+$0x4991] =	vst v2  }
0x1ec: {  	v2 =	vld.idx.msk [tilespmem:v3+s3+$0x0], $0xffff  }
0x1ed: {  	v3 =	vadd.s32 $0x500, v1;
	_ =	sdelay $0x3  }
0x1ee: {  	[tilespmem:s13+$0x59D1] =	vst v2  }
0x1ef: {  	v2 =	vld.idx.msk [tilespmem:v3+s3+$0x0], $0xffff  }
0x1f0: {  	v3 =	vadd.s32 $0x600, v1;
	_ =	sdelay $0x3  }
0x1f1: {  	[tilespmem:s13+$0x6A11] =	vst v2  }
0x1f2: {  	v2 =	vld.idx.msk [tilespmem:v3+s3+$0x0], $0xffff  }
0x1f3: {  	v1 =	vadd.s32 $0x700, v1;
	_ =	sdelay $0x3  }
0x1f4: {  	[tilespmem:s13+$0x7A51] =	vst v2  }
0x1f5: {  	v1 =	vld.idx.msk [tilespmem:v1+s3+$0x0], $0xffff;
	_ =	sdelay $0x4  }
0x1f6: {  	[tilespmem:s13+$0x8A91] =	vst v1  }
0x1f7: {  	v1 =	vld [tilespmem:s14+$0x8E0];
	_ =	sdelay $0x7  }
0x1f8: {  	v2 =	vld.idx.msk [tilespmem:v1+s3+$0x0], $0xffff  }
0x1f9: {  	v3 =	vadd.s32 $0x100, v1;
	_ =	sdelay $0x3  }
0x1fa: {  	[tilespmem:s13+$0x18E1] =	vst v2  }
0x1fb: {  	v2 =	vld.idx.msk [tilespmem:v3+s3+$0x0], $0xffff  }
0x1fc: {  	v3 =	vadd.s32 $0x200, v1;
	_ =	sdelay $0x3  }
0x1fd: {  	[tilespmem:s13+$0x2921] =	vst v2  }
0x1fe: {  	v2 =	vld.idx.msk [tilespmem:v3+s3+$0x0], $0xffff  }
0x1ff: {  	v3 =	vadd.s32 $0x300, v1;
	_ =	sdelay $0x3  }
0x200: {  	[tilespmem:s13+$0x3961] =	vst v2  }
0x201: {  	v2 =	vld.idx.msk [tilespmem:v3+s3+$0x0], $0xffff  }
0x202: {  	v3 =	vadd.s32 $0x400, v1;
	_ =	sdelay $0x3  }
0x203: {  	[tilespmem:s13+$0x49A1] =	vst v2  }
0x204: {  	v2 =	vld.idx.msk [tilespmem:v3+s3+$0x0], $0xffff  }
0x205: {  	v3 =	vadd.s32 $0x500, v1;
	_ =	sdelay $0x3  }
0x206: {  	[tilespmem:s13+$0x59E1] =	vst v2  }
0x207: {  	v2 =	vld.idx.msk [tilespmem:v3+s3+$0x0], $0xffff  }
0x208: {  	v3 =	vadd.s32 $0x600, v1;
	_ =	sdelay $0x3  }
0x209: {  	[tilespmem:s13+$0x6A21] =	vst v2  }
0x20a: {  	v2 =	vld.idx.msk [tilespmem:v3+s3+$0x0], $0xffff  }
0x20b: {  	v1 =	vadd.s32 $0x700, v1;
	_ =	sdelay $0x3  }
0x20c: {  	[tilespmem:s13+$0x7A61] =	vst v2  }
0x20d: {  	v1 =	vld.idx.msk [tilespmem:v1+s3+$0x0], $0xffff;
	_ =	sdelay $0x4  }
0x20e: {  	[tilespmem:s13+$0x8AA1] =	vst v1  }
0x20f: {  	v1 =	vld [tilespmem:s14+$0x8F0];
	_ =	sdelay $0x7  }
0x210: {  	v2 =	vld.idx.msk [tilespmem:v1+s3+$0x0], $0xffff  }
0x211: {  	v3 =	vadd.s32 $0x100, v1;
	_ =	sdelay $0x3  }
0x212: {  	[tilespmem:s13+$0x18F1] =	vst v2  }
0x213: {  	v2 =	vld.idx.msk [tilespmem:v3+s3+$0x0], $0xffff  }
0x214: {  	v3 =	vadd.s32 $0x200, v1;
	_ =	sdelay $0x3  }
0x215: {  	[tilespmem:s13+$0x2931] =	vst v2  }
0x216: {  	v2 =	vld.idx.msk [tilespmem:v3+s3+$0x0], $0xffff  }
0x217: {  	v3 =	vadd.s32 $0x300, v1;
	_ =	sdelay $0x3  }
0x218: {  	[tilespmem:s13+$0x3971] =	vst v2  }
0x219: {  	v2 =	vld.idx.msk [tilespmem:v3+s3+$0x0], $0xffff  }
0x21a: {  	v3 =	vadd.s32 $0x400, v1;
	_ =	sdelay $0x3  }
0x21b: {  	[tilespmem:s13+$0x49B1] =	vst v2  }
0x21c: {  	v2 =	vld.idx.msk [tilespmem:v3+s3+$0x0], $0xffff  }
0x21d: {  	v3 =	vadd.s32 $0x500, v1;
	_ =	sdelay $0x3  }
0x21e: {  	[tilespmem:s13+$0x59F1] =	vst v2  }
0x21f: {  	v2 =	vld.idx.msk [tilespmem:v3+s3+$0x0], $0xffff  }
0x220: {  	v3 =	vadd.s32 $0x600, v1;
	_ =	sdelay $0x3  }
0x221: {  	[tilespmem:s13+$0x6A31] =	vst v2  }
0x222: {  	v2 =	vld.idx.msk [tilespmem:v3+s3+$0x0], $0xffff  }
0x223: {  	v1 =	vadd.s32 $0x700, v1;
	_ =	sdelay $0x3  }
0x224: {  	[tilespmem:s13+$0x7A71] =	vst v2  }
0x225: {  	v1 =	vld.idx.msk [tilespmem:v1+s3+$0x0], $0xffff;
	_ =	sdelay $0x4  }
0x226: {  	[tilespmem:s13+$0x8AB1] =	vst v1  }
0x227: {  	v1 =	vld [tilespmem:s14+$0x900];
	_ =	sdelay $0x7  }
0x228: {  	v2 =	vld.idx.msk [tilespmem:v1+s3+$0x0], $0xffff  }
0x229: {  	v3 =	vadd.s32 $0x100, v1;
	_ =	sdelay $0x3  }
0x22a: {  	[tilespmem:s13+$0x1901] =	vst v2  }
0x22b: {  	v2 =	vld.idx.msk [tilespmem:v3+s3+$0x0], $0xffff  }
0x22c: {  	v3 =	vadd.s32 $0x200, v1;
	_ =	sdelay $0x3  }
0x22d: {  	[tilespmem:s13+$0x2941] =	vst v2  }
0x22e: {  	v2 =	vld.idx.msk [tilespmem:v3+s3+$0x0], $0xffff  }
0x22f: {  	v3 =	vadd.s32 $0x300, v1;
	_ =	sdelay $0x3  }
0x230: {  	[tilespmem:s13+$0x3981] =	vst v2  }
0x231: {  	v2 =	vld.idx.msk [tilespmem:v3+s3+$0x0], $0xffff  }
0x232: {  	v3 =	vadd.s32 $0x400, v1;
	_ =	sdelay $0x3  }
0x233: {  	[tilespmem:s13+$0x49C1] =	vst v2  }
0x234: {  	v2 =	vld.idx.msk [tilespmem:v3+s3+$0x0], $0xffff  }
0x235: {  	v3 =	vadd.s32 $0x500, v1;
	_ =	sdelay $0x3  }
0x236: {  	[tilespmem:s13+$0x5A01] =	vst v2  }
0x237: {  	v2 =	vld.idx.msk [tilespmem:v3+s3+$0x0], $0xffff  }
0x238: {  	v3 =	vadd.s32 $0x600, v1;
	_ =	sdelay $0x3  }
0x239: {  	[tilespmem:s13+$0x6A41] =	vst v2  }
0x23a: {  	v2 =	vld.idx.msk [tilespmem:v3+s3+$0x0], $0xffff  }
0x23b: {  	v1 =	vadd.s32 $0x700, v1;
	_ =	sdelay $0x3  }
0x23c: {  	[tilespmem:s13+$0x7A81] =	vst v2  }
0x23d: {  	v1 =	vld.idx.msk [tilespmem:v1+s3+$0x0], $0xffff;
	_ =	sdelay $0x4  }
0x23e: {  	[tilespmem:s13+$0x8AC1] =	vst v1  }
0x23f: {  	v1 =	vld [tilespmem:s14+$0x910];
	_ =	sdelay $0x7  }
0x240: {  	v2 =	vld.idx.msk [tilespmem:v1+s3+$0x0], $0xffff  }
0x241: {  	v3 =	vadd.s32 $0x100, v1;
	_ =	sdelay $0x3  }
0x242: {  	[tilespmem:s13+$0x1911] =	vst v2  }
0x243: {  	v2 =	vld.idx.msk [tilespmem:v3+s3+$0x0], $0xffff  }
0x244: {  	v3 =	vadd.s32 $0x200, v1;
	_ =	sdelay $0x3  }
0x245: {  	[tilespmem:s13+$0x2951] =	vst v2  }
0x246: {  	v2 =	vld.idx.msk [tilespmem:v3+s3+$0x0], $0xffff  }
0x247: {  	v3 =	vadd.s32 $0x300, v1;
	_ =	sdelay $0x3  }
0x248: {  	[tilespmem:s13+$0x3991] =	vst v2  }
0x249: {  	v2 =	vld.idx.msk [tilespmem:v3+s3+$0x0], $0xffff  }
0x24a: {  	v3 =	vadd.s32 $0x400, v1;
	_ =	sdelay $0x3  }
0x24b: {  	[tilespmem:s13+$0x49D1] =	vst v2  }
0x24c: {  	v2 =	vld.idx.msk [tilespmem:v3+s3+$0x0], $0xffff  }
0x24d: {  	v3 =	vadd.s32 $0x500, v1;
	_ =	sdelay $0x3  }
0x24e: {  	[tilespmem:s13+$0x5A11] =	vst v2  }
0x24f: {  	v2 =	vld.idx.msk [tilespmem:v3+s3+$0x0], $0xffff  }
0x250: {  	v3 =	vadd.s32 $0x600, v1;
	_ =	sdelay $0x3  }
0x251: {  	[tilespmem:s13+$0x6A51] =	vst v2  }
0x252: {  	v2 =	vld.idx.msk [tilespmem:v3+s3+$0x0], $0xffff  }
0x253: {  	v1 =	vadd.s32 $0x700, v1;
	_ =	sdelay $0x3  }
0x254: {  	[tilespmem:s13+$0x7A91] =	vst v2  }
0x255: {  	v1 =	vld.idx.msk [tilespmem:v1+s3+$0x0], $0xffff;
	_ =	sdelay $0x4  }
0x256: {  	[tilespmem:s13+$0x8AD1] =	vst v1  }
0x257: {  	v1 =	vld [tilespmem:s14+$0x920];
	_ =	sdelay $0x7  }
0x258: {  	v2 =	vld.idx.msk [tilespmem:v1+s3+$0x0], $0xffff  }
0x259: {  	v3 =	vadd.s32 $0x100, v1;
	_ =	sdelay $0x3  }
0x25a: {  	[tilespmem:s13+$0x1921] =	vst v2  }
0x25b: {  	v2 =	vld.idx.msk [tilespmem:v3+s3+$0x0], $0xffff  }
0x25c: {  	v3 =	vadd.s32 $0x200, v1;
	_ =	sdelay $0x3  }
0x25d: {  	[tilespmem:s13+$0x2961] =	vst v2  }
0x25e: {  	v2 =	vld.idx.msk [tilespmem:v3+s3+$0x0], $0xffff  }
0x25f: {  	v3 =	vadd.s32 $0x300, v1;
	_ =	sdelay $0x3  }
0x260: {  	[tilespmem:s13+$0x39A1] =	vst v2  }
0x261: {  	v2 =	vld.idx.msk [tilespmem:v3+s3+$0x0], $0xffff  }
0x262: {  	v3 =	vadd.s32 $0x400, v1;
	_ =	sdelay $0x3  }
0x263: {  	[tilespmem:s13+$0x49E1] =	vst v2  }
0x264: {  	v2 =	vld.idx.msk [tilespmem:v3+s3+$0x0], $0xffff  }
0x265: {  	v3 =	vadd.s32 $0x500, v1;
	_ =	sdelay $0x3  }
0x266: {  	[tilespmem:s13+$0x5A21] =	vst v2  }
0x267: {  	v2 =	vld.idx.msk [tilespmem:v3+s3+$0x0], $0xffff  }
0x268: {  	v3 =	vadd.s32 $0x600, v1;
	_ =	sdelay $0x3  }
0x269: {  	[tilespmem:s13+$0x6A61] =	vst v2  }
0x26a: {  	v2 =	vld.idx.msk [tilespmem:v3+s3+$0x0], $0xffff  }
0x26b: {  	v1 =	vadd.s32 $0x700, v1;
	_ =	sdelay $0x3  }
0x26c: {  	[tilespmem:s13+$0x7AA1] =	vst v2  }
0x26d: {  	v1 =	vld.idx.msk [tilespmem:v1+s3+$0x0], $0xffff;
	_ =	sdelay $0x4  }
0x26e: {  	[tilespmem:s13+$0x8AE1] =	vst v1  }
0x26f: {  	v1 =	vld [tilespmem:s14+$0x930];
	_ =	sdelay $0x7  }
0x270: {  	v2 =	vld.idx.msk [tilespmem:v1+s3+$0x0], $0xffff  }
0x271: {  	v3 =	vadd.s32 $0x100, v1;
	_ =	sdelay $0x3  }
0x272: {  	[tilespmem:s13+$0x1931] =	vst v2  }
0x273: {  	v2 =	vld.idx.msk [tilespmem:v3+s3+$0x0], $0xffff  }
0x274: {  	v3 =	vadd.s32 $0x200, v1;
	_ =	sdelay $0x3  }
0x275: {  	[tilespmem:s13+$0x2971] =	vst v2  }
0x276: {  	v2 =	vld.idx.msk [tilespmem:v3+s3+$0x0], $0xffff  }
0x277: {  	v3 =	vadd.s32 $0x300, v1;
	_ =	sdelay $0x3  }
0x278: {  	[tilespmem:s13+$0x39B1] =	vst v2  }
0x279: {  	v2 =	vld.idx.msk [tilespmem:v3+s3+$0x0], $0xffff  }
0x27a: {  	v3 =	vadd.s32 $0x400, v1;
	_ =	sdelay $0x3  }
0x27b: {  	[tilespmem:s13+$0x49F1] =	vst v2  }
0x27c: {  	v2 =	vld.idx.msk [tilespmem:v3+s3+$0x0], $0xffff  }
0x27d: {  	v3 =	vadd.s32 $0x500, v1;
	_ =	sdelay $0x3  }
0x27e: {  	[tilespmem:s13+$0x5A31] =	vst v2  }
0x27f: {  	v2 =	vld.idx.msk [tilespmem:v3+s3+$0x0], $0xffff  }
0x280: {  	v3 =	vadd.s32 $0x600, v1;
	_ =	sdelay $0x3  }
0x281: {  	[tilespmem:s13+$0x6A71] =	vst v2  }
0x282: {  	v2 =	vld.idx.msk [tilespmem:v3+s3+$0x0], $0xffff  }
0x283: {  	v1 =	vadd.s32 $0x700, v1;
	_ =	sdelay $0x3  }
0x284: {  	[tilespmem:s13+$0x7AB1] =	vst v2  }
0x285: {  	v1 =	vld.idx.msk [tilespmem:v1+s3+$0x0], $0xffff;
	_ =	sdelay $0x4  }
0x286: {  	[tilespmem:s13+$0x8AF1] =	vst v1  }
0x287: {  	v1 =	vld [tilespmem:s14+$0x940];
	_ =	sdelay $0x7  }
0x288: {  	v2 =	vld.idx.msk [tilespmem:v1+s3+$0x0], $0xffff  }
0x289: {  	v3 =	vadd.s32 $0x100, v1;
	_ =	sdelay $0x3  }
0x28a: {  	[tilespmem:s13+$0x1941] =	vst v2  }
0x28b: {  	v2 =	vld.idx.msk [tilespmem:v3+s3+$0x0], $0xffff  }
0x28c: {  	v3 =	vadd.s32 $0x200, v1;
	_ =	sdelay $0x3  }
0x28d: {  	[tilespmem:s13+$0x2981] =	vst v2  }
0x28e: {  	v2 =	vld.idx.msk [tilespmem:v3+s3+$0x0], $0xffff  }
0x28f: {  	v3 =	vadd.s32 $0x300, v1;
	_ =	sdelay $0x3  }
0x290: {  	[tilespmem:s13+$0x39C1] =	vst v2  }
0x291: {  	v2 =	vld.idx.msk [tilespmem:v3+s3+$0x0], $0xffff  }
0x292: {  	v3 =	vadd.s32 $0x400, v1;
	_ =	sdelay $0x3  }
0x293: {  	[tilespmem:s13+$0x4A01] =	vst v2  }
0x294: {  	v2 =	vld.idx.msk [tilespmem:v3+s3+$0x0], $0xffff  }
0x295: {  	v3 =	vadd.s32 $0x500, v1;
	_ =	sdelay $0x3  }
0x296: {  	[tilespmem:s13+$0x5A41] =	vst v2  }
0x297: {  	v2 =	vld.idx.msk [tilespmem:v3+s3+$0x0], $0xffff  }
0x298: {  	v3 =	vadd.s32 $0x600, v1;
	_ =	sdelay $0x3  }
0x299: {  	[tilespmem:s13+$0x6A81] =	vst v2  }
0x29a: {  	v2 =	vld.idx.msk [tilespmem:v3+s3+$0x0], $0xffff  }
0x29b: {  	v1 =	vadd.s32 $0x700, v1;
	_ =	sdelay $0x3  }
0x29c: {  	[tilespmem:s13+$0x7AC1] =	vst v2  }
0x29d: {  	v1 =	vld.idx.msk [tilespmem:v1+s3+$0x0], $0xffff;
	_ =	sdelay $0x4  }
0x29e: {  	[tilespmem:s13+$0x8B01] =	vst v1  }
0x29f: {  	v1 =	vld [tilespmem:s14+$0x950];
	_ =	sdelay $0x7  }
0x2a0: {  	v2 =	vld.idx.msk [tilespmem:v1+s3+$0x0], $0xffff  }
0x2a1: {  	v3 =	vadd.s32 $0x100, v1;
	_ =	sdelay $0x3  }
0x2a2: {  	[tilespmem:s13+$0x1951] =	vst v2  }
0x2a3: {  	v2 =	vld.idx.msk [tilespmem:v3+s3+$0x0], $0xffff  }
0x2a4: {  	v3 =	vadd.s32 $0x200, v1;
	_ =	sdelay $0x3  }
0x2a5: {  	[tilespmem:s13+$0x2991] =	vst v2  }
0x2a6: {  	v2 =	vld.idx.msk [tilespmem:v3+s3+$0x0], $0xffff  }
0x2a7: {  	v3 =	vadd.s32 $0x300, v1;
	_ =	sdelay $0x3  }
0x2a8: {  	[tilespmem:s13+$0x39D1] =	vst v2  }
0x2a9: {  	v2 =	vld.idx.msk [tilespmem:v3+s3+$0x0], $0xffff  }
0x2aa: {  	v3 =	vadd.s32 $0x400, v1;
	_ =	sdelay $0x3  }
0x2ab: {  	[tilespmem:s13+$0x4A11] =	vst v2  }
0x2ac: {  	v2 =	vld.idx.msk [tilespmem:v3+s3+$0x0], $0xffff  }
0x2ad: {  	v3 =	vadd.s32 $0x500, v1;
	_ =	sdelay $0x3  }
0x2ae: {  	[tilespmem:s13+$0x5A51] =	vst v2  }
0x2af: {  	v2 =	vld.idx.msk [tilespmem:v3+s3+$0x0], $0xffff  }
0x2b0: {  	v3 =	vadd.s32 $0x600, v1;
	_ =	sdelay $0x3  }
0x2b1: {  	[tilespmem:s13+$0x6A91] =	vst v2  }
0x2b2: {  	v2 =	vld.idx.msk [tilespmem:v3+s3+$0x0], $0xffff  }
0x2b3: {  	v1 =	vadd.s32 $0x700, v1;
	_ =	sdelay $0x3  }
0x2b4: {  	[tilespmem:s13+$0x7AD1] =	vst v2  }
0x2b5: {  	v1 =	vld.idx.msk [tilespmem:v1+s3+$0x0], $0xffff;
	_ =	sdelay $0x4  }
0x2b6: {  	[tilespmem:s13+$0x8B11] =	vst v1  }
0x2b7: {  	v1 =	vld [tilespmem:s14+$0x960];
	_ =	sdelay $0x7  }
0x2b8: {  	v2 =	vld.idx.msk [tilespmem:v1+s3+$0x0], $0xffff  }
0x2b9: {  	v3 =	vadd.s32 $0x100, v1;
	_ =	sdelay $0x3  }
0x2ba: {  	[tilespmem:s13+$0x1961] =	vst v2  }
0x2bb: {  	v2 =	vld.idx.msk [tilespmem:v3+s3+$0x0], $0xffff  }
0x2bc: {  	v3 =	vadd.s32 $0x200, v1;
	_ =	sdelay $0x3  }
0x2bd: {  	[tilespmem:s13+$0x29A1] =	vst v2  }
0x2be: {  	v2 =	vld.idx.msk [tilespmem:v3+s3+$0x0], $0xffff  }
0x2bf: {  	v3 =	vadd.s32 $0x300, v1;
	_ =	sdelay $0x3  }
0x2c0: {  	[tilespmem:s13+$0x39E1] =	vst v2  }
0x2c1: {  	v2 =	vld.idx.msk [tilespmem:v3+s3+$0x0], $0xffff  }
0x2c2: {  	v3 =	vadd.s32 $0x400, v1;
	_ =	sdelay $0x3  }
0x2c3: {  	[tilespmem:s13+$0x4A21] =	vst v2  }
0x2c4: {  	v2 =	vld.idx.msk [tilespmem:v3+s3+$0x0], $0xffff  }
0x2c5: {  	v3 =	vadd.s32 $0x500, v1;
	_ =	sdelay $0x3  }
0x2c6: {  	[tilespmem:s13+$0x5A61] =	vst v2  }
0x2c7: {  	v2 =	vld.idx.msk [tilespmem:v3+s3+$0x0], $0xffff  }
0x2c8: {  	v3 =	vadd.s32 $0x600, v1;
	_ =	sdelay $0x3  }
0x2c9: {  	[tilespmem:s13+$0x6AA1] =	vst v2  }
0x2ca: {  	v2 =	vld.idx.msk [tilespmem:v3+s3+$0x0], $0xffff  }
0x2cb: {  	v1 =	vadd.s32 $0x700, v1;
	_ =	sdelay $0x3  }
0x2cc: {  	[tilespmem:s13+$0x7AE1] =	vst v2  }
0x2cd: {  	v1 =	vld.idx.msk [tilespmem:v1+s3+$0x0], $0xffff;
	_ =	sdelay $0x4  }
0x2ce: {  	[tilespmem:s13+$0x8B21] =	vst v1  }
0x2cf: {  	v1 =	vld [tilespmem:s14+$0x970];
	_ =	sdelay $0x7  }
0x2d0: {  	v2 =	vld.idx.msk [tilespmem:v1+s3+$0x0], $0xffff  }
0x2d1: {  	v3 =	vadd.s32 $0x100, v1;
	_ =	sdelay $0x3  }
0x2d2: {  	[tilespmem:s13+$0x1971] =	vst v2  }
0x2d3: {  	v2 =	vld.idx.msk [tilespmem:v3+s3+$0x0], $0xffff  }
0x2d4: {  	v3 =	vadd.s32 $0x200, v1;
	_ =	sdelay $0x3  }
0x2d5: {  	[tilespmem:s13+$0x29B1] =	vst v2  }
0x2d6: {  	v2 =	vld.idx.msk [tilespmem:v3+s3+$0x0], $0xffff  }
0x2d7: {  	v3 =	vadd.s32 $0x300, v1;
	_ =	sdelay $0x3  }
0x2d8: {  	[tilespmem:s13+$0x39F1] =	vst v2  }
0x2d9: {  	v2 =	vld.idx.msk [tilespmem:v3+s3+$0x0], $0xffff  }
0x2da: {  	v3 =	vadd.s32 $0x400, v1;
	_ =	sdelay $0x3  }
0x2db: {  	[tilespmem:s13+$0x4A31] =	vst v2  }
0x2dc: {  	v2 =	vld.idx.msk [tilespmem:v3+s3+$0x0], $0xffff  }
0x2dd: {  	v3 =	vadd.s32 $0x500, v1;
	_ =	sdelay $0x3  }
0x2de: {  	[tilespmem:s13+$0x5A71] =	vst v2  }
0x2df: {  	v2 =	vld.idx.msk [tilespmem:v3+s3+$0x0], $0xffff  }
0x2e0: {  	v3 =	vadd.s32 $0x600, v1;
	_ =	sdelay $0x3  }
0x2e1: {  	[tilespmem:s13+$0x6AB1] =	vst v2  }
0x2e2: {  	v2 =	vld.idx.msk [tilespmem:v3+s3+$0x0], $0xffff  }
0x2e3: {  	v1 =	vadd.s32 $0x700, v1;
	_ =	sdelay $0x3  }
0x2e4: {  	[tilespmem:s13+$0x7AF1] =	vst v2  }
0x2e5: {  	v1 =	vld.idx.msk [tilespmem:v1+s3+$0x0], $0xffff;
	_ =	sdelay $0x4  }
0x2e6: {  	[tilespmem:s13+$0x8B31] =	vst v1  }
0x2e7: {  	v1 =	vld [tilespmem:s14+$0x980];
	_ =	sdelay $0x7  }
0x2e8: {  	v2 =	vld.idx.msk [tilespmem:v1+s3+$0x0], $0xffff  }
0x2e9: {  	v3 =	vadd.s32 $0x100, v1;
	_ =	sdelay $0x3  }
0x2ea: {  	[tilespmem:s13+$0x1981] =	vst v2  }
0x2eb: {  	v2 =	vld.idx.msk [tilespmem:v3+s3+$0x0], $0xffff  }
0x2ec: {  	v3 =	vadd.s32 $0x200, v1;
	_ =	sdelay $0x3  }
0x2ed: {  	[tilespmem:s13+$0x29C1] =	vst v2  }
0x2ee: {  	v2 =	vld.idx.msk [tilespmem:v3+s3+$0x0], $0xffff  }
0x2ef: {  	v3 =	vadd.s32 $0x300, v1;
	_ =	sdelay $0x3  }
0x2f0: {  	[tilespmem:s13+$0x3A01] =	vst v2  }
0x2f1: {  	v2 =	vld.idx.msk [tilespmem:v3+s3+$0x0], $0xffff  }
0x2f2: {  	v3 =	vadd.s32 $0x400, v1;
	_ =	sdelay $0x3  }
0x2f3: {  	[tilespmem:s13+$0x4A41] =	vst v2  }
0x2f4: {  	v2 =	vld.idx.msk [tilespmem:v3+s3+$0x0], $0xffff  }
0x2f5: {  	v3 =	vadd.s32 $0x500, v1;
	_ =	sdelay $0x3  }
0x2f6: {  	[tilespmem:s13+$0x5A81] =	vst v2  }
0x2f7: {  	v2 =	vld.idx.msk [tilespmem:v3+s3+$0x0], $0xffff  }
0x2f8: {  	v3 =	vadd.s32 $0x600, v1;
	_ =	sdelay $0x3  }
0x2f9: {  	[tilespmem:s13+$0x6AC1] =	vst v2  }
0x2fa: {  	v2 =	vld.idx.msk [tilespmem:v3+s3+$0x0], $0xffff  }
0x2fb: {  	v1 =	vadd.s32 $0x700, v1;
	_ =	sdelay $0x3  }
0x2fc: {  	[tilespmem:s13+$0x7B01] =	vst v2  }
0x2fd: {  	v1 =	vld.idx.msk [tilespmem:v1+s3+$0x0], $0xffff;
	_ =	sdelay $0x4  }
0x2fe: {  	[tilespmem:s13+$0x8B41] =	vst v1  }
0x2ff: {  	v1 =	vld [tilespmem:s14+$0x990];
	_ =	sdelay $0x7  }
0x300: {  	v2 =	vld.idx.msk [tilespmem:v1+s3+$0x0], $0xffff  }
0x301: {  	v3 =	vadd.s32 $0x100, v1;
	_ =	sdelay $0x3  }
0x302: {  	[tilespmem:s13+$0x1991] =	vst v2  }
0x303: {  	v2 =	vld.idx.msk [tilespmem:v3+s3+$0x0], $0xffff  }
0x304: {  	v3 =	vadd.s32 $0x200, v1;
	_ =	sdelay $0x3  }
0x305: {  	[tilespmem:s13+$0x29D1] =	vst v2  }
0x306: {  	v2 =	vld.idx.msk [tilespmem:v3+s3+$0x0], $0xffff  }
0x307: {  	v3 =	vadd.s32 $0x300, v1;
	_ =	sdelay $0x3  }
0x308: {  	[tilespmem:s13+$0x3A11] =	vst v2  }
0x309: {  	v2 =	vld.idx.msk [tilespmem:v3+s3+$0x0], $0xffff  }
0x30a: {  	v3 =	vadd.s32 $0x400, v1;
	_ =	sdelay $0x3  }
0x30b: {  	[tilespmem:s13+$0x4A51] =	vst v2  }
0x30c: {  	v2 =	vld.idx.msk [tilespmem:v3+s3+$0x0], $0xffff  }
0x30d: {  	v3 =	vadd.s32 $0x500, v1;
	_ =	sdelay $0x3  }
0x30e: {  	[tilespmem:s13+$0x5A91] =	vst v2  }
0x30f: {  	v2 =	vld.idx.msk [tilespmem:v3+s3+$0x0], $0xffff  }
0x310: {  	v3 =	vadd.s32 $0x600, v1;
	_ =	sdelay $0x3  }
0x311: {  	[tilespmem:s13+$0x6AD1] =	vst v2  }
0x312: {  	v2 =	vld.idx.msk [tilespmem:v3+s3+$0x0], $0xffff  }
0x313: {  	v1 =	vadd.s32 $0x700, v1;
	_ =	sdelay $0x3  }
0x314: {  	[tilespmem:s13+$0x7B11] =	vst v2  }
0x315: {  	v1 =	vld.idx.msk [tilespmem:v1+s3+$0x0], $0xffff;
	_ =	sdelay $0x4  }
0x316: {  	[tilespmem:s13+$0x8B51] =	vst v1  }
0x317: {  	v1 =	vld [tilespmem:s14+$0x9A0];
	_ =	sdelay $0x7  }
0x318: {  	v2 =	vld.idx.msk [tilespmem:v1+s3+$0x0], $0xffff  }
0x319: {  	v3 =	vadd.s32 $0x100, v1;
	_ =	sdelay $0x3  }
0x31a: {  	[tilespmem:s13+$0x19A1] =	vst v2  }
0x31b: {  	v2 =	vld.idx.msk [tilespmem:v3+s3+$0x0], $0xffff  }
0x31c: {  	v3 =	vadd.s32 $0x200, v1;
	_ =	sdelay $0x3  }
0x31d: {  	[tilespmem:s13+$0x29E1] =	vst v2  }
0x31e: {  	v2 =	vld.idx.msk [tilespmem:v3+s3+$0x0], $0xffff  }
0x31f: {  	v3 =	vadd.s32 $0x300, v1;
	_ =	sdelay $0x3  }
0x320: {  	[tilespmem:s13+$0x3A21] =	vst v2  }
0x321: {  	v2 =	vld.idx.msk [tilespmem:v3+s3+$0x0], $0xffff  }
0x322: {  	v3 =	vadd.s32 $0x400, v1;
	_ =	sdelay $0x3  }
0x323: {  	[tilespmem:s13+$0x4A61] =	vst v2  }
0x324: {  	v2 =	vld.idx.msk [tilespmem:v3+s3+$0x0], $0xffff  }
0x325: {  	v3 =	vadd.s32 $0x500, v1;
	_ =	sdelay $0x3  }
0x326: {  	[tilespmem:s13+$0x5AA1] =	vst v2  }
0x327: {  	v2 =	vld.idx.msk [tilespmem:v3+s3+$0x0], $0xffff  }
0x328: {  	v3 =	vadd.s32 $0x600, v1;
	_ =	sdelay $0x3  }
0x329: {  	[tilespmem:s13+$0x6AE1] =	vst v2  }
0x32a: {  	v2 =	vld.idx.msk [tilespmem:v3+s3+$0x0], $0xffff  }
0x32b: {  	v1 =	vadd.s32 $0x700, v1;
	_ =	sdelay $0x3  }
0x32c: {  	[tilespmem:s13+$0x7B21] =	vst v2  }
0x32d: {  	v1 =	vld.idx.msk [tilespmem:v1+s3+$0x0], $0xffff;
	_ =	sdelay $0x4  }
0x32e: {  	[tilespmem:s13+$0x8B61] =	vst v1  }
0x32f: {  	v1 =	vld [tilespmem:s14+$0x9B0];
	_ =	sdelay $0x7  }
0x330: {  	v2 =	vld.idx.msk [tilespmem:v1+s3+$0x0], $0xffff  }
0x331: {  	v3 =	vadd.s32 $0x100, v1;
	_ =	sdelay $0x3  }
0x332: {  	[tilespmem:s13+$0x19B1] =	vst v2  }
0x333: {  	v2 =	vld.idx.msk [tilespmem:v3+s3+$0x0], $0xffff  }
0x334: {  	v3 =	vadd.s32 $0x200, v1;
	_ =	sdelay $0x3  }
0x335: {  	[tilespmem:s13+$0x29F1] =	vst v2  }
0x336: {  	v2 =	vld.idx.msk [tilespmem:v3+s3+$0x0], $0xffff  }
0x337: {  	v3 =	vadd.s32 $0x300, v1;
	_ =	sdelay $0x3  }
0x338: {  	[tilespmem:s13+$0x3A31] =	vst v2  }
0x339: {  	v2 =	vld.idx.msk [tilespmem:v3+s3+$0x0], $0xffff  }
0x33a: {  	v3 =	vadd.s32 $0x400, v1;
	_ =	sdelay $0x3  }
0x33b: {  	[tilespmem:s13+$0x4A71] =	vst v2  }
0x33c: {  	v2 =	vld.idx.msk [tilespmem:v3+s3+$0x0], $0xffff  }
0x33d: {  	v3 =	vadd.s32 $0x500, v1;
	_ =	sdelay $0x3  }
0x33e: {  	[tilespmem:s13+$0x5AB1] =	vst v2  }
0x33f: {  	v2 =	vld.idx.msk [tilespmem:v3+s3+$0x0], $0xffff  }
0x340: {  	v3 =	vadd.s32 $0x600, v1;
	_ =	sdelay $0x3  }
0x341: {  	[tilespmem:s13+$0x6AF1] =	vst v2  }
0x342: {  	v2 =	vld.idx.msk [tilespmem:v3+s3+$0x0], $0xffff  }
0x343: {  	v1 =	vadd.s32 $0x700, v1;
	_ =	sdelay $0x3  }
0x344: {  	[tilespmem:s13+$0x7B31] =	vst v2  }
0x345: {  	v1 =	vld.idx.msk [tilespmem:v1+s3+$0x0], $0xffff;
	_ =	sdelay $0x4  }
0x346: {  	[tilespmem:s13+$0x8B71] =	vst v1  }
0x347: {  	v1 =	vld [tilespmem:s14+$0x9C0];
	_ =	sdelay $0x7  }
0x348: {  	v2 =	vld.idx.msk [tilespmem:v1+s3+$0x0], $0xffff  }
0x349: {  	v3 =	vadd.s32 $0x100, v1;
	_ =	sdelay $0x3  }
0x34a: {  	[tilespmem:s13+$0x19C1] =	vst v2  }
0x34b: {  	v2 =	vld.idx.msk [tilespmem:v3+s3+$0x0], $0xffff  }
0x34c: {  	v3 =	vadd.s32 $0x200, v1;
	_ =	sdelay $0x3  }
0x34d: {  	[tilespmem:s13+$0x2A01] =	vst v2  }
0x34e: {  	v2 =	vld.idx.msk [tilespmem:v3+s3+$0x0], $0xffff  }
0x34f: {  	v3 =	vadd.s32 $0x300, v1;
	_ =	sdelay $0x3  }
0x350: {  	[tilespmem:s13+$0x3A41] =	vst v2  }
0x351: {  	v2 =	vld.idx.msk [tilespmem:v3+s3+$0x0], $0xffff  }
0x352: {  	v3 =	vadd.s32 $0x400, v1;
	_ =	sdelay $0x3  }
0x353: {  	[tilespmem:s13+$0x4A81] =	vst v2  }
0x354: {  	v2 =	vld.idx.msk [tilespmem:v3+s3+$0x0], $0xffff  }
0x355: {  	v3 =	vadd.s32 $0x500, v1;
	_ =	sdelay $0x3  }
0x356: {  	[tilespmem:s13+$0x5AC1] =	vst v2  }
0x357: {  	v2 =	vld.idx.msk [tilespmem:v3+s3+$0x0], $0xffff  }
0x358: {  	v3 =	vadd.s32 $0x600, v1;
	_ =	sdelay $0x3  }
0x359: {  	[tilespmem:s13+$0x6B01] =	vst v2  }
0x35a: {  	v2 =	vld.idx.msk [tilespmem:v3+s3+$0x0], $0xffff  }
0x35b: {  	v1 =	vadd.s32 $0x700, v1;
	_ =	sdelay $0x3  }
0x35c: {  	[tilespmem:s13+$0x7B41] =	vst v2  }
0x35d: {  	v1 =	vld.idx.msk [tilespmem:v1+s3+$0x0], $0xffff;
	_ =	sdelay $0x4  }
0x35e: {  	[tilespmem:s13+$0x8B81] =	vst v1  }
0x35f: {  	v1 =	vld [tilespmem:s14+$0x9D0];
	_ =	sdelay $0x7  }
0x360: {  	v2 =	vld.idx.msk [tilespmem:v1+s3+$0x0], $0xffff  }
0x361: {  	v3 =	vadd.s32 $0x100, v1;
	_ =	sdelay $0x3  }
0x362: {  	[tilespmem:s13+$0x19D1] =	vst v2  }
0x363: {  	v2 =	vld.idx.msk [tilespmem:v3+s3+$0x0], $0xffff  }
0x364: {  	v3 =	vadd.s32 $0x200, v1;
	_ =	sdelay $0x3  }
0x365: {  	[tilespmem:s13+$0x2A11] =	vst v2  }
0x366: {  	v2 =	vld.idx.msk [tilespmem:v3+s3+$0x0], $0xffff  }
0x367: {  	v3 =	vadd.s32 $0x300, v1;
	_ =	sdelay $0x3  }
0x368: {  	[tilespmem:s13+$0x3A51] =	vst v2  }
0x369: {  	v2 =	vld.idx.msk [tilespmem:v3+s3+$0x0], $0xffff  }
0x36a: {  	v3 =	vadd.s32 $0x400, v1;
	_ =	sdelay $0x3  }
0x36b: {  	[tilespmem:s13+$0x4A91] =	vst v2  }
0x36c: {  	v2 =	vld.idx.msk [tilespmem:v3+s3+$0x0], $0xffff  }
0x36d: {  	v3 =	vadd.s32 $0x500, v1;
	_ =	sdelay $0x3  }
0x36e: {  	[tilespmem:s13+$0x5AD1] =	vst v2  }
0x36f: {  	v2 =	vld.idx.msk [tilespmem:v3+s3+$0x0], $0xffff  }
0x370: {  	v3 =	vadd.s32 $0x600, v1;
	_ =	sdelay $0x3  }
0x371: {  	[tilespmem:s13+$0x6B11] =	vst v2  }
0x372: {  	v2 =	vld.idx.msk [tilespmem:v3+s3+$0x0], $0xffff  }
0x373: {  	v1 =	vadd.s32 $0x700, v1;
	_ =	sdelay $0x3  }
0x374: {  	[tilespmem:s13+$0x7B51] =	vst v2  }
0x375: {  	v1 =	vld.idx.msk [tilespmem:v1+s3+$0x0], $0xffff;
	_ =	sdelay $0x4  }
0x376: {  	[tilespmem:s13+$0x8B91] =	vst v1  }
0x377: {  	v1 =	vld [tilespmem:s14+$0x9E0];
	_ =	sdelay $0x7  }
0x378: {  	v2 =	vld.idx.msk [tilespmem:v1+s3+$0x0], $0xffff  }
0x379: {  	v3 =	vadd.s32 $0x100, v1;
	_ =	sdelay $0x3  }
0x37a: {  	[tilespmem:s13+$0x19E1] =	vst v2  }
0x37b: {  	v2 =	vld.idx.msk [tilespmem:v3+s3+$0x0], $0xffff  }
0x37c: {  	v3 =	vadd.s32 $0x200, v1;
	_ =	sdelay $0x3  }
0x37d: {  	[tilespmem:s13+$0x2A21] =	vst v2  }
0x37e: {  	v2 =	vld.idx.msk [tilespmem:v3+s3+$0x0], $0xffff  }
0x37f: {  	v3 =	vadd.s32 $0x300, v1;
	_ =	sdelay $0x3  }
0x380: {  	[tilespmem:s13+$0x3A61] =	vst v2  }
0x381: {  	v2 =	vld.idx.msk [tilespmem:v3+s3+$0x0], $0xffff  }
0x382: {  	v3 =	vadd.s32 $0x400, v1;
	_ =	sdelay $0x3  }
0x383: {  	[tilespmem:s13+$0x4AA1] =	vst v2  }
0x384: {  	v2 =	vld.idx.msk [tilespmem:v3+s3+$0x0], $0xffff  }
0x385: {  	v3 =	vadd.s32 $0x500, v1;
	_ =	sdelay $0x3  }
0x386: {  	[tilespmem:s13+$0x5AE1] =	vst v2  }
0x387: {  	v2 =	vld.idx.msk [tilespmem:v3+s3+$0x0], $0xffff  }
0x388: {  	v3 =	vadd.s32 $0x600, v1;
	_ =	sdelay $0x3  }
0x389: {  	[tilespmem:s13+$0x6B21] =	vst v2  }
0x38a: {  	v2 =	vld.idx.msk [tilespmem:v3+s3+$0x0], $0xffff  }
0x38b: {  	v1 =	vadd.s32 $0x700, v1;
	_ =	sdelay $0x3  }
0x38c: {  	[tilespmem:s13+$0x7B61] =	vst v2  }
0x38d: {  	v1 =	vld.idx.msk [tilespmem:v1+s3+$0x0], $0xffff;
	_ =	sdelay $0x4  }
0x38e: {  	[tilespmem:s13+$0x8BA1] =	vst v1  }
0x38f: {  	v1 =	vld [tilespmem:s14+$0x9F0];
	_ =	sdelay $0x7  }
0x390: {  	v2 =	vld.idx.msk [tilespmem:v1+s3+$0x0], $0xffff  }
0x391: {  	v3 =	vadd.s32 $0x100, v1;
	_ =	sdelay $0x3  }
0x392: {  	[tilespmem:s13+$0x19F1] =	vst v2  }
0x393: {  	v2 =	vld.idx.msk [tilespmem:v3+s3+$0x0], $0xffff  }
0x394: {  	v3 =	vadd.s32 $0x200, v1;
	_ =	sdelay $0x3  }
0x395: {  	[tilespmem:s13+$0x2A31] =	vst v2  }
0x396: {  	v2 =	vld.idx.msk [tilespmem:v3+s3+$0x0], $0xffff  }
0x397: {  	v3 =	vadd.s32 $0x300, v1;
	_ =	sdelay $0x3  }
0x398: {  	[tilespmem:s13+$0x3A71] =	vst v2  }
0x399: {  	v2 =	vld.idx.msk [tilespmem:v3+s3+$0x0], $0xffff  }
0x39a: {  	v3 =	vadd.s32 $0x400, v1;
	_ =	sdelay $0x3  }
0x39b: {  	[tilespmem:s13+$0x4AB1] =	vst v2  }
0x39c: {  	v2 =	vld.idx.msk [tilespmem:v3+s3+$0x0], $0xffff  }
0x39d: {  	v3 =	vadd.s32 $0x500, v1;
	_ =	sdelay $0x3  }
0x39e: {  	[tilespmem:s13+$0x5AF1] =	vst v2  }
0x39f: {  	v2 =	vld.idx.msk [tilespmem:v3+s3+$0x0], $0xffff  }
0x3a0: {  	v3 =	vadd.s32 $0x600, v1;
	_ =	sdelay $0x3  }
0x3a1: {  	[tilespmem:s13+$0x6B31] =	vst v2  }
0x3a2: {  	v2 =	vld.idx.msk [tilespmem:v3+s3+$0x0], $0xffff  }
0x3a3: {  	v1 =	vadd.s32 $0x700, v1;
	_ =	sdelay $0x3  }
0x3a4: {  	[tilespmem:s13+$0x7B71] =	vst v2  }
0x3a5: {  	p0 =	sne.s32 s12, $0x7;
	v1 =	vld.idx.msk [tilespmem:v1+s3+$0x0], $0xffff  }
.Ltmp0:
0x3a6: {  	_ = 	snop;
	(pc) =	sbr.rel @p0 .LBB2_3-.Ltmp0, $2  }
0x3a7: {  	_ =	sdelay $0x2  }
0x3a8: {  	s12 =	sadd.s32 $0x1, s12;
	[tilespmem:s13+$0x8BB1] =	vst v1  }
0x3a9: {  	s12 =	smul.u32 $0x1040, s8;
	_ =	sdelay $0x1  }
0x3aa: {  	s12 =	sadd.s32 $0x208, s12  }
0x3ab: {  	s13 =	sadd.s32 s4, s12  }
0x3ac: {  	s13 =	sshrl.u32 s13, $0x3  }
0x3ad: {  	s13 =	sadd.s32 s2, s13  }
0x3ae: {  	[hbm4b:s13+s3] =	stream.linear.scatter [tilespmem:s26], [sflag:$0x1], $0x1040, $0x38;
	[tilespmem:$0x9C08] =	vst v63  }
0x3af: {  	s14 =	sadd.s32 s5, s12;
	_ =	swait.ge [sflag:s23], $0x1040  }
0x3b0: {  	s13 =	sshrl.u32 s14, $0x3;
	[sflag:s23] =	ssyncset.done $0x0  }
0x3b1: {  	s13 =	sadd.s32 s2, s13;
	[sflag:s23] =	ssyncadd.s32 $0xFFFFEFC0  }
0x3b2: {  	[hbm4b:s13+s3] =	stream.linear.scatter [tilespmem:s28], [sflag:$0x1], $0x1040, $0x38;
	[tilespmem:$0x9C08] =	vst v63  }
0x3b3: {  	s14 =	sadd.s32 s9, s12;
	_ =	swait.ge [sflag:s23], $0x1040  }
0x3b4: {  	s13 =	sshrl.u32 s14, $0x3;
	[sflag:s23] =	ssyncset.done $0x0  }
0x3b5: {  	s13 =	sadd.s32 s2, s13;
	[sflag:s23] =	ssyncadd.s32 $0xFFFFEFC0  }
0x3b6: {  	[hbm4b:s13+s3] =	stream.linear.scatter [tilespmem:s29], [sflag:$0x1], $0x1040, $0x38;
	[tilespmem:$0x9C08] =	vst v63  }
0x3b7: {  	s14 =	sadd.s32 s10, s12;
	_ =	swait.ge [sflag:s23], $0x1040  }
0x3b8: {  	s13 =	sshrl.u32 s14, $0x3;
	[sflag:s23] =	ssyncset.done $0x0  }
0x3b9: {  	s13 =	sadd.s32 s2, s13;
	[sflag:s23] =	ssyncadd.s32 $0xFFFFEFC0  }
0x3ba: {  	[hbm4b:s13+s3] =	stream.linear.scatter [tilespmem:s30], [sflag:$0x1], $0x1040, $0x38;
	[tilespmem:$0x9C08] =	vst v63  }
0x3bb: {  	s14 =	sadd.s32 s11, s12;
	_ =	swait.ge [sflag:s23], $0x1040  }
0x3bc: {  	s13 =	sshrl.u32 s14, $0x3;
	[sflag:s23] =	ssyncset.done $0x0  }
0x3bd: {  	s13 =	sadd.s32 s2, s13;
	[sflag:s23] =	ssyncadd.s32 $0xFFFFEFC0  }
0x3be: {  	[hbm4b:s13+s3] =	stream.linear.scatter [tilespmem:s31], [sflag:$0x1], $0x1040, $0x38;
	[tilespmem:$0x9C08] =	vst v63  }
0x3bf: {  	s14 =	sadd.s32 s15, s12;
	_ =	swait.ge [sflag:s23], $0x1040  }
0x3c0: {  	s13 =	sshrl.u32 s14, $0x3;
	[sflag:s23] =	ssyncset.done $0x0  }
0x3c1: {  	s13 =	sadd.s32 s2, s13;
	[sflag:s23] =	ssyncadd.s32 $0xFFFFEFC0  }
0x3c2: {  	[hbm4b:s13+s3] =	stream.linear.scatter [tilespmem:s0], [sflag:$0x1], $0x1040, $0x38;
	[tilespmem:$0x9C08] =	vst v63  }
0x3c3: {  	s14 =	sadd.s32 s16, s12;
	_ =	swait.ge [sflag:s23], $0x1040  }
0x3c4: {  	s13 =	sshrl.u32 s14, $0x3;
	[sflag:s23] =	ssyncset.done $0x0  }
0x3c5: {  	s13 =	sadd.s32 s2, s13;
	[sflag:s23] =	ssyncadd.s32 $0xFFFFEFC0  }
0x3c6: {  	[hbm4b:s13+s3] =	stream.linear.scatter [tilespmem:s1], [sflag:$0x1], $0x1040, $0x38;
	[tilespmem:$0x9C08] =	vst v63  }
0x3c7: {  	s8 =	sadd.s32 $0x1, s8;
	s12 =	sadd.s32 s17, s12;
	_ =	swait.ge [sflag:s23], $0x1040  }
0x3c8: {  	p0 =	sne.s32 s8, $0x40;
	s12 =	sshrl.u32 s12, $0x3;
	[sflag:s23] =	ssyncset.done $0x0  }
.Ltmp1:
0x3c9: {  	s12 =	sadd.s32 s2, s12;
	[sflag:s23] =	ssyncadd.s32 $0xFFFFEFC0;
	(pc) =	sbr.rel @p0 .LBB2_2-.Ltmp1, $4  }
0x3ca: {  	[hbm4b:s12+s3] =	stream.linear.scatter [tilespmem:s6], [sflag:$0x1], $0x1040, $0x38;
	[tilespmem:$0x9C08] =	vst v63  }
0x3cb: {  	_ =	swait.ge [sflag:s23], $0x1040  }
0x3cc: {  	[sflag:s23] =	ssyncset.done $0x0  }
0x3cd: {  	[sflag:s23] =	ssyncadd.s32 $0xFFFFEFC0  }
0x3ce: {  	s7 =	sadd.s32 $0x1, s7  }
0x3cf: {  	p0 =	sne.s32 s7, s22  }
.Ltmp2:
0x3d0: {  	_ = 	snop;
	(pc) =	sbr.rel @p0 .LBB2_1-.Ltmp2, $1  }
0x3d1: {  	_ =	sdelay $0x3  }
0x3d2: {  	_ =	sfence.sel $0x180000  }
0x3d3: {  	[bflag:$0x0] =	sbarrier.arrive $0xFFFF  }
0x3d4: {  	_ =	strace $0x90000047  }
0x3d5: {  	s0 =	stileid.u32;
	[bflag:$0x2] =	sbarrier.arrive $0xFFFF  }
0x3d6: {  	p0 =	sne.s32 s0, $0x0;
	s0 =	rddreg [dreg:$0x2]  }
0x3d7: {  	s0 =	sadd.s32 @!p0 $0x100000, s0  }
0x3d8: {  	[sflag:s0] =	ssyncadd.tile.s32 @!p0 $0x1;
	_ =	shalt  }
.Lfunc_end2:
_tile_overlayer_lowered:
.L_overlay_start_2:
0x3d9: {  	(tag) =	ssettag $0x2  }
0x3da: {  	s0 =	rddreg [dreg:$0x0];
	s2 =	stileid.u32  }
0x3db: {  	s1 =	rddreg [dreg:$0x1];
	p0 =	sne.s32 s2, $0x0  }
0x3dc: {  	s3 =	rddreg [dreg:$0x2];
	[bflag:$0x3] =	sbarrier.arrive $0xFFFF;
	s2 =	simm.s32 @!p0 $0x1C01  }
0x3dd: {  	[timem:s3], [sflag:s2] =	dma.local @!p0 [hbm:s0], s1  }
0x3de: {  	s0 =	simm.s32 @!p0 $0x1  }
0x3df: {  	_ =	swait.ge @!p0 [sflag:s0], s1  }
0x3e0: {  	s1 =	ssub.s32 @!p0 $0x0, s1;
	[sflag:s0] =	ssyncset.done @!p0 $0x0  }
0x3e1: {  	[sflag:s0] =	ssyncadd.s32 @!p0 s1  }
0x3e2: {  	[bflag:$0x3] =	sbarrier.arrive $0xFFFF  }
0x3e3: {  	_ =	shalt  }

// kernel: sparse-core-data-format-call.cloned.1.call-start
scs
called_computation_lowered:
.L_overlay_start_0:
0x0: {  	s2 =	sld [smem:$0x3FD9]  }
0x1: {  	s3 =	sld [smem:$0x3FFE];
	_ =	sdelay $0x1  }
0x2: {  	s1 =	srdreg.scid  }
0x3: {  	s0 =	sand.u32 $0x1, s1  }
0x4: {  	s18 =	sshll.u32 s0, $0xA;
	s2 =	sadd.s32 s3, s2  }
0x5: {  	s2 =	sadd.s32 s2, s18  }
0x6: {  	[smem:$0x3FC6] =	sst s2  }
0x7: {  	_ = 	snop  }
0x8: {  	s2 =	sld [smem:$0x3FD0];
	(tm) =	ssettm $0x1  }
0x9: {  	s19 =	sld [smem:$0x3FFB];
	_ =	sdelay $0x3  }
0xa: {  	_ =	strace s19  }
0xb: {  	s3 =	sld [smem:$0x3FFC];
	_ =	sdelay $0x3  }
0xc: {  	_ =	strace s3  }
0xd: {  	s3 =	sld [smem:$0x3FFD];
	_ =	sdelay $0x3  }
0xe: {  	_ =	strace s3  }
0xf: {  	_ =	strace $0x8FFFFFFF  }
0x10: {  	s20 =	sld [smem:$0x3FDB];
	_ =	sdelay $0x1  }
0x11: {  	s4 =	simm.s32 $_scs_section_size  }
0x12: {  	s5 =	simm.s32 $_size__tile_overlayer_lowered;
	s6 =	simm.s32 $_tile_overlayer_lowered  }
0x13: {  	s23 =	simm.s32 $0x1BFF;
	s22 =	sshll.u32 s6, $0x1;
	s3 =	sadd.s32 s4, s20  }
0x14: {  	s7 =	simm.s32 $0x0;
	s21 =	sshll.u32 s5, $0x1;
	s5 =	sadd.s32 s22, s3  }
0x15: {  	[timem:s7], [sflag:s23] =	dma.local [hbm:s5], s21  }
0x16: {  	_ =	swait.ge [sflag:s23], s21  }
0x17: {  	s4 =	ssub.s32 $0x0, s21;
	[sflag:s23] =	ssyncset.done $0x0  }
0x18: {  	[sflag:s23] =	ssyncadd.s32 s4;
	_ =	sdelay $0x1  }
0x19: {  	s24 =	simm.s32 $0x1B8B  }
0x1a: {  	_ =	swait.ge [sflag:s24], $0x1  }
0x1b: {  	[sflag:s24] =	ssyncset.done $0x0  }
0x1c: {  	s26 =	simm.s32 $0x1B8E;
	s25 =	sld [smem:$0x3FFE];
	[sflag:s24] =	ssyncadd.s32 $0xFFFFFFFF  }
0x1d: {  	s27 =	simm.s32 $execute0_lowered;
	[smem:$0x3FD2] =	sst s26  }
0x1e: {  	s5 =	sshll.u32 s27, $0x1;
	_ =	strace $0x80000049;
	[dreg:$0x1] =	wrdreg $0xFFFFFFFF  }
0x1f: {  	s28 =	simm.s32 $_size_execute0_lowered;
	s3 =	sadd.s32 s3, s5;
	[dreg:$0x0] =	wrdreg $0x0  }
0x20: {  	s5 =	sshll.u32 s28, $0x1;
	[dreg:$0x2] =	wrdreg s3  }
0x21: {  	[dreg:$0x3] =	wrdreg s5  }
0x22: {  	[dreg:$0x4] =	wrdreg $0xC0  }
0x23: {  	_ =	task [dreg:s7], $0x5FFFF  }
0x24: {  	[dreg:$0x1] =	wrdreg $0xFFFFFFFF  }
0x25: {  	[dreg:$0x0] =	wrdreg $0x60  }
0x26: {  	[dreg:$0x2] =	wrdreg s25  }
0x27: {  	[dreg:$0x3] =	wrdreg s2  }
0x28: {  	[dreg:$0x4] =	wrdreg $0x9  }
0x29: {  	_ =	task.clear_ibuf [dreg:s7], $0x5FFFF;
	_ =	strace $0x90000049  }
0x2a: {  	s29 =	simm.s32 $0x9;
	_ =	strace $0x8000004B  }
0x2b: {  	_ =	swait.ge [sflag:s29], $0x1  }
0x2c: {  	[sflag:s29] =	ssyncadd.s32 $0xFFFFFFFF  }
0x2d: {  	_ =	strace $0x9000004B  }
0x2e: {  	_ =	sfence  }
0x2f: {  	s30 =	sld [smem:$0x0];
	_ =	sdelay $0x2  }
0x30: {  	s31 =	sshll.u32 s1, $0xD;
	s1 =	sshrl.u32 s1, $0x2  }
0x31: {  	s3 =	sand.u32 $0x4000, s31;
	s1 =	sadd.s32 s1, s30  }
0x32: {  	s0 =	sor.u32 s3, s0;
	s1 =	sshll.u32 s1, $0x11  }
0x33: {  	s0 =	sor.u32 s1, s0  }
0x34: {  	s0 =	sadd.s32 $0x8F2B, s0  }
0x35: {  	[sflag:s0] =	ssyncadd.remote.s32 $0x1  }
0x36: {  	_ =	sfence.sel $0xFFFF  }
0x37: {  	[dreg:$0x0] =	wrdreg $0xFFFFFFFF;
	(pc) =	sbr.abs _section_cstart, $3  }
0x38: {  	[dreg:$0x1] =	wrdreg $0xFFFFFFFF  }
0x39: {  	_ =	task.clear_ibuf [dreg:s7], $0x2FFFF;
	_ =	strace $0x9FFFFFFF  }
0x3a: {  	(tm) =	ssettm $0x7FFFFFFF  }
0x3b: {  	_ =	shalt  }
tec
execute0_lowered:
.L_overlay_start_1:
0x0: {  	(tag) =	ssettag $0x1  }
0x1: {  	s3 =	rddreg [dreg:$0x0]  }
0x2: {  	s0 =	srdreg.scid;
	s2 =	rddreg [dreg:$0x1];
	s6 =	simm.s32 $0x2  }
0x3: {  	s19 =	simm.s32 $0x0;
	s8 =	simm.s32 $0x1400;
	s9 =	simm.s32 $0x0  }
0x4: {  	s21 =	simm.s32 $0x0;
	s20 =	simm.s32 $0x0;
	s22 =	simm.s32 $0x0  }
0x5: {  	s10 =	simm.s32 $0x0;
	s11 =	simm.s32 $0x0;
	s12 =	simm.s32 $0x0  }
0x6: {  	s13 =	simm.s32 $0x0;
	s14 =	simm.s32 $0x0;
	s0 =	sshll.u32 s0, $0x3  }
0x7: {  	s16 =	simm.s32 $0x0;
	s17 =	stileid.u32;
	s1 =	sand.u32 $0x8, s0  }
.Ltmp0:
0x8: {  	s18 =	simm.s32 $0x0;
	s4 =	ssub.s32 $0x200, s1;
	(pc) =	sbr.rel .LBB1_1-.Ltmp0, $4  }
0x9: {  	s0 =	rddreg [dreg:$0x2];
	_ =	strace $0x8000004A;
	s5 =	sshrl.u32 s4, $0x4  }
0xa: {  	s15 =	smov.u32 s1;
	s4 =	simm.s32 $0x1;
	s7 =	smul.u32 $0x5, s5  }
0xb: {  	s5 =	sadd.s32 $0x80A00, s3;
	[sflag:s4] =	ssyncpa.u1 $0x0;
	s3 =	stileid.u32  }
0xc: {  	[sflag:s6] =	ssyncpa.u1 $0x0;
	s6 =	sadd.s32 $0x5, s7;
	s7 =	sadd.s32 $0x6, s7  }
.LBB1_7:
0xd: {  	p0 =	slt.u32 s18, $0x2;
	s23 =	smov.u32 s22  }
0xe: {  	s25 =	smov.u32 s16;
	s26 =	smov.u32 s17;
	s9 =	sadd.s32 $0x4000, s9  }
0xf: {  	p1 =	sgt.s32 @!p0 s22, $0xF;
	s24 =	sshra.s32 @!p0 s22, $0x1F;
	p2 =	sgt.s32 @!p0 s19, $0x200  }
0x10: {  	s27 =	simm.s32 @!p0 $0x2;
	p1 =	por !p1, p0;
	s22 =	sand.u32 @!p0 s24, s22  }
0x11: {  	s24 =	sshra.s32 @!p0 s21, $0x1F;
	s23 =	simm.s32 @p1 $0xF;
	p1 =	sgt.s32 @!p0 s21, $0x1F9  }
0x12: {  	s22 =	ssub.s32 @!p0 s23, s22;
	p1 =	por !p1, p0;
	s23 =	smov.u32 s21  }
0x13: {  	s21 =	sand.u32 @!p0 s24, s21;
	s24 =	sadd.s32 @!p0 $0xFFFFFFF1, s22;
	s23 =	simm.s32 @p1 $0x1F9  }
0x14: {  	p2 =	por !p2, p0;
	p1 =	sgt.s32 @!p0 s24, $0x0;
	s21 =	ssub.s32 @!p0 s23, s21  }
0x15: {  	s22 =	ssub.s32 @!p0 $0x10, s22;
	p1 =	por !p1, p0;
	s23 =	sadd.s32 @!p0 $0xFFFFFE07, s21  }
0x16: {  	s24 =	sshra.s32 @!p0 s19, $0x1F;
	s22 =	simm.s32 @!p1 $0x0;
	p1 =	sgt.s32 @!p0 s23, $0x7  }
0x17: {  	s21 =	ssub.s32 @!p0 $0x201, s21;
	s23 =	ssub.s32 @!p0 $0x0, s20;
	p1 =	por !p1, p0  }
0x18: {  	s20 =	smin.u32 @!p0 s20, s23;
	s23 =	smov.u32 s19;
	s19 =	sand.u32 @!p0 s24, s19  }
0x19: {  	s24 =	smov.u32 s15;
	s23 =	simm.s32 @p2 $0x200;
	p2 =	sgt.s32 @!p0 s20, $0xF  }
0x1a: {  	s20 =	ssub.s32 @!p0 $0x10, s20;
	p2 =	por !p2, p0;
	s19 =	ssub.s32 @!p0 s23, s19  }
0x1b: {  	s21 =	simm.s32 @!p1 $0x0;
	s20 =	simm.s32 @!p2 $0x0;
	s23 =	sadd.s32 @!p0 $0xFFFFFE00, s19  }
0x1c: {  	p1 =	sgt.s32 @!p0 s23, $0x7F;
	s20 =	smul.u32 @!p0 s22, s20;
	s23 =	sadd.s32 $0x80, s14  }
0x1d: {  	s19 =	ssub.s32 @!p0 $0x280, s19;
	s22 =	sadd.s32 $0x10, s15;
	p2 =	sgt.s32 s23, $0x200  }
0x1e: {  	p1 =	por !p1, p0;
	s20 =	smul.u32 @!p0 s21, s20;
	s24 =	smov.u32 @p2 s22  }
0x1f: {  	s19 =	simm.s32 @!p1 $0x0;
	s21 =	sadd.s32 $0x10, s16;
	p1 =	sgt.s32 s24, $0x200  }
0x20: {  	s23 =	simm.s32 @p2 $0x0;
	s22 =	smov.u32 s13;
	s25 =	smov.u32 @p1 s21  }
0x21: {  	s19 =	smul.u32 @!p0 s19, s20;
	s20 =	sadd.s32 $0x10, s17;
	p2 =	sgt.s32 s25, $0xF  }
0x22: {  	s13 =	smov.u32 s17;
	s24 =	smov.u32 @p1 s1;
	s26 =	smov.u32 @p2 s20  }
0x23: {  	s21 =	smov.u32 s11;
	s11 =	smov.u32 s15;
	p1 =	sgt.s32 s26, $0xF  }
0x24: {  	s15 =	smov.u32 s24;
	s26 =	smov.u32 @p1 s3;
	p1 =	sne.s32 s18, s7  }
.Ltmp1:
0x25: {  	s19 =	sand.u32 @!p0 $0x3FFFFFFF, s19;
	s25 =	simm.s32 @p2 $0x0;
	(pc) =	sbr.rel @!p1 .LBB1_8-.Ltmp1, $4  }
0x26: {  	s20 =	smov.u32 s12;
	s12 =	smov.u32 s16;
	_ =	swait.ge @!p0 [sflag:s27], s19  }
0x27: {  	s28 =	ssub.s32 @!p0 $0x0, s19;
	s19 =	smov.u32 s10;
	s10 =	smov.u32 s14  }
0x28: {  	s14 =	smov.u32 s23;
	s16 =	smov.u32 s25;
	[sflag:s27] =	ssyncset.done @!p0 $0x0  }
0x29: {  	s18 =	sadd.s32 $0x1, s18;
	[sflag:s27] =	ssyncadd.s32 @!p0 s28;
	s17 =	smov.u32 s26  }
.LBB1_1:
0x2a: {  	p0 =	sge.u32 s18, s6  }
0x2b: {  	s23 =	sshrl.u32 @!p0 s15, $0x3  }
0x2c: {  	s24 =	sshll.u32 @!p0 s14, $0x3;
	s23 =	smul.u32 @!p0 $0x1400, s23  }
0x2d: {  	s25 =	sshll.u32 @!p0 s15, $0x7;
	s24 =	sand.u32 @!p0 $0xFFFFFC00, s24  }
0x2e: {  	s23 =	sadd.s32 @!p0 s23, s24;
	s24 =	sand.u32 @!p0 $0x380, s25  }
0x2f: {  	s25 =	sand.u32 @!p0 $0x7F, s14;
	s23 =	sor.u32 @!p0 s24, s23  }
0x30: {  	s24 =	sor.u32 @!p0 s25, s23;
	s23 =	smulhi.u32 @!p0 $0xCCCCCCCD, s23;
	_ =	sdelay $0x1  }
0x31: {  	s25 =	smulhi.u32 @!p0 $0xCCCCCCCD, s24;
	s23 =	sshrl.u32 @!p0 s23, $0x9  }
0x32: {  	s26 =	smulhi.u32 @!p0 $0x7E07E1, s23  }
0x33: {  	s28 =	smul.u32 @!p0 $0xA2800, s17  }
0x34: {  	s25 =	sshrl.u32 @!p0 s25, $0x9;
	s26 =	smul.u32 @!p0 $0x208, s26  }
0x35: {  	s27 =	sxor.u32 @!p0 $0xFFFFFFFF, s18;
	s25 =	smul.u32 @!p0 $0x280, s25  }
0x36: {  	s27 =	sshll.u32 @!p0 s27, $0xE;
	s23 =	ssub.s32 @!p0 s23, s26;
	s26 =	smul.u32 @!p0 $0xA280, s16  }
0x37: {  	s24 =	ssub.s32 @!p0 s24, s25;
	s25 =	sadd.s32 @!p0 s5, s28;
	s23 =	smul.u32 @!p0 $0x50, s23  }
0x38: {  	s27 =	sand.u32 @!p0 $0x4000, s27;
	s25 =	sadd.s32 @!p0 s26, s25;
	s26 =	sand.u32 @!p0 $0x7, s24  }
0x39: {  	s24 =	sshrl.u32 @!p0 s24, $0x3;
	s23 =	sadd.s32 @!p0 s23, s25;
	s25 =	sshll.u32 @!p0 s26, $0x12  }
0x3a: {  	s23 =	sadd.s32 @!p0 s24, s23;
	s24 =	sor.u32 @!p0 $0x400, s25;
	s25 =	simm.s32 @!p0 $0x51400  }
0x3b: {  	[tilespmem:s27], [sflag:$0x1] =	stream.strided.gather @!p0 [hbm4b:s23+s24], $0x4000, s25, s24, $0x38;
	[tilespmem:$0x10000] =	vst v63  }
0x3c: {  	p0 =	seq.s32 s18, $0x0  }
0x3d: {  	p1 =	sge.u32 @!p0 s18, s7  }
0x3e: {  	p0 =	por p0, p1  }
.Ltmp2:
0x3f: {  	_ = 	snop;
	(pc) =	sbr.rel @p0 .LBB1_7-.Ltmp2, $1  }
0x40: {  	_ =	sdelay $0x3  }
0x41: {  	s23 =	sand.u32 $0x4000, s9  }
0x42: {  	_ =	swait.ge [sflag:s4], $0x4000;
	s26 =	sshll.u32 s18, $0xE;
	s24 =	sor.u32 $0x8040, s23  }
0x43: {  	s25 =	sor.u32 $0x40, s23;
	[sflag:s4] =	ssyncset.done $0x0;
	s31 =	sand.u32 $0x4000, s26  }
0x44: {  	s26 =	simm.s32 $0x0;
	[sflag:s4] =	ssyncadd.s32 $0xFFFFC000;
	s23 =	sor.u32 $0x8000, s31  }
.LBB1_3:
0x45: {  	v0 =	vmov s25;
	_ =	sdelay $0x3  }
0x46: {  	s28 =	simm.s32 $0x0  }
0x47: {  	v6 =	vld.idx.msk [tilespmem:v0+s28+$0x30 ss:$0x1], $0xffff  }
0x48: {  	v7 =	vld.idx.msk [tilespmem:v0+s28+$0xFFFFFFC0 ss:$0x1], $0xffff  }
0x49: {  	v5 =	vld.idx.msk [tilespmem:v0+s28+$0xFFFFFFD0 ss:$0x1], $0xffff  }
0x4a: {  	v4 =	vld.idx.msk [tilespmem:v0+s28+$0xFFFFFFE0 ss:$0x1], $0xffff  }
0x4b: {  	v3 =	vld.idx.msk [tilespmem:v0+s28+$0xFFFFFFF0 ss:$0x1], $0xffff  }
0x4c: {  	v1 =	vld.idx.msk [tilespmem:v0+s28+$0x0 ss:$0x1], $0xffff  }
0x4d: {  	v2 =	vld.idx.msk [tilespmem:v0+s28+$0x10 ss:$0x1], $0xffff;
	[tilespmem:s24+$0x30] =	vst v6  }
0x4e: {  	s27 =	simm.s32 $0x80;
	s29 =	simm.s32 $0x400;
	[tilespmem:s24+$0xFFFFFFC0] =	vst v7;
	v6 =	vld.idx.msk [tilespmem:v0+s28+$0x20 ss:$0x1], $0xffff;
	s28 =	smov.u32 s24  }
.LBB1_4:
0x4f: {  	p0 =	sne.s32 s29, $0xE00;
	v7 =	vld.idx.msk [tilespmem:v0+s27+$0x30 ss:$0x1], $0xffff;
	[tilespmem:s28+$0xFFFFFFD0] =	vst v5  }
0x50: {  	v8 =	vld.idx.msk [tilespmem:v0+s27+$0xFFFFFFC0 ss:$0x1], $0xffff;
	[tilespmem:s28+$0xFFFFFFE0] =	vst v4  }
0x51: {  	v5 =	vld.idx.msk [tilespmem:v0+s27+$0xFFFFFFD0 ss:$0x1], $0xffff;
	[tilespmem:s28+$0xFFFFFFF0] =	vst v3  }
.Ltmp3:
0x52: {  	v4 =	vld.idx.msk [tilespmem:v0+s27+$0xFFFFFFE0 ss:$0x1], $0xffff;
	[tilespmem:s28+$0x0] =	vst v1;
	(pc) =	sbr.rel @p0 .LBB1_4-.Ltmp3, $4  }
0x53: {  	v3 =	vld.idx.msk [tilespmem:v0+s27+$0xFFFFFFF0 ss:$0x1], $0xffff;
	[tilespmem:s28+$0x10] =	vst v2  }
0x54: {  	v1 =	vld.idx.msk [tilespmem:v0+s27+$0x0 ss:$0x1], $0xffff;
	[tilespmem:s28+$0x20] =	vst v6;
	s28 =	sadd.s32 $0x800, s28  }
0x55: {  	v2 =	vld.idx.msk [tilespmem:v0+s27+$0x10 ss:$0x1], $0xffff;
	[tilespmem:s28+$0x30] =	vst v7  }
0x56: {  	[tilespmem:s28+$0xFFFFFFC0] =	vst v8;
	v6 =	vld.idx.msk [tilespmem:v0+s27+$0x20 ss:$0x1], $0xffff;
	s27 =	sshra.s32 s29, $0x2;
	s29 =	sadd.s32 $0x200, s29  }
0x57: {  	_ =	sdelay $0x2  }
0x58: {  	[tilespmem:s28+$0xFFFFFFD0] =	vst v5  }
0x59: {  	v56 =	vld.idx.msk [tilespmem:v0+s27+$0x30 ss:$0x1], $0xffff;
	[tilespmem:s28+$0xFFFFFFE0] =	vst v4  }
0x5a: {  	v57 =	vld.idx.msk [tilespmem:v0+s27+$0xFFFFFFC0 ss:$0x1], $0xffff;
	[tilespmem:s28+$0xFFFFFFF0] =	vst v3  }
0x5b: {  	v58 =	vld.idx.msk [tilespmem:v0+s27+$0xFFFFFFD0 ss:$0x1], $0xffff;
	[tilespmem:s28+$0x0] =	vst v1  }
0x5c: {  	v59 =	vld.idx.msk [tilespmem:v0+s27+$0xFFFFFFE0 ss:$0x1], $0xffff;
	[tilespmem:s28+$0x10] =	vst v2  }
0x5d: {  	v60 =	vld.idx.msk [tilespmem:v0+s27+$0xFFFFFFF0 ss:$0x1], $0xffff;
	s31 =	sadd.s32 $0x800, s28;
	[tilespmem:s28+$0x20] =	vst v6  }
0x5e: {  	v61 =	vld.idx.msk [tilespmem:v0+s27+$0x0 ss:$0x1], $0xffff;
	[tilespmem:s31+$0x30] =	vst v56  }
0x5f: {  	v62 =	vld.idx.msk [tilespmem:v0+s27+$0x10 ss:$0x1], $0xffff;
	s26 =	sadd.s32 $0x1, s26;
	[tilespmem:s31+$0xFFFFFFC0] =	vst v57  }
0x60: {  	v63 =	vld.idx.msk [tilespmem:v0+s27+$0x20 ss:$0x1], $0xffff;
	p0 =	sne.s32 s26, $0x10;
	[tilespmem:s31+$0xFFFFFFD0] =	vst v58  }
.Ltmp4:
0x61: {  	[tilespmem:s31+$0xFFFFFFE0] =	vst v59;
	(pc) =	sbr.rel @p0 .LBB1_3-.Ltmp4, $4  }
0x62: {  	[tilespmem:s31+$0xFFFFFFF0] =	vst v60  }
0x63: {  	[tilespmem:s31+$0x0] =	vst v61  }
0x64: {  	[tilespmem:s31+$0x10] =	vst v62  }
0x65: {  	s24 =	sadd.s32 $0x80, s24;
	s25 =	sadd.s32 $0x400, s25;
	[tilespmem:s31+$0x20] =	vst v63  }
0x66: {  	s24 =	sshrl.u32 s12, $0x3;
	s25 =	sshll.u32 s10, $0x3;
	s26 =	sshll.u32 s12, $0x7  }
0x67: {  	s30 =	sand.u32 $0x7F, s10;
	p0 =	sgt.s32 s13, $0xF;
	s27 =	smov.u32 s13  }
0x68: {  	s28 =	sshra.s32 s13, $0x1F;
	s31 =	ssub.s32 $0x0, s12;
	s24 =	smul.u32 $0x1400, s24  }
0x69: {  	s25 =	sand.u32 $0xFFFFFC00, s25;
	s29 =	sand.u32 $0x380, s26;
	s27 =	simm.s32 @!p0 $0xF  }
0x6a: {  	s28 =	sand.u32 s28, s13;
	p0 =	sgt.s32 s11, $0x1F9;
	s24 =	sadd.s32 s24, s25  }
0x6b: {  	s27 =	ssub.s32 s27, s28;
	s28 =	smov.u32 s11;
	s24 =	sor.u32 s29, s24  }
0x6c: {  	s28 =	simm.s32 @!p0 $0x1F9;
	s29 =	sshra.s32 s11, $0x1F;
	s25 =	sor.u32 s30, s24  }
0x6d: {  	s30 =	sadd.s32 $0xFFFFFFF1, s27;
	s29 =	sand.u32 s29, s11;
	s24 =	smulhi.u32 $0xCCCCCCCD, s24  }
0x6e: {  	s27 =	ssub.s32 $0x10, s27;
	s26 =	smulhi.u32 $0xCCCCCCCD, s25;
	p0 =	sgt.s32 s30, $0x0  }
0x6f: {  	s28 =	ssub.s32 s28, s29;
	s30 =	smin.u32 s12, s31;
	s31 =	sshra.s32 s10, $0x1F  }
0x70: {  	s27 =	simm.s32 @p0 $0x0;
	s29 =	sadd.s32 $0xFFFFFE07, s28;
	s28 =	ssub.s32 $0x201, s28  }
0x71: {  	s24 =	sshrl.u32 s24, $0x9;
	s26 =	sshrl.u32 s26, $0x9;
	p0 =	sgt.s32 s29, $0x7  }
0x72: {  	s29 =	ssub.s32 $0x10, s30;
	s24 =	sand.u32 $0xF, s24;
	s26 =	smul.u32 $0x280, s26  }
0x73: {  	s28 =	simm.s32 @p0 $0x0;
	p0 =	sgt.s32 s30, $0xF;
	s30 =	smov.u32 s10  }
0x74: {  	s24 =	smul.u32 $0x50, s24;
	s29 =	simm.s32 @p0 $0x0;
	p0 =	sgt.s32 s10, $0x200  }
0x75: {  	s27 =	smul.u32 s27, s29;
	s30 =	simm.s32 @!p0 $0x200;
	s29 =	sand.u32 s31, s10  }
0x76: {  	s25 =	ssub.s32 s25, s26;
	s31 =	smul.u32 $0xA0500, s13;
	s26 =	ssub.s32 s30, s29  }
0x77: {  	s27 =	smul.u32 s28, s27;
	s30 =	sadd.s32 $0xFFFFFE00, s26  }
0x78: {  	s26 =	ssub.s32 $0x280, s26;
	p0 =	sgt.s32 s30, $0x7F;
	s30 =	smul.u32 $0x500, s11  }
.Ltmp5:
0x79: {  	s29 =	sadd.s32 s2, s31;
	s26 =	simm.s32 @p0 $0x0;
	(pc) =	sbr.rel .LBB1_7-.Ltmp5, $4  }
0x7a: {  	s26 =	smul.u32 s26, s27;
	s31 =	sadd.s32 s30, s29;
	s29 =	sand.u32 $0x7, s25  }
0x7b: {  	s25 =	sshrl.u32 s25, $0x3;
	s24 =	sadd.s32 s24, s31;
	s30 =	sshll.u32 s29, $0x12  }
0x7c: {  	s26 =	sand.u32 $0x3FFFFFFF, s26;
	s24 =	sadd.s32 s25, s24;
	s31 =	sor.u32 $0x400, s30  }
0x7d: {  	[hbm4b:s24+s31] =	stream.strided.scatter [tilespmem:s23], [sflag:$0x2], s26, s8, s31, $0x38;
	[tilespmem:$0x10000] =	vst v63  }
.LBB1_8:
0x7e: {  	_ =	sfence.sel $0x180000  }
0x7f: {  	s1 =	simm.s32 $0x1;
	[bflag:$0x0] =	sbarrier.arrive $0xFFFF  }
0x80: {  	s31 =	simm.s32 $0x2;
	[sflag:s1] =	ssyncpa.u1 $0x1  }
0x81: {  	[sflag:s31] =	ssyncpa.u1 $0x1  }
0x82: {  	p0 =	sne.s32 s3, $0x0;
	_ =	strace $0x9000004A  }
0x83: {  	s0 =	sadd.s32 @!p0 $0x100000, s0;
	[bflag:$0x2] =	sbarrier.arrive $0xFFFF  }
0x84: {  	[sflag:s0] =	ssyncadd.tile.s32 @!p0 $0x1;
	_ =	shalt  }
.Lfunc_end1:
_tile_overlayer_lowered:
.L_overlay_start_2:
0x85: {  	(tag) =	ssettag $0x2  }
0x86: {  	s0 =	rddreg [dreg:$0x0];
	s2 =	stileid.u32  }
0x87: {  	s1 =	rddreg [dreg:$0x1];
	p0 =	sne.s32 s2, $0x0  }
0x88: {  	s3 =	rddreg [dreg:$0x2];
	[bflag:$0x3] =	sbarrier.arrive $0xFFFF;
	s2 =	simm.s32 @!p0 $0x1C01  }
0x89: {  	[timem:s3], [sflag:s2] =	dma.local @!p0 [hbm:s0], s1  }
0x8a: {  	s0 =	simm.s32 @!p0 $0x1  }
0x8b: {  	_ =	swait.ge @!p0 [sflag:s0], s1  }
0x8c: {  	s1 =	ssub.s32 @!p0 $0x0, s1;
	[sflag:s0] =	ssyncset.done @!p0 $0x0  }
0x8d: {  	[sflag:s0] =	ssyncadd.s32 @!p0 s1  }
0x8e: {  	[bflag:$0x3] =	sbarrier.arrive $0xFFFF  }
0x8f: {  	_ =	shalt  }

</sc_bundles>
